<compile_context>
chip_gen: v7x
topology: tpu7x:2x2x1
jax: 0.10.2.dev20260603
libtpu: 0.0.44.dev20260713+nightly
codegen_flags: <defaults>
</compile_context>

<pallas_src>
import dataclasses
import functools

import jax
import jax.numpy as jnp
from jax import lax
from jax.experimental import pallas as pl
from jax.experimental.pallas import tpu as pltpu
from jax.experimental.pallas import tpu_sc as plsc

HID = 128
INTD = 64
TW = 128
E = 320000
T = 960000



def _sw(v):
    return v * jax.nn.sigmoid(v)


def _dot(a, b):
    return jnp.dot(a.astype(jnp.bfloat16), b.astype(jnp.bfloat16),
                   preferred_element_type=jnp.float32)


def _pre_body(x_ref, rbf_ref, wkj, bkj, wrbf, wdown, o_ref):
    xk = _sw(_dot(x_ref[...], wkj[...]) + bkj[...])
    xk = xk * _dot(rbf_ref[...], wrbf[...])
    d = _sw(_dot(xk, wdown[...]))
    o_ref[...] = jnp.concatenate([d, jnp.zeros_like(d)], axis=1)


def _pre(x, rbf, p, be):
    grid = (E // be,)
    full = lambda shape: pl.BlockSpec(shape, lambda i: (0, 0))
    return pl.pallas_call(
        _pre_body,
        grid=grid,
        in_specs=[
            pl.BlockSpec((be, HID), lambda i: (i, 0)),
            pl.BlockSpec((be, 6), lambda i: (i, 0)),
            full((HID, HID)),
            full((1, HID)),
            full((6, HID)),
            full((HID, INTD)),
        ],
        out_specs=pl.BlockSpec((be, TW), lambda i: (i, 0)),
        out_shape=jax.ShapeDtypeStruct((E, TW), jnp.float32),
    )(x, rbf, p['W_kj'], p['b_kj'].reshape(1, HID), p['W_rbf'], p['W_down'])


def _sbf_body(sbf_ref, wsbf, o_ref):
    d = _dot(sbf_ref[...], wsbf[...])
    o_ref[...] = jnp.concatenate([d, jnp.zeros_like(d)], axis=1)


def _sbf_mm(sbf, wsbf, bt):
    grid = (T // bt,)
    return pl.pallas_call(
        _sbf_body,
        grid=grid,
        in_specs=[
            pl.BlockSpec((bt, 42), lambda i: (i, 0)),
            pl.BlockSpec((42, INTD), lambda i: (0, 0)),
        ],
        out_specs=pl.BlockSpec((bt, TW), lambda i: (i, 0)),
        out_shape=jax.ShapeDtypeStruct((T, TW), jnp.float32),
    )(sbf, wsbf)


def _post_body(x_ref, y_ref, wji, bji, wup, w1b, b1b, w2b, b2b, wlin, blin,
               wa10, ba10, wa20, ba20, wa11, ba11, wa21, ba21, o_ref):
    xv = x_ref[...]
    yv = y_ref[...][:, :INTD]
    h = _sw(_dot(xv, wji[...]) + bji[...]) + _sw(_dot(yv, wup[...]))
    h = h + _sw(_dot(_sw(_dot(h, w1b[...]) + b1b[...]), w2b[...]) + b2b[...])
    h = _sw(_dot(h, wlin[...]) + blin[...]) + xv
    h = h + _sw(_dot(_sw(_dot(h, wa10[...]) + ba10[...]), wa20[...]) + ba20[...])
    h = h + _sw(_dot(_sw(_dot(h, wa11[...]) + ba11[...]), wa21[...]) + ba21[...])
    o_ref[...] = h


def _post(x, y, p, be):
    grid = (E // be,)
    full = lambda shape: pl.BlockSpec(shape, lambda i: (0, 0))
    (w1b, b1b, w2b, b2b), = p['before']
    (wa10, ba10, wa20, ba20), (wa11, ba11, wa21, ba21) = p['after']
    r = lambda b: b.reshape(1, HID)
    return pl.pallas_call(
        _post_body,
        grid=grid,
        in_specs=[
            pl.BlockSpec((be, HID), lambda i: (i, 0)),
            pl.BlockSpec((be, TW), lambda i: (i, 0)),
            full((HID, HID)), full((1, HID)),
            full((INTD, HID)),
            full((HID, HID)), full((1, HID)), full((HID, HID)), full((1, HID)),
            full((HID, HID)), full((1, HID)),
            full((HID, HID)), full((1, HID)), full((HID, HID)), full((1, HID)),
            full((HID, HID)), full((1, HID)), full((HID, HID)), full((1, HID)),
        ],
        out_specs=pl.BlockSpec((be, HID), lambda i: (i, 0)),
        out_shape=jax.ShapeDtypeStruct((E, HID), jnp.float32),
    )(x, y, p['W_ji'], r(p['b_ji']), p['W_up'],
      w1b, r(b1b), w2b, r(b2b), p['W_lin'], r(p['b_lin']),
      wa10, r(ba10), wa20, r(ba20), wa11, r(ba11), wa21, r(ba21))



C = 8192
NPASS = 40
NPS = NPASS // 2
YPAD = NPASS * C
CHUNK = 2048
NCH = 30
SCANW = NCH * CHUNK
TPAD = 16 * SCANW
SUB = 128
NSUB = CHUNK // SUB
NB = 128
RING = 512
PROWS = C // 16
ZR = 32


def _sc_body(sbfh, xkd, jih, kjh, yh,
             jiin0, jiin1, kjin0, kjin1, tgr, kjr, jir, arows, brows, prod,
             zbuf, acc, sem_i, sem_g, sem_s, sem_z):
    cid = lax.axis_index("c")
    sid = lax.axis_index("s")
    tb = sid * SCANW
    z16 = jnp.zeros((16,), jnp.float32)

    @pl.loop(0, ZR)
    def _zb(r):
        for q in range(8):
            zbuf[r, pl.ds(q * 16, 16)] = z16

    @pl.loop(0, NB)
    def _zp(r):
        for q in range(4, 8):
            prod[r, pl.ds(q * 16, 16)] = z16

    def _gissue(k):
        q = k % 4
        pltpu.async_copy(sbfh.at[tgr.at[q]], arows, sem_g)
        pltpu.async_copy(xkd.at[kjr.at[q]], brows, sem_g)

    def _wait_gathers():
        pltpu.make_async_copy(sbfh.at[pl.ds(0, NB)], arows, sem_g).wait()
        pltpu.make_async_copy(xkd.at[pl.ds(0, NB)], brows, sem_g).wait()

    def _wait_scatter():
        pltpu.make_async_copy(yh.at[pl.ds(0, NB)], prod, sem_s).wait()

    def _process(k):
        q = k % 4
        _wait_gathers()

        @pl.when(k >= 1)
        def _dr():
            _wait_scatter()

        @pl.loop(0, NB, step=4)
        def _mac(r0):
            for rr in range(4):
                for qq in range(4):
                    s = pl.ds(qq * 16, 16)
                    prod[r0 + rr, s] = arows[r0 + rr, s] * brows[r0 + rr, s]

        pltpu.async_copy(prod, acc.at[jir.at[q]], sem_s, add=True)

    @pl.loop(0, NPS)
    def _pass(pi):
        base = (cid * NPS + pi) * C
        basev = jnp.full((16,), base, jnp.int32)

        for z in range(PROWS // ZR):
            pltpu.async_copy(zbuf, acc.at[pl.ds(sid * PROWS + z * ZR, ZR)], sem_z)
        for z in range(PROWS // ZR):
            pltpu.make_async_copy(
                zbuf, acc.at[pl.ds(sid * PROWS + z * ZR, ZR)], sem_z).wait()

        @pl.when(sid == 0)
        def _zd():
            pltpu.sync_copy(zbuf.at[pl.ds(0, 8)], acc.at[pl.ds(C, 8)])

        plsc.subcore_barrier()

        def _issue(c, jb, kb):
            @pl.when(c < NCH)
            def _():
                pltpu.async_copy(jih.at[pl.ds(tb + c * CHUNK, CHUNK)], jb, sem_i)
                pltpu.async_copy(kjh.at[pl.ds(tb + c * CHUNK, CHUNK)], kb, sem_i)

        _issue(jnp.int32(0), jiin0, kjin0)

        def _scan_chunk(ci, jb, kb, carry):
            src = tb + ci * CHUNK
            pltpu.make_async_copy(jih.at[pl.ds(src, CHUNK)], jb, sem_i).wait()
            pltpu.make_async_copy(kjh.at[pl.ds(src, CHUNK)], kb, sem_i).wait()

            def sub_body(sb, sc):
                wposv, gpos, ppos = sc
                for g in range(SUB // 16):
                    off = sb * SUB + g * 16
                    jiv = jb[pl.ds(off, 16)]
                    kjv = kb[pl.ds(off, 16)]
                    loc = jiv - basev
                    m = (loc >= 0) & (loc < C)
                    mi = jnp.where(m, 1, 0).astype(jnp.int32)
                    offs = (wposv + plsc.cumsum(mi) - mi) & (RING - 1)
                    i0 = offs >> 7
                    i1 = offs & 127
                    tv = (jnp.full((16,), tb + ci * CHUNK + g * 16, jnp.int32)
                          + sb * SUB + lax.iota(jnp.int32, 16))
                    plsc.store_scatter(tgr, [i0, i1], tv, mask=m)
                    plsc.store_scatter(kjr, [i0, i1], kjv, mask=m)
                    plsc.store_scatter(jir, [i0, i1], loc, mask=m)
                    wposv = wposv + plsc.all_reduce_population_count(m)
                wscal = jnp.max(wposv)
                can = (wscal - gpos) >= NB
                pend = gpos - ppos

                @pl.when(can & (pend > 0))
                def _pr():
                    _process(ppos // NB)

                ppos = ppos + lax.select(can, pend, jnp.int32(0))

                @pl.when(can)
                def _gi():
                    _gissue(gpos // NB)

                gpos = gpos + lax.select(can, jnp.int32(NB), jnp.int32(0))
                return (wposv, gpos, ppos)

            return lax.fori_loop(0, NSUB, sub_body, carry)

        def pair_body(k, carry):
            ci0 = 2 * k
            _issue(ci0 + 1, jiin1, kjin1)
            carry = _scan_chunk(ci0, jiin0, kjin0, carry)
            _issue(ci0 + 2, jiin0, kjin0)
            carry = _scan_chunk(ci0 + 1, jiin1, kjin1, carry)
            return carry

        wposv, gpos, ppos = lax.fori_loop(
            0, NCH // 2, pair_body,
            (jnp.zeros((16,), jnp.int32), jnp.int32(0), jnp.int32(0)))

        pend = gpos - ppos

        @pl.when(pend > 0)
        def _pr2():
            _process(ppos // NB)

        resid = jnp.max(wposv) - gpos

        @pl.when(resid > 0)
        def _tail():
            zi = jnp.zeros((16,), jnp.int32)
            cv = jnp.full((16,), C, jnp.int32)
            for g in range(NB // 16):
                offs = (wposv + g * 16 + lax.iota(jnp.int32, 16)) & (RING - 1)
                i0 = offs >> 7
                i1 = offs & 127
                plsc.store_scatter(tgr, [i0, i1], zi)
                plsc.store_scatter(kjr, [i0, i1], zi)
                plsc.store_scatter(jir, [i0, i1], cv)
            _gissue(gpos // NB)
            _process(gpos // NB)

        nbt = gpos // NB + lax.select(resid > 0, jnp.int32(1), jnp.int32(0))

        @pl.when(nbt >= 1)
        def _drl():
            _wait_scatter()

        plsc.subcore_barrier()
        dst = pl.multiple_of(base + sid * PROWS, 8)
        pltpu.sync_copy(acc.at[pl.ds(sid * PROWS, PROWS)],
                        yh.at[pl.ds(dst, PROWS)])
        plsc.subcore_barrier()


def _sc_segsum(sbfh, xkd, idx_ji, idx_kj):
    mesh = plsc.VectorSubcoreMesh(
        core_axis_name="c", subcore_axis_name="s", num_cores=2, num_subcores=16)
    cp = pltpu.CompilerParams()
    if "needs_layout_passes" in pltpu.CompilerParams.__dataclass_fields__:
        cp = dataclasses.replace(cp, needs_layout_passes=False)
    f = pl.kernel(
        _sc_body,
        out_type=jax.ShapeDtypeStruct((YPAD, TW), jnp.float32),
        mesh=mesh,
        scratch_types=[
            pltpu.VMEM((CHUNK,), jnp.int32),
            pltpu.VMEM((CHUNK,), jnp.int32),
            pltpu.VMEM((CHUNK,), jnp.int32),
            pltpu.VMEM((CHUNK,), jnp.int32),
            pltpu.VMEM((4, 128), jnp.int32),
            pltpu.VMEM((4, 128), jnp.int32),
            pltpu.VMEM((4, 128), jnp.int32),
            pltpu.VMEM((NB, TW), jnp.float32),
            pltpu.VMEM((NB, TW), jnp.float32),
            pltpu.VMEM((NB, TW), jnp.float32),
            pltpu.VMEM((ZR, TW), jnp.float32),
            pltpu.VMEM_SHARED((C + 8, TW), jnp.float32),
            pltpu.SemaphoreType.DMA,
            pltpu.SemaphoreType.DMA,
            pltpu.SemaphoreType.DMA,
            pltpu.SemaphoreType.DMA,
        ],
        compiler_params=cp,
    )
    return f(sbfh, xkd, idx_ji, idx_kj)




def kernel(x, rbf, sbf, idx_kj, idx_ji, params):
    p = params
    xkd = _pre(x, rbf, p, be=4000)
    sbfh = _sbf_mm(sbf, p['W_sbf'], bt=4000)
    ji_p = jnp.pad(idx_ji, (0, TPAD - T), constant_values=YPAD)
    kj_p = jnp.pad(idx_kj, (0, TPAD - T))
    y = _sc_segsum(sbfh, xkd, ji_p, kj_p)[:E]
    return _post(x, y, p, be=4000)

# --- scband reference (transcript-rebuilt; emitter-appended) ---
"""Pipeline reference for scband-interaction-ppblock-3023656976805 (READ-ONLY COPY).

The authoritative reference and input builder live on the scoring server;
editing this copy changes nothing except your own understanding.
"""

import jax, jax.numpy as jnp
import numpy as np

HID = 128
INT = 64
NRAD = 6
NSPH = 7
NBEF = 1
NAFT = 2
E = 320000
T = 960000


def _lin(key, din, dout):
    return jax.random.normal(key, (din, dout), dtype=jnp.float32) * (1.0 / np.sqrt(din))


def _swish(v):
    return v * jax.nn.sigmoid(v)


def setup_inputs(seed: int = 0) -> dict:
    key = jax.random.key(seed)
    ks = jax.random.split(key, 40)
    x = jax.random.normal(ks[0], (E, HID), dtype=jnp.float32)
    rbf = jax.random.normal(ks[1], (E, NRAD), dtype=jnp.float32)
    sbf = jax.random.normal(ks[2], (T, NSPH * NRAD), dtype=jnp.float32)
    idx_kj = jax.random.randint(ks[3], (T,), 0, E, dtype=jnp.int32)
    idx_ji = jax.random.randint(ks[4], (T,), 0, E, dtype=jnp.int32)
    params = {
        'W_rbf': _lin(ks[5], NRAD, HID),
        'W_kj': _lin(ks[6], HID, HID),
        'b_kj': jnp.zeros((HID,), dtype=jnp.float32),
        'W_ji': _lin(ks[7], HID, HID),
        'b_ji': jnp.zeros((HID,), dtype=jnp.float32),
        'W_down': _lin(ks[8], HID, INT),
        'W_sbf': _lin(ks[9], NSPH * NRAD, INT),
        'W_up': _lin(ks[10], INT, HID),
        'before': [
            (
                _lin(ks[11 + 4 * i + 0], HID, HID),
                jnp.zeros((HID,), dtype=jnp.float32),
                _lin(ks[11 + 4 * i + 1], HID, HID),
                jnp.zeros((HID,), dtype=jnp.float32),
            )
            for i in range(NBEF)
        ],
        'W_lin': _lin(ks[20], HID, HID),
        'b_lin': jnp.zeros((HID,), dtype=jnp.float32),
        'after': [
            (
                _lin(ks[21 + 4 * i + 0], HID, HID),
                jnp.zeros((HID,), dtype=jnp.float32),
                _lin(ks[21 + 4 * i + 1], HID, HID),
                jnp.zeros((HID,), dtype=jnp.float32),
            )
            for i in range(NAFT)
        ],
    }
    return {'x': x, 'rbf': rbf, 'sbf': sbf, 'idx_kj': idx_kj, 'idx_ji': idx_ji, 'params': params}


def reference(x, rbf, sbf, idx_kj, idx_ji, params):
    p = params
    # EdgeParallelModule1
    x_ji = _swish(x @ p['W_ji'] + p['b_ji'])
    x_kj = _swish(x @ p['W_kj'] + p['b_kj'])
    rbf_h = rbf @ p['W_rbf']
    x_kj = x_kj * rbf_h
    x_kj = _swish(x_kj @ p['W_down'])
    # TripletParallelModule: gather by idx_kj, modulate by sbf
    sbf_h = sbf @ p['W_sbf']
    x_kj = jnp.take(x_kj, idx_kj, axis=0) * sbf_h
    # scatter-add back to edges by idx_ji
    x_kj = jax.ops.segment_sum(x_kj, idx_ji, num_segments=x.shape[0])
    # EdgeParallelModule2
    x_kj = _swish(x_kj @ p['W_up'])
    h = x_ji + x_kj
    for (W1, b1, W2, b2) in p['before']:
        h = h + _swish(_swish(h @ W1 + b1) @ W2 + b2)
    h = _swish(h @ p['W_lin'] + p['b_lin']) + x
    for (W1, b1, W2, b2) in p['after']:
        h = h + _swish(_swish(h @ W1 + b1) @ W2 + b2)
    return h

if __name__ == "__main__":
    import jax
    _d = setup_inputs()
    print(jax.jit(kernel)(*tuple(_d.values())))

</pallas_src>

<mosaic_0001>
#map = affine_map<(d0, d1) -> (0, 0)>
#map1 = affine_map<(d0, d1) -> (0)>
module attributes {stable_mosaic.version = 14 : i64} {
  func.func @_sc_body(%arg0: i32, %arg1: i32, %arg2: memref<960000x128xf32, #tpu.memory_space<hbm>>, %arg3: memref<320000x128xf32, #tpu.memory_space<hbm>>, %arg4: memref<983040xi32, #tpu.memory_space<hbm>>, %arg5: memref<983040xi32, #tpu.memory_space<hbm>>, %arg6: memref<327680x128xf32, #tpu.memory_space<hbm>>, %arg7: memref<2048xi32, #tpu.memory_space<vmem>>, %arg8: memref<2048xi32, #tpu.memory_space<vmem>>, %arg9: memref<2048xi32, #tpu.memory_space<vmem>>, %arg10: memref<2048xi32, #tpu.memory_space<vmem>>, %arg11: memref<4x128xi32, #tpu.memory_space<vmem>>, %arg12: memref<4x128xi32, #tpu.memory_space<vmem>>, %arg13: memref<4x128xi32, #tpu.memory_space<vmem>>, %arg14: memref<128x128xf32, #tpu.memory_space<vmem>>, %arg15: memref<128x128xf32, #tpu.memory_space<vmem>>, %arg16: memref<128x128xf32, #tpu.memory_space<vmem>>, %arg17: memref<32x128xf32, #tpu.memory_space<vmem>>, %arg18: memref<8200x128xf32, #tpu.memory_space<vmem_shared>>, %arg19: memref<!tpu.dma_semaphore, #tpu.memory_space<semaphore_mem>>, %arg20: memref<!tpu.dma_semaphore, #tpu.memory_space<semaphore_mem>>, %arg21: memref<!tpu.dma_semaphore, #tpu.memory_space<semaphore_mem>>, %arg22: memref<!tpu.dma_semaphore, #tpu.memory_space<semaphore_mem>>) attributes {dimension_semantics = [#tpu.dimension_semantics<core_parallel>, #tpu.dimension_semantics<subcore_parallel>], iteration_bounds = array<i64: 2, 16>, scalar_prefetch = 0 : i64, scratch_operands = 16 : i64, tpu.core_type = #tpu.core_type<sc_vector_subcore>, window_params = [{transform_indices = #map}, {transform_indices = #map}, {transform_indices = #map1}, {transform_indices = #map1}, {transform_indices = #map}]} {
    %mul3A = arith.constant 61440 : i32
    %mul3A_0 = arith.muli %arg1, %mul3A : i32
    %broadcast_in_dim3A = arith.constant 0.000000e+00 : f32
    %broadcast_in_dim3A_1 = vector.broadcast %broadcast_in_dim3A : f32 to vector<16xf32>
    %scan3A = arith.constant 0 : i32
    %scan3A_2 = arith.constant 32 : i32
    %scan3A_3 = arith.addi %scan3A, %scan3A_2 : i32
    %scan3A_4 = arith.constant 1 : i32
    scf.for %scan3A_16 = %scan3A to %scan3A_3 step %scan3A_4  : i32 {
      %mul3A_17 = arith.constant 1 : i32
      %mul3A_18 = arith.muli %scan3A_16, %mul3A_17 : i32
      %add3A = arith.constant 0 : i32
      %add3A_19 = arith.addi %add3A, %mul3A_18 : i32
      %swap3A = arith.index_cast %add3A_19 : i32 to index
      %swap3A_20 = arith.constant 0 : index
      %swap3A_21 = tpu.vector_load %arg17[%swap3A, %swap3A_20] {strides = array<i32>} : memref<32x128xf32, #tpu.memory_space<vmem>>, vector<16xf32>,
      tpu.vector_store %arg17[%swap3A, %swap3A_20], %broadcast_in_dim3A_1 {strides = array<i32>} : memref<32x128xf32, #tpu.memory_space<vmem>>, vector<16xf32>,
      %swap3A_22 = arith.index_cast %add3A_19 : i32 to index
      %swap3A_23 = arith.constant 16 : index
      %swap3A_24 = tpu.vector_load %arg17[%swap3A_22, %swap3A_23] {strides = array<i32>} : memref<32x128xf32, #tpu.memory_space<vmem>>, vector<16xf32>,
      tpu.vector_store %arg17[%swap3A_22, %swap3A_23], %broadcast_in_dim3A_1 {strides = array<i32>} : memref<32x128xf32, #tpu.memory_space<vmem>>, vector<16xf32>,
      %swap3A_25 = arith.index_cast %add3A_19 : i32 to index
      %swap3A_26 = arith.constant 32 : index
      %swap3A_27 = tpu.vector_load %arg17[%swap3A_25, %swap3A_26] {strides = array<i32>} : memref<32x128xf32, #tpu.memory_space<vmem>>, vector<16xf32>,
      tpu.vector_store %arg17[%swap3A_25, %swap3A_26], %broadcast_in_dim3A_1 {strides = array<i32>} : memref<32x128xf32, #tpu.memory_space<vmem>>, vector<16xf32>,
      %swap3A_28 = arith.index_cast %add3A_19 : i32 to index
      %swap3A_29 = arith.constant 48 : index
      %swap3A_30 = tpu.vector_load %arg17[%swap3A_28, %swap3A_29] {strides = array<i32>} : memref<32x128xf32, #tpu.memory_space<vmem>>, vector<16xf32>,
      tpu.vector_store %arg17[%swap3A_28, %swap3A_29], %broadcast_in_dim3A_1 {strides = array<i32>} : memref<32x128xf32, #tpu.memory_space<vmem>>, vector<16xf32>,
      %swap3A_31 = arith.index_cast %add3A_19 : i32 to index
      %swap3A_32 = arith.constant 64 : index
      %swap3A_33 = tpu.vector_load %arg17[%swap3A_31, %swap3A_32] {strides = array<i32>} : memref<32x128xf32, #tpu.memory_space<vmem>>, vector<16xf32>,
      tpu.vector_store %arg17[%swap3A_31, %swap3A_32], %broadcast_in_dim3A_1 {strides = array<i32>} : memref<32x128xf32, #tpu.memory_space<vmem>>, vector<16xf32>,
      %swap3A_34 = arith.index_cast %add3A_19 : i32 to index
      %swap3A_35 = arith.constant 80 : index
      %swap3A_36 = tpu.vector_load %arg17[%swap3A_34, %swap3A_35] {strides = array<i32>} : memref<32x128xf32, #tpu.memory_space<vmem>>, vector<16xf32>,
      tpu.vector_store %arg17[%swap3A_34, %swap3A_35], %broadcast_in_dim3A_1 {strides = array<i32>} : memref<32x128xf32, #tpu.memory_space<vmem>>, vector<16xf32>,
      %swap3A_37 = arith.index_cast %add3A_19 : i32 to index
      %swap3A_38 = arith.constant 96 : index
      %swap3A_39 = tpu.vector_load %arg17[%swap3A_37, %swap3A_38] {strides = array<i32>} : memref<32x128xf32, #tpu.memory_space<vmem>>, vector<16xf32>,
      tpu.vector_store %arg17[%swap3A_37, %swap3A_38], %broadcast_in_dim3A_1 {strides = array<i32>} : memref<32x128xf32, #tpu.memory_space<vmem>>, vector<16xf32>,
      %swap3A_40 = arith.index_cast %add3A_19 : i32 to index
      %swap3A_41 = arith.constant 112 : index
      %swap3A_42 = tpu.vector_load %arg17[%swap3A_40, %swap3A_41] {strides = array<i32>} : memref<32x128xf32, #tpu.memory_space<vmem>>, vector<16xf32>,
      tpu.vector_store %arg17[%swap3A_40, %swap3A_41], %broadcast_in_dim3A_1 {strides = array<i32>} : memref<32x128xf32, #tpu.memory_space<vmem>>, vector<16xf32>,
    }
    %scan3A_5 = arith.constant 32 : i32
    %scan3A_6 = arith.constant 0 : i32
    %scan3A_7 = arith.constant 128 : i32
    %scan3A_8 = arith.addi %scan3A_6, %scan3A_7 : i32
    %scan3A_9 = arith.constant 1 : i32
    scf.for %scan3A_16 = %scan3A_6 to %scan3A_8 step %scan3A_9  : i32 {
      %mul3A_17 = arith.constant 1 : i32
      %mul3A_18 = arith.muli %scan3A_16, %mul3A_17 : i32
      %add3A = arith.constant 0 : i32
      %add3A_19 = arith.addi %add3A, %mul3A_18 : i32
      %swap3A = arith.index_cast %add3A_19 : i32 to index
      %swap3A_20 = arith.constant 64 : index
      %swap3A_21 = tpu.vector_load %arg16[%swap3A, %swap3A_20] {strides = array<i32>} : memref<128x128xf32, #tpu.memory_space<vmem>>, vector<16xf32>,
      tpu.vector_store %arg16[%swap3A, %swap3A_20], %broadcast_in_dim3A_1 {strides = array<i32>} : memref<128x128xf32, #tpu.memory_space<vmem>>, vector<16xf32>,
      %swap3A_22 = arith.index_cast %add3A_19 : i32 to index
      %swap3A_23 = arith.constant 80 : index
      %swap3A_24 = tpu.vector_load %arg16[%swap3A_22, %swap3A_23] {strides = array<i32>} : memref<128x128xf32, #tpu.memory_space<vmem>>, vector<16xf32>,
      tpu.vector_store %arg16[%swap3A_22, %swap3A_23], %broadcast_in_dim3A_1 {strides = array<i32>} : memref<128x128xf32, #tpu.memory_space<vmem>>, vector<16xf32>,
      %swap3A_25 = arith.index_cast %add3A_19 : i32 to index
      %swap3A_26 = arith.constant 96 : index
      %swap3A_27 = tpu.vector_load %arg16[%swap3A_25, %swap3A_26] {strides = array<i32>} : memref<128x128xf32, #tpu.memory_space<vmem>>, vector<16xf32>,
      tpu.vector_store %arg16[%swap3A_25, %swap3A_26], %broadcast_in_dim3A_1 {strides = array<i32>} : memref<128x128xf32, #tpu.memory_space<vmem>>, vector<16xf32>,
      %swap3A_28 = arith.index_cast %add3A_19 : i32 to index
      %swap3A_29 = arith.constant 112 : index
      %swap3A_30 = tpu.vector_load %arg16[%swap3A_28, %swap3A_29] {strides = array<i32>} : memref<128x128xf32, #tpu.memory_space<vmem>>, vector<16xf32>,
      tpu.vector_store %arg16[%swap3A_28, %swap3A_29], %broadcast_in_dim3A_1 {strides = array<i32>} : memref<128x128xf32, #tpu.memory_space<vmem>>, vector<16xf32>,
    }
    %scan3A_10 = arith.constant 128 : i32
    %scan3A_11 = arith.constant 0 : i32
    %scan3A_12 = arith.constant 20 : i32
    %scan3A_13 = arith.addi %scan3A_11, %scan3A_12 : i32
    %scan3A_14 = arith.constant 1 : i32
    scf.for %scan3A_16 = %scan3A_11 to %scan3A_13 step %scan3A_14  : i32 {
      %mul3A_17 = arith.constant 1 : i32
      %mul3A_18 = arith.muli %scan3A_16, %mul3A_17 : i32
      %add3A = arith.constant 0 : i32
      %add3A_19 = arith.addi %add3A, %mul3A_18 : i32
      %mul3A_20 = arith.constant 20 : i32
      %mul3A_21 = arith.muli %arg0, %mul3A_20 : i32
      %add3A_22 = arith.addi %mul3A_21, %add3A_19 : i32
      %mul3A_23 = arith.constant 8192 : i32
      %mul3A_24 = arith.muli %add3A_22, %mul3A_23 : i32
      %broadcast_in_dim3A_25 = vector.broadcast %mul3A_24 : i32 to vector<16xi32>
      %mul3A_26 = arith.constant 512 : i32
      %mul3A_27 = arith.muli %arg1, %mul3A_26 : i32
      %add3A_28 = arith.constant 0 : i32
      %add3A_29 = arith.addi %mul3A_27, %add3A_28 : i32
      %dma_start3A = arith.constant 0 : i32
      %dma_start3A_30 = tpu.memref_slice %arg18[%add3A_29, %dma_start3A] : memref<8200x128xf32, #tpu.memory_space<vmem_shared>> -> memref<32x128xf32, #tpu.memory_space<vmem_shared>>
      %dma_start3A_31 = arith.constant 0 : i32
      %dma_start3A_32 = tpu.memref_slice %arg18[%add3A_29, %dma_start3A_31] : memref<8200x128xf32, #tpu.memory_space<vmem_shared>> -> memref<32x128xf32, #tpu.memory_space<vmem_shared>>
      tpu.enqueue_dma source(%arg17 : memref<32x128xf32, #tpu.memory_space<vmem>>) target(%dma_start3A_32 : memref<32x128xf32, #tpu.memory_space<vmem_shared>>) target_semaphore(%arg22 : memref<!tpu.dma_semaphore, #tpu.memory_space<semaphore_mem>>)
      %mul3A_33 = arith.constant 512 : i32
      %mul3A_34 = arith.muli %arg1, %mul3A_33 : i32
      %add3A_35 = arith.constant 32 : i32
      %add3A_36 = arith.addi %mul3A_34, %add3A_35 : i32
      %dma_start3A_37 = arith.constant 0 : i32
      %dma_start3A_38 = tpu.memref_slice %arg18[%add3A_36, %dma_start3A_37] : memref<8200x128xf32, #tpu.memory_space<vmem_shared>> -> memref<32x128xf32, #tpu.memory_space<vmem_shared>>
      %dma_start3A_39 = arith.constant 0 : i32
      %dma_start3A_40 = tpu.memref_slice %arg18[%add3A_36, %dma_start3A_39] : memref<8200x128xf32, #tpu.memory_space<vmem_shared>> -> memref<32x128xf32, #tpu.memory_space<vmem_shared>>
      tpu.enqueue_dma source(%arg17 : memref<32x128xf32, #tpu.memory_space<vmem>>) target(%dma_start3A_40 : memref<32x128xf32, #tpu.memory_space<vmem_shared>>) target_semaphore(%arg22 : memref<!tpu.dma_semaphore, #tpu.memory_space<semaphore_mem>>)
      %mul3A_41 = arith.constant 512 : i32
      %mul3A_42 = arith.muli %arg1, %mul3A_41 : i32
      %add3A_43 = arith.constant 64 : i32
      %add3A_44 = arith.addi %mul3A_42, %add3A_43 : i32
      %dma_start3A_45 = arith.constant 0 : i32
      %dma_start3A_46 = tpu.memref_slice %arg18[%add3A_44, %dma_start3A_45] : memref<8200x128xf32, #tpu.memory_space<vmem_shared>> -> memref<32x128xf32, #tpu.memory_space<vmem_shared>>
      %dma_start3A_47 = arith.constant 0 : i32
      %dma_start3A_48 = tpu.memref_slice %arg18[%add3A_44, %dma_start3A_47] : memref<8200x128xf32, #tpu.memory_space<vmem_shared>> -> memref<32x128xf32, #tpu.memory_space<vmem_shared>>
      tpu.enqueue_dma source(%arg17 : memref<32x128xf32, #tpu.memory_space<vmem>>) target(%dma_start3A_48 : memref<32x128xf32, #tpu.memory_space<vmem_shared>>) target_semaphore(%arg22 : memref<!tpu.dma_semaphore, #tpu.memory_space<semaphore_mem>>)
      %mul3A_49 = arith.constant 512 : i32
      %mul3A_50 = arith.muli %arg1, %mul3A_49 : i32
      %add3A_51 = arith.constant 96 : i32
      %add3A_52 = arith.addi %mul3A_50, %add3A_51 : i32
      %dma_start3A_53 = arith.constant 0 : i32
      %dma_start3A_54 = tpu.memref_slice %arg18[%add3A_52, %dma_start3A_53] : memref<8200x128xf32, #tpu.memory_space<vmem_shared>> -> memref<32x128xf32, #tpu.memory_space<vmem_shared>>
      %dma_start3A_55 = arith.constant 0 : i32
      %dma_start3A_56 = tpu.memref_slice %arg18[%add3A_52, %dma_start3A_55] : memref<8200x128xf32, #tpu.memory_space<vmem_shared>> -> memref<32x128xf32, #tpu.memory_space<vmem_shared>>
      tpu.enqueue_dma source(%arg17 : memref<32x128xf32, #tpu.memory_space<vmem>>) target(%dma_start3A_56 : memref<32x128xf32, #tpu.memory_space<vmem_shared>>) target_semaphore(%arg22 : memref<!tpu.dma_semaphore, #tpu.memory_space<semaphore_mem>>)
      %mul3A_57 = arith.constant 512 : i32
      %mul3A_58 = arith.muli %arg1, %mul3A_57 : i32
      %add3A_59 = arith.constant 128 : i32
      %add3A_60 = arith.addi %mul3A_58, %add3A_59 : i32
      %dma_start3A_61 = arith.constant 0 : i32
      %dma_start3A_62 = tpu.memref_slice %arg18[%add3A_60, %dma_start3A_61] : memref<8200x128xf32, #tpu.memory_space<vmem_shared>> -> memref<32x128xf32, #tpu.memory_space<vmem_shared>>
      %dma_start3A_63 = arith.constant 0 : i32
      %dma_start3A_64 = tpu.memref_slice %arg18[%add3A_60, %dma_start3A_63] : memref<8200x128xf32, #tpu.memory_space<vmem_shared>> -> memref<32x128xf32, #tpu.memory_space<vmem_shared>>
      tpu.enqueue_dma source(%arg17 : memref<32x128xf32, #tpu.memory_space<vmem>>) target(%dma_start3A_64 : memref<32x128xf32, #tpu.memory_space<vmem_shared>>) target_semaphore(%arg22 : memref<!tpu.dma_semaphore, #tpu.memory_space<semaphore_mem>>)
      %mul3A_65 = arith.constant 512 : i32
      %mul3A_66 = arith.muli %arg1, %mul3A_65 : i32
      %add3A_67 = arith.constant 160 : i32
      %add3A_68 = arith.addi %mul3A_66, %add3A_67 : i32
      %dma_start3A_69 = arith.constant 0 : i32
      %dma_start3A_70 = tpu.memref_slice %arg18[%add3A_68, %dma_start3A_69] : memref<8200x128xf32, #tpu.memory_space<vmem_shared>> -> memref<32x128xf32, #tpu.memory_space<vmem_shared>>
      %dma_start3A_71 = arith.constant 0 : i32
      %dma_start3A_72 = tpu.memref_slice %arg18[%add3A_68, %dma_start3A_71] : memref<8200x128xf32, #tpu.memory_space<vmem_shared>> -> memref<32x128xf32, #tpu.memory_space<vmem_shared>>
      tpu.enqueue_dma source(%arg17 : memref<32x128xf32, #tpu.memory_space<vmem>>) target(%dma_start3A_72 : memref<32x128xf32, #tpu.memory_space<vmem_shared>>) target_semaphore(%arg22 : memref<!tpu.dma_semaphore, #tpu.memory_space<semaphore_mem>>)
      %mul3A_73 = arith.constant 512 : i32
      %mul3A_74 = arith.muli %arg1, %mul3A_73 : i32
      %add3A_75 = arith.constant 192 : i32
      %add3A_76 = arith.addi %mul3A_74, %add3A_75 : i32
      %dma_start3A_77 = arith.constant 0 : i32
      %dma_start3A_78 = tpu.memref_slice %arg18[%add3A_76, %dma_start3A_77] : memref<8200x128xf32, #tpu.memory_space<vmem_shared>> -> memref<32x128xf32, #tpu.memory_space<vmem_shared>>
      %dma_start3A_79 = arith.constant 0 : i32
      %dma_start3A_80 = tpu.memref_slice %arg18[%add3A_76, %dma_start3A_79] : memref<8200x128xf32, #tpu.memory_space<vmem_shared>> -> memref<32x128xf32, #tpu.memory_space<vmem_shared>>
      tpu.enqueue_dma source(%arg17 : memref<32x128xf32, #tpu.memory_space<vmem>>) target(%dma_start3A_80 : memref<32x128xf32, #tpu.memory_space<vmem_shared>>) target_semaphore(%arg22 : memref<!tpu.dma_semaphore, #tpu.memory_space<semaphore_mem>>)
      %mul3A_81 = arith.constant 512 : i32
      %mul3A_82 = arith.muli %arg1, %mul3A_81 : i32
      %add3A_83 = arith.constant 224 : i32
      %add3A_84 = arith.addi %mul3A_82, %add3A_83 : i32
      %dma_start3A_85 = arith.constant 0 : i32
      %dma_start3A_86 = tpu.memref_slice %arg18[%add3A_84, %dma_start3A_85] : memref<8200x128xf32, #tpu.memory_space<vmem_shared>> -> memref<32x128xf32, #tpu.memory_space<vmem_shared>>
      %dma_start3A_87 = arith.constant 0 : i32
      %dma_start3A_88 = tpu.memref_slice %arg18[%add3A_84, %dma_start3A_87] : memref<8200x128xf32, #tpu.memory_space<vmem_shared>> -> memref<32x128xf32, #tpu.memory_space<vmem_shared>>
      tpu.enqueue_dma source(%arg17 : memref<32x128xf32, #tpu.memory_space<vmem>>) target(%dma_start3A_88 : memref<32x128xf32, #tpu.memory_space<vmem_shared>>) target_semaphore(%arg22 : memref<!tpu.dma_semaphore, #tpu.memory_space<semaphore_mem>>)
      %mul3A_89 = arith.constant 512 : i32
      %mul3A_90 = arith.muli %arg1, %mul3A_89 : i32
      %add3A_91 = arith.constant 256 : i32
      %add3A_92 = arith.addi %mul3A_90, %add3A_91 : i32
      %dma_start3A_93 = arith.constant 0 : i32
      %dma_start3A_94 = tpu.memref_slice %arg18[%add3A_92, %dma_start3A_93] : memref<8200x128xf32, #tpu.memory_space<vmem_shared>> -> memref<32x128xf32, #tpu.memory_space<vmem_shared>>
      %dma_start3A_95 = arith.constant 0 : i32
      %dma_start3A_96 = tpu.memref_slice %arg18[%add3A_92, %dma_start3A_95] : memref<8200x128xf32, #tpu.memory_space<vmem_shared>> -> memref<32x128xf32, #tpu.memory_space<vmem_shared>>
      tpu.enqueue_dma source(%arg17 : memref<32x128xf32, #tpu.memory_space<vmem>>) target(%dma_start3A_96 : memref<32x128xf32, #tpu.memory_space<vmem_shared>>) target_semaphore(%arg22 : memref<!tpu.dma_semaphore, #tpu.memory_space<semaphore_mem>>)
      %mul3A_97 = arith.constant 512 : i32
      %mul3A_98 = arith.muli %arg1, %mul3A_97 : i32
      %add3A_99 = arith.constant 288 : i32
      %add3A_100 = arith.addi %mul3A_98, %add3A_99 : i32
      %dma_start3A_101 = arith.constant 0 : i32
      %dma_start3A_102 = tpu.memref_slice %arg18[%add3A_100, %dma_start3A_101] : memref<8200x128xf32, #tpu.memory_space<vmem_shared>> -> memref<32x128xf32, #tpu.memory_space<vmem_shared>>
      %dma_start3A_103 = arith.constant 0 : i32
      %dma_start3A_104 = tpu.memref_slice %arg18[%add3A_100, %dma_start3A_103] : memref<8200x128xf32, #tpu.memory_space<vmem_shared>> -> memref<32x128xf32, #tpu.memory_space<vmem_shared>>
      tpu.enqueue_dma source(%arg17 : memref<32x128xf32, #tpu.memory_space<vmem>>) target(%dma_start3A_104 : memref<32x128xf32, #tpu.memory_space<vmem_shared>>) target_semaphore(%arg22 : memref<!tpu.dma_semaphore, #tpu.memory_space<semaphore_mem>>)
      %mul3A_105 = arith.constant 512 : i32
      %mul3A_106 = arith.muli %arg1, %mul3A_105 : i32
      %add3A_107 = arith.constant 320 : i32
      %add3A_108 = arith.addi %mul3A_106, %add3A_107 : i32
      %dma_start3A_109 = arith.constant 0 : i32
      %dma_start3A_110 = tpu.memref_slice %arg18[%add3A_108, %dma_start3A_109] : memref<8200x128xf32, #tpu.memory_space<vmem_shared>> -> memref<32x128xf32, #tpu.memory_space<vmem_shared>>
      %dma_start3A_111 = arith.constant 0 : i32
      %dma_start3A_112 = tpu.memref_slice %arg18[%add3A_108, %dma_start3A_111] : memref<8200x128xf32, #tpu.memory_space<vmem_shared>> -> memref<32x128xf32, #tpu.memory_space<vmem_shared>>
      tpu.enqueue_dma source(%arg17 : memref<32x128xf32, #tpu.memory_space<vmem>>) target(%dma_start3A_112 : memref<32x128xf32, #tpu.memory_space<vmem_shared>>) target_semaphore(%arg22 : memref<!tpu.dma_semaphore, #tpu.memory_space<semaphore_mem>>)
      %mul3A_113 = arith.constant 512 : i32
      %mul3A_114 = arith.muli %arg1, %mul3A_113 : i32
      %add3A_115 = arith.constant 352 : i32
      %add3A_116 = arith.addi %mul3A_114, %add3A_115 : i32
      %dma_start3A_117 = arith.constant 0 : i32
      %dma_start3A_118 = tpu.memref_slice %arg18[%add3A_116, %dma_start3A_117] : memref<8200x128xf32, #tpu.memory_space<vmem_shared>> -> memref<32x128xf32, #tpu.memory_space<vmem_shared>>
      %dma_start3A_119 = arith.constant 0 : i32
      %dma_start3A_120 = tpu.memref_slice %arg18[%add3A_116, %dma_start3A_119] : memref<8200x128xf32, #tpu.memory_space<vmem_shared>> -> memref<32x128xf32, #tpu.memory_space<vmem_shared>>
      tpu.enqueue_dma source(%arg17 : memref<32x128xf32, #tpu.memory_space<vmem>>) target(%dma_start3A_120 : memref<32x128xf32, #tpu.memory_space<vmem_shared>>) target_semaphore(%arg22 : memref<!tpu.dma_semaphore, #tpu.memory_space<semaphore_mem>>)
      %mul3A_121 = arith.constant 512 : i32
      %mul3A_122 = arith.muli %arg1, %mul3A_121 : i32
      %add3A_123 = arith.constant 384 : i32
      %add3A_124 = arith.addi %mul3A_122, %add3A_123 : i32
      %dma_start3A_125 = arith.constant 0 : i32
      %dma_start3A_126 = tpu.memref_slice %arg18[%add3A_124, %dma_start3A_125] : memref<8200x128xf32, #tpu.memory_space<vmem_shared>> -> memref<32x128xf32, #tpu.memory_space<vmem_shared>>
      %dma_start3A_127 = arith.constant 0 : i32
      %dma_start3A_128 = tpu.memref_slice %arg18[%add3A_124, %dma_start3A_127] : memref<8200x128xf32, #tpu.memory_space<vmem_shared>> -> memref<32x128xf32, #tpu.memory_space<vmem_shared>>
      tpu.enqueue_dma source(%arg17 : memref<32x128xf32, #tpu.memory_space<vmem>>) target(%dma_start3A_128 : memref<32x128xf32, #tpu.memory_space<vmem_shared>>) target_semaphore(%arg22 : memref<!tpu.dma_semaphore, #tpu.memory_space<semaphore_mem>>)
      %mul3A_129 = arith.constant 512 : i32
      %mul3A_130 = arith.muli %arg1, %mul3A_129 : i32
      %add3A_131 = arith.constant 416 : i32
      %add3A_132 = arith.addi %mul3A_130, %add3A_131 : i32
      %dma_start3A_133 = arith.constant 0 : i32
      %dma_start3A_134 = tpu.memref_slice %arg18[%add3A_132, %dma_start3A_133] : memref<8200x128xf32, #tpu.memory_space<vmem_shared>> -> memref<32x128xf32, #tpu.memory_space<vmem_shared>>
      %dma_start3A_135 = arith.constant 0 : i32
      %dma_start3A_136 = tpu.memref_slice %arg18[%add3A_132, %dma_start3A_135] : memref<8200x128xf32, #tpu.memory_space<vmem_shared>> -> memref<32x128xf32, #tpu.memory_space<vmem_shared>>
      tpu.enqueue_dma source(%arg17 : memref<32x128xf32, #tpu.memory_space<vmem>>) target(%dma_start3A_136 : memref<32x128xf32, #tpu.memory_space<vmem_shared>>) target_semaphore(%arg22 : memref<!tpu.dma_semaphore, #tpu.memory_space<semaphore_mem>>)
      %mul3A_137 = arith.constant 512 : i32
      %mul3A_138 = arith.muli %arg1, %mul3A_137 : i32
      %add3A_139 = arith.constant 448 : i32
      %add3A_140 = arith.addi %mul3A_138, %add3A_139 : i32
      %dma_start3A_141 = arith.constant 0 : i32
      %dma_start3A_142 = tpu.memref_slice %arg18[%add3A_140, %dma_start3A_141] : memref<8200x128xf32, #tpu.memory_space<vmem_shared>> -> memref<32x128xf32, #tpu.memory_space<vmem_shared>>
      %dma_start3A_143 = arith.constant 0 : i32
      %dma_start3A_144 = tpu.memref_slice %arg18[%add3A_140, %dma_start3A_143] : memref<8200x128xf32, #tpu.memory_space<vmem_shared>> -> memref<32x128xf32, #tpu.memory_space<vmem_shared>>
      tpu.enqueue_dma source(%arg17 : memref<32x128xf32, #tpu.memory_space<vmem>>) target(%dma_start3A_144 : memref<32x128xf32, #tpu.memory_space<vmem_shared>>) target_semaphore(%arg22 : memref<!tpu.dma_semaphore, #tpu.memory_space<semaphore_mem>>)
      %mul3A_145 = arith.constant 512 : i32
      %mul3A_146 = arith.muli %arg1, %mul3A_145 : i32
      %add3A_147 = arith.constant 480 : i32
      %add3A_148 = arith.addi %mul3A_146, %add3A_147 : i32
      %dma_start3A_149 = arith.constant 0 : i32
      %dma_start3A_150 = tpu.memref_slice %arg18[%add3A_148, %dma_start3A_149] : memref<8200x128xf32, #tpu.memory_space<vmem_shared>> -> memref<32x128xf32, #tpu.memory_space<vmem_shared>>
      %dma_start3A_151 = arith.constant 0 : i32
      %dma_start3A_152 = tpu.memref_slice %arg18[%add3A_148, %dma_start3A_151] : memref<8200x128xf32, #tpu.memory_space<vmem_shared>> -> memref<32x128xf32, #tpu.memory_space<vmem_shared>>
      tpu.enqueue_dma source(%arg17 : memref<32x128xf32, #tpu.memory_space<vmem>>) target(%dma_start3A_152 : memref<32x128xf32, #tpu.memory_space<vmem_shared>>) target_semaphore(%arg22 : memref<!tpu.dma_semaphore, #tpu.memory_space<semaphore_mem>>)
      %mul3A_153 = arith.constant 512 : i32
      %mul3A_154 = arith.muli %arg1, %mul3A_153 : i32
      %add3A_155 = arith.constant 0 : i32
      %add3A_156 = arith.addi %mul3A_154, %add3A_155 : i32
      %dma_wait3A = arith.constant 0 : i32
      %dma_wait3A_157 = tpu.memref_slice %arg18[%add3A_156, %dma_wait3A] : memref<8200x128xf32, #tpu.memory_space<vmem_shared>> -> memref<32x128xf32, #tpu.memory_space<vmem_shared>>
      %dma_wait3A_158 = arith.constant 0 : i32
      %dma_wait3A_159 = tpu.memref_slice %arg18[%add3A_156, %dma_wait3A_158] : memref<8200x128xf32, #tpu.memory_space<vmem_shared>> -> memref<32x128xf32, #tpu.memory_space<vmem_shared>>
      tpu.wait_dma2 semaphore(%arg22 : memref<!tpu.dma_semaphore, #tpu.memory_space<semaphore_mem>>) src(%arg17 : memref<32x128xf32, #tpu.memory_space<vmem>>) dst(%dma_wait3A_159 : memref<32x128xf32, #tpu.memory_space<vmem_shared>>)
      %mul3A_160 = arith.constant 512 : i32
      %mul3A_161 = arith.muli %arg1, %mul3A_160 : i32
      %add3A_162 = arith.constant 32 : i32
      %add3A_163 = arith.addi %mul3A_161, %add3A_162 : i32
      %dma_wait3A_164 = arith.constant 0 : i32
      %dma_wait3A_165 = tpu.memref_slice %arg18[%add3A_163, %dma_wait3A_164] : memref<8200x128xf32, #tpu.memory_space<vmem_shared>> -> memref<32x128xf32, #tpu.memory_space<vmem_shared>>
      %dma_wait3A_166 = arith.constant 0 : i32
      %dma_wait3A_167 = tpu.memref_slice %arg18[%add3A_163, %dma_wait3A_166] : memref<8200x128xf32, #tpu.memory_space<vmem_shared>> -> memref<32x128xf32, #tpu.memory_space<vmem_shared>>
      tpu.wait_dma2 semaphore(%arg22 : memref<!tpu.dma_semaphore, #tpu.memory_space<semaphore_mem>>) src(%arg17 : memref<32x128xf32, #tpu.memory_space<vmem>>) dst(%dma_wait3A_167 : memref<32x128xf32, #tpu.memory_space<vmem_shared>>)
      %mul3A_168 = arith.constant 512 : i32
      %mul3A_169 = arith.muli %arg1, %mul3A_168 : i32
      %add3A_170 = arith.constant 64 : i32
      %add3A_171 = arith.addi %mul3A_169, %add3A_170 : i32
      %dma_wait3A_172 = arith.constant 0 : i32
      %dma_wait3A_173 = tpu.memref_slice %arg18[%add3A_171, %dma_wait3A_172] : memref<8200x128xf32, #tpu.memory_space<vmem_shared>> -> memref<32x128xf32, #tpu.memory_space<vmem_shared>>
      %dma_wait3A_174 = arith.constant 0 : i32
      %dma_wait3A_175 = tpu.memref_slice %arg18[%add3A_171, %dma_wait3A_174] : memref<8200x128xf32, #tpu.memory_space<vmem_shared>> -> memref<32x128xf32, #tpu.memory_space<vmem_shared>>
      tpu.wait_dma2 semaphore(%arg22 : memref<!tpu.dma_semaphore, #tpu.memory_space<semaphore_mem>>) src(%arg17 : memref<32x128xf32, #tpu.memory_space<vmem>>) dst(%dma_wait3A_175 : memref<32x128xf32, #tpu.memory_space<vmem_shared>>)
      %mul3A_176 = arith.constant 512 : i32
      %mul3A_177 = arith.muli %arg1, %mul3A_176 : i32
      %add3A_178 = arith.constant 96 : i32
      %add3A_179 = arith.addi %mul3A_177, %add3A_178 : i32
      %dma_wait3A_180 = arith.constant 0 : i32
      %dma_wait3A_181 = tpu.memref_slice %arg18[%add3A_179, %dma_wait3A_180] : memref<8200x128xf32, #tpu.memory_space<vmem_shared>> -> memref<32x128xf32, #tpu.memory_space<vmem_shared>>
      %dma_wait3A_182 = arith.constant 0 : i32
      %dma_wait3A_183 = tpu.memref_slice %arg18[%add3A_179, %dma_wait3A_182] : memref<8200x128xf32, #tpu.memory_space<vmem_shared>> -> memref<32x128xf32, #tpu.memory_space<vmem_shared>>
      tpu.wait_dma2 semaphore(%arg22 : memref<!tpu.dma_semaphore, #tpu.memory_space<semaphore_mem>>) src(%arg17 : memref<32x128xf32, #tpu.memory_space<vmem>>) dst(%dma_wait3A_183 : memref<32x128xf32, #tpu.memory_space<vmem_shared>>)
      %mul3A_184 = arith.constant 512 : i32
      %mul3A_185 = arith.muli %arg1, %mul3A_184 : i32
      %add3A_186 = arith.constant 128 : i32
      %add3A_187 = arith.addi %mul3A_185, %add3A_186 : i32
      %dma_wait3A_188 = arith.constant 0 : i32
      %dma_wait3A_189 = tpu.memref_slice %arg18[%add3A_187, %dma_wait3A_188] : memref<8200x128xf32, #tpu.memory_space<vmem_shared>> -> memref<32x128xf32, #tpu.memory_space<vmem_shared>>
      %dma_wait3A_190 = arith.constant 0 : i32
      %dma_wait3A_191 = tpu.memref_slice %arg18[%add3A_187, %dma_wait3A_190] : memref<8200x128xf32, #tpu.memory_space<vmem_shared>> -> memref<32x128xf32, #tpu.memory_space<vmem_shared>>
      tpu.wait_dma2 semaphore(%arg22 : memref<!tpu.dma_semaphore, #tpu.memory_space<semaphore_mem>>) src(%arg17 : memref<32x128xf32, #tpu.memory_space<vmem>>) dst(%dma_wait3A_191 : memref<32x128xf32, #tpu.memory_space<vmem_shared>>)
      %mul3A_192 = arith.constant 512 : i32
      %mul3A_193 = arith.muli %arg1, %mul3A_192 : i32
      %add3A_194 = arith.constant 160 : i32
      %add3A_195 = arith.addi %mul3A_193, %add3A_194 : i32
      %dma_wait3A_196 = arith.constant 0 : i32
      %dma_wait3A_197 = tpu.memref_slice %arg18[%add3A_195, %dma_wait3A_196] : memref<8200x128xf32, #tpu.memory_space<vmem_shared>> -> memref<32x128xf32, #tpu.memory_space<vmem_shared>>
      %dma_wait3A_198 = arith.constant 0 : i32
      %dma_wait3A_199 = tpu.memref_slice %arg18[%add3A_195, %dma_wait3A_198] : memref<8200x128xf32, #tpu.memory_space<vmem_shared>> -> memref<32x128xf32, #tpu.memory_space<vmem_shared>>
      tpu.wait_dma2 semaphore(%arg22 : memref<!tpu.dma_semaphore, #tpu.memory_space<semaphore_mem>>) src(%arg17 : memref<32x128xf32, #tpu.memory_space<vmem>>) dst(%dma_wait3A_199 : memref<32x128xf32, #tpu.memory_space<vmem_shared>>)
      %mul3A_200 = arith.constant 512 : i32
      %mul3A_201 = arith.muli %arg1, %mul3A_200 : i32
      %add3A_202 = arith.constant 192 : i32
      %add3A_203 = arith.addi %mul3A_201, %add3A_202 : i32
      %dma_wait3A_204 = arith.constant 0 : i32
      %dma_wait3A_205 = tpu.memref_slice %arg18[%add3A_203, %dma_wait3A_204] : memref<8200x128xf32, #tpu.memory_space<vmem_shared>> -> memref<32x128xf32, #tpu.memory_space<vmem_shared>>
      %dma_wait3A_206 = arith.constant 0 : i32
      %dma_wait3A_207 = tpu.memref_slice %arg18[%add3A_203, %dma_wait3A_206] : memref<8200x128xf32, #tpu.memory_space<vmem_shared>> -> memref<32x128xf32, #tpu.memory_space<vmem_shared>>
      tpu.wait_dma2 semaphore(%arg22 : memref<!tpu.dma_semaphore, #tpu.memory_space<semaphore_mem>>) src(%arg17 : memref<32x128xf32, #tpu.memory_space<vmem>>) dst(%dma_wait3A_207 : memref<32x128xf32, #tpu.memory_space<vmem_shared>>)
      %mul3A_208 = arith.constant 512 : i32
      %mul3A_209 = arith.muli %arg1, %mul3A_208 : i32
      %add3A_210 = arith.constant 224 : i32
      %add3A_211 = arith.addi %mul3A_209, %add3A_210 : i32
      %dma_wait3A_212 = arith.constant 0 : i32
      %dma_wait3A_213 = tpu.memref_slice %arg18[%add3A_211, %dma_wait3A_212] : memref<8200x128xf32, #tpu.memory_space<vmem_shared>> -> memref<32x128xf32, #tpu.memory_space<vmem_shared>>
      %dma_wait3A_214 = arith.constant 0 : i32
      %dma_wait3A_215 = tpu.memref_slice %arg18[%add3A_211, %dma_wait3A_214] : memref<8200x128xf32, #tpu.memory_space<vmem_shared>> -> memref<32x128xf32, #tpu.memory_space<vmem_shared>>
      tpu.wait_dma2 semaphore(%arg22 : memref<!tpu.dma_semaphore, #tpu.memory_space<semaphore_mem>>) src(%arg17 : memref<32x128xf32, #tpu.memory_space<vmem>>) dst(%dma_wait3A_215 : memref<32x128xf32, #tpu.memory_space<vmem_shared>>)
      %mul3A_216 = arith.constant 512 : i32
      %mul3A_217 = arith.muli %arg1, %mul3A_216 : i32
      %add3A_218 = arith.constant 256 : i32
      %add3A_219 = arith.addi %mul3A_217, %add3A_218 : i32
      %dma_wait3A_220 = arith.constant 0 : i32
      %dma_wait3A_221 = tpu.memref_slice %arg18[%add3A_219, %dma_wait3A_220] : memref<8200x128xf32, #tpu.memory_space<vmem_shared>> -> memref<32x128xf32, #tpu.memory_space<vmem_shared>>
      %dma_wait3A_222 = arith.constant 0 : i32
      %dma_wait3A_223 = tpu.memref_slice %arg18[%add3A_219, %dma_wait3A_222] : memref<8200x128xf32, #tpu.memory_space<vmem_shared>> -> memref<32x128xf32, #tpu.memory_space<vmem_shared>>
      tpu.wait_dma2 semaphore(%arg22 : memref<!tpu.dma_semaphore, #tpu.memory_space<semaphore_mem>>) src(%arg17 : memref<32x128xf32, #tpu.memory_space<vmem>>) dst(%dma_wait3A_223 : memref<32x128xf32, #tpu.memory_space<vmem_shared>>)
      %mul3A_224 = arith.constant 512 : i32
      %mul3A_225 = arith.muli %arg1, %mul3A_224 : i32
      %add3A_226 = arith.constant 288 : i32
      %add3A_227 = arith.addi %mul3A_225, %add3A_226 : i32
      %dma_wait3A_228 = arith.constant 0 : i32
      %dma_wait3A_229 = tpu.memref_slice %arg18[%add3A_227, %dma_wait3A_228] : memref<8200x128xf32, #tpu.memory_space<vmem_shared>> -> memref<32x128xf32, #tpu.memory_space<vmem_shared>>
      %dma_wait3A_230 = arith.constant 0 : i32
      %dma_wait3A_231 = tpu.memref_slice %arg18[%add3A_227, %dma_wait3A_230] : memref<8200x128xf32, #tpu.memory_space<vmem_shared>> -> memref<32x128xf32, #tpu.memory_space<vmem_shared>>
      tpu.wait_dma2 semaphore(%arg22 : memref<!tpu.dma_semaphore, #tpu.memory_space<semaphore_mem>>) src(%arg17 : memref<32x128xf32, #tpu.memory_space<vmem>>) dst(%dma_wait3A_231 : memref<32x128xf32, #tpu.memory_space<vmem_shared>>)
      %mul3A_232 = arith.constant 512 : i32
      %mul3A_233 = arith.muli %arg1, %mul3A_232 : i32
      %add3A_234 = arith.constant 320 : i32
      %add3A_235 = arith.addi %mul3A_233, %add3A_234 : i32
      %dma_wait3A_236 = arith.constant 0 : i32
      %dma_wait3A_237 = tpu.memref_slice %arg18[%add3A_235, %dma_wait3A_236] : memref<8200x128xf32, #tpu.memory_space<vmem_shared>> -> memref<32x128xf32, #tpu.memory_space<vmem_shared>>
      %dma_wait3A_238 = arith.constant 0 : i32
      %dma_wait3A_239 = tpu.memref_slice %arg18[%add3A_235, %dma_wait3A_238] : memref<8200x128xf32, #tpu.memory_space<vmem_shared>> -> memref<32x128xf32, #tpu.memory_space<vmem_shared>>
      tpu.wait_dma2 semaphore(%arg22 : memref<!tpu.dma_semaphore, #tpu.memory_space<semaphore_mem>>) src(%arg17 : memref<32x128xf32, #tpu.memory_space<vmem>>) dst(%dma_wait3A_239 : memref<32x128xf32, #tpu.memory_space<vmem_shared>>)
      %mul3A_240 = arith.constant 512 : i32
      %mul3A_241 = arith.muli %arg1, %mul3A_240 : i32
      %add3A_242 = arith.constant 352 : i32
      %add3A_243 = arith.addi %mul3A_241, %add3A_242 : i32
      %dma_wait3A_244 = arith.constant 0 : i32
      %dma_wait3A_245 = tpu.memref_slice %arg18[%add3A_243, %dma_wait3A_244] : memref<8200x128xf32, #tpu.memory_space<vmem_shared>> -> memref<32x128xf32, #tpu.memory_space<vmem_shared>>
      %dma_wait3A_246 = arith.constant 0 : i32
      %dma_wait3A_247 = tpu.memref_slice %arg18[%add3A_243, %dma_wait3A_246] : memref<8200x128xf32, #tpu.memory_space<vmem_shared>> -> memref<32x128xf32, #tpu.memory_space<vmem_shared>>
      tpu.wait_dma2 semaphore(%arg22 : memref<!tpu.dma_semaphore, #tpu.memory_space<semaphore_mem>>) src(%arg17 : memref<32x128xf32, #tpu.memory_space<vmem>>) dst(%dma_wait3A_247 : memref<32x128xf32, #tpu.memory_space<vmem_shared>>)
      %mul3A_248 = arith.constant 512 : i32
      %mul3A_249 = arith.muli %arg1, %mul3A_248 : i32
      %add3A_250 = arith.constant 384 : i32
      %add3A_251 = arith.addi %mul3A_249, %add3A_250 : i32
      %dma_wait3A_252 = arith.constant 0 : i32
      %dma_wait3A_253 = tpu.memref_slice %arg18[%add3A_251, %dma_wait3A_252] : memref<8200x128xf32, #tpu.memory_space<vmem_shared>> -> memref<32x128xf32, #tpu.memory_space<vmem_shared>>
      %dma_wait3A_254 = arith.constant 0 : i32
      %dma_wait3A_255 = tpu.memref_slice %arg18[%add3A_251, %dma_wait3A_254] : memref<8200x128xf32, #tpu.memory_space<vmem_shared>> -> memref<32x128xf32, #tpu.memory_space<vmem_shared>>
      tpu.wait_dma2 semaphore(%arg22 : memref<!tpu.dma_semaphore, #tpu.memory_space<semaphore_mem>>) src(%arg17 : memref<32x128xf32, #tpu.memory_space<vmem>>) dst(%dma_wait3A_255 : memref<32x128xf32, #tpu.memory_space<vmem_shared>>)
      %mul3A_256 = arith.constant 512 : i32
      %mul3A_257 = arith.muli %arg1, %mul3A_256 : i32
      %add3A_258 = arith.constant 416 : i32
      %add3A_259 = arith.addi %mul3A_257, %add3A_258 : i32
      %dma_wait3A_260 = arith.constant 0 : i32
      %dma_wait3A_261 = tpu.memref_slice %arg18[%add3A_259, %dma_wait3A_260] : memref<8200x128xf32, #tpu.memory_space<vmem_shared>> -> memref<32x128xf32, #tpu.memory_space<vmem_shared>>
      %dma_wait3A_262 = arith.constant 0 : i32
      %dma_wait3A_263 = tpu.memref_slice %arg18[%add3A_259, %dma_wait3A_262] : memref<8200x128xf32, #tpu.memory_space<vmem_shared>> -> memref<32x128xf32, #tpu.memory_space<vmem_shared>>
      tpu.wait_dma2 semaphore(%arg22 : memref<!tpu.dma_semaphore, #tpu.memory_space<semaphore_mem>>) src(%arg17 : memref<32x128xf32, #tpu.memory_space<vmem>>) dst(%dma_wait3A_263 : memref<32x128xf32, #tpu.memory_space<vmem_shared>>)
      %mul3A_264 = arith.constant 512 : i32
      %mul3A_265 = arith.muli %arg1, %mul3A_264 : i32
      %add3A_266 = arith.constant 448 : i32
      %add3A_267 = arith.addi %mul3A_265, %add3A_266 : i32
      %dma_wait3A_268 = arith.constant 0 : i32
      %dma_wait3A_269 = tpu.memref_slice %arg18[%add3A_267, %dma_wait3A_268] : memref<8200x128xf32, #tpu.memory_space<vmem_shared>> -> memref<32x128xf32, #tpu.memory_space<vmem_shared>>
      %dma_wait3A_270 = arith.constant 0 : i32
      %dma_wait3A_271 = tpu.memref_slice %arg18[%add3A_267, %dma_wait3A_270] : memref<8200x128xf32, #tpu.memory_space<vmem_shared>> -> memref<32x128xf32, #tpu.memory_space<vmem_shared>>
      tpu.wait_dma2 semaphore(%arg22 : memref<!tpu.dma_semaphore, #tpu.memory_space<semaphore_mem>>) src(%arg17 : memref<32x128xf32, #tpu.memory_space<vmem>>) dst(%dma_wait3A_271 : memref<32x128xf32, #tpu.memory_space<vmem_shared>>)
      %mul3A_272 = arith.constant 512 : i32
      %mul3A_273 = arith.muli %arg1, %mul3A_272 : i32
      %add3A_274 = arith.constant 480 : i32
      %add3A_275 = arith.addi %mul3A_273, %add3A_274 : i32
      %dma_wait3A_276 = arith.constant 0 : i32
      %dma_wait3A_277 = tpu.memref_slice %arg18[%add3A_275, %dma_wait3A_276] : memref<8200x128xf32, #tpu.memory_space<vmem_shared>> -> memref<32x128xf32, #tpu.memory_space<vmem_shared>>
      %dma_wait3A_278 = arith.constant 0 : i32
      %dma_wait3A_279 = tpu.memref_slice %arg18[%add3A_275, %dma_wait3A_278] : memref<8200x128xf32, #tpu.memory_space<vmem_shared>> -> memref<32x128xf32, #tpu.memory_space<vmem_shared>>
      tpu.wait_dma2 semaphore(%arg22 : memref<!tpu.dma_semaphore, #tpu.memory_space<semaphore_mem>>) src(%arg17 : memref<32x128xf32, #tpu.memory_space<vmem>>) dst(%dma_wait3A_279 : memref<32x128xf32, #tpu.memory_space<vmem_shared>>)
      %eq3A = arith.constant 0 : i32
      %eq3A_280 = arith.cmpi eq, %arg1, %eq3A : i32
      %convert_element_type3A = arith.extui %eq3A_280 : i1 to i32
      %cond3A = arith.constant 0 : i32
      %cond3A_281 = arith.cmpi ne, %convert_element_type3A, %cond3A : i32
      scf.if %cond3A_281 {
        "tpu.region"() ({
          %run_scoped3A = tpu.sem_alloc : memref<!tpu.dma_semaphore, #tpu.memory_space<semaphore_mem>>
          %dma_start3A_349 = arith.constant 0 : i32
          %dma_start3A_350 = arith.constant 0 : i32
          %dma_start3A_351 = tpu.memref_slice %arg17[%dma_start3A_349, %dma_start3A_350] : memref<32x128xf32, #tpu.memory_space<vmem>> -> memref<8x128xf32, #tpu.memory_space<vmem>>
          %dma_start3A_352 = arith.constant 8192 : i32
          %dma_start3A_353 = arith.constant 0 : i32
          %dma_start3A_354 = tpu.memref_slice %arg18[%dma_start3A_352, %dma_start3A_353] : memref<8200x128xf32, #tpu.memory_space<vmem_shared>> -> memref<8x128xf32, #tpu.memory_space<vmem_shared>>
          %dma_start3A_355 = arith.constant 8192 : i32
          %dma_start3A_356 = arith.constant 0 : i32
          %dma_start3A_357 = tpu.memref_slice %arg18[%dma_start3A_355, %dma_start3A_356] : memref<8200x128xf32, #tpu.memory_space<vmem_shared>> -> memref<8x128xf32, #tpu.memory_space<vmem_shared>>
          %dma_start3A_358 = arith.constant 0 : i32
          %dma_start3A_359 = arith.constant 0 : i32
          %dma_start3A_360 = tpu.memref_slice %arg17[%dma_start3A_358, %dma_start3A_359] : memref<32x128xf32, #tpu.memory_space<vmem>> -> memref<8x128xf32, #tpu.memory_space<vmem>>
          tpu.enqueue_dma source(%dma_start3A_360 : memref<8x128xf32, #tpu.memory_space<vmem>>) target(%dma_start3A_357 : memref<8x128xf32, #tpu.memory_space<vmem_shared>>) target_semaphore(%run_scoped3A : memref<!tpu.dma_semaphore, #tpu.memory_space<semaphore_mem>>)
          %dma_wait3A_361 = arith.constant 0 : i32
          %dma_wait3A_362 = arith.constant 0 : i32
          %dma_wait3A_363 = tpu.memref_slice %arg17[%dma_wait3A_361, %dma_wait3A_362] : memref<32x128xf32, #tpu.memory_space<vmem>> -> memref<8x128xf32, #tpu.memory_space<vmem>>
          %dma_wait3A_364 = arith.constant 8192 : i32
          %dma_wait3A_365 = arith.constant 0 : i32
          %dma_wait3A_366 = tpu.memref_slice %arg18[%dma_wait3A_364, %dma_wait3A_365] : memref<8200x128xf32, #tpu.memory_space<vmem_shared>> -> memref<8x128xf32, #tpu.memory_space<vmem_shared>>
          %dma_wait3A_367 = arith.constant 8192 : i32
          %dma_wait3A_368 = arith.constant 0 : i32
          %dma_wait3A_369 = tpu.memref_slice %arg18[%dma_wait3A_367, %dma_wait3A_368] : memref<8200x128xf32, #tpu.memory_space<vmem_shared>> -> memref<8x128xf32, #tpu.memory_space<vmem_shared>>
          %dma_wait3A_370 = arith.constant 0 : i32
          %dma_wait3A_371 = arith.constant 0 : i32
          %dma_wait3A_372 = tpu.memref_slice %arg17[%dma_wait3A_370, %dma_wait3A_371] : memref<32x128xf32, #tpu.memory_space<vmem>> -> memref<8x128xf32, #tpu.memory_space<vmem>>
          tpu.wait_dma2 semaphore(%run_scoped3A : memref<!tpu.dma_semaphore, #tpu.memory_space<semaphore_mem>>) src(%dma_wait3A_372 : memref<8x128xf32, #tpu.memory_space<vmem>>) dst(%dma_wait3A_369 : memref<8x128xf32, #tpu.memory_space<vmem_shared>>)
          tpu.yield
        }) : () -> ()
      } else {
      }
      %barrier3A = arith.constant 0 : index
      tpu.barrier barrier_id(%barrier3A)
      %lt3A = arith.constant 0 : i32
      %lt3A_282 = arith.constant 30 : i32
      %lt3A_283 = arith.cmpi slt, %lt3A, %lt3A_282 : i32
      %convert_element_type3A_284 = arith.extui %lt3A_283 : i1 to i32
      %cond3A_285 = arith.constant 0 : i32
      %cond3A_286 = arith.constant 0 : i32
      %cond3A_287 = arith.cmpi ne, %convert_element_type3A_284, %cond3A_286 : i32
      scf.if %cond3A_287 {
        %mul3A_349 = arith.constant 2048 : i32
        %mul3A_350 = arith.muli %cond3A_285, %mul3A_349 : i32
        %add3A_351 = arith.addi %mul3A_0, %mul3A_350 : i32
        %dma_start3A_352 = tpu.memref_slice %arg4[%add3A_351] : memref<983040xi32, #tpu.memory_space<hbm>> -> memref<2048xi32, #tpu.memory_space<hbm>>
        %dma_start3A_353 = tpu.memref_slice %arg4[%add3A_351] : memref<983040xi32, #tpu.memory_space<hbm>> -> memref<2048xi32, #tpu.memory_space<hbm>>
        tpu.enqueue_dma source(%dma_start3A_353 : memref<2048xi32, #tpu.memory_space<hbm>>) target(%arg7 : memref<2048xi32, #tpu.memory_space<vmem>>) target_semaphore(%arg19 : memref<!tpu.dma_semaphore, #tpu.memory_space<semaphore_mem>>)
        %mul3A_354 = arith.constant 2048 : i32
        %mul3A_355 = arith.muli %cond3A_285, %mul3A_354 : i32
        %add3A_356 = arith.addi %mul3A_0, %mul3A_355 : i32
        %dma_start3A_357 = tpu.memref_slice %arg5[%add3A_356] : memref<983040xi32, #tpu.memory_space<hbm>> -> memref<2048xi32, #tpu.memory_space<hbm>>
        %dma_start3A_358 = tpu.memref_slice %arg5[%add3A_356] : memref<983040xi32, #tpu.memory_space<hbm>> -> memref<2048xi32, #tpu.memory_space<hbm>>
        tpu.enqueue_dma source(%dma_start3A_358 : memref<2048xi32, #tpu.memory_space<hbm>>) target(%arg9 : memref<2048xi32, #tpu.memory_space<vmem>>) target_semaphore(%arg19 : memref<!tpu.dma_semaphore, #tpu.memory_space<semaphore_mem>>)
      } else {
      }
      %broadcast_in_dim3A_288 = arith.constant 0 : i32
      %broadcast_in_dim3A_289 = vector.broadcast %broadcast_in_dim3A_288 : i32 to vector<16xi32>
      %scan3A_290 = arith.constant 0 : i32
      %scan3A_291 = arith.constant 0 : i32
      %scan3A_292 = arith.constant 0 : i32
      %scan3A_293 = arith.constant 15 : i32
      %scan3A_294 = arith.addi %scan3A_292, %scan3A_293 : i32
      %scan3A_295 = arith.constant 1 : i32
      %scan3A_296:3 = scf.for %scan3A_349 = %scan3A_292 to %scan3A_294 step %scan3A_295 iter_args(%scan3A_350 = %broadcast_in_dim3A_289, %scan3A_351 = %scan3A_290, %scan3A_352 = %scan3A_291) -> (vector<16xi32>, i32, i32)  : i32 {
        %mul3A_353 = arith.constant 2 : i32
        %mul3A_354 = arith.muli %mul3A_353, %scan3A_349 : i32
        %add3A_355 = arith.constant 1 : i32
        %add3A_356 = arith.addi %mul3A_354, %add3A_355 : i32
        %lt3A_357 = arith.constant 30 : i32
        %lt3A_358 = arith.cmpi slt, %add3A_356, %lt3A_357 : i32
        %convert_element_type3A_359 = arith.extui %lt3A_358 : i1 to i32
        %cond3A_360 = arith.constant 0 : i32
        %cond3A_361 = arith.cmpi ne, %convert_element_type3A_359, %cond3A_360 : i32
        scf.if %cond3A_361 {
          %mul3A_397 = arith.constant 2048 : i32
          %mul3A_398 = arith.muli %add3A_356, %mul3A_397 : i32
          %add3A_399 = arith.addi %mul3A_0, %mul3A_398 : i32
          %dma_start3A_400 = tpu.memref_slice %arg4[%add3A_399] : memref<983040xi32, #tpu.memory_space<hbm>> -> memref<2048xi32, #tpu.memory_space<hbm>>
          %dma_start3A_401 = tpu.memref_slice %arg4[%add3A_399] : memref<983040xi32, #tpu.memory_space<hbm>> -> memref<2048xi32, #tpu.memory_space<hbm>>
          tpu.enqueue_dma source(%dma_start3A_401 : memref<2048xi32, #tpu.memory_space<hbm>>) target(%arg8 : memref<2048xi32, #tpu.memory_space<vmem>>) target_semaphore(%arg19 : memref<!tpu.dma_semaphore, #tpu.memory_space<semaphore_mem>>)
          %mul3A_402 = arith.constant 2048 : i32
          %mul3A_403 = arith.muli %add3A_356, %mul3A_402 : i32
          %add3A_404 = arith.addi %mul3A_0, %mul3A_403 : i32
          %dma_start3A_405 = tpu.memref_slice %arg5[%add3A_404] : memref<983040xi32, #tpu.memory_space<hbm>> -> memref<2048xi32, #tpu.memory_space<hbm>>
          %dma_start3A_406 = tpu.memref_slice %arg5[%add3A_404] : memref<983040xi32, #tpu.memory_space<hbm>> -> memref<2048xi32, #tpu.memory_space<hbm>>
          tpu.enqueue_dma source(%dma_start3A_406 : memref<2048xi32, #tpu.memory_space<hbm>>) target(%arg10 : memref<2048xi32, #tpu.memory_space<vmem>>) target_semaphore(%arg19 : memref<!tpu.dma_semaphore, #tpu.memory_space<semaphore_mem>>)
        } else {
        }
        %mul3A_362 = arith.constant 2048 : i32
        %mul3A_363 = arith.muli %mul3A_354, %mul3A_362 : i32
        %add3A_364 = arith.addi %mul3A_0, %mul3A_363 : i32
        %dma_wait3A_365 = tpu.memref_slice %arg4[%add3A_364] : memref<983040xi32, #tpu.memory_space<hbm>> -> memref<2048xi32, #tpu.memory_space<hbm>>
        %dma_wait3A_366 = tpu.memref_slice %arg4[%add3A_364] : memref<983040xi32, #tpu.memory_space<hbm>> -> memref<2048xi32, #tpu.memory_space<hbm>>
        tpu.wait_dma2 semaphore(%arg19 : memref<!tpu.dma_semaphore, #tpu.memory_space<semaphore_mem>>) src(%dma_wait3A_366 : memref<2048xi32, #tpu.memory_space<hbm>>) dst(%arg7 : memref<2048xi32, #tpu.memory_space<vmem>>)
        %dma_wait3A_367 = tpu.memref_slice %arg5[%add3A_364] : memref<983040xi32, #tpu.memory_space<hbm>> -> memref<2048xi32, #tpu.memory_space<hbm>>
        %dma_wait3A_368 = tpu.memref_slice %arg5[%add3A_364] : memref<983040xi32, #tpu.memory_space<hbm>> -> memref<2048xi32, #tpu.memory_space<hbm>>
        tpu.wait_dma2 semaphore(%arg19 : memref<!tpu.dma_semaphore, #tpu.memory_space<semaphore_mem>>) src(%dma_wait3A_368 : memref<2048xi32, #tpu.memory_space<hbm>>) dst(%arg9 : memref<2048xi32, #tpu.memory_space<vmem>>)
        %scan3A_369 = arith.constant 0 : i32
        %scan3A_370 = arith.constant 16 : i32
        %scan3A_371 = arith.addi %scan3A_369, %scan3A_370 : i32
        %scan3A_372 = arith.constant 1 : i32
        %scan3A_373:3 = scf.for %scan3A_397 = %scan3A_369 to %scan3A_371 step %scan3A_372 iter_args(%scan3A_398 = %scan3A_350, %scan3A_399 = %scan3A_351, %scan3A_400 = %scan3A_352) -> (vector<16xi32>, i32, i32)  : i32 {
          %mul3A_401 = arith.constant 128 : i32
          %mul3A_402 = arith.muli %scan3A_397, %mul3A_401 : i32
          %add3A_403 = arith.constant 0 : i32
          %add3A_404 = arith.addi %mul3A_402, %add3A_403 : i32
          %get3A = arith.index_cast %add3A_404 : i32 to index
          %get3A_405 = tpu.vector_load %arg7[%get3A] {strides = array<i32>} : memref<2048xi32, #tpu.memory_space<vmem>>, vector<16xi32>,
          %get3A_406 = arith.index_cast %add3A_404 : i32 to index
          %get3A_407 = tpu.vector_load %arg9[%get3A_406] {strides = array<i32>} : memref<2048xi32, #tpu.memory_space<vmem>>, vector<16xi32>,
          %sub3A_408 = arith.subi %get3A_405, %broadcast_in_dim3A_25 : vector<16xi32>
          %ge3A_409 = arith.constant 0 : i32
          %ge3A_410 = vector.broadcast %ge3A_409 : i32 to vector<16xi32>
          %ge3A_411 = arith.cmpi sge, %sub3A_408, %ge3A_410 : vector<16xi32>
          %lt3A_412 = arith.constant 8192 : i32
          %lt3A_413 = vector.broadcast %lt3A_412 : i32 to vector<16xi32>
          %lt3A_414 = arith.cmpi slt, %sub3A_408, %lt3A_413 : vector<16xi32>
          %and3A_415 = arith.andi %ge3A_411, %lt3A_414 : vector<16xi1>
          %jit3A_416 = arith.constant 1 : i32
          %jit3A_417 = arith.constant 0 : i32
          %broadcast_in_dim3A_418 = vector.broadcast %jit3A_416 : i32 to vector<16xi32>
          %broadcast_in_dim3A_419 = vector.broadcast %jit3A_417 : i32 to vector<16xi32>
          %select_n3A_420 = arith.select %and3A_415, %broadcast_in_dim3A_418, %broadcast_in_dim3A_419 : vector<16xi1>, vector<16xi32>
          %broadcast_in_dim3A_421 = arith.constant true
          %broadcast_in_dim3A_422 = vector.broadcast %broadcast_in_dim3A_421 : i1 to vector<16xi1>
          %masked_cumsum3A = tpu.scan <sum>, %select_n3A_420 masked %broadcast_in_dim3A_422 : vector<16xi32>, vector<16xi1> -> vector<16xi32>
          %add3A_423 = arith.addi %scan3A_398, %masked_cumsum3A : vector<16xi32>
          %sub3A_424 = arith.subi %add3A_423, %select_n3A_420 : vector<16xi32>
          %and3A_425 = arith.constant 511 : i32
          %and3A_426 = vector.broadcast %and3A_425 : i32 to vector<16xi32>
          %and3A_427 = arith.andi %sub3A_424, %and3A_426 : vector<16xi32>
          %shift_right_arithmetic3A = arith.constant 7 : i32
          %shift_right_arithmetic3A_428 = vector.broadcast %shift_right_arithmetic3A : i32 to vector<16xi32>
          %shift_right_arithmetic3A_429 = arith.shrsi %and3A_427, %shift_right_arithmetic3A_428 : vector<16xi32>
          %and3A_430 = arith.constant 127 : i32
          %and3A_431 = vector.broadcast %and3A_430 : i32 to vector<16xi32>
          %and3A_432 = arith.andi %and3A_427, %and3A_431 : vector<16xi32>
          %mul3A_433 = arith.constant 2048 : i32
          %mul3A_434 = arith.muli %mul3A_354, %mul3A_433 : i32
          %add3A_435 = arith.addi %mul3A_0, %mul3A_434 : i32
          %add3A_436 = arith.constant 0 : i32
          %add3A_437 = arith.addi %add3A_435, %add3A_436 : i32
          %broadcast_in_dim3A_438 = vector.broadcast %add3A_437 : i32 to vector<16xi32>
          %mul3A_439 = arith.constant 128 : i32
          %mul3A_440 = arith.muli %scan3A_397, %mul3A_439 : i32
          %add3A_441 = vector.broadcast %mul3A_440 : i32 to vector<16xi32>
          %add3A_442 = arith.addi %broadcast_in_dim3A_438, %add3A_441 : vector<16xi32>
          %iota3A = tpu.iota {dimensions = array<i32: 0>} : vector<16xi32>
          %add3A_443 = arith.addi %add3A_442, %iota3A : vector<16xi32>
          tpu.vector_store_idx %arg11[%shift_right_arithmetic3A_429, %and3A_432], %add3A_443 masked %and3A_415 : memref<4x128xi32, #tpu.memory_space<vmem>>[vector<16xi32>, vector<16xi32>], vector<16xi32>, vector<16xi1>
          tpu.vector_store_idx %arg12[%shift_right_arithmetic3A_429, %and3A_432], %get3A_407 masked %and3A_415 : memref<4x128xi32, #tpu.memory_space<vmem>>[vector<16xi32>, vector<16xi32>], vector<16xi32>, vector<16xi1>
          tpu.vector_store_idx %arg13[%shift_right_arithmetic3A_429, %and3A_432], %sub3A_408 masked %and3A_415 : memref<4x128xi32, #tpu.memory_space<vmem>>[vector<16xi32>, vector<16xi32>], vector<16xi32>, vector<16xi1>
          %all_reduce_population_count3A = tpu.all_reduce %and3A_415 {dim = 0 : i64, kind = #tpu.reduction_kind<sum>} : vector<16xi1> -> vector<16xi32>
          %add3A_444 = arith.addi %scan3A_398, %all_reduce_population_count3A : vector<16xi32>
          %mul3A_445 = arith.constant 128 : i32
          %mul3A_446 = arith.muli %scan3A_397, %mul3A_445 : i32
          %add3A_447 = arith.constant 16 : i32
          %add3A_448 = arith.addi %mul3A_446, %add3A_447 : i32
          %get3A_449 = arith.index_cast %add3A_448 : i32 to index
          %get3A_450 = tpu.vector_load %arg7[%get3A_449] {strides = array<i32>} : memref<2048xi32, #tpu.memory_space<vmem>>, vector<16xi32>,
          %get3A_451 = arith.index_cast %add3A_448 : i32 to index
          %get3A_452 = tpu.vector_load %arg9[%get3A_451] {strides = array<i32>} : memref<2048xi32, #tpu.memory_space<vmem>>, vector<16xi32>,
          %sub3A_453 = arith.subi %get3A_450, %broadcast_in_dim3A_25 : vector<16xi32>
          %ge3A_454 = arith.constant 0 : i32
          %ge3A_455 = vector.broadcast %ge3A_454 : i32 to vector<16xi32>
          %ge3A_456 = arith.cmpi sge, %sub3A_453, %ge3A_455 : vector<16xi32>
          %lt3A_457 = arith.constant 8192 : i32
          %lt3A_458 = vector.broadcast %lt3A_457 : i32 to vector<16xi32>
          %lt3A_459 = arith.cmpi slt, %sub3A_453, %lt3A_458 : vector<16xi32>
          %and3A_460 = arith.andi %ge3A_456, %lt3A_459 : vector<16xi1>
          %jit3A_461 = arith.constant 1 : i32
          %jit3A_462 = arith.constant 0 : i32
          %broadcast_in_dim3A_463 = vector.broadcast %jit3A_461 : i32 to vector<16xi32>
          %broadcast_in_dim3A_464 = vector.broadcast %jit3A_462 : i32 to vector<16xi32>
          %select_n3A_465 = arith.select %and3A_460, %broadcast_in_dim3A_463, %broadcast_in_dim3A_464 : vector<16xi1>, vector<16xi32>
          %broadcast_in_dim3A_466 = arith.constant true
          %broadcast_in_dim3A_467 = vector.broadcast %broadcast_in_dim3A_466 : i1 to vector<16xi1>
          %masked_cumsum3A_468 = tpu.scan <sum>, %select_n3A_465 masked %broadcast_in_dim3A_467 : vector<16xi32>, vector<16xi1> -> vector<16xi32>
          %add3A_469 = arith.addi %add3A_444, %masked_cumsum3A_468 : vector<16xi32>
          %sub3A_470 = arith.subi %add3A_469, %select_n3A_465 : vector<16xi32>
          %and3A_471 = arith.constant 511 : i32
          %and3A_472 = vector.broadcast %and3A_471 : i32 to vector<16xi32>
          %and3A_473 = arith.andi %sub3A_470, %and3A_472 : vector<16xi32>
          %shift_right_arithmetic3A_474 = arith.constant 7 : i32
          %shift_right_arithmetic3A_475 = vector.broadcast %shift_right_arithmetic3A_474 : i32 to vector<16xi32>
          %shift_right_arithmetic3A_476 = arith.shrsi %and3A_473, %shift_right_arithmetic3A_475 : vector<16xi32>
          %and3A_477 = arith.constant 127 : i32
          %and3A_478 = vector.broadcast %and3A_477 : i32 to vector<16xi32>
          %and3A_479 = arith.andi %and3A_473, %and3A_478 : vector<16xi32>
          %mul3A_480 = arith.constant 2048 : i32
          %mul3A_481 = arith.muli %mul3A_354, %mul3A_480 : i32
          %add3A_482 = arith.addi %mul3A_0, %mul3A_481 : i32
          %add3A_483 = arith.constant 16 : i32
          %add3A_484 = arith.addi %add3A_482, %add3A_483 : i32
          %broadcast_in_dim3A_485 = vector.broadcast %add3A_484 : i32 to vector<16xi32>
          %mul3A_486 = arith.constant 128 : i32
          %mul3A_487 = arith.muli %scan3A_397, %mul3A_486 : i32
          %add3A_488 = vector.broadcast %mul3A_487 : i32 to vector<16xi32>
          %add3A_489 = arith.addi %broadcast_in_dim3A_485, %add3A_488 : vector<16xi32>
          %iota3A_490 = tpu.iota {dimensions = array<i32: 0>} : vector<16xi32>
          %add3A_491 = arith.addi %add3A_489, %iota3A_490 : vector<16xi32>
          tpu.vector_store_idx %arg11[%shift_right_arithmetic3A_476, %and3A_479], %add3A_491 masked %and3A_460 : memref<4x128xi32, #tpu.memory_space<vmem>>[vector<16xi32>, vector<16xi32>], vector<16xi32>, vector<16xi1>
          tpu.vector_store_idx %arg12[%shift_right_arithmetic3A_476, %and3A_479], %get3A_452 masked %and3A_460 : memref<4x128xi32, #tpu.memory_space<vmem>>[vector<16xi32>, vector<16xi32>], vector<16xi32>, vector<16xi1>
          tpu.vector_store_idx %arg13[%shift_right_arithmetic3A_476, %and3A_479], %sub3A_453 masked %and3A_460 : memref<4x128xi32, #tpu.memory_space<vmem>>[vector<16xi32>, vector<16xi32>], vector<16xi32>, vector<16xi1>
          %all_reduce_population_count3A_492 = tpu.all_reduce %and3A_460 {dim = 0 : i64, kind = #tpu.reduction_kind<sum>} : vector<16xi1> -> vector<16xi32>
          %add3A_493 = arith.addi %add3A_444, %all_reduce_population_count3A_492 : vector<16xi32>
          %mul3A_494 = arith.constant 128 : i32
          %mul3A_495 = arith.muli %scan3A_397, %mul3A_494 : i32
          %add3A_496 = arith.constant 32 : i32
          %add3A_497 = arith.addi %mul3A_495, %add3A_496 : i32
          %get3A_498 = arith.index_cast %add3A_497 : i32 to index
          %get3A_499 = tpu.vector_load %arg7[%get3A_498] {strides = array<i32>} : memref<2048xi32, #tpu.memory_space<vmem>>, vector<16xi32>,
          %get3A_500 = arith.index_cast %add3A_497 : i32 to index
          %get3A_501 = tpu.vector_load %arg9[%get3A_500] {strides = array<i32>} : memref<2048xi32, #tpu.memory_space<vmem>>, vector<16xi32>,
          %sub3A_502 = arith.subi %get3A_499, %broadcast_in_dim3A_25 : vector<16xi32>
          %ge3A_503 = arith.constant 0 : i32
          %ge3A_504 = vector.broadcast %ge3A_503 : i32 to vector<16xi32>
          %ge3A_505 = arith.cmpi sge, %sub3A_502, %ge3A_504 : vector<16xi32>
          %lt3A_506 = arith.constant 8192 : i32
          %lt3A_507 = vector.broadcast %lt3A_506 : i32 to vector<16xi32>
          %lt3A_508 = arith.cmpi slt, %sub3A_502, %lt3A_507 : vector<16xi32>
          %and3A_509 = arith.andi %ge3A_505, %lt3A_508 : vector<16xi1>
          %jit3A_510 = arith.constant 1 : i32
          %jit3A_511 = arith.constant 0 : i32
          %broadcast_in_dim3A_512 = vector.broadcast %jit3A_510 : i32 to vector<16xi32>
          %broadcast_in_dim3A_513 = vector.broadcast %jit3A_511 : i32 to vector<16xi32>
          %select_n3A_514 = arith.select %and3A_509, %broadcast_in_dim3A_512, %broadcast_in_dim3A_513 : vector<16xi1>, vector<16xi32>
          %broadcast_in_dim3A_515 = arith.constant true
          %broadcast_in_dim3A_516 = vector.broadcast %broadcast_in_dim3A_515 : i1 to vector<16xi1>
          %masked_cumsum3A_517 = tpu.scan <sum>, %select_n3A_514 masked %broadcast_in_dim3A_516 : vector<16xi32>, vector<16xi1> -> vector<16xi32>
          %add3A_518 = arith.addi %add3A_493, %masked_cumsum3A_517 : vector<16xi32>
          %sub3A_519 = arith.subi %add3A_518, %select_n3A_514 : vector<16xi32>
          %and3A_520 = arith.constant 511 : i32
          %and3A_521 = vector.broadcast %and3A_520 : i32 to vector<16xi32>
          %and3A_522 = arith.andi %sub3A_519, %and3A_521 : vector<16xi32>
          %shift_right_arithmetic3A_523 = arith.constant 7 : i32
          %shift_right_arithmetic3A_524 = vector.broadcast %shift_right_arithmetic3A_523 : i32 to vector<16xi32>
          %shift_right_arithmetic3A_525 = arith.shrsi %and3A_522, %shift_right_arithmetic3A_524 : vector<16xi32>
          %and3A_526 = arith.constant 127 : i32
          %and3A_527 = vector.broadcast %and3A_526 : i32 to vector<16xi32>
          %and3A_528 = arith.andi %and3A_522, %and3A_527 : vector<16xi32>
          %mul3A_529 = arith.constant 2048 : i32
          %mul3A_530 = arith.muli %mul3A_354, %mul3A_529 : i32
          %add3A_531 = arith.addi %mul3A_0, %mul3A_530 : i32
          %add3A_532 = arith.constant 32 : i32
          %add3A_533 = arith.addi %add3A_531, %add3A_532 : i32
          %broadcast_in_dim3A_534 = vector.broadcast %add3A_533 : i32 to vector<16xi32>
          %mul3A_535 = arith.constant 128 : i32
          %mul3A_536 = arith.muli %scan3A_397, %mul3A_535 : i32
          %add3A_537 = vector.broadcast %mul3A_536 : i32 to vector<16xi32>
          %add3A_538 = arith.addi %broadcast_in_dim3A_534, %add3A_537 : vector<16xi32>
          %iota3A_539 = tpu.iota {dimensions = array<i32: 0>} : vector<16xi32>
          %add3A_540 = arith.addi %add3A_538, %iota3A_539 : vector<16xi32>
          tpu.vector_store_idx %arg11[%shift_right_arithmetic3A_525, %and3A_528], %add3A_540 masked %and3A_509 : memref<4x128xi32, #tpu.memory_space<vmem>>[vector<16xi32>, vector<16xi32>], vector<16xi32>, vector<16xi1>
          tpu.vector_store_idx %arg12[%shift_right_arithmetic3A_525, %and3A_528], %get3A_501 masked %and3A_509 : memref<4x128xi32, #tpu.memory_space<vmem>>[vector<16xi32>, vector<16xi32>], vector<16xi32>, vector<16xi1>
          tpu.vector_store_idx %arg13[%shift_right_arithmetic3A_525, %and3A_528], %sub3A_502 masked %and3A_509 : memref<4x128xi32, #tpu.memory_space<vmem>>[vector<16xi32>, vector<16xi32>], vector<16xi32>, vector<16xi1>
          %all_reduce_population_count3A_541 = tpu.all_reduce %and3A_509 {dim = 0 : i64, kind = #tpu.reduction_kind<sum>} : vector<16xi1> -> vector<16xi32>
          %add3A_542 = arith.addi %add3A_493, %all_reduce_population_count3A_541 : vector<16xi32>
          %mul3A_543 = arith.constant 128 : i32
          %mul3A_544 = arith.muli %scan3A_397, %mul3A_543 : i32
          %add3A_545 = arith.constant 48 : i32
          %add3A_546 = arith.addi %mul3A_544, %add3A_545 : i32
          %get3A_547 = arith.index_cast %add3A_546 : i32 to index
          %get3A_548 = tpu.vector_load %arg7[%get3A_547] {strides = array<i32>} : memref<2048xi32, #tpu.memory_space<vmem>>, vector<16xi32>,
          %get3A_549 = arith.index_cast %add3A_546 : i32 to index
          %get3A_550 = tpu.vector_load %arg9[%get3A_549] {strides = array<i32>} : memref<2048xi32, #tpu.memory_space<vmem>>, vector<16xi32>,
          %sub3A_551 = arith.subi %get3A_548, %broadcast_in_dim3A_25 : vector<16xi32>
          %ge3A_552 = arith.constant 0 : i32
          %ge3A_553 = vector.broadcast %ge3A_552 : i32 to vector<16xi32>
          %ge3A_554 = arith.cmpi sge, %sub3A_551, %ge3A_553 : vector<16xi32>
          %lt3A_555 = arith.constant 8192 : i32
          %lt3A_556 = vector.broadcast %lt3A_555 : i32 to vector<16xi32>
          %lt3A_557 = arith.cmpi slt, %sub3A_551, %lt3A_556 : vector<16xi32>
          %and3A_558 = arith.andi %ge3A_554, %lt3A_557 : vector<16xi1>
          %jit3A_559 = arith.constant 1 : i32
          %jit3A_560 = arith.constant 0 : i32
          %broadcast_in_dim3A_561 = vector.broadcast %jit3A_559 : i32 to vector<16xi32>
          %broadcast_in_dim3A_562 = vector.broadcast %jit3A_560 : i32 to vector<16xi32>
          %select_n3A_563 = arith.select %and3A_558, %broadcast_in_dim3A_561, %broadcast_in_dim3A_562 : vector<16xi1>, vector<16xi32>
          %broadcast_in_dim3A_564 = arith.constant true
          %broadcast_in_dim3A_565 = vector.broadcast %broadcast_in_dim3A_564 : i1 to vector<16xi1>
          %masked_cumsum3A_566 = tpu.scan <sum>, %select_n3A_563 masked %broadcast_in_dim3A_565 : vector<16xi32>, vector<16xi1> -> vector<16xi32>
          %add3A_567 = arith.addi %add3A_542, %masked_cumsum3A_566 : vector<16xi32>
          %sub3A_568 = arith.subi %add3A_567, %select_n3A_563 : vector<16xi32>
          %and3A_569 = arith.constant 511 : i32
          %and3A_570 = vector.broadcast %and3A_569 : i32 to vector<16xi32>
          %and3A_571 = arith.andi %sub3A_568, %and3A_570 : vector<16xi32>
          %shift_right_arithmetic3A_572 = arith.constant 7 : i32
          %shift_right_arithmetic3A_573 = vector.broadcast %shift_right_arithmetic3A_572 : i32 to vector<16xi32>
          %shift_right_arithmetic3A_574 = arith.shrsi %and3A_571, %shift_right_arithmetic3A_573 : vector<16xi32>
          %and3A_575 = arith.constant 127 : i32
          %and3A_576 = vector.broadcast %and3A_575 : i32 to vector<16xi32>
          %and3A_577 = arith.andi %and3A_571, %and3A_576 : vector<16xi32>
          %mul3A_578 = arith.constant 2048 : i32
          %mul3A_579 = arith.muli %mul3A_354, %mul3A_578 : i32
          %add3A_580 = arith.addi %mul3A_0, %mul3A_579 : i32
          %add3A_581 = arith.constant 48 : i32
          %add3A_582 = arith.addi %add3A_580, %add3A_581 : i32
          %broadcast_in_dim3A_583 = vector.broadcast %add3A_582 : i32 to vector<16xi32>
          %mul3A_584 = arith.constant 128 : i32
          %mul3A_585 = arith.muli %scan3A_397, %mul3A_584 : i32
          %add3A_586 = vector.broadcast %mul3A_585 : i32 to vector<16xi32>
          %add3A_587 = arith.addi %broadcast_in_dim3A_583, %add3A_586 : vector<16xi32>
          %iota3A_588 = tpu.iota {dimensions = array<i32: 0>} : vector<16xi32>
          %add3A_589 = arith.addi %add3A_587, %iota3A_588 : vector<16xi32>
          tpu.vector_store_idx %arg11[%shift_right_arithmetic3A_574, %and3A_577], %add3A_589 masked %and3A_558 : memref<4x128xi32, #tpu.memory_space<vmem>>[vector<16xi32>, vector<16xi32>], vector<16xi32>, vector<16xi1>
          tpu.vector_store_idx %arg12[%shift_right_arithmetic3A_574, %and3A_577], %get3A_550 masked %and3A_558 : memref<4x128xi32, #tpu.memory_space<vmem>>[vector<16xi32>, vector<16xi32>], vector<16xi32>, vector<16xi1>
          tpu.vector_store_idx %arg13[%shift_right_arithmetic3A_574, %and3A_577], %sub3A_551 masked %and3A_558 : memref<4x128xi32, #tpu.memory_space<vmem>>[vector<16xi32>, vector<16xi32>], vector<16xi32>, vector<16xi1>
          %all_reduce_population_count3A_590 = tpu.all_reduce %and3A_558 {dim = 0 : i64, kind = #tpu.reduction_kind<sum>} : vector<16xi1> -> vector<16xi32>
          %add3A_591 = arith.addi %add3A_542, %all_reduce_population_count3A_590 : vector<16xi32>
          %mul3A_592 = arith.constant 128 : i32
          %mul3A_593 = arith.muli %scan3A_397, %mul3A_592 : i32
          %add3A_594 = arith.constant 64 : i32
          %add3A_595 = arith.addi %mul3A_593, %add3A_594 : i32
          %get3A_596 = arith.index_cast %add3A_595 : i32 to index
          %get3A_597 = tpu.vector_load %arg7[%get3A_596] {strides = array<i32>} : memref<2048xi32, #tpu.memory_space<vmem>>, vector<16xi32>,
          %get3A_598 = arith.index_cast %add3A_595 : i32 to index
          %get3A_599 = tpu.vector_load %arg9[%get3A_598] {strides = array<i32>} : memref<2048xi32, #tpu.memory_space<vmem>>, vector<16xi32>,
          %sub3A_600 = arith.subi %get3A_597, %broadcast_in_dim3A_25 : vector<16xi32>
          %ge3A_601 = arith.constant 0 : i32
          %ge3A_602 = vector.broadcast %ge3A_601 : i32 to vector<16xi32>
          %ge3A_603 = arith.cmpi sge, %sub3A_600, %ge3A_602 : vector<16xi32>
          %lt3A_604 = arith.constant 8192 : i32
          %lt3A_605 = vector.broadcast %lt3A_604 : i32 to vector<16xi32>
          %lt3A_606 = arith.cmpi slt, %sub3A_600, %lt3A_605 : vector<16xi32>
          %and3A_607 = arith.andi %ge3A_603, %lt3A_606 : vector<16xi1>
          %jit3A_608 = arith.constant 1 : i32
          %jit3A_609 = arith.constant 0 : i32
          %broadcast_in_dim3A_610 = vector.broadcast %jit3A_608 : i32 to vector<16xi32>
          %broadcast_in_dim3A_611 = vector.broadcast %jit3A_609 : i32 to vector<16xi32>
          %select_n3A_612 = arith.select %and3A_607, %broadcast_in_dim3A_610, %broadcast_in_dim3A_611 : vector<16xi1>, vector<16xi32>
          %broadcast_in_dim3A_613 = arith.constant true
          %broadcast_in_dim3A_614 = vector.broadcast %broadcast_in_dim3A_613 : i1 to vector<16xi1>
          %masked_cumsum3A_615 = tpu.scan <sum>, %select_n3A_612 masked %broadcast_in_dim3A_614 : vector<16xi32>, vector<16xi1> -> vector<16xi32>
          %add3A_616 = arith.addi %add3A_591, %masked_cumsum3A_615 : vector<16xi32>
          %sub3A_617 = arith.subi %add3A_616, %select_n3A_612 : vector<16xi32>
          %and3A_618 = arith.constant 511 : i32
          %and3A_619 = vector.broadcast %and3A_618 : i32 to vector<16xi32>
          %and3A_620 = arith.andi %sub3A_617, %and3A_619 : vector<16xi32>
          %shift_right_arithmetic3A_621 = arith.constant 7 : i32
          %shift_right_arithmetic3A_622 = vector.broadcast %shift_right_arithmetic3A_621 : i32 to vector<16xi32>
          %shift_right_arithmetic3A_623 = arith.shrsi %and3A_620, %shift_right_arithmetic3A_622 : vector<16xi32>
          %and3A_624 = arith.constant 127 : i32
          %and3A_625 = vector.broadcast %and3A_624 : i32 to vector<16xi32>
          %and3A_626 = arith.andi %and3A_620, %and3A_625 : vector<16xi32>
          %mul3A_627 = arith.constant 2048 : i32
          %mul3A_628 = arith.muli %mul3A_354, %mul3A_627 : i32
          %add3A_629 = arith.addi %mul3A_0, %mul3A_628 : i32
          %add3A_630 = arith.constant 64 : i32
          %add3A_631 = arith.addi %add3A_629, %add3A_630 : i32
          %broadcast_in_dim3A_632 = vector.broadcast %add3A_631 : i32 to vector<16xi32>
          %mul3A_633 = arith.constant 128 : i32
          %mul3A_634 = arith.muli %scan3A_397, %mul3A_633 : i32
          %add3A_635 = vector.broadcast %mul3A_634 : i32 to vector<16xi32>
          %add3A_636 = arith.addi %broadcast_in_dim3A_632, %add3A_635 : vector<16xi32>
          %iota3A_637 = tpu.iota {dimensions = array<i32: 0>} : vector<16xi32>
          %add3A_638 = arith.addi %add3A_636, %iota3A_637 : vector<16xi32>
          tpu.vector_store_idx %arg11[%shift_right_arithmetic3A_623, %and3A_626], %add3A_638 masked %and3A_607 : memref<4x128xi32, #tpu.memory_space<vmem>>[vector<16xi32>, vector<16xi32>], vector<16xi32>, vector<16xi1>
          tpu.vector_store_idx %arg12[%shift_right_arithmetic3A_623, %and3A_626], %get3A_599 masked %and3A_607 : memref<4x128xi32, #tpu.memory_space<vmem>>[vector<16xi32>, vector<16xi32>], vector<16xi32>, vector<16xi1>
          tpu.vector_store_idx %arg13[%shift_right_arithmetic3A_623, %and3A_626], %sub3A_600 masked %and3A_607 : memref<4x128xi32, #tpu.memory_space<vmem>>[vector<16xi32>, vector<16xi32>], vector<16xi32>, vector<16xi1>
          %all_reduce_population_count3A_639 = tpu.all_reduce %and3A_607 {dim = 0 : i64, kind = #tpu.reduction_kind<sum>} : vector<16xi1> -> vector<16xi32>
          %add3A_640 = arith.addi %add3A_591, %all_reduce_population_count3A_639 : vector<16xi32>
          %mul3A_641 = arith.constant 128 : i32
          %mul3A_642 = arith.muli %scan3A_397, %mul3A_641 : i32
          %add3A_643 = arith.constant 80 : i32
          %add3A_644 = arith.addi %mul3A_642, %add3A_643 : i32
          %get3A_645 = arith.index_cast %add3A_644 : i32 to index
          %get3A_646 = tpu.vector_load %arg7[%get3A_645] {strides = array<i32>} : memref<2048xi32, #tpu.memory_space<vmem>>, vector<16xi32>,
          %get3A_647 = arith.index_cast %add3A_644 : i32 to index
          %get3A_648 = tpu.vector_load %arg9[%get3A_647] {strides = array<i32>} : memref<2048xi32, #tpu.memory_space<vmem>>, vector<16xi32>,
          %sub3A_649 = arith.subi %get3A_646, %broadcast_in_dim3A_25 : vector<16xi32>
          %ge3A_650 = arith.constant 0 : i32
          %ge3A_651 = vector.broadcast %ge3A_650 : i32 to vector<16xi32>
          %ge3A_652 = arith.cmpi sge, %sub3A_649, %ge3A_651 : vector<16xi32>
          %lt3A_653 = arith.constant 8192 : i32
          %lt3A_654 = vector.broadcast %lt3A_653 : i32 to vector<16xi32>
          %lt3A_655 = arith.cmpi slt, %sub3A_649, %lt3A_654 : vector<16xi32>
          %and3A_656 = arith.andi %ge3A_652, %lt3A_655 : vector<16xi1>
          %jit3A_657 = arith.constant 1 : i32
          %jit3A_658 = arith.constant 0 : i32
          %broadcast_in_dim3A_659 = vector.broadcast %jit3A_657 : i32 to vector<16xi32>
          %broadcast_in_dim3A_660 = vector.broadcast %jit3A_658 : i32 to vector<16xi32>
          %select_n3A_661 = arith.select %and3A_656, %broadcast_in_dim3A_659, %broadcast_in_dim3A_660 : vector<16xi1>, vector<16xi32>
          %broadcast_in_dim3A_662 = arith.constant true
          %broadcast_in_dim3A_663 = vector.broadcast %broadcast_in_dim3A_662 : i1 to vector<16xi1>
          %masked_cumsum3A_664 = tpu.scan <sum>, %select_n3A_661 masked %broadcast_in_dim3A_663 : vector<16xi32>, vector<16xi1> -> vector<16xi32>
          %add3A_665 = arith.addi %add3A_640, %masked_cumsum3A_664 : vector<16xi32>
          %sub3A_666 = arith.subi %add3A_665, %select_n3A_661 : vector<16xi32>
          %and3A_667 = arith.constant 511 : i32
          %and3A_668 = vector.broadcast %and3A_667 : i32 to vector<16xi32>
          %and3A_669 = arith.andi %sub3A_666, %and3A_668 : vector<16xi32>
          %shift_right_arithmetic3A_670 = arith.constant 7 : i32
          %shift_right_arithmetic3A_671 = vector.broadcast %shift_right_arithmetic3A_670 : i32 to vector<16xi32>
          %shift_right_arithmetic3A_672 = arith.shrsi %and3A_669, %shift_right_arithmetic3A_671 : vector<16xi32>
          %and3A_673 = arith.constant 127 : i32
          %and3A_674 = vector.broadcast %and3A_673 : i32 to vector<16xi32>
          %and3A_675 = arith.andi %and3A_669, %and3A_674 : vector<16xi32>
          %mul3A_676 = arith.constant 2048 : i32
          %mul3A_677 = arith.muli %mul3A_354, %mul3A_676 : i32
          %add3A_678 = arith.addi %mul3A_0, %mul3A_677 : i32
          %add3A_679 = arith.constant 80 : i32
          %add3A_680 = arith.addi %add3A_678, %add3A_679 : i32
          %broadcast_in_dim3A_681 = vector.broadcast %add3A_680 : i32 to vector<16xi32>
          %mul3A_682 = arith.constant 128 : i32
          %mul3A_683 = arith.muli %scan3A_397, %mul3A_682 : i32
          %add3A_684 = vector.broadcast %mul3A_683 : i32 to vector<16xi32>
          %add3A_685 = arith.addi %broadcast_in_dim3A_681, %add3A_684 : vector<16xi32>
          %iota3A_686 = tpu.iota {dimensions = array<i32: 0>} : vector<16xi32>
          %add3A_687 = arith.addi %add3A_685, %iota3A_686 : vector<16xi32>
          tpu.vector_store_idx %arg11[%shift_right_arithmetic3A_672, %and3A_675], %add3A_687 masked %and3A_656 : memref<4x128xi32, #tpu.memory_space<vmem>>[vector<16xi32>, vector<16xi32>], vector<16xi32>, vector<16xi1>
          tpu.vector_store_idx %arg12[%shift_right_arithmetic3A_672, %and3A_675], %get3A_648 masked %and3A_656 : memref<4x128xi32, #tpu.memory_space<vmem>>[vector<16xi32>, vector<16xi32>], vector<16xi32>, vector<16xi1>
          tpu.vector_store_idx %arg13[%shift_right_arithmetic3A_672, %and3A_675], %sub3A_649 masked %and3A_656 : memref<4x128xi32, #tpu.memory_space<vmem>>[vector<16xi32>, vector<16xi32>], vector<16xi32>, vector<16xi1>
          %all_reduce_population_count3A_688 = tpu.all_reduce %and3A_656 {dim = 0 : i64, kind = #tpu.reduction_kind<sum>} : vector<16xi1> -> vector<16xi32>
          %add3A_689 = arith.addi %add3A_640, %all_reduce_population_count3A_688 : vector<16xi32>
          %mul3A_690 = arith.constant 128 : i32
          %mul3A_691 = arith.muli %scan3A_397, %mul3A_690 : i32
          %add3A_692 = arith.constant 96 : i32
          %add3A_693 = arith.addi %mul3A_691, %add3A_692 : i32
          %get3A_694 = arith.index_cast %add3A_693 : i32 to index
          %get3A_695 = tpu.vector_load %arg7[%get3A_694] {strides = array<i32>} : memref<2048xi32, #tpu.memory_space<vmem>>, vector<16xi32>,
          %get3A_696 = arith.index_cast %add3A_693 : i32 to index
          %get3A_697 = tpu.vector_load %arg9[%get3A_696] {strides = array<i32>} : memref<2048xi32, #tpu.memory_space<vmem>>, vector<16xi32>,
          %sub3A_698 = arith.subi %get3A_695, %broadcast_in_dim3A_25 : vector<16xi32>
          %ge3A_699 = arith.constant 0 : i32
          %ge3A_700 = vector.broadcast %ge3A_699 : i32 to vector<16xi32>
          %ge3A_701 = arith.cmpi sge, %sub3A_698, %ge3A_700 : vector<16xi32>
          %lt3A_702 = arith.constant 8192 : i32
          %lt3A_703 = vector.broadcast %lt3A_702 : i32 to vector<16xi32>
          %lt3A_704 = arith.cmpi slt, %sub3A_698, %lt3A_703 : vector<16xi32>
          %and3A_705 = arith.andi %ge3A_701, %lt3A_704 : vector<16xi1>
          %jit3A_706 = arith.constant 1 : i32
          %jit3A_707 = arith.constant 0 : i32
          %broadcast_in_dim3A_708 = vector.broadcast %jit3A_706 : i32 to vector<16xi32>
          %broadcast_in_dim3A_709 = vector.broadcast %jit3A_707 : i32 to vector<16xi32>
          %select_n3A_710 = arith.select %and3A_705, %broadcast_in_dim3A_708, %broadcast_in_dim3A_709 : vector<16xi1>, vector<16xi32>
          %broadcast_in_dim3A_711 = arith.constant true
          %broadcast_in_dim3A_712 = vector.broadcast %broadcast_in_dim3A_711 : i1 to vector<16xi1>
          %masked_cumsum3A_713 = tpu.scan <sum>, %select_n3A_710 masked %broadcast_in_dim3A_712 : vector<16xi32>, vector<16xi1> -> vector<16xi32>
          %add3A_714 = arith.addi %add3A_689, %masked_cumsum3A_713 : vector<16xi32>
          %sub3A_715 = arith.subi %add3A_714, %select_n3A_710 : vector<16xi32>
          %and3A_716 = arith.constant 511 : i32
          %and3A_717 = vector.broadcast %and3A_716 : i32 to vector<16xi32>
          %and3A_718 = arith.andi %sub3A_715, %and3A_717 : vector<16xi32>
          %shift_right_arithmetic3A_719 = arith.constant 7 : i32
          %shift_right_arithmetic3A_720 = vector.broadcast %shift_right_arithmetic3A_719 : i32 to vector<16xi32>
          %shift_right_arithmetic3A_721 = arith.shrsi %and3A_718, %shift_right_arithmetic3A_720 : vector<16xi32>
          %and3A_722 = arith.constant 127 : i32
          %and3A_723 = vector.broadcast %and3A_722 : i32 to vector<16xi32>
          %and3A_724 = arith.andi %and3A_718, %and3A_723 : vector<16xi32>
          %mul3A_725 = arith.constant 2048 : i32
          %mul3A_726 = arith.muli %mul3A_354, %mul3A_725 : i32
          %add3A_727 = arith.addi %mul3A_0, %mul3A_726 : i32
          %add3A_728 = arith.constant 96 : i32
          %add3A_729 = arith.addi %add3A_727, %add3A_728 : i32
          %broadcast_in_dim3A_730 = vector.broadcast %add3A_729 : i32 to vector<16xi32>
          %mul3A_731 = arith.constant 128 : i32
          %mul3A_732 = arith.muli %scan3A_397, %mul3A_731 : i32
          %add3A_733 = vector.broadcast %mul3A_732 : i32 to vector<16xi32>
          %add3A_734 = arith.addi %broadcast_in_dim3A_730, %add3A_733 : vector<16xi32>
          %iota3A_735 = tpu.iota {dimensions = array<i32: 0>} : vector<16xi32>
          %add3A_736 = arith.addi %add3A_734, %iota3A_735 : vector<16xi32>
          tpu.vector_store_idx %arg11[%shift_right_arithmetic3A_721, %and3A_724], %add3A_736 masked %and3A_705 : memref<4x128xi32, #tpu.memory_space<vmem>>[vector<16xi32>, vector<16xi32>], vector<16xi32>, vector<16xi1>
          tpu.vector_store_idx %arg12[%shift_right_arithmetic3A_721, %and3A_724], %get3A_697 masked %and3A_705 : memref<4x128xi32, #tpu.memory_space<vmem>>[vector<16xi32>, vector<16xi32>], vector<16xi32>, vector<16xi1>
          tpu.vector_store_idx %arg13[%shift_right_arithmetic3A_721, %and3A_724], %sub3A_698 masked %and3A_705 : memref<4x128xi32, #tpu.memory_space<vmem>>[vector<16xi32>, vector<16xi32>], vector<16xi32>, vector<16xi1>
          %all_reduce_population_count3A_737 = tpu.all_reduce %and3A_705 {dim = 0 : i64, kind = #tpu.reduction_kind<sum>} : vector<16xi1> -> vector<16xi32>
          %add3A_738 = arith.addi %add3A_689, %all_reduce_population_count3A_737 : vector<16xi32>
          %mul3A_739 = arith.constant 128 : i32
          %mul3A_740 = arith.muli %scan3A_397, %mul3A_739 : i32
          %add3A_741 = arith.constant 112 : i32
          %add3A_742 = arith.addi %mul3A_740, %add3A_741 : i32
          %get3A_743 = arith.index_cast %add3A_742 : i32 to index
          %get3A_744 = tpu.vector_load %arg7[%get3A_743] {strides = array<i32>} : memref<2048xi32, #tpu.memory_space<vmem>>, vector<16xi32>,
          %get3A_745 = arith.index_cast %add3A_742 : i32 to index
          %get3A_746 = tpu.vector_load %arg9[%get3A_745] {strides = array<i32>} : memref<2048xi32, #tpu.memory_space<vmem>>, vector<16xi32>,
          %sub3A_747 = arith.subi %get3A_744, %broadcast_in_dim3A_25 : vector<16xi32>
          %ge3A_748 = arith.constant 0 : i32
          %ge3A_749 = vector.broadcast %ge3A_748 : i32 to vector<16xi32>
          %ge3A_750 = arith.cmpi sge, %sub3A_747, %ge3A_749 : vector<16xi32>
          %lt3A_751 = arith.constant 8192 : i32
          %lt3A_752 = vector.broadcast %lt3A_751 : i32 to vector<16xi32>
          %lt3A_753 = arith.cmpi slt, %sub3A_747, %lt3A_752 : vector<16xi32>
          %and3A_754 = arith.andi %ge3A_750, %lt3A_753 : vector<16xi1>
          %jit3A_755 = arith.constant 1 : i32
          %jit3A_756 = arith.constant 0 : i32
          %broadcast_in_dim3A_757 = vector.broadcast %jit3A_755 : i32 to vector<16xi32>
          %broadcast_in_dim3A_758 = vector.broadcast %jit3A_756 : i32 to vector<16xi32>
          %select_n3A_759 = arith.select %and3A_754, %broadcast_in_dim3A_757, %broadcast_in_dim3A_758 : vector<16xi1>, vector<16xi32>
          %broadcast_in_dim3A_760 = arith.constant true
          %broadcast_in_dim3A_761 = vector.broadcast %broadcast_in_dim3A_760 : i1 to vector<16xi1>
          %masked_cumsum3A_762 = tpu.scan <sum>, %select_n3A_759 masked %broadcast_in_dim3A_761 : vector<16xi32>, vector<16xi1> -> vector<16xi32>
          %add3A_763 = arith.addi %add3A_738, %masked_cumsum3A_762 : vector<16xi32>
          %sub3A_764 = arith.subi %add3A_763, %select_n3A_759 : vector<16xi32>
          %and3A_765 = arith.constant 511 : i32
          %and3A_766 = vector.broadcast %and3A_765 : i32 to vector<16xi32>
          %and3A_767 = arith.andi %sub3A_764, %and3A_766 : vector<16xi32>
          %shift_right_arithmetic3A_768 = arith.constant 7 : i32
          %shift_right_arithmetic3A_769 = vector.broadcast %shift_right_arithmetic3A_768 : i32 to vector<16xi32>
          %shift_right_arithmetic3A_770 = arith.shrsi %and3A_767, %shift_right_arithmetic3A_769 : vector<16xi32>
          %and3A_771 = arith.constant 127 : i32
          %and3A_772 = vector.broadcast %and3A_771 : i32 to vector<16xi32>
          %and3A_773 = arith.andi %and3A_767, %and3A_772 : vector<16xi32>
          %mul3A_774 = arith.constant 2048 : i32
          %mul3A_775 = arith.muli %mul3A_354, %mul3A_774 : i32
          %add3A_776 = arith.addi %mul3A_0, %mul3A_775 : i32
          %add3A_777 = arith.constant 112 : i32
          %add3A_778 = arith.addi %add3A_776, %add3A_777 : i32
          %broadcast_in_dim3A_779 = vector.broadcast %add3A_778 : i32 to vector<16xi32>
          %mul3A_780 = arith.constant 128 : i32
          %mul3A_781 = arith.muli %scan3A_397, %mul3A_780 : i32
          %add3A_782 = vector.broadcast %mul3A_781 : i32 to vector<16xi32>
          %add3A_783 = arith.addi %broadcast_in_dim3A_779, %add3A_782 : vector<16xi32>
          %iota3A_784 = tpu.iota {dimensions = array<i32: 0>} : vector<16xi32>
          %add3A_785 = arith.addi %add3A_783, %iota3A_784 : vector<16xi32>
          tpu.vector_store_idx %arg11[%shift_right_arithmetic3A_770, %and3A_773], %add3A_785 masked %and3A_754 : memref<4x128xi32, #tpu.memory_space<vmem>>[vector<16xi32>, vector<16xi32>], vector<16xi32>, vector<16xi1>
          tpu.vector_store_idx %arg12[%shift_right_arithmetic3A_770, %and3A_773], %get3A_746 masked %and3A_754 : memref<4x128xi32, #tpu.memory_space<vmem>>[vector<16xi32>, vector<16xi32>], vector<16xi32>, vector<16xi1>
          tpu.vector_store_idx %arg13[%shift_right_arithmetic3A_770, %and3A_773], %sub3A_747 masked %and3A_754 : memref<4x128xi32, #tpu.memory_space<vmem>>[vector<16xi32>, vector<16xi32>], vector<16xi32>, vector<16xi1>
          %all_reduce_population_count3A_786 = tpu.all_reduce %and3A_754 {dim = 0 : i64, kind = #tpu.reduction_kind<sum>} : vector<16xi1> -> vector<16xi32>
          %add3A_787 = arith.addi %add3A_738, %all_reduce_population_count3A_786 : vector<16xi32>
          %reduce_max3A_788 = arith.constant true
          %reduce_max3A_789 = vector.broadcast %reduce_max3A_788 : i1 to vector<16xi1>
          %reduce_max3A_790 = arith.constant -2147483648 : i32
          %reduce_max3A_791 = vector.broadcast %reduce_max3A_790 : i32 to vector<16xi32>
          %reduce_max3A_792 = arith.xori %add3A_787, %reduce_max3A_791 : vector<16xi32>
          %reduce_max3A_793 = tpu.scan <max>, %reduce_max3A_792 masked %reduce_max3A_789 : vector<16xi32>, vector<16xi1> -> vector<16xi32>
          %reduce_max3A_794 = arith.xori %reduce_max3A_793, %reduce_max3A_791 : vector<16xi32>
          %reduce_max3A_795 = vector.extract %reduce_max3A_794[15] : i32 from vector<16xi32>
          %sub3A_796 = arith.subi %reduce_max3A_795, %scan3A_399 : i32
          %ge3A_797 = arith.constant 128 : i32
          %ge3A_798 = arith.cmpi sge, %sub3A_796, %ge3A_797 : i32
          %sub3A_799 = arith.subi %scan3A_399, %scan3A_400 : i32
          %gt3A_800 = arith.constant 0 : i32
          %gt3A_801 = arith.cmpi sgt, %sub3A_799, %gt3A_800 : i32
          %and3A_802 = arith.andi %ge3A_798, %gt3A_801 : i1
          %convert_element_type3A_803 = arith.extui %and3A_802 : i1 to i32
          %cond3A_804 = arith.constant 0 : i32
          %cond3A_805 = arith.cmpi ne, %convert_element_type3A_803, %cond3A_804 : i32
          scf.if %cond3A_805 {
            %jit3A_816 = arith.constant 128 : i32
            %div3A_817 = arith.divsi %scan3A_400, %jit3A_816 : i32
            %sign3A_818 = arith.constant 0 : i32
            %sign3A_819 = arith.cmpi sgt, %scan3A_400, %sign3A_818 : i32
            %sign3A_820 = arith.extui %sign3A_819 : i1 to i32
            %sign3A_821 = arith.constant 0 : i32
            %sign3A_822 = arith.cmpi slt, %scan3A_400, %sign3A_821 : i32
            %sign3A_823 = arith.extui %sign3A_822 : i1 to i32
            %sign3A_824 = arith.subi %sign3A_820, %sign3A_823 : i32
            %sign3A_825 = arith.constant 0 : i32
            %sign3A_826 = arith.cmpi sgt, %jit3A_816, %sign3A_825 : i32
            %sign3A_827 = arith.extui %sign3A_826 : i1 to i32
            %sign3A_828 = arith.constant 0 : i32
            %sign3A_829 = arith.cmpi slt, %jit3A_816, %sign3A_828 : i32
            %sign3A_830 = arith.extui %sign3A_829 : i1 to i32
            %sign3A_831 = arith.subi %sign3A_827, %sign3A_830 : i32
            %ne3A_832 = arith.cmpi ne, %sign3A_824, %sign3A_831 : i32
            %rem3A_833 = arith.remsi %scan3A_400, %jit3A_816 : i32
            %ne3A_834 = arith.constant 0 : i32
            %ne3A_835 = arith.cmpi ne, %rem3A_833, %ne3A_834 : i32
            %and3A_836 = arith.andi %ne3A_832, %ne3A_835 : i1
            %sub3A_837 = arith.constant 1 : i32
            %sub3A_838 = arith.subi %div3A_817, %sub3A_837 : i32
            %select_n3A_839 = arith.select %and3A_836, %sub3A_838, %div3A_817 : i32
            %jit3A_840 = arith.constant 4 : i32
            %eq3A_841 = arith.constant 0 : i32
            %eq3A_842 = arith.cmpi eq, %jit3A_840, %eq3A_841 : i32
            %jit3A_843 = arith.constant 1 : i32
            %select_n3A_844 = arith.select %eq3A_842, %jit3A_843, %jit3A_840 : i32
            %rem3A_845 = arith.remsi %select_n3A_839, %select_n3A_844 : i32
            %ne3A_846 = arith.constant 0 : i32
            %ne3A_847 = arith.cmpi ne, %rem3A_845, %ne3A_846 : i32
            %lt3A_848 = arith.constant 0 : i32
            %lt3A_849 = arith.cmpi slt, %rem3A_845, %lt3A_848 : i32
            %lt3A_850 = arith.constant 0 : i32
            %lt3A_851 = arith.cmpi slt, %select_n3A_844, %lt3A_850 : i32
            %ne3A_852 = arith.xori %lt3A_849, %lt3A_851 : i1
            %and3A_853 = arith.andi %ne3A_852, %ne3A_847 : i1
            %add3A_854 = arith.addi %rem3A_845, %select_n3A_844 : i32
            %select_n3A_855 = arith.select %and3A_853, %add3A_854, %rem3A_845 : i32
            %dma_wait3A_856 = arith.constant 0 : i32
            %dma_wait3A_857 = arith.constant 0 : i32
            %dma_wait3A_858 = tpu.memref_slice %arg2[%dma_wait3A_856, %dma_wait3A_857] : memref<960000x128xf32, #tpu.memory_space<hbm>> -> memref<128x128xf32, #tpu.memory_space<hbm>>
            %dma_wait3A_859 = arith.constant 0 : i32
            %dma_wait3A_860 = arith.constant 0 : i32
            %dma_wait3A_861 = tpu.memref_slice %arg2[%dma_wait3A_859, %dma_wait3A_860] : memref<960000x128xf32, #tpu.memory_space<hbm>> -> memref<128x128xf32, #tpu.memory_space<hbm>>
            tpu.wait_dma2 semaphore(%arg20 : memref<!tpu.dma_semaphore, #tpu.memory_space<semaphore_mem>>) src(%dma_wait3A_861 : memref<128x128xf32, #tpu.memory_space<hbm>>) dst(%arg14 : memref<128x128xf32, #tpu.memory_space<vmem>>)
            %dma_wait3A_862 = arith.constant 0 : i32
            %dma_wait3A_863 = arith.constant 0 : i32
            %dma_wait3A_864 = tpu.memref_slice %arg3[%dma_wait3A_862, %dma_wait3A_863] : memref<320000x128xf32, #tpu.memory_space<hbm>> -> memref<128x128xf32, #tpu.memory_space<hbm>>
            %dma_wait3A_865 = arith.constant 0 : i32
            %dma_wait3A_866 = arith.constant 0 : i32
            %dma_wait3A_867 = tpu.memref_slice %arg3[%dma_wait3A_865, %dma_wait3A_866] : memref<320000x128xf32, #tpu.memory_space<hbm>> -> memref<128x128xf32, #tpu.memory_space<hbm>>
            tpu.wait_dma2 semaphore(%arg20 : memref<!tpu.dma_semaphore, #tpu.memory_space<semaphore_mem>>) src(%dma_wait3A_867 : memref<128x128xf32, #tpu.memory_space<hbm>>) dst(%arg15 : memref<128x128xf32, #tpu.memory_space<vmem>>)
            %ge3A_868 = arith.constant 1 : i32
            %ge3A_869 = arith.cmpi sge, %select_n3A_839, %ge3A_868 : i32
            %convert_element_type3A_870 = arith.extui %ge3A_869 : i1 to i32
            %cond3A_871 = arith.constant 0 : i32
            %cond3A_872 = arith.cmpi ne, %convert_element_type3A_870, %cond3A_871 : i32
            scf.if %cond3A_872 {
              %dma_wait3A_884 = arith.constant 0 : i32
              %dma_wait3A_885 = arith.constant 0 : i32
              %dma_wait3A_886 = tpu.memref_slice %arg6[%dma_wait3A_884, %dma_wait3A_885] : memref<327680x128xf32, #tpu.memory_space<hbm>> -> memref<128x128xf32, #tpu.memory_space<hbm>>
              %dma_wait3A_887 = arith.constant 0 : i32
              %dma_wait3A_888 = arith.constant 0 : i32
              %dma_wait3A_889 = tpu.memref_slice %arg6[%dma_wait3A_887, %dma_wait3A_888] : memref<327680x128xf32, #tpu.memory_space<hbm>> -> memref<128x128xf32, #tpu.memory_space<hbm>>
              tpu.wait_dma2 semaphore(%arg21 : memref<!tpu.dma_semaphore, #tpu.memory_space<semaphore_mem>>) src(%dma_wait3A_889 : memref<128x128xf32, #tpu.memory_space<hbm>>) dst(%arg16 : memref<128x128xf32, #tpu.memory_space<vmem>>)
            } else {
            }
            %scan3A_873 = arith.constant 0 : i32
            %scan3A_874 = arith.constant 32 : i32
            %scan3A_875 = arith.addi %scan3A_873, %scan3A_874 : i32
            %scan3A_876 = arith.constant 1 : i32
            scf.for %scan3A_884 = %scan3A_873 to %scan3A_875 step %scan3A_876  : i32 {
              %mul3A_885 = arith.constant 4 : i32
              %mul3A_886 = arith.muli %scan3A_884, %mul3A_885 : i32
              %add3A_887 = arith.constant 0 : i32
              %add3A_888 = arith.addi %add3A_887, %mul3A_886 : i32
              %add3A_889 = arith.constant 0 : i32
              %add3A_890 = arith.addi %add3A_888, %add3A_889 : i32
              %get3A_891 = arith.index_cast %add3A_890 : i32 to index
              %get3A_892 = arith.constant 0 : index
              %get3A_893 = tpu.vector_load %arg14[%get3A_891, %get3A_892] {strides = array<i32>} : memref<128x128xf32, #tpu.memory_space<vmem>>, vector<16xf32>,
              %add3A_894 = arith.constant 0 : i32
              %add3A_895 = arith.addi %add3A_888, %add3A_894 : i32
              %get3A_896 = arith.index_cast %add3A_895 : i32 to index
              %get3A_897 = arith.constant 0 : index
              %get3A_898 = tpu.vector_load %arg15[%get3A_896, %get3A_897] {strides = array<i32>} : memref<128x128xf32, #tpu.memory_space<vmem>>, vector<16xf32>,
              %mul3A_899 = arith.mulf %get3A_893, %get3A_898 : vector<16xf32>
              %add3A_900 = arith.constant 0 : i32
              %add3A_901 = arith.addi %add3A_888, %add3A_900 : i32
              %swap3A = arith.index_cast %add3A_901 : i32 to index
              %swap3A_902 = arith.constant 0 : index
              %swap3A_903 = tpu.vector_load %arg16[%swap3A, %swap3A_902] {strides = array<i32>} : memref<128x128xf32, #tpu.memory_space<vmem>>, vector<16xf32>,
              tpu.vector_store %arg16[%swap3A, %swap3A_902], %mul3A_899 {strides = array<i32>} : memref<128x128xf32, #tpu.memory_space<vmem>>, vector<16xf32>,
              %add3A_904 = arith.constant 0 : i32
              %add3A_905 = arith.addi %add3A_888, %add3A_904 : i32
              %get3A_906 = arith.index_cast %add3A_905 : i32 to index
              %get3A_907 = arith.constant 16 : index
              %get3A_908 = tpu.vector_load %arg14[%get3A_906, %get3A_907] {strides = array<i32>} : memref<128x128xf32, #tpu.memory_space<vmem>>, vector<16xf32>,
              %add3A_909 = arith.constant 0 : i32
              %add3A_910 = arith.addi %add3A_888, %add3A_909 : i32
              %get3A_911 = arith.index_cast %add3A_910 : i32 to index
              %get3A_912 = arith.constant 16 : index
              %get3A_913 = tpu.vector_load %arg15[%get3A_911, %get3A_912] {strides = array<i32>} : memref<128x128xf32, #tpu.memory_space<vmem>>, vector<16xf32>,
              %mul3A_914 = arith.mulf %get3A_908, %get3A_913 : vector<16xf32>
              %add3A_915 = arith.constant 0 : i32
              %add3A_916 = arith.addi %add3A_888, %add3A_915 : i32
              %swap3A_917 = arith.index_cast %add3A_916 : i32 to index
              %swap3A_918 = arith.constant 16 : index
              %swap3A_919 = tpu.vector_load %arg16[%swap3A_917, %swap3A_918] {strides = array<i32>} : memref<128x128xf32, #tpu.memory_space<vmem>>, vector<16xf32>,
              tpu.vector_store %arg16[%swap3A_917, %swap3A_918], %mul3A_914 {strides = array<i32>} : memref<128x128xf32, #tpu.memory_space<vmem>>, vector<16xf32>,
              %add3A_920 = arith.constant 0 : i32
              %add3A_921 = arith.addi %add3A_888, %add3A_920 : i32
              %get3A_922 = arith.index_cast %add3A_921 : i32 to index
              %get3A_923 = arith.constant 32 : index
              %get3A_924 = tpu.vector_load %arg14[%get3A_922, %get3A_923] {strides = array<i32>} : memref<128x128xf32, #tpu.memory_space<vmem>>, vector<16xf32>,
              %add3A_925 = arith.constant 0 : i32
              %add3A_926 = arith.addi %add3A_888, %add3A_925 : i32
              %get3A_927 = arith.index_cast %add3A_926 : i32 to index
              %get3A_928 = arith.constant 32 : index
              %get3A_929 = tpu.vector_load %arg15[%get3A_927, %get3A_928] {strides = array<i32>} : memref<128x128xf32, #tpu.memory_space<vmem>>, vector<16xf32>,
              %mul3A_930 = arith.mulf %get3A_924, %get3A_929 : vector<16xf32>
              %add3A_931 = arith.constant 0 : i32
              %add3A_932 = arith.addi %add3A_888, %add3A_931 : i32
              %swap3A_933 = arith.index_cast %add3A_932 : i32 to index
              %swap3A_934 = arith.constant 32 : index
              %swap3A_935 = tpu.vector_load %arg16[%swap3A_933, %swap3A_934] {strides = array<i32>} : memref<128x128xf32, #tpu.memory_space<vmem>>, vector<16xf32>,
              tpu.vector_store %arg16[%swap3A_933, %swap3A_934], %mul3A_930 {strides = array<i32>} : memref<128x128xf32, #tpu.memory_space<vmem>>, vector<16xf32>,
              %add3A_936 = arith.constant 0 : i32
              %add3A_937 = arith.addi %add3A_888, %add3A_936 : i32
              %get3A_938 = arith.index_cast %add3A_937 : i32 to index
              %get3A_939 = arith.constant 48 : index
              %get3A_940 = tpu.vector_load %arg14[%get3A_938, %get3A_939] {strides = array<i32>} : memref<128x128xf32, #tpu.memory_space<vmem>>, vector<16xf32>,
              %add3A_941 = arith.constant 0 : i32
              %add3A_942 = arith.addi %add3A_888, %add3A_941 : i32
              %get3A_943 = arith.index_cast %add3A_942 : i32 to index
              %get3A_944 = arith.constant 48 : index
              %get3A_945 = tpu.vector_load %arg15[%get3A_943, %get3A_944] {strides = array<i32>} : memref<128x128xf32, #tpu.memory_space<vmem>>, vector<16xf32>,
              %mul3A_946 = arith.mulf %get3A_940, %get3A_945 : vector<16xf32>
              %add3A_947 = arith.constant 0 : i32
              %add3A_948 = arith.addi %add3A_888, %add3A_947 : i32
              %swap3A_949 = arith.index_cast %add3A_948 : i32 to index
              %swap3A_950 = arith.constant 48 : index
              %swap3A_951 = tpu.vector_load %arg16[%swap3A_949, %swap3A_950] {strides = array<i32>} : memref<128x128xf32, #tpu.memory_space<vmem>>, vector<16xf32>,
              tpu.vector_store %arg16[%swap3A_949, %swap3A_950], %mul3A_946 {strides = array<i32>} : memref<128x128xf32, #tpu.memory_space<vmem>>, vector<16xf32>,
              %add3A_952 = arith.constant 1 : i32
              %add3A_953 = arith.addi %add3A_888, %add3A_952 : i32
              %get3A_954 = arith.index_cast %add3A_953 : i32 to index
              %get3A_955 = arith.constant 0 : index
              %get3A_956 = tpu.vector_load %arg14[%get3A_954, %get3A_955] {strides = array<i32>} : memref<128x128xf32, #tpu.memory_space<vmem>>, vector<16xf32>,
              %add3A_957 = arith.constant 1 : i32
              %add3A_958 = arith.addi %add3A_888, %add3A_957 : i32
              %get3A_959 = arith.index_cast %add3A_958 : i32 to index
              %get3A_960 = arith.constant 0 : index
              %get3A_961 = tpu.vector_load %arg15[%get3A_959, %get3A_960] {strides = array<i32>} : memref<128x128xf32, #tpu.memory_space<vmem>>, vector<16xf32>,
              %mul3A_962 = arith.mulf %get3A_956, %get3A_961 : vector<16xf32>
              %add3A_963 = arith.constant 1 : i32
              %add3A_964 = arith.addi %add3A_888, %add3A_963 : i32
              %swap3A_965 = arith.index_cast %add3A_964 : i32 to index
              %swap3A_966 = arith.constant 0 : index
              %swap3A_967 = tpu.vector_load %arg16[%swap3A_965, %swap3A_966] {strides = array<i32>} : memref<128x128xf32, #tpu.memory_space<vmem>>, vector<16xf32>,
              tpu.vector_store %arg16[%swap3A_965, %swap3A_966], %mul3A_962 {strides = array<i32>} : memref<128x128xf32, #tpu.memory_space<vmem>>, vector<16xf32>,
              %add3A_968 = arith.constant 1 : i32
              %add3A_969 = arith.addi %add3A_888, %add3A_968 : i32
              %get3A_970 = arith.index_cast %add3A_969 : i32 to index
              %get3A_971 = arith.constant 16 : index
              %get3A_972 = tpu.vector_load %arg14[%get3A_970, %get3A_971] {strides = array<i32>} : memref<128x128xf32, #tpu.memory_space<vmem>>, vector<16xf32>,
              %add3A_973 = arith.constant 1 : i32
              %add3A_974 = arith.addi %add3A_888, %add3A_973 : i32
              %get3A_975 = arith.index_cast %add3A_974 : i32 to index
              %get3A_976 = arith.constant 16 : index
              %get3A_977 = tpu.vector_load %arg15[%get3A_975, %get3A_976] {strides = array<i32>} : memref<128x128xf32, #tpu.memory_space<vmem>>, vector<16xf32>,
              %mul3A_978 = arith.mulf %get3A_972, %get3A_977 : vector<16xf32>
              %add3A_979 = arith.constant 1 : i32
              %add3A_980 = arith.addi %add3A_888, %add3A_979 : i32
              %swap3A_981 = arith.index_cast %add3A_980 : i32 to index
              %swap3A_982 = arith.constant 16 : index
              %swap3A_983 = tpu.vector_load %arg16[%swap3A_981, %swap3A_982] {strides = array<i32>} : memref<128x128xf32, #tpu.memory_space<vmem>>, vector<16xf32>,
              tpu.vector_store %arg16[%swap3A_981, %swap3A_982], %mul3A_978 {strides = array<i32>} : memref<128x128xf32, #tpu.memory_space<vmem>>, vector<16xf32>,
              %add3A_984 = arith.constant 1 : i32
              %add3A_985 = arith.addi %add3A_888, %add3A_984 : i32
              %get3A_986 = arith.index_cast %add3A_985 : i32 to index
              %get3A_987 = arith.constant 32 : index
              %get3A_988 = tpu.vector_load %arg14[%get3A_986, %get3A_987] {strides = array<i32>} : memref<128x128xf32, #tpu.memory_space<vmem>>, vector<16xf32>,
              %add3A_989 = arith.constant 1 : i32
              %add3A_990 = arith.addi %add3A_888, %add3A_989 : i32
              %get3A_991 = arith.index_cast %add3A_990 : i32 to index
              %get3A_992 = arith.constant 32 : index
              %get3A_993 = tpu.vector_load %arg15[%get3A_991, %get3A_992] {strides = array<i32>} : memref<128x128xf32, #tpu.memory_space<vmem>>, vector<16xf32>,
              %mul3A_994 = arith.mulf %get3A_988, %get3A_993 : vector<16xf32>
              %add3A_995 = arith.constant 1 : i32
              %add3A_996 = arith.addi %add3A_888, %add3A_995 : i32
              %swap3A_997 = arith.index_cast %add3A_996 : i32 to index
              %swap3A_998 = arith.constant 32 : index
              %swap3A_999 = tpu.vector_load %arg16[%swap3A_997, %swap3A_998] {strides = array<i32>} : memref<128x128xf32, #tpu.memory_space<vmem>>, vector<16xf32>,
              tpu.vector_store %arg16[%swap3A_997, %swap3A_998], %mul3A_994 {strides = array<i32>} : memref<128x128xf32, #tpu.memory_space<vmem>>, vector<16xf32>,
              %add3A_1000 = arith.constant 1 : i32
              %add3A_1001 = arith.addi %add3A_888, %add3A_1000 : i32
              %get3A_1002 = arith.index_cast %add3A_1001 : i32 to index
              %get3A_1003 = arith.constant 48 : index
              %get3A_1004 = tpu.vector_load %arg14[%get3A_1002, %get3A_1003] {strides = array<i32>} : memref<128x128xf32, #tpu.memory_space<vmem>>, vector<16xf32>,
              %add3A_1005 = arith.constant 1 : i32
              %add3A_1006 = arith.addi %add3A_888, %add3A_1005 : i32
              %get3A_1007 = arith.index_cast %add3A_1006 : i32 to index
              %get3A_1008 = arith.constant 48 : index
              %get3A_1009 = tpu.vector_load %arg15[%get3A_1007, %get3A_1008] {strides = array<i32>} : memref<128x128xf32, #tpu.memory_space<vmem>>, vector<16xf32>,
              %mul3A_1010 = arith.mulf %get3A_1004, %get3A_1009 : vector<16xf32>
              %add3A_1011 = arith.constant 1 : i32
              %add3A_1012 = arith.addi %add3A_888, %add3A_1011 : i32
              %swap3A_1013 = arith.index_cast %add3A_1012 : i32 to index
              %swap3A_1014 = arith.constant 48 : index
              %swap3A_1015 = tpu.vector_load %arg16[%swap3A_1013, %swap3A_1014] {strides = array<i32>} : memref<128x128xf32, #tpu.memory_space<vmem>>, vector<16xf32>,
              tpu.vector_store %arg16[%swap3A_1013, %swap3A_1014], %mul3A_1010 {strides = array<i32>} : memref<128x128xf32, #tpu.memory_space<vmem>>, vector<16xf32>,
              %add3A_1016 = arith.constant 2 : i32
              %add3A_1017 = arith.addi %add3A_888, %add3A_1016 : i32
              %get3A_1018 = arith.index_cast %add3A_1017 : i32 to index
              %get3A_1019 = arith.constant 0 : index
              %get3A_1020 = tpu.vector_load %arg14[%get3A_1018, %get3A_1019] {strides = array<i32>} : memref<128x128xf32, #tpu.memory_space<vmem>>, vector<16xf32>,
              %add3A_1021 = arith.constant 2 : i32
              %add3A_1022 = arith.addi %add3A_888, %add3A_1021 : i32
              %get3A_1023 = arith.index_cast %add3A_1022 : i32 to index
              %get3A_1024 = arith.constant 0 : index
              %get3A_1025 = tpu.vector_load %arg15[%get3A_1023, %get3A_1024] {strides = array<i32>} : memref<128x128xf32, #tpu.memory_space<vmem>>, vector<16xf32>,
              %mul3A_1026 = arith.mulf %get3A_1020, %get3A_1025 : vector<16xf32>
              %add3A_1027 = arith.constant 2 : i32
              %add3A_1028 = arith.addi %add3A_888, %add3A_1027 : i32
              %swap3A_1029 = arith.index_cast %add3A_1028 : i32 to index
              %swap3A_1030 = arith.constant 0 : index
              %swap3A_1031 = tpu.vector_load %arg16[%swap3A_1029, %swap3A_1030] {strides = array<i32>} : memref<128x128xf32, #tpu.memory_space<vmem>>, vector<16xf32>,
              tpu.vector_store %arg16[%swap3A_1029, %swap3A_1030], %mul3A_1026 {strides = array<i32>} : memref<128x128xf32, #tpu.memory_space<vmem>>, vector<16xf32>,
              %add3A_1032 = arith.constant 2 : i32
              %add3A_1033 = arith.addi %add3A_888, %add3A_1032 : i32
              %get3A_1034 = arith.index_cast %add3A_1033 : i32 to index
              %get3A_1035 = arith.constant 16 : index
              %get3A_1036 = tpu.vector_load %arg14[%get3A_1034, %get3A_1035] {strides = array<i32>} : memref<128x128xf32, #tpu.memory_space<vmem>>, vector<16xf32>,
              %add3A_1037 = arith.constant 2 : i32
              %add3A_1038 = arith.addi %add3A_888, %add3A_1037 : i32
              %get3A_1039 = arith.index_cast %add3A_1038 : i32 to index
              %get3A_1040 = arith.constant 16 : index
              %get3A_1041 = tpu.vector_load %arg15[%get3A_1039, %get3A_1040] {strides = array<i32>} : memref<128x128xf32, #tpu.memory_space<vmem>>, vector<16xf32>,
              %mul3A_1042 = arith.mulf %get3A_1036, %get3A_1041 : vector<16xf32>
              %add3A_1043 = arith.constant 2 : i32
              %add3A_1044 = arith.addi %add3A_888, %add3A_1043 : i32
              %swap3A_1045 = arith.index_cast %add3A_1044 : i32 to index
              %swap3A_1046 = arith.constant 16 : index
              %swap3A_1047 = tpu.vector_load %arg16[%swap3A_1045, %swap3A_1046] {strides = array<i32>} : memref<128x128xf32, #tpu.memory_space<vmem>>, vector<16xf32>,
              tpu.vector_store %arg16[%swap3A_1045, %swap3A_1046], %mul3A_1042 {strides = array<i32>} : memref<128x128xf32, #tpu.memory_space<vmem>>, vector<16xf32>,
              %add3A_1048 = arith.constant 2 : i32
              %add3A_1049 = arith.addi %add3A_888, %add3A_1048 : i32
              %get3A_1050 = arith.index_cast %add3A_1049 : i32 to index
              %get3A_1051 = arith.constant 32 : index
              %get3A_1052 = tpu.vector_load %arg14[%get3A_1050, %get3A_1051] {strides = array<i32>} : memref<128x128xf32, #tpu.memory_space<vmem>>, vector<16xf32>,
              %add3A_1053 = arith.constant 2 : i32
              %add3A_1054 = arith.addi %add3A_888, %add3A_1053 : i32
              %get3A_1055 = arith.index_cast %add3A_1054 : i32 to index
              %get3A_1056 = arith.constant 32 : index
              %get3A_1057 = tpu.vector_load %arg15[%get3A_1055, %get3A_1056] {strides = array<i32>} : memref<128x128xf32, #tpu.memory_space<vmem>>, vector<16xf32>,
              %mul3A_1058 = arith.mulf %get3A_1052, %get3A_1057 : vector<16xf32>
              %add3A_1059 = arith.constant 2 : i32
              %add3A_1060 = arith.addi %add3A_888, %add3A_1059 : i32
              %swap3A_1061 = arith.index_cast %add3A_1060 : i32 to index
              %swap3A_1062 = arith.constant 32 : index
              %swap3A_1063 = tpu.vector_load %arg16[%swap3A_1061, %swap3A_1062] {strides = array<i32>} : memref<128x128xf32, #tpu.memory_space<vmem>>, vector<16xf32>,
              tpu.vector_store %arg16[%swap3A_1061, %swap3A_1062], %mul3A_1058 {strides = array<i32>} : memref<128x128xf32, #tpu.memory_space<vmem>>, vector<16xf32>,
              %add3A_1064 = arith.constant 2 : i32
              %add3A_1065 = arith.addi %add3A_888, %add3A_1064 : i32
              %get3A_1066 = arith.index_cast %add3A_1065 : i32 to index
              %get3A_1067 = arith.constant 48 : index
              %get3A_1068 = tpu.vector_load %arg14[%get3A_1066, %get3A_1067] {strides = array<i32>} : memref<128x128xf32, #tpu.memory_space<vmem>>, vector<16xf32>,
              %add3A_1069 = arith.constant 2 : i32
              %add3A_1070 = arith.addi %add3A_888, %add3A_1069 : i32
              %get3A_1071 = arith.index_cast %add3A_1070 : i32 to index
              %get3A_1072 = arith.constant 48 : index
              %get3A_1073 = tpu.vector_load %arg15[%get3A_1071, %get3A_1072] {strides = array<i32>} : memref<128x128xf32, #tpu.memory_space<vmem>>, vector<16xf32>,
              %mul3A_1074 = arith.mulf %get3A_1068, %get3A_1073 : vector<16xf32>
              %add3A_1075 = arith.constant 2 : i32
              %add3A_1076 = arith.addi %add3A_888, %add3A_1075 : i32
              %swap3A_1077 = arith.index_cast %add3A_1076 : i32 to index
              %swap3A_1078 = arith.constant 48 : index
              %swap3A_1079 = tpu.vector_load %arg16[%swap3A_1077, %swap3A_1078] {strides = array<i32>} : memref<128x128xf32, #tpu.memory_space<vmem>>, vector<16xf32>,
              tpu.vector_store %arg16[%swap3A_1077, %swap3A_1078], %mul3A_1074 {strides = array<i32>} : memref<128x128xf32, #tpu.memory_space<vmem>>, vector<16xf32>,
              %add3A_1080 = arith.constant 3 : i32
              %add3A_1081 = arith.addi %add3A_888, %add3A_1080 : i32
              %get3A_1082 = arith.index_cast %add3A_1081 : i32 to index
              %get3A_1083 = arith.constant 0 : index
              %get3A_1084 = tpu.vector_load %arg14[%get3A_1082, %get3A_1083] {strides = array<i32>} : memref<128x128xf32, #tpu.memory_space<vmem>>, vector<16xf32>,
              %add3A_1085 = arith.constant 3 : i32
              %add3A_1086 = arith.addi %add3A_888, %add3A_1085 : i32
              %get3A_1087 = arith.index_cast %add3A_1086 : i32 to index
              %get3A_1088 = arith.constant 0 : index
              %get3A_1089 = tpu.vector_load %arg15[%get3A_1087, %get3A_1088] {strides = array<i32>} : memref<128x128xf32, #tpu.memory_space<vmem>>, vector<16xf32>,
              %mul3A_1090 = arith.mulf %get3A_1084, %get3A_1089 : vector<16xf32>
              %add3A_1091 = arith.constant 3 : i32
              %add3A_1092 = arith.addi %add3A_888, %add3A_1091 : i32
              %swap3A_1093 = arith.index_cast %add3A_1092 : i32 to index
              %swap3A_1094 = arith.constant 0 : index
              %swap3A_1095 = tpu.vector_load %arg16[%swap3A_1093, %swap3A_1094] {strides = array<i32>} : memref<128x128xf32, #tpu.memory_space<vmem>>, vector<16xf32>,
              tpu.vector_store %arg16[%swap3A_1093, %swap3A_1094], %mul3A_1090 {strides = array<i32>} : memref<128x128xf32, #tpu.memory_space<vmem>>, vector<16xf32>,
              %add3A_1096 = arith.constant 3 : i32
              %add3A_1097 = arith.addi %add3A_888, %add3A_1096 : i32
              %get3A_1098 = arith.index_cast %add3A_1097 : i32 to index
              %get3A_1099 = arith.constant 16 : index
              %get3A_1100 = tpu.vector_load %arg14[%get3A_1098, %get3A_1099] {strides = array<i32>} : memref<128x128xf32, #tpu.memory_space<vmem>>, vector<16xf32>,
              %add3A_1101 = arith.constant 3 : i32
              %add3A_1102 = arith.addi %add3A_888, %add3A_1101 : i32
              %get3A_1103 = arith.index_cast %add3A_1102 : i32 to index
              %get3A_1104 = arith.constant 16 : index
              %get3A_1105 = tpu.vector_load %arg15[%get3A_1103, %get3A_1104] {strides = array<i32>} : memref<128x128xf32, #tpu.memory_space<vmem>>, vector<16xf32>,
              %mul3A_1106 = arith.mulf %get3A_1100, %get3A_1105 : vector<16xf32>
              %add3A_1107 = arith.constant 3 : i32
              %add3A_1108 = arith.addi %add3A_888, %add3A_1107 : i32
              %swap3A_1109 = arith.index_cast %add3A_1108 : i32 to index
              %swap3A_1110 = arith.constant 16 : index
              %swap3A_1111 = tpu.vector_load %arg16[%swap3A_1109, %swap3A_1110] {strides = array<i32>} : memref<128x128xf32, #tpu.memory_space<vmem>>, vector<16xf32>,
              tpu.vector_store %arg16[%swap3A_1109, %swap3A_1110], %mul3A_1106 {strides = array<i32>} : memref<128x128xf32, #tpu.memory_space<vmem>>, vector<16xf32>,
              %add3A_1112 = arith.constant 3 : i32
              %add3A_1113 = arith.addi %add3A_888, %add3A_1112 : i32
              %get3A_1114 = arith.index_cast %add3A_1113 : i32 to index
              %get3A_1115 = arith.constant 32 : index
              %get3A_1116 = tpu.vector_load %arg14[%get3A_1114, %get3A_1115] {strides = array<i32>} : memref<128x128xf32, #tpu.memory_space<vmem>>, vector<16xf32>,
              %add3A_1117 = arith.constant 3 : i32
              %add3A_1118 = arith.addi %add3A_888, %add3A_1117 : i32
              %get3A_1119 = arith.index_cast %add3A_1118 : i32 to index
              %get3A_1120 = arith.constant 32 : index
              %get3A_1121 = tpu.vector_load %arg15[%get3A_1119, %get3A_1120] {strides = array<i32>} : memref<128x128xf32, #tpu.memory_space<vmem>>, vector<16xf32>,
              %mul3A_1122 = arith.mulf %get3A_1116, %get3A_1121 : vector<16xf32>
              %add3A_1123 = arith.constant 3 : i32
              %add3A_1124 = arith.addi %add3A_888, %add3A_1123 : i32
              %swap3A_1125 = arith.index_cast %add3A_1124 : i32 to index
              %swap3A_1126 = arith.constant 32 : index
              %swap3A_1127 = tpu.vector_load %arg16[%swap3A_1125, %swap3A_1126] {strides = array<i32>} : memref<128x128xf32, #tpu.memory_space<vmem>>, vector<16xf32>,
              tpu.vector_store %arg16[%swap3A_1125, %swap3A_1126], %mul3A_1122 {strides = array<i32>} : memref<128x128xf32, #tpu.memory_space<vmem>>, vector<16xf32>,
              %add3A_1128 = arith.constant 3 : i32
              %add3A_1129 = arith.addi %add3A_888, %add3A_1128 : i32
              %get3A_1130 = arith.index_cast %add3A_1129 : i32 to index
              %get3A_1131 = arith.constant 48 : index
              %get3A_1132 = tpu.vector_load %arg14[%get3A_1130, %get3A_1131] {strides = array<i32>} : memref<128x128xf32, #tpu.memory_space<vmem>>, vector<16xf32>,
              %add3A_1133 = arith.constant 3 : i32
              %add3A_1134 = arith.addi %add3A_888, %add3A_1133 : i32
              %get3A_1135 = arith.index_cast %add3A_1134 : i32 to index
              %get3A_1136 = arith.constant 48 : index
              %get3A_1137 = tpu.vector_load %arg15[%get3A_1135, %get3A_1136] {strides = array<i32>} : memref<128x128xf32, #tpu.memory_space<vmem>>, vector<16xf32>,
              %mul3A_1138 = arith.mulf %get3A_1132, %get3A_1137 : vector<16xf32>
              %add3A_1139 = arith.constant 3 : i32
              %add3A_1140 = arith.addi %add3A_888, %add3A_1139 : i32
              %swap3A_1141 = arith.index_cast %add3A_1140 : i32 to index
              %swap3A_1142 = arith.constant 48 : index
              %swap3A_1143 = tpu.vector_load %arg16[%swap3A_1141, %swap3A_1142] {strides = array<i32>} : memref<128x128xf32, #tpu.memory_space<vmem>>, vector<16xf32>,
              tpu.vector_store %arg16[%swap3A_1141, %swap3A_1142], %mul3A_1138 {strides = array<i32>} : memref<128x128xf32, #tpu.memory_space<vmem>>, vector<16xf32>,
            }
            %scan3A_877 = arith.constant 32 : i32
            %dma_start3A_878 = arith.constant 0 : i32
            %dma_start3A_879 = tpu.memref_slice %arg13[%select_n3A_855, %dma_start3A_878] : memref<4x128xi32, #tpu.memory_space<vmem>> -> memref<1x128xi32, #tpu.memory_space<vmem>>
            %dma_start3A_880 = tpu.memref_squeeze %dma_start3A_879 : memref<1x128xi32, #tpu.memory_space<vmem>> -> memref<128xi32, #tpu.memory_space<vmem>>
            %dma_start3A_881 = arith.constant 0 : i32
            %dma_start3A_882 = arith.constant 0 : i32
            %dma_start3A_883 = tpu.memref_slice %arg18[%dma_start3A_881, %dma_start3A_882] : memref<8200x128xf32, #tpu.memory_space<vmem_shared>> -> memref<8200x128xf32, #tpu.memory_space<vmem_shared>>
            tpu.enqueue_indirect_dma source(%arg16 : memref<128x128xf32, #tpu.memory_space<vmem>>) target(%dma_start3A_883 : memref<8200x128xf32, #tpu.memory_space<vmem_shared>>) offsets(%dma_start3A_880 : memref<128xi32, #tpu.memory_space<vmem>>) semaphore(%arg21 : memref<!tpu.dma_semaphore, #tpu.memory_space<semaphore_mem>>) {add = true}
          } else {
          }
          %select_n3A_806 = arith.constant 0 : i32
          %select_n3A_807 = arith.select %ge3A_798, %sub3A_799, %select_n3A_806 : i32
          %add3A_808 = arith.addi %scan3A_400, %select_n3A_807 : i32
          %convert_element_type3A_809 = arith.extui %ge3A_798 : i1 to i32
          %cond3A_810 = arith.constant 0 : i32
          %cond3A_811 = arith.cmpi ne, %convert_element_type3A_809, %cond3A_810 : i32
          scf.if %cond3A_811 {
            %jit3A_816 = arith.constant 128 : i32
            %div3A_817 = arith.divsi %scan3A_399, %jit3A_816 : i32
            %sign3A_818 = arith.constant 0 : i32
            %sign3A_819 = arith.cmpi sgt, %scan3A_399, %sign3A_818 : i32
            %sign3A_820 = arith.extui %sign3A_819 : i1 to i32
            %sign3A_821 = arith.constant 0 : i32
            %sign3A_822 = arith.cmpi slt, %scan3A_399, %sign3A_821 : i32
            %sign3A_823 = arith.extui %sign3A_822 : i1 to i32
            %sign3A_824 = arith.subi %sign3A_820, %sign3A_823 : i32
            %sign3A_825 = arith.constant 0 : i32
            %sign3A_826 = arith.cmpi sgt, %jit3A_816, %sign3A_825 : i32
            %sign3A_827 = arith.extui %sign3A_826 : i1 to i32
            %sign3A_828 = arith.constant 0 : i32
            %sign3A_829 = arith.cmpi slt, %jit3A_816, %sign3A_828 : i32
            %sign3A_830 = arith.extui %sign3A_829 : i1 to i32
            %sign3A_831 = arith.subi %sign3A_827, %sign3A_830 : i32
            %ne3A_832 = arith.cmpi ne, %sign3A_824, %sign3A_831 : i32
            %rem3A_833 = arith.remsi %scan3A_399, %jit3A_816 : i32
            %ne3A_834 = arith.constant 0 : i32
            %ne3A_835 = arith.cmpi ne, %rem3A_833, %ne3A_834 : i32
            %and3A_836 = arith.andi %ne3A_832, %ne3A_835 : i1
            %sub3A_837 = arith.constant 1 : i32
            %sub3A_838 = arith.subi %div3A_817, %sub3A_837 : i32
            %select_n3A_839 = arith.select %and3A_836, %sub3A_838, %div3A_817 : i32
            %jit3A_840 = arith.constant 4 : i32
            %eq3A_841 = arith.constant 0 : i32
            %eq3A_842 = arith.cmpi eq, %jit3A_840, %eq3A_841 : i32
            %jit3A_843 = arith.constant 1 : i32
            %select_n3A_844 = arith.select %eq3A_842, %jit3A_843, %jit3A_840 : i32
            %rem3A_845 = arith.remsi %select_n3A_839, %select_n3A_844 : i32
            %ne3A_846 = arith.constant 0 : i32
            %ne3A_847 = arith.cmpi ne, %rem3A_845, %ne3A_846 : i32
            %lt3A_848 = arith.constant 0 : i32
            %lt3A_849 = arith.cmpi slt, %rem3A_845, %lt3A_848 : i32
            %lt3A_850 = arith.constant 0 : i32
            %lt3A_851 = arith.cmpi slt, %select_n3A_844, %lt3A_850 : i32
            %ne3A_852 = arith.xori %lt3A_849, %lt3A_851 : i1
            %and3A_853 = arith.andi %ne3A_852, %ne3A_847 : i1
            %add3A_854 = arith.addi %rem3A_845, %select_n3A_844 : i32
            %select_n3A_855 = arith.select %and3A_853, %add3A_854, %rem3A_845 : i32
            %dma_start3A_856 = arith.constant 0 : i32
            %dma_start3A_857 = tpu.memref_slice %arg11[%select_n3A_855, %dma_start3A_856] : memref<4x128xi32, #tpu.memory_space<vmem>> -> memref<1x128xi32, #tpu.memory_space<vmem>>
            %dma_start3A_858 = tpu.memref_squeeze %dma_start3A_857 : memref<1x128xi32, #tpu.memory_space<vmem>> -> memref<128xi32, #tpu.memory_space<vmem>>
            %dma_start3A_859 = arith.constant 0 : i32
            %dma_start3A_860 = arith.constant 0 : i32
            %dma_start3A_861 = tpu.memref_slice %arg2[%dma_start3A_859, %dma_start3A_860] : memref<960000x128xf32, #tpu.memory_space<hbm>> -> memref<960000x128xf32, #tpu.memory_space<hbm>>
            tpu.enqueue_indirect_dma source(%dma_start3A_861 : memref<960000x128xf32, #tpu.memory_space<hbm>>) target(%arg14 : memref<128x128xf32, #tpu.memory_space<vmem>>) offsets(%dma_start3A_858 : memref<128xi32, #tpu.memory_space<vmem>>) semaphore(%arg20 : memref<!tpu.dma_semaphore, #tpu.memory_space<semaphore_mem>>)
            %dma_start3A_862 = arith.constant 0 : i32
            %dma_start3A_863 = tpu.memref_slice %arg12[%select_n3A_855, %dma_start3A_862] : memref<4x128xi32, #tpu.memory_space<vmem>> -> memref<1x128xi32, #tpu.memory_space<vmem>>
            %dma_start3A_864 = tpu.memref_squeeze %dma_start3A_863 : memref<1x128xi32, #tpu.memory_space<vmem>> -> memref<128xi32, #tpu.memory_space<vmem>>
            %dma_start3A_865 = arith.constant 0 : i32
            %dma_start3A_866 = arith.constant 0 : i32
            %dma_start3A_867 = tpu.memref_slice %arg3[%dma_start3A_865, %dma_start3A_866] : memref<320000x128xf32, #tpu.memory_space<hbm>> -> memref<320000x128xf32, #tpu.memory_space<hbm>>
            tpu.enqueue_indirect_dma source(%dma_start3A_867 : memref<320000x128xf32, #tpu.memory_space<hbm>>) target(%arg15 : memref<128x128xf32, #tpu.memory_space<vmem>>) offsets(%dma_start3A_864 : memref<128xi32, #tpu.memory_space<vmem>>) semaphore(%arg20 : memref<!tpu.dma_semaphore, #tpu.memory_space<semaphore_mem>>)
          } else {
          }
          %select_n3A_812 = arith.constant 0 : i32
          %select_n3A_813 = arith.constant 128 : i32
          %select_n3A_814 = arith.select %ge3A_798, %select_n3A_813, %select_n3A_812 : i32
          %add3A_815 = arith.addi %scan3A_399, %select_n3A_814 : i32
          scf.yield %add3A_787, %add3A_815, %add3A_808 : vector<16xi32>, i32, i32
        }
        %scan3A_374 = arith.constant 16 : i32
        %add3A_375 = arith.constant 2 : i32
        %add3A_376 = arith.addi %mul3A_354, %add3A_375 : i32
        %lt3A_377 = arith.constant 30 : i32
        %lt3A_378 = arith.cmpi slt, %add3A_376, %lt3A_377 : i32
        %convert_element_type3A_379 = arith.extui %lt3A_378 : i1 to i32
        %cond3A_380 = arith.constant 0 : i32
        %cond3A_381 = arith.cmpi ne, %convert_element_type3A_379, %cond3A_380 : i32
        scf.if %cond3A_381 {
          %mul3A_397 = arith.constant 2048 : i32
          %mul3A_398 = arith.muli %add3A_376, %mul3A_397 : i32
          %add3A_399 = arith.addi %mul3A_0, %mul3A_398 : i32
          %dma_start3A_400 = tpu.memref_slice %arg4[%add3A_399] : memref<983040xi32, #tpu.memory_space<hbm>> -> memref<2048xi32, #tpu.memory_space<hbm>>
          %dma_start3A_401 = tpu.memref_slice %arg4[%add3A_399] : memref<983040xi32, #tpu.memory_space<hbm>> -> memref<2048xi32, #tpu.memory_space<hbm>>
          tpu.enqueue_dma source(%dma_start3A_401 : memref<2048xi32, #tpu.memory_space<hbm>>) target(%arg7 : memref<2048xi32, #tpu.memory_space<vmem>>) target_semaphore(%arg19 : memref<!tpu.dma_semaphore, #tpu.memory_space<semaphore_mem>>)
          %mul3A_402 = arith.constant 2048 : i32
          %mul3A_403 = arith.muli %add3A_376, %mul3A_402 : i32
          %add3A_404 = arith.addi %mul3A_0, %mul3A_403 : i32
          %dma_start3A_405 = tpu.memref_slice %arg5[%add3A_404] : memref<983040xi32, #tpu.memory_space<hbm>> -> memref<2048xi32, #tpu.memory_space<hbm>>
          %dma_start3A_406 = tpu.memref_slice %arg5[%add3A_404] : memref<983040xi32, #tpu.memory_space<hbm>> -> memref<2048xi32, #tpu.memory_space<hbm>>
          tpu.enqueue_dma source(%dma_start3A_406 : memref<2048xi32, #tpu.memory_space<hbm>>) target(%arg9 : memref<2048xi32, #tpu.memory_space<vmem>>) target_semaphore(%arg19 : memref<!tpu.dma_semaphore, #tpu.memory_space<semaphore_mem>>)
        } else {
        }
        %add3A_382 = arith.constant 1 : i32
        %add3A_383 = arith.addi %mul3A_354, %add3A_382 : i32
        %mul3A_384 = arith.constant 2048 : i32
        %mul3A_385 = arith.muli %add3A_383, %mul3A_384 : i32
        %add3A_386 = arith.addi %mul3A_0, %mul3A_385 : i32
        %dma_wait3A_387 = tpu.memref_slice %arg4[%add3A_386] : memref<983040xi32, #tpu.memory_space<hbm>> -> memref<2048xi32, #tpu.memory_space<hbm>>
        %dma_wait3A_388 = tpu.memref_slice %arg4[%add3A_386] : memref<983040xi32, #tpu.memory_space<hbm>> -> memref<2048xi32, #tpu.memory_space<hbm>>
        tpu.wait_dma2 semaphore(%arg19 : memref<!tpu.dma_semaphore, #tpu.memory_space<semaphore_mem>>) src(%dma_wait3A_388 : memref<2048xi32, #tpu.memory_space<hbm>>) dst(%arg8 : memref<2048xi32, #tpu.memory_space<vmem>>)
        %dma_wait3A_389 = tpu.memref_slice %arg5[%add3A_386] : memref<983040xi32, #tpu.memory_space<hbm>> -> memref<2048xi32, #tpu.memory_space<hbm>>
        %dma_wait3A_390 = tpu.memref_slice %arg5[%add3A_386] : memref<983040xi32, #tpu.memory_space<hbm>> -> memref<2048xi32, #tpu.memory_space<hbm>>
        tpu.wait_dma2 semaphore(%arg19 : memref<!tpu.dma_semaphore, #tpu.memory_space<semaphore_mem>>) src(%dma_wait3A_390 : memref<2048xi32, #tpu.memory_space<hbm>>) dst(%arg10 : memref<2048xi32, #tpu.memory_space<vmem>>)
        %scan3A_391 = arith.constant 0 : i32
        %scan3A_392 = arith.constant 16 : i32
        %scan3A_393 = arith.addi %scan3A_391, %scan3A_392 : i32
        %scan3A_394 = arith.constant 1 : i32
        %scan3A_395:3 = scf.for %scan3A_397 = %scan3A_391 to %scan3A_393 step %scan3A_394 iter_args(%scan3A_398 = %scan3A_373#0, %scan3A_399 = %scan3A_373#1, %scan3A_400 = %scan3A_373#2) -> (vector<16xi32>, i32, i32)  : i32 {
          %mul3A_401 = arith.constant 128 : i32
          %mul3A_402 = arith.muli %scan3A_397, %mul3A_401 : i32
          %add3A_403 = arith.constant 0 : i32
          %add3A_404 = arith.addi %mul3A_402, %add3A_403 : i32
          %get3A = arith.index_cast %add3A_404 : i32 to index
          %get3A_405 = tpu.vector_load %arg8[%get3A] {strides = array<i32>} : memref<2048xi32, #tpu.memory_space<vmem>>, vector<16xi32>,
          %get3A_406 = arith.index_cast %add3A_404 : i32 to index
          %get3A_407 = tpu.vector_load %arg10[%get3A_406] {strides = array<i32>} : memref<2048xi32, #tpu.memory_space<vmem>>, vector<16xi32>,
          %sub3A_408 = arith.subi %get3A_405, %broadcast_in_dim3A_25 : vector<16xi32>
          %ge3A_409 = arith.constant 0 : i32
          %ge3A_410 = vector.broadcast %ge3A_409 : i32 to vector<16xi32>
          %ge3A_411 = arith.cmpi sge, %sub3A_408, %ge3A_410 : vector<16xi32>
          %lt3A_412 = arith.constant 8192 : i32
          %lt3A_413 = vector.broadcast %lt3A_412 : i32 to vector<16xi32>
          %lt3A_414 = arith.cmpi slt, %sub3A_408, %lt3A_413 : vector<16xi32>
          %and3A_415 = arith.andi %ge3A_411, %lt3A_414 : vector<16xi1>
          %jit3A_416 = arith.constant 1 : i32
          %jit3A_417 = arith.constant 0 : i32
          %broadcast_in_dim3A_418 = vector.broadcast %jit3A_416 : i32 to vector<16xi32>
          %broadcast_in_dim3A_419 = vector.broadcast %jit3A_417 : i32 to vector<16xi32>
          %select_n3A_420 = arith.select %and3A_415, %broadcast_in_dim3A_418, %broadcast_in_dim3A_419 : vector<16xi1>, vector<16xi32>
          %broadcast_in_dim3A_421 = arith.constant true
          %broadcast_in_dim3A_422 = vector.broadcast %broadcast_in_dim3A_421 : i1 to vector<16xi1>
          %masked_cumsum3A = tpu.scan <sum>, %select_n3A_420 masked %broadcast_in_dim3A_422 : vector<16xi32>, vector<16xi1> -> vector<16xi32>
          %add3A_423 = arith.addi %scan3A_398, %masked_cumsum3A : vector<16xi32>
          %sub3A_424 = arith.subi %add3A_423, %select_n3A_420 : vector<16xi32>
          %and3A_425 = arith.constant 511 : i32
          %and3A_426 = vector.broadcast %and3A_425 : i32 to vector<16xi32>
          %and3A_427 = arith.andi %sub3A_424, %and3A_426 : vector<16xi32>
          %shift_right_arithmetic3A = arith.constant 7 : i32
          %shift_right_arithmetic3A_428 = vector.broadcast %shift_right_arithmetic3A : i32 to vector<16xi32>
          %shift_right_arithmetic3A_429 = arith.shrsi %and3A_427, %shift_right_arithmetic3A_428 : vector<16xi32>
          %and3A_430 = arith.constant 127 : i32
          %and3A_431 = vector.broadcast %and3A_430 : i32 to vector<16xi32>
          %and3A_432 = arith.andi %and3A_427, %and3A_431 : vector<16xi32>
          %mul3A_433 = arith.constant 2048 : i32
          %mul3A_434 = arith.muli %add3A_383, %mul3A_433 : i32
          %add3A_435 = arith.addi %mul3A_0, %mul3A_434 : i32
          %add3A_436 = arith.constant 0 : i32
          %add3A_437 = arith.addi %add3A_435, %add3A_436 : i32
          %broadcast_in_dim3A_438 = vector.broadcast %add3A_437 : i32 to vector<16xi32>
          %mul3A_439 = arith.constant 128 : i32
          %mul3A_440 = arith.muli %scan3A_397, %mul3A_439 : i32
          %add3A_441 = vector.broadcast %mul3A_440 : i32 to vector<16xi32>
          %add3A_442 = arith.addi %broadcast_in_dim3A_438, %add3A_441 : vector<16xi32>
          %iota3A = tpu.iota {dimensions = array<i32: 0>} : vector<16xi32>
          %add3A_443 = arith.addi %add3A_442, %iota3A : vector<16xi32>
          tpu.vector_store_idx %arg11[%shift_right_arithmetic3A_429, %and3A_432], %add3A_443 masked %and3A_415 : memref<4x128xi32, #tpu.memory_space<vmem>>[vector<16xi32>, vector<16xi32>], vector<16xi32>, vector<16xi1>
          tpu.vector_store_idx %arg12[%shift_right_arithmetic3A_429, %and3A_432], %get3A_407 masked %and3A_415 : memref<4x128xi32, #tpu.memory_space<vmem>>[vector<16xi32>, vector<16xi32>], vector<16xi32>, vector<16xi1>
          tpu.vector_store_idx %arg13[%shift_right_arithmetic3A_429, %and3A_432], %sub3A_408 masked %and3A_415 : memref<4x128xi32, #tpu.memory_space<vmem>>[vector<16xi32>, vector<16xi32>], vector<16xi32>, vector<16xi1>
          %all_reduce_population_count3A = tpu.all_reduce %and3A_415 {dim = 0 : i64, kind = #tpu.reduction_kind<sum>} : vector<16xi1> -> vector<16xi32>
          %add3A_444 = arith.addi %scan3A_398, %all_reduce_population_count3A : vector<16xi32>
          %mul3A_445 = arith.constant 128 : i32
          %mul3A_446 = arith.muli %scan3A_397, %mul3A_445 : i32
          %add3A_447 = arith.constant 16 : i32
          %add3A_448 = arith.addi %mul3A_446, %add3A_447 : i32
          %get3A_449 = arith.index_cast %add3A_448 : i32 to index
          %get3A_450 = tpu.vector_load %arg8[%get3A_449] {strides = array<i32>} : memref<2048xi32, #tpu.memory_space<vmem>>, vector<16xi32>,
          %get3A_451 = arith.index_cast %add3A_448 : i32 to index
          %get3A_452 = tpu.vector_load %arg10[%get3A_451] {strides = array<i32>} : memref<2048xi32, #tpu.memory_space<vmem>>, vector<16xi32>,
          %sub3A_453 = arith.subi %get3A_450, %broadcast_in_dim3A_25 : vector<16xi32>
          %ge3A_454 = arith.constant 0 : i32
          %ge3A_455 = vector.broadcast %ge3A_454 : i32 to vector<16xi32>
          %ge3A_456 = arith.cmpi sge, %sub3A_453, %ge3A_455 : vector<16xi32>
          %lt3A_457 = arith.constant 8192 : i32
          %lt3A_458 = vector.broadcast %lt3A_457 : i32 to vector<16xi32>
          %lt3A_459 = arith.cmpi slt, %sub3A_453, %lt3A_458 : vector<16xi32>
          %and3A_460 = arith.andi %ge3A_456, %lt3A_459 : vector<16xi1>
          %jit3A_461 = arith.constant 1 : i32
          %jit3A_462 = arith.constant 0 : i32
          %broadcast_in_dim3A_463 = vector.broadcast %jit3A_461 : i32 to vector<16xi32>
          %broadcast_in_dim3A_464 = vector.broadcast %jit3A_462 : i32 to vector<16xi32>
          %select_n3A_465 = arith.select %and3A_460, %broadcast_in_dim3A_463, %broadcast_in_dim3A_464 : vector<16xi1>, vector<16xi32>
          %broadcast_in_dim3A_466 = arith.constant true
          %broadcast_in_dim3A_467 = vector.broadcast %broadcast_in_dim3A_466 : i1 to vector<16xi1>
          %masked_cumsum3A_468 = tpu.scan <sum>, %select_n3A_465 masked %broadcast_in_dim3A_467 : vector<16xi32>, vector<16xi1> -> vector<16xi32>
          %add3A_469 = arith.addi %add3A_444, %masked_cumsum3A_468 : vector<16xi32>
          %sub3A_470 = arith.subi %add3A_469, %select_n3A_465 : vector<16xi32>
          %and3A_471 = arith.constant 511 : i32
          %and3A_472 = vector.broadcast %and3A_471 : i32 to vector<16xi32>
          %and3A_473 = arith.andi %sub3A_470, %and3A_472 : vector<16xi32>
          %shift_right_arithmetic3A_474 = arith.constant 7 : i32
          %shift_right_arithmetic3A_475 = vector.broadcast %shift_right_arithmetic3A_474 : i32 to vector<16xi32>
          %shift_right_arithmetic3A_476 = arith.shrsi %and3A_473, %shift_right_arithmetic3A_475 : vector<16xi32>
          %and3A_477 = arith.constant 127 : i32
          %and3A_478 = vector.broadcast %and3A_477 : i32 to vector<16xi32>
          %and3A_479 = arith.andi %and3A_473, %and3A_478 : vector<16xi32>
          %mul3A_480 = arith.constant 2048 : i32
          %mul3A_481 = arith.muli %add3A_383, %mul3A_480 : i32
          %add3A_482 = arith.addi %mul3A_0, %mul3A_481 : i32
          %add3A_483 = arith.constant 16 : i32
          %add3A_484 = arith.addi %add3A_482, %add3A_483 : i32
          %broadcast_in_dim3A_485 = vector.broadcast %add3A_484 : i32 to vector<16xi32>
          %mul3A_486 = arith.constant 128 : i32
          %mul3A_487 = arith.muli %scan3A_397, %mul3A_486 : i32
          %add3A_488 = vector.broadcast %mul3A_487 : i32 to vector<16xi32>
          %add3A_489 = arith.addi %broadcast_in_dim3A_485, %add3A_488 : vector<16xi32>
          %iota3A_490 = tpu.iota {dimensions = array<i32: 0>} : vector<16xi32>
          %add3A_491 = arith.addi %add3A_489, %iota3A_490 : vector<16xi32>
          tpu.vector_store_idx %arg11[%shift_right_arithmetic3A_476, %and3A_479], %add3A_491 masked %and3A_460 : memref<4x128xi32, #tpu.memory_space<vmem>>[vector<16xi32>, vector<16xi32>], vector<16xi32>, vector<16xi1>
          tpu.vector_store_idx %arg12[%shift_right_arithmetic3A_476, %and3A_479], %get3A_452 masked %and3A_460 : memref<4x128xi32, #tpu.memory_space<vmem>>[vector<16xi32>, vector<16xi32>], vector<16xi32>, vector<16xi1>
          tpu.vector_store_idx %arg13[%shift_right_arithmetic3A_476, %and3A_479], %sub3A_453 masked %and3A_460 : memref<4x128xi32, #tpu.memory_space<vmem>>[vector<16xi32>, vector<16xi32>], vector<16xi32>, vector<16xi1>
          %all_reduce_population_count3A_492 = tpu.all_reduce %and3A_460 {dim = 0 : i64, kind = #tpu.reduction_kind<sum>} : vector<16xi1> -> vector<16xi32>
          %add3A_493 = arith.addi %add3A_444, %all_reduce_population_count3A_492 : vector<16xi32>
          %mul3A_494 = arith.constant 128 : i32
          %mul3A_495 = arith.muli %scan3A_397, %mul3A_494 : i32
          %add3A_496 = arith.constant 32 : i32
          %add3A_497 = arith.addi %mul3A_495, %add3A_496 : i32
          %get3A_498 = arith.index_cast %add3A_497 : i32 to index
          %get3A_499 = tpu.vector_load %arg8[%get3A_498] {strides = array<i32>} : memref<2048xi32, #tpu.memory_space<vmem>>, vector<16xi32>,
          %get3A_500 = arith.index_cast %add3A_497 : i32 to index
          %get3A_501 = tpu.vector_load %arg10[%get3A_500] {strides = array<i32>} : memref<2048xi32, #tpu.memory_space<vmem>>, vector<16xi32>,
          %sub3A_502 = arith.subi %get3A_499, %broadcast_in_dim3A_25 : vector<16xi32>
          %ge3A_503 = arith.constant 0 : i32
          %ge3A_504 = vector.broadcast %ge3A_503 : i32 to vector<16xi32>
          %ge3A_505 = arith.cmpi sge, %sub3A_502, %ge3A_504 : vector<16xi32>
          %lt3A_506 = arith.constant 8192 : i32
          %lt3A_507 = vector.broadcast %lt3A_506 : i32 to vector<16xi32>
          %lt3A_508 = arith.cmpi slt, %sub3A_502, %lt3A_507 : vector<16xi32>
          %and3A_509 = arith.andi %ge3A_505, %lt3A_508 : vector<16xi1>
          %jit3A_510 = arith.constant 1 : i32
          %jit3A_511 = arith.constant 0 : i32
          %broadcast_in_dim3A_512 = vector.broadcast %jit3A_510 : i32 to vector<16xi32>
          %broadcast_in_dim3A_513 = vector.broadcast %jit3A_511 : i32 to vector<16xi32>
          %select_n3A_514 = arith.select %and3A_509, %broadcast_in_dim3A_512, %broadcast_in_dim3A_513 : vector<16xi1>, vector<16xi32>
          %broadcast_in_dim3A_515 = arith.constant true
          %broadcast_in_dim3A_516 = vector.broadcast %broadcast_in_dim3A_515 : i1 to vector<16xi1>
          %masked_cumsum3A_517 = tpu.scan <sum>, %select_n3A_514 masked %broadcast_in_dim3A_516 : vector<16xi32>, vector<16xi1> -> vector<16xi32>
          %add3A_518 = arith.addi %add3A_493, %masked_cumsum3A_517 : vector<16xi32>
          %sub3A_519 = arith.subi %add3A_518, %select_n3A_514 : vector<16xi32>
          %and3A_520 = arith.constant 511 : i32
          %and3A_521 = vector.broadcast %and3A_520 : i32 to vector<16xi32>
          %and3A_522 = arith.andi %sub3A_519, %and3A_521 : vector<16xi32>
          %shift_right_arithmetic3A_523 = arith.constant 7 : i32
          %shift_right_arithmetic3A_524 = vector.broadcast %shift_right_arithmetic3A_523 : i32 to vector<16xi32>
          %shift_right_arithmetic3A_525 = arith.shrsi %and3A_522, %shift_right_arithmetic3A_524 : vector<16xi32>
          %and3A_526 = arith.constant 127 : i32
          %and3A_527 = vector.broadcast %and3A_526 : i32 to vector<16xi32>
          %and3A_528 = arith.andi %and3A_522, %and3A_527 : vector<16xi32>
          %mul3A_529 = arith.constant 2048 : i32
          %mul3A_530 = arith.muli %add3A_383, %mul3A_529 : i32
          %add3A_531 = arith.addi %mul3A_0, %mul3A_530 : i32
          %add3A_532 = arith.constant 32 : i32
          %add3A_533 = arith.addi %add3A_531, %add3A_532 : i32
          %broadcast_in_dim3A_534 = vector.broadcast %add3A_533 : i32 to vector<16xi32>
          %mul3A_535 = arith.constant 128 : i32
          %mul3A_536 = arith.muli %scan3A_397, %mul3A_535 : i32
          %add3A_537 = vector.broadcast %mul3A_536 : i32 to vector<16xi32>
          %add3A_538 = arith.addi %broadcast_in_dim3A_534, %add3A_537 : vector<16xi32>
          %iota3A_539 = tpu.iota {dimensions = array<i32: 0>} : vector<16xi32>
          %add3A_540 = arith.addi %add3A_538, %iota3A_539 : vector<16xi32>
          tpu.vector_store_idx %arg11[%shift_right_arithmetic3A_525, %and3A_528], %add3A_540 masked %and3A_509 : memref<4x128xi32, #tpu.memory_space<vmem>>[vector<16xi32>, vector<16xi32>], vector<16xi32>, vector<16xi1>
          tpu.vector_store_idx %arg12[%shift_right_arithmetic3A_525, %and3A_528], %get3A_501 masked %and3A_509 : memref<4x128xi32, #tpu.memory_space<vmem>>[vector<16xi32>, vector<16xi32>], vector<16xi32>, vector<16xi1>
          tpu.vector_store_idx %arg13[%shift_right_arithmetic3A_525, %and3A_528], %sub3A_502 masked %and3A_509 : memref<4x128xi32, #tpu.memory_space<vmem>>[vector<16xi32>, vector<16xi32>], vector<16xi32>, vector<16xi1>
          %all_reduce_population_count3A_541 = tpu.all_reduce %and3A_509 {dim = 0 : i64, kind = #tpu.reduction_kind<sum>} : vector<16xi1> -> vector<16xi32>
          %add3A_542 = arith.addi %add3A_493, %all_reduce_population_count3A_541 : vector<16xi32>
          %mul3A_543 = arith.constant 128 : i32
          %mul3A_544 = arith.muli %scan3A_397, %mul3A_543 : i32
          %add3A_545 = arith.constant 48 : i32
          %add3A_546 = arith.addi %mul3A_544, %add3A_545 : i32
          %get3A_547 = arith.index_cast %add3A_546 : i32 to index
          %get3A_548 = tpu.vector_load %arg8[%get3A_547] {strides = array<i32>} : memref<2048xi32, #tpu.memory_space<vmem>>, vector<16xi32>,
          %get3A_549 = arith.index_cast %add3A_546 : i32 to index
          %get3A_550 = tpu.vector_load %arg10[%get3A_549] {strides = array<i32>} : memref<2048xi32, #tpu.memory_space<vmem>>, vector<16xi32>,
          %sub3A_551 = arith.subi %get3A_548, %broadcast_in_dim3A_25 : vector<16xi32>
          %ge3A_552 = arith.constant 0 : i32
          %ge3A_553 = vector.broadcast %ge3A_552 : i32 to vector<16xi32>
          %ge3A_554 = arith.cmpi sge, %sub3A_551, %ge3A_553 : vector<16xi32>
          %lt3A_555 = arith.constant 8192 : i32
          %lt3A_556 = vector.broadcast %lt3A_555 : i32 to vector<16xi32>
          %lt3A_557 = arith.cmpi slt, %sub3A_551, %lt3A_556 : vector<16xi32>
          %and3A_558 = arith.andi %ge3A_554, %lt3A_557 : vector<16xi1>
          %jit3A_559 = arith.constant 1 : i32
          %jit3A_560 = arith.constant 0 : i32
          %broadcast_in_dim3A_561 = vector.broadcast %jit3A_559 : i32 to vector<16xi32>
          %broadcast_in_dim3A_562 = vector.broadcast %jit3A_560 : i32 to vector<16xi32>
          %select_n3A_563 = arith.select %and3A_558, %broadcast_in_dim3A_561, %broadcast_in_dim3A_562 : vector<16xi1>, vector<16xi32>
          %broadcast_in_dim3A_564 = arith.constant true
          %broadcast_in_dim3A_565 = vector.broadcast %broadcast_in_dim3A_564 : i1 to vector<16xi1>
          %masked_cumsum3A_566 = tpu.scan <sum>, %select_n3A_563 masked %broadcast_in_dim3A_565 : vector<16xi32>, vector<16xi1> -> vector<16xi32>
          %add3A_567 = arith.addi %add3A_542, %masked_cumsum3A_566 : vector<16xi32>
          %sub3A_568 = arith.subi %add3A_567, %select_n3A_563 : vector<16xi32>
          %and3A_569 = arith.constant 511 : i32
          %and3A_570 = vector.broadcast %and3A_569 : i32 to vector<16xi32>
          %and3A_571 = arith.andi %sub3A_568, %and3A_570 : vector<16xi32>
          %shift_right_arithmetic3A_572 = arith.constant 7 : i32
          %shift_right_arithmetic3A_573 = vector.broadcast %shift_right_arithmetic3A_572 : i32 to vector<16xi32>
          %shift_right_arithmetic3A_574 = arith.shrsi %and3A_571, %shift_right_arithmetic3A_573 : vector<16xi32>
          %and3A_575 = arith.constant 127 : i32
          %and3A_576 = vector.broadcast %and3A_575 : i32 to vector<16xi32>
          %and3A_577 = arith.andi %and3A_571, %and3A_576 : vector<16xi32>
          %mul3A_578 = arith.constant 2048 : i32
          %mul3A_579 = arith.muli %add3A_383, %mul3A_578 : i32
          %add3A_580 = arith.addi %mul3A_0, %mul3A_579 : i32
          %add3A_581 = arith.constant 48 : i32
          %add3A_582 = arith.addi %add3A_580, %add3A_581 : i32
          %broadcast_in_dim3A_583 = vector.broadcast %add3A_582 : i32 to vector<16xi32>
          %mul3A_584 = arith.constant 128 : i32
          %mul3A_585 = arith.muli %scan3A_397, %mul3A_584 : i32
          %add3A_586 = vector.broadcast %mul3A_585 : i32 to vector<16xi32>
          %add3A_587 = arith.addi %broadcast_in_dim3A_583, %add3A_586 : vector<16xi32>
          %iota3A_588 = tpu.iota {dimensions = array<i32: 0>} : vector<16xi32>
          %add3A_589 = arith.addi %add3A_587, %iota3A_588 : vector<16xi32>
          tpu.vector_store_idx %arg11[%shift_right_arithmetic3A_574, %and3A_577], %add3A_589 masked %and3A_558 : memref<4x128xi32, #tpu.memory_space<vmem>>[vector<16xi32>, vector<16xi32>], vector<16xi32>, vector<16xi1>
          tpu.vector_store_idx %arg12[%shift_right_arithmetic3A_574, %and3A_577], %get3A_550 masked %and3A_558 : memref<4x128xi32, #tpu.memory_space<vmem>>[vector<16xi32>, vector<16xi32>], vector<16xi32>, vector<16xi1>
          tpu.vector_store_idx %arg13[%shift_right_arithmetic3A_574, %and3A_577], %sub3A_551 masked %and3A_558 : memref<4x128xi32, #tpu.memory_space<vmem>>[vector<16xi32>, vector<16xi32>], vector<16xi32>, vector<16xi1>
          %all_reduce_population_count3A_590 = tpu.all_reduce %and3A_558 {dim = 0 : i64, kind = #tpu.reduction_kind<sum>} : vector<16xi1> -> vector<16xi32>
          %add3A_591 = arith.addi %add3A_542, %all_reduce_population_count3A_590 : vector<16xi32>
          %mul3A_592 = arith.constant 128 : i32
          %mul3A_593 = arith.muli %scan3A_397, %mul3A_592 : i32
          %add3A_594 = arith.constant 64 : i32
          %add3A_595 = arith.addi %mul3A_593, %add3A_594 : i32
          %get3A_596 = arith.index_cast %add3A_595 : i32 to index
          %get3A_597 = tpu.vector_load %arg8[%get3A_596] {strides = array<i32>} : memref<2048xi32, #tpu.memory_space<vmem>>, vector<16xi32>,
          %get3A_598 = arith.index_cast %add3A_595 : i32 to index
          %get3A_599 = tpu.vector_load %arg10[%get3A_598] {strides = array<i32>} : memref<2048xi32, #tpu.memory_space<vmem>>, vector<16xi32>,
          %sub3A_600 = arith.subi %get3A_597, %broadcast_in_dim3A_25 : vector<16xi32>
          %ge3A_601 = arith.constant 0 : i32
          %ge3A_602 = vector.broadcast %ge3A_601 : i32 to vector<16xi32>
          %ge3A_603 = arith.cmpi sge, %sub3A_600, %ge3A_602 : vector<16xi32>
          %lt3A_604 = arith.constant 8192 : i32
          %lt3A_605 = vector.broadcast %lt3A_604 : i32 to vector<16xi32>
          %lt3A_606 = arith.cmpi slt, %sub3A_600, %lt3A_605 : vector<16xi32>
          %and3A_607 = arith.andi %ge3A_603, %lt3A_606 : vector<16xi1>
          %jit3A_608 = arith.constant 1 : i32
          %jit3A_609 = arith.constant 0 : i32
          %broadcast_in_dim3A_610 = vector.broadcast %jit3A_608 : i32 to vector<16xi32>
          %broadcast_in_dim3A_611 = vector.broadcast %jit3A_609 : i32 to vector<16xi32>
          %select_n3A_612 = arith.select %and3A_607, %broadcast_in_dim3A_610, %broadcast_in_dim3A_611 : vector<16xi1>, vector<16xi32>
          %broadcast_in_dim3A_613 = arith.constant true
          %broadcast_in_dim3A_614 = vector.broadcast %broadcast_in_dim3A_613 : i1 to vector<16xi1>
          %masked_cumsum3A_615 = tpu.scan <sum>, %select_n3A_612 masked %broadcast_in_dim3A_614 : vector<16xi32>, vector<16xi1> -> vector<16xi32>
          %add3A_616 = arith.addi %add3A_591, %masked_cumsum3A_615 : vector<16xi32>
          %sub3A_617 = arith.subi %add3A_616, %select_n3A_612 : vector<16xi32>
          %and3A_618 = arith.constant 511 : i32
          %and3A_619 = vector.broadcast %and3A_618 : i32 to vector<16xi32>
          %and3A_620 = arith.andi %sub3A_617, %and3A_619 : vector<16xi32>
          %shift_right_arithmetic3A_621 = arith.constant 7 : i32
          %shift_right_arithmetic3A_622 = vector.broadcast %shift_right_arithmetic3A_621 : i32 to vector<16xi32>
          %shift_right_arithmetic3A_623 = arith.shrsi %and3A_620, %shift_right_arithmetic3A_622 : vector<16xi32>
          %and3A_624 = arith.constant 127 : i32
          %and3A_625 = vector.broadcast %and3A_624 : i32 to vector<16xi32>
          %and3A_626 = arith.andi %and3A_620, %and3A_625 : vector<16xi32>
          %mul3A_627 = arith.constant 2048 : i32
          %mul3A_628 = arith.muli %add3A_383, %mul3A_627 : i32
          %add3A_629 = arith.addi %mul3A_0, %mul3A_628 : i32
          %add3A_630 = arith.constant 64 : i32
          %add3A_631 = arith.addi %add3A_629, %add3A_630 : i32
          %broadcast_in_dim3A_632 = vector.broadcast %add3A_631 : i32 to vector<16xi32>
          %mul3A_633 = arith.constant 128 : i32
          %mul3A_634 = arith.muli %scan3A_397, %mul3A_633 : i32
          %add3A_635 = vector.broadcast %mul3A_634 : i32 to vector<16xi32>
          %add3A_636 = arith.addi %broadcast_in_dim3A_632, %add3A_635 : vector<16xi32>
          %iota3A_637 = tpu.iota {dimensions = array<i32: 0>} : vector<16xi32>
          %add3A_638 = arith.addi %add3A_636, %iota3A_637 : vector<16xi32>
          tpu.vector_store_idx %arg11[%shift_right_arithmetic3A_623, %and3A_626], %add3A_638 masked %and3A_607 : memref<4x128xi32, #tpu.memory_space<vmem>>[vector<16xi32>, vector<16xi32>], vector<16xi32>, vector<16xi1>
          tpu.vector_store_idx %arg12[%shift_right_arithmetic3A_623, %and3A_626], %get3A_599 masked %and3A_607 : memref<4x128xi32, #tpu.memory_space<vmem>>[vector<16xi32>, vector<16xi32>], vector<16xi32>, vector<16xi1>
          tpu.vector_store_idx %arg13[%shift_right_arithmetic3A_623, %and3A_626], %sub3A_600 masked %and3A_607 : memref<4x128xi32, #tpu.memory_space<vmem>>[vector<16xi32>, vector<16xi32>], vector<16xi32>, vector<16xi1>
          %all_reduce_population_count3A_639 = tpu.all_reduce %and3A_607 {dim = 0 : i64, kind = #tpu.reduction_kind<sum>} : vector<16xi1> -> vector<16xi32>
          %add3A_640 = arith.addi %add3A_591, %all_reduce_population_count3A_639 : vector<16xi32>
          %mul3A_641 = arith.constant 128 : i32
          %mul3A_642 = arith.muli %scan3A_397, %mul3A_641 : i32
          %add3A_643 = arith.constant 80 : i32
          %add3A_644 = arith.addi %mul3A_642, %add3A_643 : i32
          %get3A_645 = arith.index_cast %add3A_644 : i32 to index
          %get3A_646 = tpu.vector_load %arg8[%get3A_645] {strides = array<i32>} : memref<2048xi32, #tpu.memory_space<vmem>>, vector<16xi32>,
          %get3A_647 = arith.index_cast %add3A_644 : i32 to index
          %get3A_648 = tpu.vector_load %arg10[%get3A_647] {strides = array<i32>} : memref<2048xi32, #tpu.memory_space<vmem>>, vector<16xi32>,
          %sub3A_649 = arith.subi %get3A_646, %broadcast_in_dim3A_25 : vector<16xi32>
          %ge3A_650 = arith.constant 0 : i32
          %ge3A_651 = vector.broadcast %ge3A_650 : i32 to vector<16xi32>
          %ge3A_652 = arith.cmpi sge, %sub3A_649, %ge3A_651 : vector<16xi32>
          %lt3A_653 = arith.constant 8192 : i32
          %lt3A_654 = vector.broadcast %lt3A_653 : i32 to vector<16xi32>
          %lt3A_655 = arith.cmpi slt, %sub3A_649, %lt3A_654 : vector<16xi32>
          %and3A_656 = arith.andi %ge3A_652, %lt3A_655 : vector<16xi1>
          %jit3A_657 = arith.constant 1 : i32
          %jit3A_658 = arith.constant 0 : i32
          %broadcast_in_dim3A_659 = vector.broadcast %jit3A_657 : i32 to vector<16xi32>
          %broadcast_in_dim3A_660 = vector.broadcast %jit3A_658 : i32 to vector<16xi32>
          %select_n3A_661 = arith.select %and3A_656, %broadcast_in_dim3A_659, %broadcast_in_dim3A_660 : vector<16xi1>, vector<16xi32>
          %broadcast_in_dim3A_662 = arith.constant true
          %broadcast_in_dim3A_663 = vector.broadcast %broadcast_in_dim3A_662 : i1 to vector<16xi1>
          %masked_cumsum3A_664 = tpu.scan <sum>, %select_n3A_661 masked %broadcast_in_dim3A_663 : vector<16xi32>, vector<16xi1> -> vector<16xi32>
          %add3A_665 = arith.addi %add3A_640, %masked_cumsum3A_664 : vector<16xi32>
          %sub3A_666 = arith.subi %add3A_665, %select_n3A_661 : vector<16xi32>
          %and3A_667 = arith.constant 511 : i32
          %and3A_668 = vector.broadcast %and3A_667 : i32 to vector<16xi32>
          %and3A_669 = arith.andi %sub3A_666, %and3A_668 : vector<16xi32>
          %shift_right_arithmetic3A_670 = arith.constant 7 : i32
          %shift_right_arithmetic3A_671 = vector.broadcast %shift_right_arithmetic3A_670 : i32 to vector<16xi32>
          %shift_right_arithmetic3A_672 = arith.shrsi %and3A_669, %shift_right_arithmetic3A_671 : vector<16xi32>
          %and3A_673 = arith.constant 127 : i32
          %and3A_674 = vector.broadcast %and3A_673 : i32 to vector<16xi32>
          %and3A_675 = arith.andi %and3A_669, %and3A_674 : vector<16xi32>
          %mul3A_676 = arith.constant 2048 : i32
          %mul3A_677 = arith.muli %add3A_383, %mul3A_676 : i32
          %add3A_678 = arith.addi %mul3A_0, %mul3A_677 : i32
          %add3A_679 = arith.constant 80 : i32
          %add3A_680 = arith.addi %add3A_678, %add3A_679 : i32
          %broadcast_in_dim3A_681 = vector.broadcast %add3A_680 : i32 to vector<16xi32>
          %mul3A_682 = arith.constant 128 : i32
          %mul3A_683 = arith.muli %scan3A_397, %mul3A_682 : i32
          %add3A_684 = vector.broadcast %mul3A_683 : i32 to vector<16xi32>
          %add3A_685 = arith.addi %broadcast_in_dim3A_681, %add3A_684 : vector<16xi32>
          %iota3A_686 = tpu.iota {dimensions = array<i32: 0>} : vector<16xi32>
          %add3A_687 = arith.addi %add3A_685, %iota3A_686 : vector<16xi32>
          tpu.vector_store_idx %arg11[%shift_right_arithmetic3A_672, %and3A_675], %add3A_687 masked %and3A_656 : memref<4x128xi32, #tpu.memory_space<vmem>>[vector<16xi32>, vector<16xi32>], vector<16xi32>, vector<16xi1>
          tpu.vector_store_idx %arg12[%shift_right_arithmetic3A_672, %and3A_675], %get3A_648 masked %and3A_656 : memref<4x128xi32, #tpu.memory_space<vmem>>[vector<16xi32>, vector<16xi32>], vector<16xi32>, vector<16xi1>
          tpu.vector_store_idx %arg13[%shift_right_arithmetic3A_672, %and3A_675], %sub3A_649 masked %and3A_656 : memref<4x128xi32, #tpu.memory_space<vmem>>[vector<16xi32>, vector<16xi32>], vector<16xi32>, vector<16xi1>
          %all_reduce_population_count3A_688 = tpu.all_reduce %and3A_656 {dim = 0 : i64, kind = #tpu.reduction_kind<sum>} : vector<16xi1> -> vector<16xi32>
          %add3A_689 = arith.addi %add3A_640, %all_reduce_population_count3A_688 : vector<16xi32>
          %mul3A_690 = arith.constant 128 : i32
          %mul3A_691 = arith.muli %scan3A_397, %mul3A_690 : i32
          %add3A_692 = arith.constant 96 : i32
          %add3A_693 = arith.addi %mul3A_691, %add3A_692 : i32
          %get3A_694 = arith.index_cast %add3A_693 : i32 to index
          %get3A_695 = tpu.vector_load %arg8[%get3A_694] {strides = array<i32>} : memref<2048xi32, #tpu.memory_space<vmem>>, vector<16xi32>,
          %get3A_696 = arith.index_cast %add3A_693 : i32 to index
          %get3A_697 = tpu.vector_load %arg10[%get3A_696] {strides = array<i32>} : memref<2048xi32, #tpu.memory_space<vmem>>, vector<16xi32>,
          %sub3A_698 = arith.subi %get3A_695, %broadcast_in_dim3A_25 : vector<16xi32>
          %ge3A_699 = arith.constant 0 : i32
          %ge3A_700 = vector.broadcast %ge3A_699 : i32 to vector<16xi32>
          %ge3A_701 = arith.cmpi sge, %sub3A_698, %ge3A_700 : vector<16xi32>
          %lt3A_702 = arith.constant 8192 : i32
          %lt3A_703 = vector.broadcast %lt3A_702 : i32 to vector<16xi32>
          %lt3A_704 = arith.cmpi slt, %sub3A_698, %lt3A_703 : vector<16xi32>
          %and3A_705 = arith.andi %ge3A_701, %lt3A_704 : vector<16xi1>
          %jit3A_706 = arith.constant 1 : i32
          %jit3A_707 = arith.constant 0 : i32
          %broadcast_in_dim3A_708 = vector.broadcast %jit3A_706 : i32 to vector<16xi32>
          %broadcast_in_dim3A_709 = vector.broadcast %jit3A_707 : i32 to vector<16xi32>
          %select_n3A_710 = arith.select %and3A_705, %broadcast_in_dim3A_708, %broadcast_in_dim3A_709 : vector<16xi1>, vector<16xi32>
          %broadcast_in_dim3A_711 = arith.constant true
          %broadcast_in_dim3A_712 = vector.broadcast %broadcast_in_dim3A_711 : i1 to vector<16xi1>
          %masked_cumsum3A_713 = tpu.scan <sum>, %select_n3A_710 masked %broadcast_in_dim3A_712 : vector<16xi32>, vector<16xi1> -> vector<16xi32>
          %add3A_714 = arith.addi %add3A_689, %masked_cumsum3A_713 : vector<16xi32>
          %sub3A_715 = arith.subi %add3A_714, %select_n3A_710 : vector<16xi32>
          %and3A_716 = arith.constant 511 : i32
          %and3A_717 = vector.broadcast %and3A_716 : i32 to vector<16xi32>
          %and3A_718 = arith.andi %sub3A_715, %and3A_717 : vector<16xi32>
          %shift_right_arithmetic3A_719 = arith.constant 7 : i32
          %shift_right_arithmetic3A_720 = vector.broadcast %shift_right_arithmetic3A_719 : i32 to vector<16xi32>
          %shift_right_arithmetic3A_721 = arith.shrsi %and3A_718, %shift_right_arithmetic3A_720 : vector<16xi32>
          %and3A_722 = arith.constant 127 : i32
          %and3A_723 = vector.broadcast %and3A_722 : i32 to vector<16xi32>
          %and3A_724 = arith.andi %and3A_718, %and3A_723 : vector<16xi32>
          %mul3A_725 = arith.constant 2048 : i32
          %mul3A_726 = arith.muli %add3A_383, %mul3A_725 : i32
          %add3A_727 = arith.addi %mul3A_0, %mul3A_726 : i32
          %add3A_728 = arith.constant 96 : i32
          %add3A_729 = arith.addi %add3A_727, %add3A_728 : i32
          %broadcast_in_dim3A_730 = vector.broadcast %add3A_729 : i32 to vector<16xi32>
          %mul3A_731 = arith.constant 128 : i32
          %mul3A_732 = arith.muli %scan3A_397, %mul3A_731 : i32
          %add3A_733 = vector.broadcast %mul3A_732 : i32 to vector<16xi32>
          %add3A_734 = arith.addi %broadcast_in_dim3A_730, %add3A_733 : vector<16xi32>
          %iota3A_735 = tpu.iota {dimensions = array<i32: 0>} : vector<16xi32>
          %add3A_736 = arith.addi %add3A_734, %iota3A_735 : vector<16xi32>
          tpu.vector_store_idx %arg11[%shift_right_arithmetic3A_721, %and3A_724], %add3A_736 masked %and3A_705 : memref<4x128xi32, #tpu.memory_space<vmem>>[vector<16xi32>, vector<16xi32>], vector<16xi32>, vector<16xi1>
          tpu.vector_store_idx %arg12[%shift_right_arithmetic3A_721, %and3A_724], %get3A_697 masked %and3A_705 : memref<4x128xi32, #tpu.memory_space<vmem>>[vector<16xi32>, vector<16xi32>], vector<16xi32>, vector<16xi1>
          tpu.vector_store_idx %arg13[%shift_right_arithmetic3A_721, %and3A_724], %sub3A_698 masked %and3A_705 : memref<4x128xi32, #tpu.memory_space<vmem>>[vector<16xi32>, vector<16xi32>], vector<16xi32>, vector<16xi1>
          %all_reduce_population_count3A_737 = tpu.all_reduce %and3A_705 {dim = 0 : i64, kind = #tpu.reduction_kind<sum>} : vector<16xi1> -> vector<16xi32>
          %add3A_738 = arith.addi %add3A_689, %all_reduce_population_count3A_737 : vector<16xi32>
          %mul3A_739 = arith.constant 128 : i32
          %mul3A_740 = arith.muli %scan3A_397, %mul3A_739 : i32
          %add3A_741 = arith.constant 112 : i32
          %add3A_742 = arith.addi %mul3A_740, %add3A_741 : i32
          %get3A_743 = arith.index_cast %add3A_742 : i32 to index
          %get3A_744 = tpu.vector_load %arg8[%get3A_743] {strides = array<i32>} : memref<2048xi32, #tpu.memory_space<vmem>>, vector<16xi32>,
          %get3A_745 = arith.index_cast %add3A_742 : i32 to index
          %get3A_746 = tpu.vector_load %arg10[%get3A_745] {strides = array<i32>} : memref<2048xi32, #tpu.memory_space<vmem>>, vector<16xi32>,
          %sub3A_747 = arith.subi %get3A_744, %broadcast_in_dim3A_25 : vector<16xi32>
          %ge3A_748 = arith.constant 0 : i32
          %ge3A_749 = vector.broadcast %ge3A_748 : i32 to vector<16xi32>
          %ge3A_750 = arith.cmpi sge, %sub3A_747, %ge3A_749 : vector<16xi32>
          %lt3A_751 = arith.constant 8192 : i32
          %lt3A_752 = vector.broadcast %lt3A_751 : i32 to vector<16xi32>
          %lt3A_753 = arith.cmpi slt, %sub3A_747, %lt3A_752 : vector<16xi32>
          %and3A_754 = arith.andi %ge3A_750, %lt3A_753 : vector<16xi1>
          %jit3A_755 = arith.constant 1 : i32
          %jit3A_756 = arith.constant 0 : i32
          %broadcast_in_dim3A_757 = vector.broadcast %jit3A_755 : i32 to vector<16xi32>
          %broadcast_in_dim3A_758 = vector.broadcast %jit3A_756 : i32 to vector<16xi32>
          %select_n3A_759 = arith.select %and3A_754, %broadcast_in_dim3A_757, %broadcast_in_dim3A_758 : vector<16xi1>, vector<16xi32>
          %broadcast_in_dim3A_760 = arith.constant true
          %broadcast_in_dim3A_761 = vector.broadcast %broadcast_in_dim3A_760 : i1 to vector<16xi1>
          %masked_cumsum3A_762 = tpu.scan <sum>, %select_n3A_759 masked %broadcast_in_dim3A_761 : vector<16xi32>, vector<16xi1> -> vector<16xi32>
          %add3A_763 = arith.addi %add3A_738, %masked_cumsum3A_762 : vector<16xi32>
          %sub3A_764 = arith.subi %add3A_763, %select_n3A_759 : vector<16xi32>
          %and3A_765 = arith.constant 511 : i32
          %and3A_766 = vector.broadcast %and3A_765 : i32 to vector<16xi32>
          %and3A_767 = arith.andi %sub3A_764, %and3A_766 : vector<16xi32>
          %shift_right_arithmetic3A_768 = arith.constant 7 : i32
          %shift_right_arithmetic3A_769 = vector.broadcast %shift_right_arithmetic3A_768 : i32 to vector<16xi32>
          %shift_right_arithmetic3A_770 = arith.shrsi %and3A_767, %shift_right_arithmetic3A_769 : vector<16xi32>
          %and3A_771 = arith.constant 127 : i32
          %and3A_772 = vector.broadcast %and3A_771 : i32 to vector<16xi32>
          %and3A_773 = arith.andi %and3A_767, %and3A_772 : vector<16xi32>
          %mul3A_774 = arith.constant 2048 : i32
          %mul3A_775 = arith.muli %add3A_383, %mul3A_774 : i32
          %add3A_776 = arith.addi %mul3A_0, %mul3A_775 : i32
          %add3A_777 = arith.constant 112 : i32
          %add3A_778 = arith.addi %add3A_776, %add3A_777 : i32
          %broadcast_in_dim3A_779 = vector.broadcast %add3A_778 : i32 to vector<16xi32>
          %mul3A_780 = arith.constant 128 : i32
          %mul3A_781 = arith.muli %scan3A_397, %mul3A_780 : i32
          %add3A_782 = vector.broadcast %mul3A_781 : i32 to vector<16xi32>
          %add3A_783 = arith.addi %broadcast_in_dim3A_779, %add3A_782 : vector<16xi32>
          %iota3A_784 = tpu.iota {dimensions = array<i32: 0>} : vector<16xi32>
          %add3A_785 = arith.addi %add3A_783, %iota3A_784 : vector<16xi32>
          tpu.vector_store_idx %arg11[%shift_right_arithmetic3A_770, %and3A_773], %add3A_785 masked %and3A_754 : memref<4x128xi32, #tpu.memory_space<vmem>>[vector<16xi32>, vector<16xi32>], vector<16xi32>, vector<16xi1>
          tpu.vector_store_idx %arg12[%shift_right_arithmetic3A_770, %and3A_773], %get3A_746 masked %and3A_754 : memref<4x128xi32, #tpu.memory_space<vmem>>[vector<16xi32>, vector<16xi32>], vector<16xi32>, vector<16xi1>
          tpu.vector_store_idx %arg13[%shift_right_arithmetic3A_770, %and3A_773], %sub3A_747 masked %and3A_754 : memref<4x128xi32, #tpu.memory_space<vmem>>[vector<16xi32>, vector<16xi32>], vector<16xi32>, vector<16xi1>
          %all_reduce_population_count3A_786 = tpu.all_reduce %and3A_754 {dim = 0 : i64, kind = #tpu.reduction_kind<sum>} : vector<16xi1> -> vector<16xi32>
          %add3A_787 = arith.addi %add3A_738, %all_reduce_population_count3A_786 : vector<16xi32>
          %reduce_max3A_788 = arith.constant true
          %reduce_max3A_789 = vector.broadcast %reduce_max3A_788 : i1 to vector<16xi1>
          %reduce_max3A_790 = arith.constant -2147483648 : i32
          %reduce_max3A_791 = vector.broadcast %reduce_max3A_790 : i32 to vector<16xi32>
          %reduce_max3A_792 = arith.xori %add3A_787, %reduce_max3A_791 : vector<16xi32>
          %reduce_max3A_793 = tpu.scan <max>, %reduce_max3A_792 masked %reduce_max3A_789 : vector<16xi32>, vector<16xi1> -> vector<16xi32>
          %reduce_max3A_794 = arith.xori %reduce_max3A_793, %reduce_max3A_791 : vector<16xi32>
          %reduce_max3A_795 = vector.extract %reduce_max3A_794[15] : i32 from vector<16xi32>
          %sub3A_796 = arith.subi %reduce_max3A_795, %scan3A_399 : i32
          %ge3A_797 = arith.constant 128 : i32
          %ge3A_798 = arith.cmpi sge, %sub3A_796, %ge3A_797 : i32
          %sub3A_799 = arith.subi %scan3A_399, %scan3A_400 : i32
          %gt3A_800 = arith.constant 0 : i32
          %gt3A_801 = arith.cmpi sgt, %sub3A_799, %gt3A_800 : i32
          %and3A_802 = arith.andi %ge3A_798, %gt3A_801 : i1
          %convert_element_type3A_803 = arith.extui %and3A_802 : i1 to i32
          %cond3A_804 = arith.constant 0 : i32
          %cond3A_805 = arith.cmpi ne, %convert_element_type3A_803, %cond3A_804 : i32
          scf.if %cond3A_805 {
            %jit3A_816 = arith.constant 128 : i32
            %div3A_817 = arith.divsi %scan3A_400, %jit3A_816 : i32
            %sign3A_818 = arith.constant 0 : i32
            %sign3A_819 = arith.cmpi sgt, %scan3A_400, %sign3A_818 : i32
            %sign3A_820 = arith.extui %sign3A_819 : i1 to i32
            %sign3A_821 = arith.constant 0 : i32
            %sign3A_822 = arith.cmpi slt, %scan3A_400, %sign3A_821 : i32
            %sign3A_823 = arith.extui %sign3A_822 : i1 to i32
            %sign3A_824 = arith.subi %sign3A_820, %sign3A_823 : i32
            %sign3A_825 = arith.constant 0 : i32
            %sign3A_826 = arith.cmpi sgt, %jit3A_816, %sign3A_825 : i32
            %sign3A_827 = arith.extui %sign3A_826 : i1 to i32
            %sign3A_828 = arith.constant 0 : i32
            %sign3A_829 = arith.cmpi slt, %jit3A_816, %sign3A_828 : i32
            %sign3A_830 = arith.extui %sign3A_829 : i1 to i32
            %sign3A_831 = arith.subi %sign3A_827, %sign3A_830 : i32
            %ne3A_832 = arith.cmpi ne, %sign3A_824, %sign3A_831 : i32
            %rem3A_833 = arith.remsi %scan3A_400, %jit3A_816 : i32
            %ne3A_834 = arith.constant 0 : i32
            %ne3A_835 = arith.cmpi ne, %rem3A_833, %ne3A_834 : i32
            %and3A_836 = arith.andi %ne3A_832, %ne3A_835 : i1
            %sub3A_837 = arith.constant 1 : i32
            %sub3A_838 = arith.subi %div3A_817, %sub3A_837 : i32
            %select_n3A_839 = arith.select %and3A_836, %sub3A_838, %div3A_817 : i32
            %jit3A_840 = arith.constant 4 : i32
            %eq3A_841 = arith.constant 0 : i32
            %eq3A_842 = arith.cmpi eq, %jit3A_840, %eq3A_841 : i32
            %jit3A_843 = arith.constant 1 : i32
            %select_n3A_844 = arith.select %eq3A_842, %jit3A_843, %jit3A_840 : i32
            %rem3A_845 = arith.remsi %select_n3A_839, %select_n3A_844 : i32
            %ne3A_846 = arith.constant 0 : i32
            %ne3A_847 = arith.cmpi ne, %rem3A_845, %ne3A_846 : i32
            %lt3A_848 = arith.constant 0 : i32
            %lt3A_849 = arith.cmpi slt, %rem3A_845, %lt3A_848 : i32
            %lt3A_850 = arith.constant 0 : i32
            %lt3A_851 = arith.cmpi slt, %select_n3A_844, %lt3A_850 : i32
            %ne3A_852 = arith.xori %lt3A_849, %lt3A_851 : i1
            %and3A_853 = arith.andi %ne3A_852, %ne3A_847 : i1
            %add3A_854 = arith.addi %rem3A_845, %select_n3A_844 : i32
            %select_n3A_855 = arith.select %and3A_853, %add3A_854, %rem3A_845 : i32
            %dma_wait3A_856 = arith.constant 0 : i32
            %dma_wait3A_857 = arith.constant 0 : i32
            %dma_wait3A_858 = tpu.memref_slice %arg2[%dma_wait3A_856, %dma_wait3A_857] : memref<960000x128xf32, #tpu.memory_space<hbm>> -> memref<128x128xf32, #tpu.memory_space<hbm>>
            %dma_wait3A_859 = arith.constant 0 : i32
            %dma_wait3A_860 = arith.constant 0 : i32
            %dma_wait3A_861 = tpu.memref_slice %arg2[%dma_wait3A_859, %dma_wait3A_860] : memref<960000x128xf32, #tpu.memory_space<hbm>> -> memref<128x128xf32, #tpu.memory_space<hbm>>
            tpu.wait_dma2 semaphore(%arg20 : memref<!tpu.dma_semaphore, #tpu.memory_space<semaphore_mem>>) src(%dma_wait3A_861 : memref<128x128xf32, #tpu.memory_space<hbm>>) dst(%arg14 : memref<128x128xf32, #tpu.memory_space<vmem>>)
            %dma_wait3A_862 = arith.constant 0 : i32
            %dma_wait3A_863 = arith.constant 0 : i32
            %dma_wait3A_864 = tpu.memref_slice %arg3[%dma_wait3A_862, %dma_wait3A_863] : memref<320000x128xf32, #tpu.memory_space<hbm>> -> memref<128x128xf32, #tpu.memory_space<hbm>>
            %dma_wait3A_865 = arith.constant 0 : i32
            %dma_wait3A_866 = arith.constant 0 : i32
            %dma_wait3A_867 = tpu.memref_slice %arg3[%dma_wait3A_865, %dma_wait3A_866] : memref<320000x128xf32, #tpu.memory_space<hbm>> -> memref<128x128xf32, #tpu.memory_space<hbm>>
            tpu.wait_dma2 semaphore(%arg20 : memref<!tpu.dma_semaphore, #tpu.memory_space<semaphore_mem>>) src(%dma_wait3A_867 : memref<128x128xf32, #tpu.memory_space<hbm>>) dst(%arg15 : memref<128x128xf32, #tpu.memory_space<vmem>>)
            %ge3A_868 = arith.constant 1 : i32
            %ge3A_869 = arith.cmpi sge, %select_n3A_839, %ge3A_868 : i32
            %convert_element_type3A_870 = arith.extui %ge3A_869 : i1 to i32
            %cond3A_871 = arith.constant 0 : i32
            %cond3A_872 = arith.cmpi ne, %convert_element_type3A_870, %cond3A_871 : i32
            scf.if %cond3A_872 {
              %dma_wait3A_884 = arith.constant 0 : i32
              %dma_wait3A_885 = arith.constant 0 : i32
              %dma_wait3A_886 = tpu.memref_slice %arg6[%dma_wait3A_884, %dma_wait3A_885] : memref<327680x128xf32, #tpu.memory_space<hbm>> -> memref<128x128xf32, #tpu.memory_space<hbm>>
              %dma_wait3A_887 = arith.constant 0 : i32
              %dma_wait3A_888 = arith.constant 0 : i32
              %dma_wait3A_889 = tpu.memref_slice %arg6[%dma_wait3A_887, %dma_wait3A_888] : memref<327680x128xf32, #tpu.memory_space<hbm>> -> memref<128x128xf32, #tpu.memory_space<hbm>>
              tpu.wait_dma2 semaphore(%arg21 : memref<!tpu.dma_semaphore, #tpu.memory_space<semaphore_mem>>) src(%dma_wait3A_889 : memref<128x128xf32, #tpu.memory_space<hbm>>) dst(%arg16 : memref<128x128xf32, #tpu.memory_space<vmem>>)
            } else {
            }
            %scan3A_873 = arith.constant 0 : i32
            %scan3A_874 = arith.constant 32 : i32
            %scan3A_875 = arith.addi %scan3A_873, %scan3A_874 : i32
            %scan3A_876 = arith.constant 1 : i32
            scf.for %scan3A_884 = %scan3A_873 to %scan3A_875 step %scan3A_876  : i32 {
              %mul3A_885 = arith.constant 4 : i32
              %mul3A_886 = arith.muli %scan3A_884, %mul3A_885 : i32
              %add3A_887 = arith.constant 0 : i32
              %add3A_888 = arith.addi %add3A_887, %mul3A_886 : i32
              %add3A_889 = arith.constant 0 : i32
              %add3A_890 = arith.addi %add3A_888, %add3A_889 : i32
              %get3A_891 = arith.index_cast %add3A_890 : i32 to index
              %get3A_892 = arith.constant 0 : index
              %get3A_893 = tpu.vector_load %arg14[%get3A_891, %get3A_892] {strides = array<i32>} : memref<128x128xf32, #tpu.memory_space<vmem>>, vector<16xf32>,
              %add3A_894 = arith.constant 0 : i32
              %add3A_895 = arith.addi %add3A_888, %add3A_894 : i32
              %get3A_896 = arith.index_cast %add3A_895 : i32 to index
              %get3A_897 = arith.constant 0 : index
              %get3A_898 = tpu.vector_load %arg15[%get3A_896, %get3A_897] {strides = array<i32>} : memref<128x128xf32, #tpu.memory_space<vmem>>, vector<16xf32>,
              %mul3A_899 = arith.mulf %get3A_893, %get3A_898 : vector<16xf32>
              %add3A_900 = arith.constant 0 : i32
              %add3A_901 = arith.addi %add3A_888, %add3A_900 : i32
              %swap3A = arith.index_cast %add3A_901 : i32 to index
              %swap3A_902 = arith.constant 0 : index
              %swap3A_903 = tpu.vector_load %arg16[%swap3A, %swap3A_902] {strides = array<i32>} : memref<128x128xf32, #tpu.memory_space<vmem>>, vector<16xf32>,
              tpu.vector_store %arg16[%swap3A, %swap3A_902], %mul3A_899 {strides = array<i32>} : memref<128x128xf32, #tpu.memory_space<vmem>>, vector<16xf32>,
              %add3A_904 = arith.constant 0 : i32
              %add3A_905 = arith.addi %add3A_888, %add3A_904 : i32
              %get3A_906 = arith.index_cast %add3A_905 : i32 to index
              %get3A_907 = arith.constant 16 : index
              %get3A_908 = tpu.vector_load %arg14[%get3A_906, %get3A_907] {strides = array<i32>} : memref<128x128xf32, #tpu.memory_space<vmem>>, vector<16xf32>,
              %add3A_909 = arith.constant 0 : i32
              %add3A_910 = arith.addi %add3A_888, %add3A_909 : i32
              %get3A_911 = arith.index_cast %add3A_910 : i32 to index
              %get3A_912 = arith.constant 16 : index
              %get3A_913 = tpu.vector_load %arg15[%get3A_911, %get3A_912] {strides = array<i32>} : memref<128x128xf32, #tpu.memory_space<vmem>>, vector<16xf32>,
              %mul3A_914 = arith.mulf %get3A_908, %get3A_913 : vector<16xf32>
              %add3A_915 = arith.constant 0 : i32
              %add3A_916 = arith.addi %add3A_888, %add3A_915 : i32
              %swap3A_917 = arith.index_cast %add3A_916 : i32 to index
              %swap3A_918 = arith.constant 16 : index
              %swap3A_919 = tpu.vector_load %arg16[%swap3A_917, %swap3A_918] {strides = array<i32>} : memref<128x128xf32, #tpu.memory_space<vmem>>, vector<16xf32>,
              tpu.vector_store %arg16[%swap3A_917, %swap3A_918], %mul3A_914 {strides = array<i32>} : memref<128x128xf32, #tpu.memory_space<vmem>>, vector<16xf32>,
              %add3A_920 = arith.constant 0 : i32
              %add3A_921 = arith.addi %add3A_888, %add3A_920 : i32
              %get3A_922 = arith.index_cast %add3A_921 : i32 to index
              %get3A_923 = arith.constant 32 : index
              %get3A_924 = tpu.vector_load %arg14[%get3A_922, %get3A_923] {strides = array<i32>} : memref<128x128xf32, #tpu.memory_space<vmem>>, vector<16xf32>,
              %add3A_925 = arith.constant 0 : i32
              %add3A_926 = arith.addi %add3A_888, %add3A_925 : i32
              %get3A_927 = arith.index_cast %add3A_926 : i32 to index
              %get3A_928 = arith.constant 32 : index
              %get3A_929 = tpu.vector_load %arg15[%get3A_927, %get3A_928] {strides = array<i32>} : memref<128x128xf32, #tpu.memory_space<vmem>>, vector<16xf32>,
              %mul3A_930 = arith.mulf %get3A_924, %get3A_929 : vector<16xf32>
              %add3A_931 = arith.constant 0 : i32
              %add3A_932 = arith.addi %add3A_888, %add3A_931 : i32
              %swap3A_933 = arith.index_cast %add3A_932 : i32 to index
              %swap3A_934 = arith.constant 32 : index
              %swap3A_935 = tpu.vector_load %arg16[%swap3A_933, %swap3A_934] {strides = array<i32>} : memref<128x128xf32, #tpu.memory_space<vmem>>, vector<16xf32>,
              tpu.vector_store %arg16[%swap3A_933, %swap3A_934], %mul3A_930 {strides = array<i32>} : memref<128x128xf32, #tpu.memory_space<vmem>>, vector<16xf32>,
              %add3A_936 = arith.constant 0 : i32
              %add3A_937 = arith.addi %add3A_888, %add3A_936 : i32
              %get3A_938 = arith.index_cast %add3A_937 : i32 to index
              %get3A_939 = arith.constant 48 : index
              %get3A_940 = tpu.vector_load %arg14[%get3A_938, %get3A_939] {strides = array<i32>} : memref<128x128xf32, #tpu.memory_space<vmem>>, vector<16xf32>,
              %add3A_941 = arith.constant 0 : i32
              %add3A_942 = arith.addi %add3A_888, %add3A_941 : i32
              %get3A_943 = arith.index_cast %add3A_942 : i32 to index
              %get3A_944 = arith.constant 48 : index
              %get3A_945 = tpu.vector_load %arg15[%get3A_943, %get3A_944] {strides = array<i32>} : memref<128x128xf32, #tpu.memory_space<vmem>>, vector<16xf32>,
              %mul3A_946 = arith.mulf %get3A_940, %get3A_945 : vector<16xf32>
              %add3A_947 = arith.constant 0 : i32
              %add3A_948 = arith.addi %add3A_888, %add3A_947 : i32
              %swap3A_949 = arith.index_cast %add3A_948 : i32 to index
              %swap3A_950 = arith.constant 48 : index
              %swap3A_951 = tpu.vector_load %arg16[%swap3A_949, %swap3A_950] {strides = array<i32>} : memref<128x128xf32, #tpu.memory_space<vmem>>, vector<16xf32>,
              tpu.vector_store %arg16[%swap3A_949, %swap3A_950], %mul3A_946 {strides = array<i32>} : memref<128x128xf32, #tpu.memory_space<vmem>>, vector<16xf32>,
              %add3A_952 = arith.constant 1 : i32
              %add3A_953 = arith.addi %add3A_888, %add3A_952 : i32
              %get3A_954 = arith.index_cast %add3A_953 : i32 to index
              %get3A_955 = arith.constant 0 : index
              %get3A_956 = tpu.vector_load %arg14[%get3A_954, %get3A_955] {strides = array<i32>} : memref<128x128xf32, #tpu.memory_space<vmem>>, vector<16xf32>,
              %add3A_957 = arith.constant 1 : i32
              %add3A_958 = arith.addi %add3A_888, %add3A_957 : i32
              %get3A_959 = arith.index_cast %add3A_958 : i32 to index
              %get3A_960 = arith.constant 0 : index
              %get3A_961 = tpu.vector_load %arg15[%get3A_959, %get3A_960] {strides = array<i32>} : memref<128x128xf32, #tpu.memory_space<vmem>>, vector<16xf32>,
              %mul3A_962 = arith.mulf %get3A_956, %get3A_961 : vector<16xf32>
              %add3A_963 = arith.constant 1 : i32
              %add3A_964 = arith.addi %add3A_888, %add3A_963 : i32
              %swap3A_965 = arith.index_cast %add3A_964 : i32 to index
              %swap3A_966 = arith.constant 0 : index
              %swap3A_967 = tpu.vector_load %arg16[%swap3A_965, %swap3A_966] {strides = array<i32>} : memref<128x128xf32, #tpu.memory_space<vmem>>, vector<16xf32>,
              tpu.vector_store %arg16[%swap3A_965, %swap3A_966], %mul3A_962 {strides = array<i32>} : memref<128x128xf32, #tpu.memory_space<vmem>>, vector<16xf32>,
              %add3A_968 = arith.constant 1 : i32
              %add3A_969 = arith.addi %add3A_888, %add3A_968 : i32
              %get3A_970 = arith.index_cast %add3A_969 : i32 to index
              %get3A_971 = arith.constant 16 : index
              %get3A_972 = tpu.vector_load %arg14[%get3A_970, %get3A_971] {strides = array<i32>} : memref<128x128xf32, #tpu.memory_space<vmem>>, vector<16xf32>,
              %add3A_973 = arith.constant 1 : i32
              %add3A_974 = arith.addi %add3A_888, %add3A_973 : i32
              %get3A_975 = arith.index_cast %add3A_974 : i32 to index
              %get3A_976 = arith.constant 16 : index
              %get3A_977 = tpu.vector_load %arg15[%get3A_975, %get3A_976] {strides = array<i32>} : memref<128x128xf32, #tpu.memory_space<vmem>>, vector<16xf32>,
              %mul3A_978 = arith.mulf %get3A_972, %get3A_977 : vector<16xf32>
              %add3A_979 = arith.constant 1 : i32
              %add3A_980 = arith.addi %add3A_888, %add3A_979 : i32
              %swap3A_981 = arith.index_cast %add3A_980 : i32 to index
              %swap3A_982 = arith.constant 16 : index
              %swap3A_983 = tpu.vector_load %arg16[%swap3A_981, %swap3A_982] {strides = array<i32>} : memref<128x128xf32, #tpu.memory_space<vmem>>, vector<16xf32>,
              tpu.vector_store %arg16[%swap3A_981, %swap3A_982], %mul3A_978 {strides = array<i32>} : memref<128x128xf32, #tpu.memory_space<vmem>>, vector<16xf32>,
              %add3A_984 = arith.constant 1 : i32
              %add3A_985 = arith.addi %add3A_888, %add3A_984 : i32
              %get3A_986 = arith.index_cast %add3A_985 : i32 to index
              %get3A_987 = arith.constant 32 : index
              %get3A_988 = tpu.vector_load %arg14[%get3A_986, %get3A_987] {strides = array<i32>} : memref<128x128xf32, #tpu.memory_space<vmem>>, vector<16xf32>,
              %add3A_989 = arith.constant 1 : i32
              %add3A_990 = arith.addi %add3A_888, %add3A_989 : i32
              %get3A_991 = arith.index_cast %add3A_990 : i32 to index
              %get3A_992 = arith.constant 32 : index
              %get3A_993 = tpu.vector_load %arg15[%get3A_991, %get3A_992] {strides = array<i32>} : memref<128x128xf32, #tpu.memory_space<vmem>>, vector<16xf32>,
              %mul3A_994 = arith.mulf %get3A_988, %get3A_993 : vector<16xf32>
              %add3A_995 = arith.constant 1 : i32
              %add3A_996 = arith.addi %add3A_888, %add3A_995 : i32
              %swap3A_997 = arith.index_cast %add3A_996 : i32 to index
              %swap3A_998 = arith.constant 32 : index
              %swap3A_999 = tpu.vector_load %arg16[%swap3A_997, %swap3A_998] {strides = array<i32>} : memref<128x128xf32, #tpu.memory_space<vmem>>, vector<16xf32>,
              tpu.vector_store %arg16[%swap3A_997, %swap3A_998], %mul3A_994 {strides = array<i32>} : memref<128x128xf32, #tpu.memory_space<vmem>>, vector<16xf32>,
              %add3A_1000 = arith.constant 1 : i32
              %add3A_1001 = arith.addi %add3A_888, %add3A_1000 : i32
              %get3A_1002 = arith.index_cast %add3A_1001 : i32 to index
              %get3A_1003 = arith.constant 48 : index
              %get3A_1004 = tpu.vector_load %arg14[%get3A_1002, %get3A_1003] {strides = array<i32>} : memref<128x128xf32, #tpu.memory_space<vmem>>, vector<16xf32>,
              %add3A_1005 = arith.constant 1 : i32
              %add3A_1006 = arith.addi %add3A_888, %add3A_1005 : i32
              %get3A_1007 = arith.index_cast %add3A_1006 : i32 to index
              %get3A_1008 = arith.constant 48 : index
              %get3A_1009 = tpu.vector_load %arg15[%get3A_1007, %get3A_1008] {strides = array<i32>} : memref<128x128xf32, #tpu.memory_space<vmem>>, vector<16xf32>,
              %mul3A_1010 = arith.mulf %get3A_1004, %get3A_1009 : vector<16xf32>
              %add3A_1011 = arith.constant 1 : i32
              %add3A_1012 = arith.addi %add3A_888, %add3A_1011 : i32
              %swap3A_1013 = arith.index_cast %add3A_1012 : i32 to index
              %swap3A_1014 = arith.constant 48 : index
              %swap3A_1015 = tpu.vector_load %arg16[%swap3A_1013, %swap3A_1014] {strides = array<i32>} : memref<128x128xf32, #tpu.memory_space<vmem>>, vector<16xf32>,
              tpu.vector_store %arg16[%swap3A_1013, %swap3A_1014], %mul3A_1010 {strides = array<i32>} : memref<128x128xf32, #tpu.memory_space<vmem>>, vector<16xf32>,
              %add3A_1016 = arith.constant 2 : i32
              %add3A_1017 = arith.addi %add3A_888, %add3A_1016 : i32
              %get3A_1018 = arith.index_cast %add3A_1017 : i32 to index
              %get3A_1019 = arith.constant 0 : index
              %get3A_1020 = tpu.vector_load %arg14[%get3A_1018, %get3A_1019] {strides = array<i32>} : memref<128x128xf32, #tpu.memory_space<vmem>>, vector<16xf32>,
              %add3A_1021 = arith.constant 2 : i32
              %add3A_1022 = arith.addi %add3A_888, %add3A_1021 : i32
              %get3A_1023 = arith.index_cast %add3A_1022 : i32 to index
              %get3A_1024 = arith.constant 0 : index
              %get3A_1025 = tpu.vector_load %arg15[%get3A_1023, %get3A_1024] {strides = array<i32>} : memref<128x128xf32, #tpu.memory_space<vmem>>, vector<16xf32>,
              %mul3A_1026 = arith.mulf %get3A_1020, %get3A_1025 : vector<16xf32>
              %add3A_1027 = arith.constant 2 : i32
              %add3A_1028 = arith.addi %add3A_888, %add3A_1027 : i32
              %swap3A_1029 = arith.index_cast %add3A_1028 : i32 to index
              %swap3A_1030 = arith.constant 0 : index
              %swap3A_1031 = tpu.vector_load %arg16[%swap3A_1029, %swap3A_1030] {strides = array<i32>} : memref<128x128xf32, #tpu.memory_space<vmem>>, vector<16xf32>,
              tpu.vector_store %arg16[%swap3A_1029, %swap3A_1030], %mul3A_1026 {strides = array<i32>} : memref<128x128xf32, #tpu.memory_space<vmem>>, vector<16xf32>,
              %add3A_1032 = arith.constant 2 : i32
              %add3A_1033 = arith.addi %add3A_888, %add3A_1032 : i32
              %get3A_1034 = arith.index_cast %add3A_1033 : i32 to index
              %get3A_1035 = arith.constant 16 : index
              %get3A_1036 = tpu.vector_load %arg14[%get3A_1034, %get3A_1035] {strides = array<i32>} : memref<128x128xf32, #tpu.memory_space<vmem>>, vector<16xf32>,
              %add3A_1037 = arith.constant 2 : i32
              %add3A_1038 = arith.addi %add3A_888, %add3A_1037 : i32
              %get3A_1039 = arith.index_cast %add3A_1038 : i32 to index
              %get3A_1040 = arith.constant 16 : index
              %get3A_1041 = tpu.vector_load %arg15[%get3A_1039, %get3A_1040] {strides = array<i32>} : memref<128x128xf32, #tpu.memory_space<vmem>>, vector<16xf32>,
              %mul3A_1042 = arith.mulf %get3A_1036, %get3A_1041 : vector<16xf32>
              %add3A_1043 = arith.constant 2 : i32
              %add3A_1044 = arith.addi %add3A_888, %add3A_1043 : i32
              %swap3A_1045 = arith.index_cast %add3A_1044 : i32 to index
              %swap3A_1046 = arith.constant 16 : index
              %swap3A_1047 = tpu.vector_load %arg16[%swap3A_1045, %swap3A_1046] {strides = array<i32>} : memref<128x128xf32, #tpu.memory_space<vmem>>, vector<16xf32>,
              tpu.vector_store %arg16[%swap3A_1045, %swap3A_1046], %mul3A_1042 {strides = array<i32>} : memref<128x128xf32, #tpu.memory_space<vmem>>, vector<16xf32>,
              %add3A_1048 = arith.constant 2 : i32
              %add3A_1049 = arith.addi %add3A_888, %add3A_1048 : i32
              %get3A_1050 = arith.index_cast %add3A_1049 : i32 to index
              %get3A_1051 = arith.constant 32 : index
              %get3A_1052 = tpu.vector_load %arg14[%get3A_1050, %get3A_1051] {strides = array<i32>} : memref<128x128xf32, #tpu.memory_space<vmem>>, vector<16xf32>,
              %add3A_1053 = arith.constant 2 : i32
              %add3A_1054 = arith.addi %add3A_888, %add3A_1053 : i32
              %get3A_1055 = arith.index_cast %add3A_1054 : i32 to index
              %get3A_1056 = arith.constant 32 : index
              %get3A_1057 = tpu.vector_load %arg15[%get3A_1055, %get3A_1056] {strides = array<i32>} : memref<128x128xf32, #tpu.memory_space<vmem>>, vector<16xf32>,
              %mul3A_1058 = arith.mulf %get3A_1052, %get3A_1057 : vector<16xf32>
              %add3A_1059 = arith.constant 2 : i32
              %add3A_1060 = arith.addi %add3A_888, %add3A_1059 : i32
              %swap3A_1061 = arith.index_cast %add3A_1060 : i32 to index
              %swap3A_1062 = arith.constant 32 : index
              %swap3A_1063 = tpu.vector_load %arg16[%swap3A_1061, %swap3A_1062] {strides = array<i32>} : memref<128x128xf32, #tpu.memory_space<vmem>>, vector<16xf32>,
              tpu.vector_store %arg16[%swap3A_1061, %swap3A_1062], %mul3A_1058 {strides = array<i32>} : memref<128x128xf32, #tpu.memory_space<vmem>>, vector<16xf32>,
              %add3A_1064 = arith.constant 2 : i32
              %add3A_1065 = arith.addi %add3A_888, %add3A_1064 : i32
              %get3A_1066 = arith.index_cast %add3A_1065 : i32 to index
              %get3A_1067 = arith.constant 48 : index
              %get3A_1068 = tpu.vector_load %arg14[%get3A_1066, %get3A_1067] {strides = array<i32>} : memref<128x128xf32, #tpu.memory_space<vmem>>, vector<16xf32>,
              %add3A_1069 = arith.constant 2 : i32
              %add3A_1070 = arith.addi %add3A_888, %add3A_1069 : i32
              %get3A_1071 = arith.index_cast %add3A_1070 : i32 to index
              %get3A_1072 = arith.constant 48 : index
              %get3A_1073 = tpu.vector_load %arg15[%get3A_1071, %get3A_1072] {strides = array<i32>} : memref<128x128xf32, #tpu.memory_space<vmem>>, vector<16xf32>,
              %mul3A_1074 = arith.mulf %get3A_1068, %get3A_1073 : vector<16xf32>
              %add3A_1075 = arith.constant 2 : i32
              %add3A_1076 = arith.addi %add3A_888, %add3A_1075 : i32
              %swap3A_1077 = arith.index_cast %add3A_1076 : i32 to index
              %swap3A_1078 = arith.constant 48 : index
              %swap3A_1079 = tpu.vector_load %arg16[%swap3A_1077, %swap3A_1078] {strides = array<i32>} : memref<128x128xf32, #tpu.memory_space<vmem>>, vector<16xf32>,
              tpu.vector_store %arg16[%swap3A_1077, %swap3A_1078], %mul3A_1074 {strides = array<i32>} : memref<128x128xf32, #tpu.memory_space<vmem>>, vector<16xf32>,
              %add3A_1080 = arith.constant 3 : i32
              %add3A_1081 = arith.addi %add3A_888, %add3A_1080 : i32
              %get3A_1082 = arith.index_cast %add3A_1081 : i32 to index
              %get3A_1083 = arith.constant 0 : index
              %get3A_1084 = tpu.vector_load %arg14[%get3A_1082, %get3A_1083] {strides = array<i32>} : memref<128x128xf32, #tpu.memory_space<vmem>>, vector<16xf32>,
              %add3A_1085 = arith.constant 3 : i32
              %add3A_1086 = arith.addi %add3A_888, %add3A_1085 : i32
              %get3A_1087 = arith.index_cast %add3A_1086 : i32 to index
              %get3A_1088 = arith.constant 0 : index
              %get3A_1089 = tpu.vector_load %arg15[%get3A_1087, %get3A_1088] {strides = array<i32>} : memref<128x128xf32, #tpu.memory_space<vmem>>, vector<16xf32>,
              %mul3A_1090 = arith.mulf %get3A_1084, %get3A_1089 : vector<16xf32>
              %add3A_1091 = arith.constant 3 : i32
              %add3A_1092 = arith.addi %add3A_888, %add3A_1091 : i32
              %swap3A_1093 = arith.index_cast %add3A_1092 : i32 to index
              %swap3A_1094 = arith.constant 0 : index
              %swap3A_1095 = tpu.vector_load %arg16[%swap3A_1093, %swap3A_1094] {strides = array<i32>} : memref<128x128xf32, #tpu.memory_space<vmem>>, vector<16xf32>,
              tpu.vector_store %arg16[%swap3A_1093, %swap3A_1094], %mul3A_1090 {strides = array<i32>} : memref<128x128xf32, #tpu.memory_space<vmem>>, vector<16xf32>,
              %add3A_1096 = arith.constant 3 : i32
              %add3A_1097 = arith.addi %add3A_888, %add3A_1096 : i32
              %get3A_1098 = arith.index_cast %add3A_1097 : i32 to index
              %get3A_1099 = arith.constant 16 : index
              %get3A_1100 = tpu.vector_load %arg14[%get3A_1098, %get3A_1099] {strides = array<i32>} : memref<128x128xf32, #tpu.memory_space<vmem>>, vector<16xf32>,
              %add3A_1101 = arith.constant 3 : i32
              %add3A_1102 = arith.addi %add3A_888, %add3A_1101 : i32
              %get3A_1103 = arith.index_cast %add3A_1102 : i32 to index
              %get3A_1104 = arith.constant 16 : index
              %get3A_1105 = tpu.vector_load %arg15[%get3A_1103, %get3A_1104] {strides = array<i32>} : memref<128x128xf32, #tpu.memory_space<vmem>>, vector<16xf32>,
              %mul3A_1106 = arith.mulf %get3A_1100, %get3A_1105 : vector<16xf32>
              %add3A_1107 = arith.constant 3 : i32
              %add3A_1108 = arith.addi %add3A_888, %add3A_1107 : i32
              %swap3A_1109 = arith.index_cast %add3A_1108 : i32 to index
              %swap3A_1110 = arith.constant 16 : index
              %swap3A_1111 = tpu.vector_load %arg16[%swap3A_1109, %swap3A_1110] {strides = array<i32>} : memref<128x128xf32, #tpu.memory_space<vmem>>, vector<16xf32>,
              tpu.vector_store %arg16[%swap3A_1109, %swap3A_1110], %mul3A_1106 {strides = array<i32>} : memref<128x128xf32, #tpu.memory_space<vmem>>, vector<16xf32>,
              %add3A_1112 = arith.constant 3 : i32
              %add3A_1113 = arith.addi %add3A_888, %add3A_1112 : i32
              %get3A_1114 = arith.index_cast %add3A_1113 : i32 to index
              %get3A_1115 = arith.constant 32 : index
              %get3A_1116 = tpu.vector_load %arg14[%get3A_1114, %get3A_1115] {strides = array<i32>} : memref<128x128xf32, #tpu.memory_space<vmem>>, vector<16xf32>,
              %add3A_1117 = arith.constant 3 : i32
              %add3A_1118 = arith.addi %add3A_888, %add3A_1117 : i32
              %get3A_1119 = arith.index_cast %add3A_1118 : i32 to index
              %get3A_1120 = arith.constant 32 : index
              %get3A_1121 = tpu.vector_load %arg15[%get3A_1119, %get3A_1120] {strides = array<i32>} : memref<128x128xf32, #tpu.memory_space<vmem>>, vector<16xf32>,
              %mul3A_1122 = arith.mulf %get3A_1116, %get3A_1121 : vector<16xf32>
              %add3A_1123 = arith.constant 3 : i32
              %add3A_1124 = arith.addi %add3A_888, %add3A_1123 : i32
              %swap3A_1125 = arith.index_cast %add3A_1124 : i32 to index
              %swap3A_1126 = arith.constant 32 : index
              %swap3A_1127 = tpu.vector_load %arg16[%swap3A_1125, %swap3A_1126] {strides = array<i32>} : memref<128x128xf32, #tpu.memory_space<vmem>>, vector<16xf32>,
              tpu.vector_store %arg16[%swap3A_1125, %swap3A_1126], %mul3A_1122 {strides = array<i32>} : memref<128x128xf32, #tpu.memory_space<vmem>>, vector<16xf32>,
              %add3A_1128 = arith.constant 3 : i32
              %add3A_1129 = arith.addi %add3A_888, %add3A_1128 : i32
              %get3A_1130 = arith.index_cast %add3A_1129 : i32 to index
              %get3A_1131 = arith.constant 48 : index
              %get3A_1132 = tpu.vector_load %arg14[%get3A_1130, %get3A_1131] {strides = array<i32>} : memref<128x128xf32, #tpu.memory_space<vmem>>, vector<16xf32>,
              %add3A_1133 = arith.constant 3 : i32
              %add3A_1134 = arith.addi %add3A_888, %add3A_1133 : i32
              %get3A_1135 = arith.index_cast %add3A_1134 : i32 to index
              %get3A_1136 = arith.constant 48 : index
              %get3A_1137 = tpu.vector_load %arg15[%get3A_1135, %get3A_1136] {strides = array<i32>} : memref<128x128xf32, #tpu.memory_space<vmem>>, vector<16xf32>,
              %mul3A_1138 = arith.mulf %get3A_1132, %get3A_1137 : vector<16xf32>
              %add3A_1139 = arith.constant 3 : i32
              %add3A_1140 = arith.addi %add3A_888, %add3A_1139 : i32
              %swap3A_1141 = arith.index_cast %add3A_1140 : i32 to index
              %swap3A_1142 = arith.constant 48 : index
              %swap3A_1143 = tpu.vector_load %arg16[%swap3A_1141, %swap3A_1142] {strides = array<i32>} : memref<128x128xf32, #tpu.memory_space<vmem>>, vector<16xf32>,
              tpu.vector_store %arg16[%swap3A_1141, %swap3A_1142], %mul3A_1138 {strides = array<i32>} : memref<128x128xf32, #tpu.memory_space<vmem>>, vector<16xf32>,
            }
            %scan3A_877 = arith.constant 32 : i32
            %dma_start3A_878 = arith.constant 0 : i32
            %dma_start3A_879 = tpu.memref_slice %arg13[%select_n3A_855, %dma_start3A_878] : memref<4x128xi32, #tpu.memory_space<vmem>> -> memref<1x128xi32, #tpu.memory_space<vmem>>
            %dma_start3A_880 = tpu.memref_squeeze %dma_start3A_879 : memref<1x128xi32, #tpu.memory_space<vmem>> -> memref<128xi32, #tpu.memory_space<vmem>>
            %dma_start3A_881 = arith.constant 0 : i32
            %dma_start3A_882 = arith.constant 0 : i32
            %dma_start3A_883 = tpu.memref_slice %arg18[%dma_start3A_881, %dma_start3A_882] : memref<8200x128xf32, #tpu.memory_space<vmem_shared>> -> memref<8200x128xf32, #tpu.memory_space<vmem_shared>>
            tpu.enqueue_indirect_dma source(%arg16 : memref<128x128xf32, #tpu.memory_space<vmem>>) target(%dma_start3A_883 : memref<8200x128xf32, #tpu.memory_space<vmem_shared>>) offsets(%dma_start3A_880 : memref<128xi32, #tpu.memory_space<vmem>>) semaphore(%arg21 : memref<!tpu.dma_semaphore, #tpu.memory_space<semaphore_mem>>) {add = true}
          } else {
          }
          %select_n3A_806 = arith.constant 0 : i32
          %select_n3A_807 = arith.select %ge3A_798, %sub3A_799, %select_n3A_806 : i32
          %add3A_808 = arith.addi %scan3A_400, %select_n3A_807 : i32
          %convert_element_type3A_809 = arith.extui %ge3A_798 : i1 to i32
          %cond3A_810 = arith.constant 0 : i32
          %cond3A_811 = arith.cmpi ne, %convert_element_type3A_809, %cond3A_810 : i32
          scf.if %cond3A_811 {
            %jit3A_816 = arith.constant 128 : i32
            %div3A_817 = arith.divsi %scan3A_399, %jit3A_816 : i32
            %sign3A_818 = arith.constant 0 : i32
            %sign3A_819 = arith.cmpi sgt, %scan3A_399, %sign3A_818 : i32
            %sign3A_820 = arith.extui %sign3A_819 : i1 to i32
            %sign3A_821 = arith.constant 0 : i32
            %sign3A_822 = arith.cmpi slt, %scan3A_399, %sign3A_821 : i32
            %sign3A_823 = arith.extui %sign3A_822 : i1 to i32
            %sign3A_824 = arith.subi %sign3A_820, %sign3A_823 : i32
            %sign3A_825 = arith.constant 0 : i32
            %sign3A_826 = arith.cmpi sgt, %jit3A_816, %sign3A_825 : i32
            %sign3A_827 = arith.extui %sign3A_826 : i1 to i32
            %sign3A_828 = arith.constant 0 : i32
            %sign3A_829 = arith.cmpi slt, %jit3A_816, %sign3A_828 : i32
            %sign3A_830 = arith.extui %sign3A_829 : i1 to i32
            %sign3A_831 = arith.subi %sign3A_827, %sign3A_830 : i32
            %ne3A_832 = arith.cmpi ne, %sign3A_824, %sign3A_831 : i32
            %rem3A_833 = arith.remsi %scan3A_399, %jit3A_816 : i32
            %ne3A_834 = arith.constant 0 : i32
            %ne3A_835 = arith.cmpi ne, %rem3A_833, %ne3A_834 : i32
            %and3A_836 = arith.andi %ne3A_832, %ne3A_835 : i1
            %sub3A_837 = arith.constant 1 : i32
            %sub3A_838 = arith.subi %div3A_817, %sub3A_837 : i32
            %select_n3A_839 = arith.select %and3A_836, %sub3A_838, %div3A_817 : i32
            %jit3A_840 = arith.constant 4 : i32
            %eq3A_841 = arith.constant 0 : i32
            %eq3A_842 = arith.cmpi eq, %jit3A_840, %eq3A_841 : i32
            %jit3A_843 = arith.constant 1 : i32
            %select_n3A_844 = arith.select %eq3A_842, %jit3A_843, %jit3A_840 : i32
            %rem3A_845 = arith.remsi %select_n3A_839, %select_n3A_844 : i32
            %ne3A_846 = arith.constant 0 : i32
            %ne3A_847 = arith.cmpi ne, %rem3A_845, %ne3A_846 : i32
            %lt3A_848 = arith.constant 0 : i32
            %lt3A_849 = arith.cmpi slt, %rem3A_845, %lt3A_848 : i32
            %lt3A_850 = arith.constant 0 : i32
            %lt3A_851 = arith.cmpi slt, %select_n3A_844, %lt3A_850 : i32
            %ne3A_852 = arith.xori %lt3A_849, %lt3A_851 : i1
            %and3A_853 = arith.andi %ne3A_852, %ne3A_847 : i1
            %add3A_854 = arith.addi %rem3A_845, %select_n3A_844 : i32
            %select_n3A_855 = arith.select %and3A_853, %add3A_854, %rem3A_845 : i32
            %dma_start3A_856 = arith.constant 0 : i32
            %dma_start3A_857 = tpu.memref_slice %arg11[%select_n3A_855, %dma_start3A_856] : memref<4x128xi32, #tpu.memory_space<vmem>> -> memref<1x128xi32, #tpu.memory_space<vmem>>
            %dma_start3A_858 = tpu.memref_squeeze %dma_start3A_857 : memref<1x128xi32, #tpu.memory_space<vmem>> -> memref<128xi32, #tpu.memory_space<vmem>>
            %dma_start3A_859 = arith.constant 0 : i32
            %dma_start3A_860 = arith.constant 0 : i32
            %dma_start3A_861 = tpu.memref_slice %arg2[%dma_start3A_859, %dma_start3A_860] : memref<960000x128xf32, #tpu.memory_space<hbm>> -> memref<960000x128xf32, #tpu.memory_space<hbm>>
            tpu.enqueue_indirect_dma source(%dma_start3A_861 : memref<960000x128xf32, #tpu.memory_space<hbm>>) target(%arg14 : memref<128x128xf32, #tpu.memory_space<vmem>>) offsets(%dma_start3A_858 : memref<128xi32, #tpu.memory_space<vmem>>) semaphore(%arg20 : memref<!tpu.dma_semaphore, #tpu.memory_space<semaphore_mem>>)
            %dma_start3A_862 = arith.constant 0 : i32
            %dma_start3A_863 = tpu.memref_slice %arg12[%select_n3A_855, %dma_start3A_862] : memref<4x128xi32, #tpu.memory_space<vmem>> -> memref<1x128xi32, #tpu.memory_space<vmem>>
            %dma_start3A_864 = tpu.memref_squeeze %dma_start3A_863 : memref<1x128xi32, #tpu.memory_space<vmem>> -> memref<128xi32, #tpu.memory_space<vmem>>
            %dma_start3A_865 = arith.constant 0 : i32
            %dma_start3A_866 = arith.constant 0 : i32
            %dma_start3A_867 = tpu.memref_slice %arg3[%dma_start3A_865, %dma_start3A_866] : memref<320000x128xf32, #tpu.memory_space<hbm>> -> memref<320000x128xf32, #tpu.memory_space<hbm>>
            tpu.enqueue_indirect_dma source(%dma_start3A_867 : memref<320000x128xf32, #tpu.memory_space<hbm>>) target(%arg15 : memref<128x128xf32, #tpu.memory_space<vmem>>) offsets(%dma_start3A_864 : memref<128xi32, #tpu.memory_space<vmem>>) semaphore(%arg20 : memref<!tpu.dma_semaphore, #tpu.memory_space<semaphore_mem>>)
          } else {
          }
          %select_n3A_812 = arith.constant 0 : i32
          %select_n3A_813 = arith.constant 128 : i32
          %select_n3A_814 = arith.select %ge3A_798, %select_n3A_813, %select_n3A_812 : i32
          %add3A_815 = arith.addi %scan3A_399, %select_n3A_814 : i32
          scf.yield %add3A_787, %add3A_815, %add3A_808 : vector<16xi32>, i32, i32
        }
        %scan3A_396 = arith.constant 16 : i32
        scf.yield %scan3A_395#0, %scan3A_395#1, %scan3A_395#2 : vector<16xi32>, i32, i32
      }
      %scan3A_297 = arith.constant 15 : i32
      %sub3A = arith.subi %scan3A_296#1, %scan3A_296#2 : i32
      %gt3A = arith.constant 0 : i32
      %gt3A_298 = arith.cmpi sgt, %sub3A, %gt3A : i32
      %convert_element_type3A_299 = arith.extui %gt3A_298 : i1 to i32
      %cond3A_300 = arith.constant 0 : i32
      %cond3A_301 = arith.cmpi ne, %convert_element_type3A_299, %cond3A_300 : i32
      scf.if %cond3A_301 {
        %jit3A_349 = arith.constant 128 : i32
        %div3A_350 = arith.divsi %scan3A_296#2, %jit3A_349 : i32
        %sign3A_351 = arith.constant 0 : i32
        %sign3A_352 = arith.cmpi sgt, %scan3A_296#2, %sign3A_351 : i32
        %sign3A_353 = arith.extui %sign3A_352 : i1 to i32
        %sign3A_354 = arith.constant 0 : i32
        %sign3A_355 = arith.cmpi slt, %scan3A_296#2, %sign3A_354 : i32
        %sign3A_356 = arith.extui %sign3A_355 : i1 to i32
        %sign3A_357 = arith.subi %sign3A_353, %sign3A_356 : i32
        %sign3A_358 = arith.constant 0 : i32
        %sign3A_359 = arith.cmpi sgt, %jit3A_349, %sign3A_358 : i32
        %sign3A_360 = arith.extui %sign3A_359 : i1 to i32
        %sign3A_361 = arith.constant 0 : i32
        %sign3A_362 = arith.cmpi slt, %jit3A_349, %sign3A_361 : i32
        %sign3A_363 = arith.extui %sign3A_362 : i1 to i32
        %sign3A_364 = arith.subi %sign3A_360, %sign3A_363 : i32
        %ne3A_365 = arith.cmpi ne, %sign3A_357, %sign3A_364 : i32
        %rem3A_366 = arith.remsi %scan3A_296#2, %jit3A_349 : i32
        %ne3A_367 = arith.constant 0 : i32
        %ne3A_368 = arith.cmpi ne, %rem3A_366, %ne3A_367 : i32
        %and3A_369 = arith.andi %ne3A_365, %ne3A_368 : i1
        %sub3A_370 = arith.constant 1 : i32
        %sub3A_371 = arith.subi %div3A_350, %sub3A_370 : i32
        %select_n3A_372 = arith.select %and3A_369, %sub3A_371, %div3A_350 : i32
        %jit3A_373 = arith.constant 4 : i32
        %eq3A_374 = arith.constant 0 : i32
        %eq3A_375 = arith.cmpi eq, %jit3A_373, %eq3A_374 : i32
        %jit3A_376 = arith.constant 1 : i32
        %select_n3A_377 = arith.select %eq3A_375, %jit3A_376, %jit3A_373 : i32
        %rem3A_378 = arith.remsi %select_n3A_372, %select_n3A_377 : i32
        %ne3A_379 = arith.constant 0 : i32
        %ne3A_380 = arith.cmpi ne, %rem3A_378, %ne3A_379 : i32
        %lt3A_381 = arith.constant 0 : i32
        %lt3A_382 = arith.cmpi slt, %rem3A_378, %lt3A_381 : i32
        %lt3A_383 = arith.constant 0 : i32
        %lt3A_384 = arith.cmpi slt, %select_n3A_377, %lt3A_383 : i32
        %ne3A_385 = arith.xori %lt3A_382, %lt3A_384 : i1
        %and3A_386 = arith.andi %ne3A_385, %ne3A_380 : i1
        %add3A_387 = arith.addi %rem3A_378, %select_n3A_377 : i32
        %select_n3A_388 = arith.select %and3A_386, %add3A_387, %rem3A_378 : i32
        %dma_wait3A_389 = arith.constant 0 : i32
        %dma_wait3A_390 = arith.constant 0 : i32
        %dma_wait3A_391 = tpu.memref_slice %arg2[%dma_wait3A_389, %dma_wait3A_390] : memref<960000x128xf32, #tpu.memory_space<hbm>> -> memref<128x128xf32, #tpu.memory_space<hbm>>
        %dma_wait3A_392 = arith.constant 0 : i32
        %dma_wait3A_393 = arith.constant 0 : i32
        %dma_wait3A_394 = tpu.memref_slice %arg2[%dma_wait3A_392, %dma_wait3A_393] : memref<960000x128xf32, #tpu.memory_space<hbm>> -> memref<128x128xf32, #tpu.memory_space<hbm>>
        tpu.wait_dma2 semaphore(%arg20 : memref<!tpu.dma_semaphore, #tpu.memory_space<semaphore_mem>>) src(%dma_wait3A_394 : memref<128x128xf32, #tpu.memory_space<hbm>>) dst(%arg14 : memref<128x128xf32, #tpu.memory_space<vmem>>)
        %dma_wait3A_395 = arith.constant 0 : i32
        %dma_wait3A_396 = arith.constant 0 : i32
        %dma_wait3A_397 = tpu.memref_slice %arg3[%dma_wait3A_395, %dma_wait3A_396] : memref<320000x128xf32, #tpu.memory_space<hbm>> -> memref<128x128xf32, #tpu.memory_space<hbm>>
        %dma_wait3A_398 = arith.constant 0 : i32
        %dma_wait3A_399 = arith.constant 0 : i32
        %dma_wait3A_400 = tpu.memref_slice %arg3[%dma_wait3A_398, %dma_wait3A_399] : memref<320000x128xf32, #tpu.memory_space<hbm>> -> memref<128x128xf32, #tpu.memory_space<hbm>>
        tpu.wait_dma2 semaphore(%arg20 : memref<!tpu.dma_semaphore, #tpu.memory_space<semaphore_mem>>) src(%dma_wait3A_400 : memref<128x128xf32, #tpu.memory_space<hbm>>) dst(%arg15 : memref<128x128xf32, #tpu.memory_space<vmem>>)
        %ge3A_401 = arith.constant 1 : i32
        %ge3A_402 = arith.cmpi sge, %select_n3A_372, %ge3A_401 : i32
        %convert_element_type3A_403 = arith.extui %ge3A_402 : i1 to i32
        %cond3A_404 = arith.constant 0 : i32
        %cond3A_405 = arith.cmpi ne, %convert_element_type3A_403, %cond3A_404 : i32
        scf.if %cond3A_405 {
          %dma_wait3A_417 = arith.constant 0 : i32
          %dma_wait3A_418 = arith.constant 0 : i32
          %dma_wait3A_419 = tpu.memref_slice %arg6[%dma_wait3A_417, %dma_wait3A_418] : memref<327680x128xf32, #tpu.memory_space<hbm>> -> memref<128x128xf32, #tpu.memory_space<hbm>>
          %dma_wait3A_420 = arith.constant 0 : i32
          %dma_wait3A_421 = arith.constant 0 : i32
          %dma_wait3A_422 = tpu.memref_slice %arg6[%dma_wait3A_420, %dma_wait3A_421] : memref<327680x128xf32, #tpu.memory_space<hbm>> -> memref<128x128xf32, #tpu.memory_space<hbm>>
          tpu.wait_dma2 semaphore(%arg21 : memref<!tpu.dma_semaphore, #tpu.memory_space<semaphore_mem>>) src(%dma_wait3A_422 : memref<128x128xf32, #tpu.memory_space<hbm>>) dst(%arg16 : memref<128x128xf32, #tpu.memory_space<vmem>>)
        } else {
        }
        %scan3A_406 = arith.constant 0 : i32
        %scan3A_407 = arith.constant 32 : i32
        %scan3A_408 = arith.addi %scan3A_406, %scan3A_407 : i32
        %scan3A_409 = arith.constant 1 : i32
        scf.for %scan3A_417 = %scan3A_406 to %scan3A_408 step %scan3A_409  : i32 {
          %mul3A_418 = arith.constant 4 : i32
          %mul3A_419 = arith.muli %scan3A_417, %mul3A_418 : i32
          %add3A_420 = arith.constant 0 : i32
          %add3A_421 = arith.addi %add3A_420, %mul3A_419 : i32
          %add3A_422 = arith.constant 0 : i32
          %add3A_423 = arith.addi %add3A_421, %add3A_422 : i32
          %get3A = arith.index_cast %add3A_423 : i32 to index
          %get3A_424 = arith.constant 0 : index
          %get3A_425 = tpu.vector_load %arg14[%get3A, %get3A_424] {strides = array<i32>} : memref<128x128xf32, #tpu.memory_space<vmem>>, vector<16xf32>,
          %add3A_426 = arith.constant 0 : i32
          %add3A_427 = arith.addi %add3A_421, %add3A_426 : i32
          %get3A_428 = arith.index_cast %add3A_427 : i32 to index
          %get3A_429 = arith.constant 0 : index
          %get3A_430 = tpu.vector_load %arg15[%get3A_428, %get3A_429] {strides = array<i32>} : memref<128x128xf32, #tpu.memory_space<vmem>>, vector<16xf32>,
          %mul3A_431 = arith.mulf %get3A_425, %get3A_430 : vector<16xf32>
          %add3A_432 = arith.constant 0 : i32
          %add3A_433 = arith.addi %add3A_421, %add3A_432 : i32
          %swap3A = arith.index_cast %add3A_433 : i32 to index
          %swap3A_434 = arith.constant 0 : index
          %swap3A_435 = tpu.vector_load %arg16[%swap3A, %swap3A_434] {strides = array<i32>} : memref<128x128xf32, #tpu.memory_space<vmem>>, vector<16xf32>,
          tpu.vector_store %arg16[%swap3A, %swap3A_434], %mul3A_431 {strides = array<i32>} : memref<128x128xf32, #tpu.memory_space<vmem>>, vector<16xf32>,
          %add3A_436 = arith.constant 0 : i32
          %add3A_437 = arith.addi %add3A_421, %add3A_436 : i32
          %get3A_438 = arith.index_cast %add3A_437 : i32 to index
          %get3A_439 = arith.constant 16 : index
          %get3A_440 = tpu.vector_load %arg14[%get3A_438, %get3A_439] {strides = array<i32>} : memref<128x128xf32, #tpu.memory_space<vmem>>, vector<16xf32>,
          %add3A_441 = arith.constant 0 : i32
          %add3A_442 = arith.addi %add3A_421, %add3A_441 : i32
          %get3A_443 = arith.index_cast %add3A_442 : i32 to index
          %get3A_444 = arith.constant 16 : index
          %get3A_445 = tpu.vector_load %arg15[%get3A_443, %get3A_444] {strides = array<i32>} : memref<128x128xf32, #tpu.memory_space<vmem>>, vector<16xf32>,
          %mul3A_446 = arith.mulf %get3A_440, %get3A_445 : vector<16xf32>
          %add3A_447 = arith.constant 0 : i32
          %add3A_448 = arith.addi %add3A_421, %add3A_447 : i32
          %swap3A_449 = arith.index_cast %add3A_448 : i32 to index
          %swap3A_450 = arith.constant 16 : index
          %swap3A_451 = tpu.vector_load %arg16[%swap3A_449, %swap3A_450] {strides = array<i32>} : memref<128x128xf32, #tpu.memory_space<vmem>>, vector<16xf32>,
          tpu.vector_store %arg16[%swap3A_449, %swap3A_450], %mul3A_446 {strides = array<i32>} : memref<128x128xf32, #tpu.memory_space<vmem>>, vector<16xf32>,
          %add3A_452 = arith.constant 0 : i32
          %add3A_453 = arith.addi %add3A_421, %add3A_452 : i32
          %get3A_454 = arith.index_cast %add3A_453 : i32 to index
          %get3A_455 = arith.constant 32 : index
          %get3A_456 = tpu.vector_load %arg14[%get3A_454, %get3A_455] {strides = array<i32>} : memref<128x128xf32, #tpu.memory_space<vmem>>, vector<16xf32>,
          %add3A_457 = arith.constant 0 : i32
          %add3A_458 = arith.addi %add3A_421, %add3A_457 : i32
          %get3A_459 = arith.index_cast %add3A_458 : i32 to index
          %get3A_460 = arith.constant 32 : index
          %get3A_461 = tpu.vector_load %arg15[%get3A_459, %get3A_460] {strides = array<i32>} : memref<128x128xf32, #tpu.memory_space<vmem>>, vector<16xf32>,
          %mul3A_462 = arith.mulf %get3A_456, %get3A_461 : vector<16xf32>
          %add3A_463 = arith.constant 0 : i32
          %add3A_464 = arith.addi %add3A_421, %add3A_463 : i32
          %swap3A_465 = arith.index_cast %add3A_464 : i32 to index
          %swap3A_466 = arith.constant 32 : index
          %swap3A_467 = tpu.vector_load %arg16[%swap3A_465, %swap3A_466] {strides = array<i32>} : memref<128x128xf32, #tpu.memory_space<vmem>>, vector<16xf32>,
          tpu.vector_store %arg16[%swap3A_465, %swap3A_466], %mul3A_462 {strides = array<i32>} : memref<128x128xf32, #tpu.memory_space<vmem>>, vector<16xf32>,
          %add3A_468 = arith.constant 0 : i32
          %add3A_469 = arith.addi %add3A_421, %add3A_468 : i32
          %get3A_470 = arith.index_cast %add3A_469 : i32 to index
          %get3A_471 = arith.constant 48 : index
          %get3A_472 = tpu.vector_load %arg14[%get3A_470, %get3A_471] {strides = array<i32>} : memref<128x128xf32, #tpu.memory_space<vmem>>, vector<16xf32>,
          %add3A_473 = arith.constant 0 : i32
          %add3A_474 = arith.addi %add3A_421, %add3A_473 : i32
          %get3A_475 = arith.index_cast %add3A_474 : i32 to index
          %get3A_476 = arith.constant 48 : index
          %get3A_477 = tpu.vector_load %arg15[%get3A_475, %get3A_476] {strides = array<i32>} : memref<128x128xf32, #tpu.memory_space<vmem>>, vector<16xf32>,
          %mul3A_478 = arith.mulf %get3A_472, %get3A_477 : vector<16xf32>
          %add3A_479 = arith.constant 0 : i32
          %add3A_480 = arith.addi %add3A_421, %add3A_479 : i32
          %swap3A_481 = arith.index_cast %add3A_480 : i32 to index
          %swap3A_482 = arith.constant 48 : index
          %swap3A_483 = tpu.vector_load %arg16[%swap3A_481, %swap3A_482] {strides = array<i32>} : memref<128x128xf32, #tpu.memory_space<vmem>>, vector<16xf32>,
          tpu.vector_store %arg16[%swap3A_481, %swap3A_482], %mul3A_478 {strides = array<i32>} : memref<128x128xf32, #tpu.memory_space<vmem>>, vector<16xf32>,
          %add3A_484 = arith.constant 1 : i32
          %add3A_485 = arith.addi %add3A_421, %add3A_484 : i32
          %get3A_486 = arith.index_cast %add3A_485 : i32 to index
          %get3A_487 = arith.constant 0 : index
          %get3A_488 = tpu.vector_load %arg14[%get3A_486, %get3A_487] {strides = array<i32>} : memref<128x128xf32, #tpu.memory_space<vmem>>, vector<16xf32>,
          %add3A_489 = arith.constant 1 : i32
          %add3A_490 = arith.addi %add3A_421, %add3A_489 : i32
          %get3A_491 = arith.index_cast %add3A_490 : i32 to index
          %get3A_492 = arith.constant 0 : index
          %get3A_493 = tpu.vector_load %arg15[%get3A_491, %get3A_492] {strides = array<i32>} : memref<128x128xf32, #tpu.memory_space<vmem>>, vector<16xf32>,
          %mul3A_494 = arith.mulf %get3A_488, %get3A_493 : vector<16xf32>
          %add3A_495 = arith.constant 1 : i32
          %add3A_496 = arith.addi %add3A_421, %add3A_495 : i32
          %swap3A_497 = arith.index_cast %add3A_496 : i32 to index
          %swap3A_498 = arith.constant 0 : index
          %swap3A_499 = tpu.vector_load %arg16[%swap3A_497, %swap3A_498] {strides = array<i32>} : memref<128x128xf32, #tpu.memory_space<vmem>>, vector<16xf32>,
          tpu.vector_store %arg16[%swap3A_497, %swap3A_498], %mul3A_494 {strides = array<i32>} : memref<128x128xf32, #tpu.memory_space<vmem>>, vector<16xf32>,
          %add3A_500 = arith.constant 1 : i32
          %add3A_501 = arith.addi %add3A_421, %add3A_500 : i32
          %get3A_502 = arith.index_cast %add3A_501 : i32 to index
          %get3A_503 = arith.constant 16 : index
          %get3A_504 = tpu.vector_load %arg14[%get3A_502, %get3A_503] {strides = array<i32>} : memref<128x128xf32, #tpu.memory_space<vmem>>, vector<16xf32>,
          %add3A_505 = arith.constant 1 : i32
          %add3A_506 = arith.addi %add3A_421, %add3A_505 : i32
          %get3A_507 = arith.index_cast %add3A_506 : i32 to index
          %get3A_508 = arith.constant 16 : index
          %get3A_509 = tpu.vector_load %arg15[%get3A_507, %get3A_508] {strides = array<i32>} : memref<128x128xf32, #tpu.memory_space<vmem>>, vector<16xf32>,
          %mul3A_510 = arith.mulf %get3A_504, %get3A_509 : vector<16xf32>
          %add3A_511 = arith.constant 1 : i32
          %add3A_512 = arith.addi %add3A_421, %add3A_511 : i32
          %swap3A_513 = arith.index_cast %add3A_512 : i32 to index
          %swap3A_514 = arith.constant 16 : index
          %swap3A_515 = tpu.vector_load %arg16[%swap3A_513, %swap3A_514] {strides = array<i32>} : memref<128x128xf32, #tpu.memory_space<vmem>>, vector<16xf32>,
          tpu.vector_store %arg16[%swap3A_513, %swap3A_514], %mul3A_510 {strides = array<i32>} : memref<128x128xf32, #tpu.memory_space<vmem>>, vector<16xf32>,
          %add3A_516 = arith.constant 1 : i32
          %add3A_517 = arith.addi %add3A_421, %add3A_516 : i32
          %get3A_518 = arith.index_cast %add3A_517 : i32 to index
          %get3A_519 = arith.constant 32 : index
          %get3A_520 = tpu.vector_load %arg14[%get3A_518, %get3A_519] {strides = array<i32>} : memref<128x128xf32, #tpu.memory_space<vmem>>, vector<16xf32>,
          %add3A_521 = arith.constant 1 : i32
          %add3A_522 = arith.addi %add3A_421, %add3A_521 : i32
          %get3A_523 = arith.index_cast %add3A_522 : i32 to index
          %get3A_524 = arith.constant 32 : index
          %get3A_525 = tpu.vector_load %arg15[%get3A_523, %get3A_524] {strides = array<i32>} : memref<128x128xf32, #tpu.memory_space<vmem>>, vector<16xf32>,
          %mul3A_526 = arith.mulf %get3A_520, %get3A_525 : vector<16xf32>
          %add3A_527 = arith.constant 1 : i32
          %add3A_528 = arith.addi %add3A_421, %add3A_527 : i32
          %swap3A_529 = arith.index_cast %add3A_528 : i32 to index
          %swap3A_530 = arith.constant 32 : index
          %swap3A_531 = tpu.vector_load %arg16[%swap3A_529, %swap3A_530] {strides = array<i32>} : memref<128x128xf32, #tpu.memory_space<vmem>>, vector<16xf32>,
          tpu.vector_store %arg16[%swap3A_529, %swap3A_530], %mul3A_526 {strides = array<i32>} : memref<128x128xf32, #tpu.memory_space<vmem>>, vector<16xf32>,
          %add3A_532 = arith.constant 1 : i32
          %add3A_533 = arith.addi %add3A_421, %add3A_532 : i32
          %get3A_534 = arith.index_cast %add3A_533 : i32 to index
          %get3A_535 = arith.constant 48 : index
          %get3A_536 = tpu.vector_load %arg14[%get3A_534, %get3A_535] {strides = array<i32>} : memref<128x128xf32, #tpu.memory_space<vmem>>, vector<16xf32>,
          %add3A_537 = arith.constant 1 : i32
          %add3A_538 = arith.addi %add3A_421, %add3A_537 : i32
          %get3A_539 = arith.index_cast %add3A_538 : i32 to index
          %get3A_540 = arith.constant 48 : index
          %get3A_541 = tpu.vector_load %arg15[%get3A_539, %get3A_540] {strides = array<i32>} : memref<128x128xf32, #tpu.memory_space<vmem>>, vector<16xf32>,
          %mul3A_542 = arith.mulf %get3A_536, %get3A_541 : vector<16xf32>
          %add3A_543 = arith.constant 1 : i32
          %add3A_544 = arith.addi %add3A_421, %add3A_543 : i32
          %swap3A_545 = arith.index_cast %add3A_544 : i32 to index
          %swap3A_546 = arith.constant 48 : index
          %swap3A_547 = tpu.vector_load %arg16[%swap3A_545, %swap3A_546] {strides = array<i32>} : memref<128x128xf32, #tpu.memory_space<vmem>>, vector<16xf32>,
          tpu.vector_store %arg16[%swap3A_545, %swap3A_546], %mul3A_542 {strides = array<i32>} : memref<128x128xf32, #tpu.memory_space<vmem>>, vector<16xf32>,
          %add3A_548 = arith.constant 2 : i32
          %add3A_549 = arith.addi %add3A_421, %add3A_548 : i32
          %get3A_550 = arith.index_cast %add3A_549 : i32 to index
          %get3A_551 = arith.constant 0 : index
          %get3A_552 = tpu.vector_load %arg14[%get3A_550, %get3A_551] {strides = array<i32>} : memref<128x128xf32, #tpu.memory_space<vmem>>, vector<16xf32>,
          %add3A_553 = arith.constant 2 : i32
          %add3A_554 = arith.addi %add3A_421, %add3A_553 : i32
          %get3A_555 = arith.index_cast %add3A_554 : i32 to index
          %get3A_556 = arith.constant 0 : index
          %get3A_557 = tpu.vector_load %arg15[%get3A_555, %get3A_556] {strides = array<i32>} : memref<128x128xf32, #tpu.memory_space<vmem>>, vector<16xf32>,
          %mul3A_558 = arith.mulf %get3A_552, %get3A_557 : vector<16xf32>
          %add3A_559 = arith.constant 2 : i32
          %add3A_560 = arith.addi %add3A_421, %add3A_559 : i32
          %swap3A_561 = arith.index_cast %add3A_560 : i32 to index
          %swap3A_562 = arith.constant 0 : index
          %swap3A_563 = tpu.vector_load %arg16[%swap3A_561, %swap3A_562] {strides = array<i32>} : memref<128x128xf32, #tpu.memory_space<vmem>>, vector<16xf32>,
          tpu.vector_store %arg16[%swap3A_561, %swap3A_562], %mul3A_558 {strides = array<i32>} : memref<128x128xf32, #tpu.memory_space<vmem>>, vector<16xf32>,
          %add3A_564 = arith.constant 2 : i32
          %add3A_565 = arith.addi %add3A_421, %add3A_564 : i32
          %get3A_566 = arith.index_cast %add3A_565 : i32 to index
          %get3A_567 = arith.constant 16 : index
          %get3A_568 = tpu.vector_load %arg14[%get3A_566, %get3A_567] {strides = array<i32>} : memref<128x128xf32, #tpu.memory_space<vmem>>, vector<16xf32>,
          %add3A_569 = arith.constant 2 : i32
          %add3A_570 = arith.addi %add3A_421, %add3A_569 : i32
          %get3A_571 = arith.index_cast %add3A_570 : i32 to index
          %get3A_572 = arith.constant 16 : index
          %get3A_573 = tpu.vector_load %arg15[%get3A_571, %get3A_572] {strides = array<i32>} : memref<128x128xf32, #tpu.memory_space<vmem>>, vector<16xf32>,
          %mul3A_574 = arith.mulf %get3A_568, %get3A_573 : vector<16xf32>
          %add3A_575 = arith.constant 2 : i32
          %add3A_576 = arith.addi %add3A_421, %add3A_575 : i32
          %swap3A_577 = arith.index_cast %add3A_576 : i32 to index
          %swap3A_578 = arith.constant 16 : index
          %swap3A_579 = tpu.vector_load %arg16[%swap3A_577, %swap3A_578] {strides = array<i32>} : memref<128x128xf32, #tpu.memory_space<vmem>>, vector<16xf32>,
          tpu.vector_store %arg16[%swap3A_577, %swap3A_578], %mul3A_574 {strides = array<i32>} : memref<128x128xf32, #tpu.memory_space<vmem>>, vector<16xf32>,
          %add3A_580 = arith.constant 2 : i32
          %add3A_581 = arith.addi %add3A_421, %add3A_580 : i32
          %get3A_582 = arith.index_cast %add3A_581 : i32 to index
          %get3A_583 = arith.constant 32 : index
          %get3A_584 = tpu.vector_load %arg14[%get3A_582, %get3A_583] {strides = array<i32>} : memref<128x128xf32, #tpu.memory_space<vmem>>, vector<16xf32>,
          %add3A_585 = arith.constant 2 : i32
          %add3A_586 = arith.addi %add3A_421, %add3A_585 : i32
          %get3A_587 = arith.index_cast %add3A_586 : i32 to index
          %get3A_588 = arith.constant 32 : index
          %get3A_589 = tpu.vector_load %arg15[%get3A_587, %get3A_588] {strides = array<i32>} : memref<128x128xf32, #tpu.memory_space<vmem>>, vector<16xf32>,
          %mul3A_590 = arith.mulf %get3A_584, %get3A_589 : vector<16xf32>
          %add3A_591 = arith.constant 2 : i32
          %add3A_592 = arith.addi %add3A_421, %add3A_591 : i32
          %swap3A_593 = arith.index_cast %add3A_592 : i32 to index
          %swap3A_594 = arith.constant 32 : index
          %swap3A_595 = tpu.vector_load %arg16[%swap3A_593, %swap3A_594] {strides = array<i32>} : memref<128x128xf32, #tpu.memory_space<vmem>>, vector<16xf32>,
          tpu.vector_store %arg16[%swap3A_593, %swap3A_594], %mul3A_590 {strides = array<i32>} : memref<128x128xf32, #tpu.memory_space<vmem>>, vector<16xf32>,
          %add3A_596 = arith.constant 2 : i32
          %add3A_597 = arith.addi %add3A_421, %add3A_596 : i32
          %get3A_598 = arith.index_cast %add3A_597 : i32 to index
          %get3A_599 = arith.constant 48 : index
          %get3A_600 = tpu.vector_load %arg14[%get3A_598, %get3A_599] {strides = array<i32>} : memref<128x128xf32, #tpu.memory_space<vmem>>, vector<16xf32>,
          %add3A_601 = arith.constant 2 : i32
          %add3A_602 = arith.addi %add3A_421, %add3A_601 : i32
          %get3A_603 = arith.index_cast %add3A_602 : i32 to index
          %get3A_604 = arith.constant 48 : index
          %get3A_605 = tpu.vector_load %arg15[%get3A_603, %get3A_604] {strides = array<i32>} : memref<128x128xf32, #tpu.memory_space<vmem>>, vector<16xf32>,
          %mul3A_606 = arith.mulf %get3A_600, %get3A_605 : vector<16xf32>
          %add3A_607 = arith.constant 2 : i32
          %add3A_608 = arith.addi %add3A_421, %add3A_607 : i32
          %swap3A_609 = arith.index_cast %add3A_608 : i32 to index
          %swap3A_610 = arith.constant 48 : index
          %swap3A_611 = tpu.vector_load %arg16[%swap3A_609, %swap3A_610] {strides = array<i32>} : memref<128x128xf32, #tpu.memory_space<vmem>>, vector<16xf32>,
          tpu.vector_store %arg16[%swap3A_609, %swap3A_610], %mul3A_606 {strides = array<i32>} : memref<128x128xf32, #tpu.memory_space<vmem>>, vector<16xf32>,
          %add3A_612 = arith.constant 3 : i32
          %add3A_613 = arith.addi %add3A_421, %add3A_612 : i32
          %get3A_614 = arith.index_cast %add3A_613 : i32 to index
          %get3A_615 = arith.constant 0 : index
          %get3A_616 = tpu.vector_load %arg14[%get3A_614, %get3A_615] {strides = array<i32>} : memref<128x128xf32, #tpu.memory_space<vmem>>, vector<16xf32>,
          %add3A_617 = arith.constant 3 : i32
          %add3A_618 = arith.addi %add3A_421, %add3A_617 : i32
          %get3A_619 = arith.index_cast %add3A_618 : i32 to index
          %get3A_620 = arith.constant 0 : index
          %get3A_621 = tpu.vector_load %arg15[%get3A_619, %get3A_620] {strides = array<i32>} : memref<128x128xf32, #tpu.memory_space<vmem>>, vector<16xf32>,
          %mul3A_622 = arith.mulf %get3A_616, %get3A_621 : vector<16xf32>
          %add3A_623 = arith.constant 3 : i32
          %add3A_624 = arith.addi %add3A_421, %add3A_623 : i32
          %swap3A_625 = arith.index_cast %add3A_624 : i32 to index
          %swap3A_626 = arith.constant 0 : index
          %swap3A_627 = tpu.vector_load %arg16[%swap3A_625, %swap3A_626] {strides = array<i32>} : memref<128x128xf32, #tpu.memory_space<vmem>>, vector<16xf32>,
          tpu.vector_store %arg16[%swap3A_625, %swap3A_626], %mul3A_622 {strides = array<i32>} : memref<128x128xf32, #tpu.memory_space<vmem>>, vector<16xf32>,
          %add3A_628 = arith.constant 3 : i32
          %add3A_629 = arith.addi %add3A_421, %add3A_628 : i32
          %get3A_630 = arith.index_cast %add3A_629 : i32 to index
          %get3A_631 = arith.constant 16 : index
          %get3A_632 = tpu.vector_load %arg14[%get3A_630, %get3A_631] {strides = array<i32>} : memref<128x128xf32, #tpu.memory_space<vmem>>, vector<16xf32>,
          %add3A_633 = arith.constant 3 : i32
          %add3A_634 = arith.addi %add3A_421, %add3A_633 : i32
          %get3A_635 = arith.index_cast %add3A_634 : i32 to index
          %get3A_636 = arith.constant 16 : index
          %get3A_637 = tpu.vector_load %arg15[%get3A_635, %get3A_636] {strides = array<i32>} : memref<128x128xf32, #tpu.memory_space<vmem>>, vector<16xf32>,
          %mul3A_638 = arith.mulf %get3A_632, %get3A_637 : vector<16xf32>
          %add3A_639 = arith.constant 3 : i32
          %add3A_640 = arith.addi %add3A_421, %add3A_639 : i32
          %swap3A_641 = arith.index_cast %add3A_640 : i32 to index
          %swap3A_642 = arith.constant 16 : index
          %swap3A_643 = tpu.vector_load %arg16[%swap3A_641, %swap3A_642] {strides = array<i32>} : memref<128x128xf32, #tpu.memory_space<vmem>>, vector<16xf32>,
          tpu.vector_store %arg16[%swap3A_641, %swap3A_642], %mul3A_638 {strides = array<i32>} : memref<128x128xf32, #tpu.memory_space<vmem>>, vector<16xf32>,
          %add3A_644 = arith.constant 3 : i32
          %add3A_645 = arith.addi %add3A_421, %add3A_644 : i32
          %get3A_646 = arith.index_cast %add3A_645 : i32 to index
          %get3A_647 = arith.constant 32 : index
          %get3A_648 = tpu.vector_load %arg14[%get3A_646, %get3A_647] {strides = array<i32>} : memref<128x128xf32, #tpu.memory_space<vmem>>, vector<16xf32>,
          %add3A_649 = arith.constant 3 : i32
          %add3A_650 = arith.addi %add3A_421, %add3A_649 : i32
          %get3A_651 = arith.index_cast %add3A_650 : i32 to index
          %get3A_652 = arith.constant 32 : index
          %get3A_653 = tpu.vector_load %arg15[%get3A_651, %get3A_652] {strides = array<i32>} : memref<128x128xf32, #tpu.memory_space<vmem>>, vector<16xf32>,
          %mul3A_654 = arith.mulf %get3A_648, %get3A_653 : vector<16xf32>
          %add3A_655 = arith.constant 3 : i32
          %add3A_656 = arith.addi %add3A_421, %add3A_655 : i32
          %swap3A_657 = arith.index_cast %add3A_656 : i32 to index
          %swap3A_658 = arith.constant 32 : index
          %swap3A_659 = tpu.vector_load %arg16[%swap3A_657, %swap3A_658] {strides = array<i32>} : memref<128x128xf32, #tpu.memory_space<vmem>>, vector<16xf32>,
          tpu.vector_store %arg16[%swap3A_657, %swap3A_658], %mul3A_654 {strides = array<i32>} : memref<128x128xf32, #tpu.memory_space<vmem>>, vector<16xf32>,
          %add3A_660 = arith.constant 3 : i32
          %add3A_661 = arith.addi %add3A_421, %add3A_660 : i32
          %get3A_662 = arith.index_cast %add3A_661 : i32 to index
          %get3A_663 = arith.constant 48 : index
          %get3A_664 = tpu.vector_load %arg14[%get3A_662, %get3A_663] {strides = array<i32>} : memref<128x128xf32, #tpu.memory_space<vmem>>, vector<16xf32>,
          %add3A_665 = arith.constant 3 : i32
          %add3A_666 = arith.addi %add3A_421, %add3A_665 : i32
          %get3A_667 = arith.index_cast %add3A_666 : i32 to index
          %get3A_668 = arith.constant 48 : index
          %get3A_669 = tpu.vector_load %arg15[%get3A_667, %get3A_668] {strides = array<i32>} : memref<128x128xf32, #tpu.memory_space<vmem>>, vector<16xf32>,
          %mul3A_670 = arith.mulf %get3A_664, %get3A_669 : vector<16xf32>
          %add3A_671 = arith.constant 3 : i32
          %add3A_672 = arith.addi %add3A_421, %add3A_671 : i32
          %swap3A_673 = arith.index_cast %add3A_672 : i32 to index
          %swap3A_674 = arith.constant 48 : index
          %swap3A_675 = tpu.vector_load %arg16[%swap3A_673, %swap3A_674] {strides = array<i32>} : memref<128x128xf32, #tpu.memory_space<vmem>>, vector<16xf32>,
          tpu.vector_store %arg16[%swap3A_673, %swap3A_674], %mul3A_670 {strides = array<i32>} : memref<128x128xf32, #tpu.memory_space<vmem>>, vector<16xf32>,
        }
        %scan3A_410 = arith.constant 32 : i32
        %dma_start3A_411 = arith.constant 0 : i32
        %dma_start3A_412 = tpu.memref_slice %arg13[%select_n3A_388, %dma_start3A_411] : memref<4x128xi32, #tpu.memory_space<vmem>> -> memref<1x128xi32, #tpu.memory_space<vmem>>
        %dma_start3A_413 = tpu.memref_squeeze %dma_start3A_412 : memref<1x128xi32, #tpu.memory_space<vmem>> -> memref<128xi32, #tpu.memory_space<vmem>>
        %dma_start3A_414 = arith.constant 0 : i32
        %dma_start3A_415 = arith.constant 0 : i32
        %dma_start3A_416 = tpu.memref_slice %arg18[%dma_start3A_414, %dma_start3A_415] : memref<8200x128xf32, #tpu.memory_space<vmem_shared>> -> memref<8200x128xf32, #tpu.memory_space<vmem_shared>>
        tpu.enqueue_indirect_dma source(%arg16 : memref<128x128xf32, #tpu.memory_space<vmem>>) target(%dma_start3A_416 : memref<8200x128xf32, #tpu.memory_space<vmem_shared>>) offsets(%dma_start3A_413 : memref<128xi32, #tpu.memory_space<vmem>>) semaphore(%arg21 : memref<!tpu.dma_semaphore, #tpu.memory_space<semaphore_mem>>) {add = true}
      } else {
      }
      %reduce_max3A = arith.constant true
      %reduce_max3A_302 = vector.broadcast %reduce_max3A : i1 to vector<16xi1>
      %reduce_max3A_303 = arith.constant -2147483648 : i32
      %reduce_max3A_304 = vector.broadcast %reduce_max3A_303 : i32 to vector<16xi32>
      %reduce_max3A_305 = arith.xori %scan3A_296#0, %reduce_max3A_304 : vector<16xi32>
      %reduce_max3A_306 = tpu.scan <max>, %reduce_max3A_305 masked %reduce_max3A_302 : vector<16xi32>, vector<16xi1> -> vector<16xi32>
      %reduce_max3A_307 = arith.xori %reduce_max3A_306, %reduce_max3A_304 : vector<16xi32>
      %reduce_max3A_308 = vector.extract %reduce_max3A_307[15] : i32 from vector<16xi32>
      %sub3A_309 = arith.subi %reduce_max3A_308, %scan3A_296#1 : i32
      %gt3A_310 = arith.constant 0 : i32
      %gt3A_311 = arith.cmpi sgt, %sub3A_309, %gt3A_310 : i32
      %convert_element_type3A_312 = arith.extui %gt3A_311 : i1 to i32
      %cond3A_313 = arith.constant 0 : i32
      %cond3A_314 = arith.cmpi ne, %convert_element_type3A_312, %cond3A_313 : i32
      scf.if %cond3A_314 {
        %broadcast_in_dim3A_349 = arith.constant 0 : i32
        %broadcast_in_dim3A_350 = vector.broadcast %broadcast_in_dim3A_349 : i32 to vector<16xi32>
        %broadcast_in_dim3A_351 = arith.constant 8192 : i32
        %broadcast_in_dim3A_352 = vector.broadcast %broadcast_in_dim3A_351 : i32 to vector<16xi32>
        %add3A_353 = arith.constant 0 : i32
        %add3A_354 = vector.broadcast %add3A_353 : i32 to vector<16xi32>
        %add3A_355 = arith.addi %scan3A_296#0, %add3A_354 : vector<16xi32>
        %iota3A = tpu.iota {dimensions = array<i32: 0>} : vector<16xi32>
        %add3A_356 = arith.addi %add3A_355, %iota3A : vector<16xi32>
        %and3A_357 = arith.constant 511 : i32
        %and3A_358 = vector.broadcast %and3A_357 : i32 to vector<16xi32>
        %and3A_359 = arith.andi %add3A_356, %and3A_358 : vector<16xi32>
        %shift_right_arithmetic3A = arith.constant 7 : i32
        %shift_right_arithmetic3A_360 = vector.broadcast %shift_right_arithmetic3A : i32 to vector<16xi32>
        %shift_right_arithmetic3A_361 = arith.shrsi %and3A_359, %shift_right_arithmetic3A_360 : vector<16xi32>
        %and3A_362 = arith.constant 127 : i32
        %and3A_363 = vector.broadcast %and3A_362 : i32 to vector<16xi32>
        %and3A_364 = arith.andi %and3A_359, %and3A_363 : vector<16xi32>
        tpu.vector_store_idx %arg11[%shift_right_arithmetic3A_361, %and3A_364], %broadcast_in_dim3A_350 : memref<4x128xi32, #tpu.memory_space<vmem>>[vector<16xi32>, vector<16xi32>], vector<16xi32>,
        tpu.vector_store_idx %arg12[%shift_right_arithmetic3A_361, %and3A_364], %broadcast_in_dim3A_350 : memref<4x128xi32, #tpu.memory_space<vmem>>[vector<16xi32>, vector<16xi32>], vector<16xi32>,
        tpu.vector_store_idx %arg13[%shift_right_arithmetic3A_361, %and3A_364], %broadcast_in_dim3A_352 : memref<4x128xi32, #tpu.memory_space<vmem>>[vector<16xi32>, vector<16xi32>], vector<16xi32>,
        %add3A_365 = arith.constant 16 : i32
        %add3A_366 = vector.broadcast %add3A_365 : i32 to vector<16xi32>
        %add3A_367 = arith.addi %scan3A_296#0, %add3A_366 : vector<16xi32>
        %iota3A_368 = tpu.iota {dimensions = array<i32: 0>} : vector<16xi32>
        %add3A_369 = arith.addi %add3A_367, %iota3A_368 : vector<16xi32>
        %and3A_370 = arith.constant 511 : i32
        %and3A_371 = vector.broadcast %and3A_370 : i32 to vector<16xi32>
        %and3A_372 = arith.andi %add3A_369, %and3A_371 : vector<16xi32>
        %shift_right_arithmetic3A_373 = arith.constant 7 : i32
        %shift_right_arithmetic3A_374 = vector.broadcast %shift_right_arithmetic3A_373 : i32 to vector<16xi32>
        %shift_right_arithmetic3A_375 = arith.shrsi %and3A_372, %shift_right_arithmetic3A_374 : vector<16xi32>
        %and3A_376 = arith.constant 127 : i32
        %and3A_377 = vector.broadcast %and3A_376 : i32 to vector<16xi32>
        %and3A_378 = arith.andi %and3A_372, %and3A_377 : vector<16xi32>
        tpu.vector_store_idx %arg11[%shift_right_arithmetic3A_375, %and3A_378], %broadcast_in_dim3A_350 : memref<4x128xi32, #tpu.memory_space<vmem>>[vector<16xi32>, vector<16xi32>], vector<16xi32>,
        tpu.vector_store_idx %arg12[%shift_right_arithmetic3A_375, %and3A_378], %broadcast_in_dim3A_350 : memref<4x128xi32, #tpu.memory_space<vmem>>[vector<16xi32>, vector<16xi32>], vector<16xi32>,
        tpu.vector_store_idx %arg13[%shift_right_arithmetic3A_375, %and3A_378], %broadcast_in_dim3A_352 : memref<4x128xi32, #tpu.memory_space<vmem>>[vector<16xi32>, vector<16xi32>], vector<16xi32>,
        %add3A_379 = arith.constant 32 : i32
        %add3A_380 = vector.broadcast %add3A_379 : i32 to vector<16xi32>
        %add3A_381 = arith.addi %scan3A_296#0, %add3A_380 : vector<16xi32>
        %iota3A_382 = tpu.iota {dimensions = array<i32: 0>} : vector<16xi32>
        %add3A_383 = arith.addi %add3A_381, %iota3A_382 : vector<16xi32>
        %and3A_384 = arith.constant 511 : i32
        %and3A_385 = vector.broadcast %and3A_384 : i32 to vector<16xi32>
        %and3A_386 = arith.andi %add3A_383, %and3A_385 : vector<16xi32>
        %shift_right_arithmetic3A_387 = arith.constant 7 : i32
        %shift_right_arithmetic3A_388 = vector.broadcast %shift_right_arithmetic3A_387 : i32 to vector<16xi32>
        %shift_right_arithmetic3A_389 = arith.shrsi %and3A_386, %shift_right_arithmetic3A_388 : vector<16xi32>
        %and3A_390 = arith.constant 127 : i32
        %and3A_391 = vector.broadcast %and3A_390 : i32 to vector<16xi32>
        %and3A_392 = arith.andi %and3A_386, %and3A_391 : vector<16xi32>
        tpu.vector_store_idx %arg11[%shift_right_arithmetic3A_389, %and3A_392], %broadcast_in_dim3A_350 : memref<4x128xi32, #tpu.memory_space<vmem>>[vector<16xi32>, vector<16xi32>], vector<16xi32>,
        tpu.vector_store_idx %arg12[%shift_right_arithmetic3A_389, %and3A_392], %broadcast_in_dim3A_350 : memref<4x128xi32, #tpu.memory_space<vmem>>[vector<16xi32>, vector<16xi32>], vector<16xi32>,
        tpu.vector_store_idx %arg13[%shift_right_arithmetic3A_389, %and3A_392], %broadcast_in_dim3A_352 : memref<4x128xi32, #tpu.memory_space<vmem>>[vector<16xi32>, vector<16xi32>], vector<16xi32>,
        %add3A_393 = arith.constant 48 : i32
        %add3A_394 = vector.broadcast %add3A_393 : i32 to vector<16xi32>
        %add3A_395 = arith.addi %scan3A_296#0, %add3A_394 : vector<16xi32>
        %iota3A_396 = tpu.iota {dimensions = array<i32: 0>} : vector<16xi32>
        %add3A_397 = arith.addi %add3A_395, %iota3A_396 : vector<16xi32>
        %and3A_398 = arith.constant 511 : i32
        %and3A_399 = vector.broadcast %and3A_398 : i32 to vector<16xi32>
        %and3A_400 = arith.andi %add3A_397, %and3A_399 : vector<16xi32>
        %shift_right_arithmetic3A_401 = arith.constant 7 : i32
        %shift_right_arithmetic3A_402 = vector.broadcast %shift_right_arithmetic3A_401 : i32 to vector<16xi32>
        %shift_right_arithmetic3A_403 = arith.shrsi %and3A_400, %shift_right_arithmetic3A_402 : vector<16xi32>
        %and3A_404 = arith.constant 127 : i32
        %and3A_405 = vector.broadcast %and3A_404 : i32 to vector<16xi32>
        %and3A_406 = arith.andi %and3A_400, %and3A_405 : vector<16xi32>
        tpu.vector_store_idx %arg11[%shift_right_arithmetic3A_403, %and3A_406], %broadcast_in_dim3A_350 : memref<4x128xi32, #tpu.memory_space<vmem>>[vector<16xi32>, vector<16xi32>], vector<16xi32>,
        tpu.vector_store_idx %arg12[%shift_right_arithmetic3A_403, %and3A_406], %broadcast_in_dim3A_350 : memref<4x128xi32, #tpu.memory_space<vmem>>[vector<16xi32>, vector<16xi32>], vector<16xi32>,
        tpu.vector_store_idx %arg13[%shift_right_arithmetic3A_403, %and3A_406], %broadcast_in_dim3A_352 : memref<4x128xi32, #tpu.memory_space<vmem>>[vector<16xi32>, vector<16xi32>], vector<16xi32>,
        %add3A_407 = arith.constant 64 : i32
        %add3A_408 = vector.broadcast %add3A_407 : i32 to vector<16xi32>
        %add3A_409 = arith.addi %scan3A_296#0, %add3A_408 : vector<16xi32>
        %iota3A_410 = tpu.iota {dimensions = array<i32: 0>} : vector<16xi32>
        %add3A_411 = arith.addi %add3A_409, %iota3A_410 : vector<16xi32>
        %and3A_412 = arith.constant 511 : i32
        %and3A_413 = vector.broadcast %and3A_412 : i32 to vector<16xi32>
        %and3A_414 = arith.andi %add3A_411, %and3A_413 : vector<16xi32>
        %shift_right_arithmetic3A_415 = arith.constant 7 : i32
        %shift_right_arithmetic3A_416 = vector.broadcast %shift_right_arithmetic3A_415 : i32 to vector<16xi32>
        %shift_right_arithmetic3A_417 = arith.shrsi %and3A_414, %shift_right_arithmetic3A_416 : vector<16xi32>
        %and3A_418 = arith.constant 127 : i32
        %and3A_419 = vector.broadcast %and3A_418 : i32 to vector<16xi32>
        %and3A_420 = arith.andi %and3A_414, %and3A_419 : vector<16xi32>
        tpu.vector_store_idx %arg11[%shift_right_arithmetic3A_417, %and3A_420], %broadcast_in_dim3A_350 : memref<4x128xi32, #tpu.memory_space<vmem>>[vector<16xi32>, vector<16xi32>], vector<16xi32>,
        tpu.vector_store_idx %arg12[%shift_right_arithmetic3A_417, %and3A_420], %broadcast_in_dim3A_350 : memref<4x128xi32, #tpu.memory_space<vmem>>[vector<16xi32>, vector<16xi32>], vector<16xi32>,
        tpu.vector_store_idx %arg13[%shift_right_arithmetic3A_417, %and3A_420], %broadcast_in_dim3A_352 : memref<4x128xi32, #tpu.memory_space<vmem>>[vector<16xi32>, vector<16xi32>], vector<16xi32>,
        %add3A_421 = arith.constant 80 : i32
        %add3A_422 = vector.broadcast %add3A_421 : i32 to vector<16xi32>
        %add3A_423 = arith.addi %scan3A_296#0, %add3A_422 : vector<16xi32>
        %iota3A_424 = tpu.iota {dimensions = array<i32: 0>} : vector<16xi32>
        %add3A_425 = arith.addi %add3A_423, %iota3A_424 : vector<16xi32>
        %and3A_426 = arith.constant 511 : i32
        %and3A_427 = vector.broadcast %and3A_426 : i32 to vector<16xi32>
        %and3A_428 = arith.andi %add3A_425, %and3A_427 : vector<16xi32>
        %shift_right_arithmetic3A_429 = arith.constant 7 : i32
        %shift_right_arithmetic3A_430 = vector.broadcast %shift_right_arithmetic3A_429 : i32 to vector<16xi32>
        %shift_right_arithmetic3A_431 = arith.shrsi %and3A_428, %shift_right_arithmetic3A_430 : vector<16xi32>
        %and3A_432 = arith.constant 127 : i32
        %and3A_433 = vector.broadcast %and3A_432 : i32 to vector<16xi32>
        %and3A_434 = arith.andi %and3A_428, %and3A_433 : vector<16xi32>
        tpu.vector_store_idx %arg11[%shift_right_arithmetic3A_431, %and3A_434], %broadcast_in_dim3A_350 : memref<4x128xi32, #tpu.memory_space<vmem>>[vector<16xi32>, vector<16xi32>], vector<16xi32>,
        tpu.vector_store_idx %arg12[%shift_right_arithmetic3A_431, %and3A_434], %broadcast_in_dim3A_350 : memref<4x128xi32, #tpu.memory_space<vmem>>[vector<16xi32>, vector<16xi32>], vector<16xi32>,
        tpu.vector_store_idx %arg13[%shift_right_arithmetic3A_431, %and3A_434], %broadcast_in_dim3A_352 : memref<4x128xi32, #tpu.memory_space<vmem>>[vector<16xi32>, vector<16xi32>], vector<16xi32>,
        %add3A_435 = arith.constant 96 : i32
        %add3A_436 = vector.broadcast %add3A_435 : i32 to vector<16xi32>
        %add3A_437 = arith.addi %scan3A_296#0, %add3A_436 : vector<16xi32>
        %iota3A_438 = tpu.iota {dimensions = array<i32: 0>} : vector<16xi32>
        %add3A_439 = arith.addi %add3A_437, %iota3A_438 : vector<16xi32>
        %and3A_440 = arith.constant 511 : i32
        %and3A_441 = vector.broadcast %and3A_440 : i32 to vector<16xi32>
        %and3A_442 = arith.andi %add3A_439, %and3A_441 : vector<16xi32>
        %shift_right_arithmetic3A_443 = arith.constant 7 : i32
        %shift_right_arithmetic3A_444 = vector.broadcast %shift_right_arithmetic3A_443 : i32 to vector<16xi32>
        %shift_right_arithmetic3A_445 = arith.shrsi %and3A_442, %shift_right_arithmetic3A_444 : vector<16xi32>
        %and3A_446 = arith.constant 127 : i32
        %and3A_447 = vector.broadcast %and3A_446 : i32 to vector<16xi32>
        %and3A_448 = arith.andi %and3A_442, %and3A_447 : vector<16xi32>
        tpu.vector_store_idx %arg11[%shift_right_arithmetic3A_445, %and3A_448], %broadcast_in_dim3A_350 : memref<4x128xi32, #tpu.memory_space<vmem>>[vector<16xi32>, vector<16xi32>], vector<16xi32>,
        tpu.vector_store_idx %arg12[%shift_right_arithmetic3A_445, %and3A_448], %broadcast_in_dim3A_350 : memref<4x128xi32, #tpu.memory_space<vmem>>[vector<16xi32>, vector<16xi32>], vector<16xi32>,
        tpu.vector_store_idx %arg13[%shift_right_arithmetic3A_445, %and3A_448], %broadcast_in_dim3A_352 : memref<4x128xi32, #tpu.memory_space<vmem>>[vector<16xi32>, vector<16xi32>], vector<16xi32>,
        %add3A_449 = arith.constant 112 : i32
        %add3A_450 = vector.broadcast %add3A_449 : i32 to vector<16xi32>
        %add3A_451 = arith.addi %scan3A_296#0, %add3A_450 : vector<16xi32>
        %iota3A_452 = tpu.iota {dimensions = array<i32: 0>} : vector<16xi32>
        %add3A_453 = arith.addi %add3A_451, %iota3A_452 : vector<16xi32>
        %and3A_454 = arith.constant 511 : i32
        %and3A_455 = vector.broadcast %and3A_454 : i32 to vector<16xi32>
        %and3A_456 = arith.andi %add3A_453, %and3A_455 : vector<16xi32>
        %shift_right_arithmetic3A_457 = arith.constant 7 : i32
        %shift_right_arithmetic3A_458 = vector.broadcast %shift_right_arithmetic3A_457 : i32 to vector<16xi32>
        %shift_right_arithmetic3A_459 = arith.shrsi %and3A_456, %shift_right_arithmetic3A_458 : vector<16xi32>
        %and3A_460 = arith.constant 127 : i32
        %and3A_461 = vector.broadcast %and3A_460 : i32 to vector<16xi32>
        %and3A_462 = arith.andi %and3A_456, %and3A_461 : vector<16xi32>
        tpu.vector_store_idx %arg11[%shift_right_arithmetic3A_459, %and3A_462], %broadcast_in_dim3A_350 : memref<4x128xi32, #tpu.memory_space<vmem>>[vector<16xi32>, vector<16xi32>], vector<16xi32>,
        tpu.vector_store_idx %arg12[%shift_right_arithmetic3A_459, %and3A_462], %broadcast_in_dim3A_350 : memref<4x128xi32, #tpu.memory_space<vmem>>[vector<16xi32>, vector<16xi32>], vector<16xi32>,
        tpu.vector_store_idx %arg13[%shift_right_arithmetic3A_459, %and3A_462], %broadcast_in_dim3A_352 : memref<4x128xi32, #tpu.memory_space<vmem>>[vector<16xi32>, vector<16xi32>], vector<16xi32>,
        %jit3A_463 = arith.constant 128 : i32
        %div3A_464 = arith.divsi %scan3A_296#1, %jit3A_463 : i32
        %sign3A_465 = arith.constant 0 : i32
        %sign3A_466 = arith.cmpi sgt, %scan3A_296#1, %sign3A_465 : i32
        %sign3A_467 = arith.extui %sign3A_466 : i1 to i32
        %sign3A_468 = arith.constant 0 : i32
        %sign3A_469 = arith.cmpi slt, %scan3A_296#1, %sign3A_468 : i32
        %sign3A_470 = arith.extui %sign3A_469 : i1 to i32
        %sign3A_471 = arith.subi %sign3A_467, %sign3A_470 : i32
        %sign3A_472 = arith.constant 0 : i32
        %sign3A_473 = arith.cmpi sgt, %jit3A_463, %sign3A_472 : i32
        %sign3A_474 = arith.extui %sign3A_473 : i1 to i32
        %sign3A_475 = arith.constant 0 : i32
        %sign3A_476 = arith.cmpi slt, %jit3A_463, %sign3A_475 : i32
        %sign3A_477 = arith.extui %sign3A_476 : i1 to i32
        %sign3A_478 = arith.subi %sign3A_474, %sign3A_477 : i32
        %ne3A_479 = arith.cmpi ne, %sign3A_471, %sign3A_478 : i32
        %rem3A_480 = arith.remsi %scan3A_296#1, %jit3A_463 : i32
        %ne3A_481 = arith.constant 0 : i32
        %ne3A_482 = arith.cmpi ne, %rem3A_480, %ne3A_481 : i32
        %and3A_483 = arith.andi %ne3A_479, %ne3A_482 : i1
        %sub3A_484 = arith.constant 1 : i32
        %sub3A_485 = arith.subi %div3A_464, %sub3A_484 : i32
        %select_n3A_486 = arith.select %and3A_483, %sub3A_485, %div3A_464 : i32
        %jit3A_487 = arith.constant 4 : i32
        %eq3A_488 = arith.constant 0 : i32
        %eq3A_489 = arith.cmpi eq, %jit3A_487, %eq3A_488 : i32
        %jit3A_490 = arith.constant 1 : i32
        %select_n3A_491 = arith.select %eq3A_489, %jit3A_490, %jit3A_487 : i32
        %rem3A_492 = arith.remsi %select_n3A_486, %select_n3A_491 : i32
        %ne3A_493 = arith.constant 0 : i32
        %ne3A_494 = arith.cmpi ne, %rem3A_492, %ne3A_493 : i32
        %lt3A_495 = arith.constant 0 : i32
        %lt3A_496 = arith.cmpi slt, %rem3A_492, %lt3A_495 : i32
        %lt3A_497 = arith.constant 0 : i32
        %lt3A_498 = arith.cmpi slt, %select_n3A_491, %lt3A_497 : i32
        %ne3A_499 = arith.xori %lt3A_496, %lt3A_498 : i1
        %and3A_500 = arith.andi %ne3A_499, %ne3A_494 : i1
        %add3A_501 = arith.addi %rem3A_492, %select_n3A_491 : i32
        %select_n3A_502 = arith.select %and3A_500, %add3A_501, %rem3A_492 : i32
        %dma_start3A_503 = arith.constant 0 : i32
        %dma_start3A_504 = tpu.memref_slice %arg11[%select_n3A_502, %dma_start3A_503] : memref<4x128xi32, #tpu.memory_space<vmem>> -> memref<1x128xi32, #tpu.memory_space<vmem>>
        %dma_start3A_505 = tpu.memref_squeeze %dma_start3A_504 : memref<1x128xi32, #tpu.memory_space<vmem>> -> memref<128xi32, #tpu.memory_space<vmem>>
        %dma_start3A_506 = arith.constant 0 : i32
        %dma_start3A_507 = arith.constant 0 : i32
        %dma_start3A_508 = tpu.memref_slice %arg2[%dma_start3A_506, %dma_start3A_507] : memref<960000x128xf32, #tpu.memory_space<hbm>> -> memref<960000x128xf32, #tpu.memory_space<hbm>>
        tpu.enqueue_indirect_dma source(%dma_start3A_508 : memref<960000x128xf32, #tpu.memory_space<hbm>>) target(%arg14 : memref<128x128xf32, #tpu.memory_space<vmem>>) offsets(%dma_start3A_505 : memref<128xi32, #tpu.memory_space<vmem>>) semaphore(%arg20 : memref<!tpu.dma_semaphore, #tpu.memory_space<semaphore_mem>>)
        %dma_start3A_509 = arith.constant 0 : i32
        %dma_start3A_510 = tpu.memref_slice %arg12[%select_n3A_502, %dma_start3A_509] : memref<4x128xi32, #tpu.memory_space<vmem>> -> memref<1x128xi32, #tpu.memory_space<vmem>>
        %dma_start3A_511 = tpu.memref_squeeze %dma_start3A_510 : memref<1x128xi32, #tpu.memory_space<vmem>> -> memref<128xi32, #tpu.memory_space<vmem>>
        %dma_start3A_512 = arith.constant 0 : i32
        %dma_start3A_513 = arith.constant 0 : i32
        %dma_start3A_514 = tpu.memref_slice %arg3[%dma_start3A_512, %dma_start3A_513] : memref<320000x128xf32, #tpu.memory_space<hbm>> -> memref<320000x128xf32, #tpu.memory_space<hbm>>
        tpu.enqueue_indirect_dma source(%dma_start3A_514 : memref<320000x128xf32, #tpu.memory_space<hbm>>) target(%arg15 : memref<128x128xf32, #tpu.memory_space<vmem>>) offsets(%dma_start3A_511 : memref<128xi32, #tpu.memory_space<vmem>>) semaphore(%arg20 : memref<!tpu.dma_semaphore, #tpu.memory_space<semaphore_mem>>)
        %jit3A_515 = arith.constant 128 : i32
        %div3A_516 = arith.divsi %scan3A_296#1, %jit3A_515 : i32
        %sign3A_517 = arith.constant 0 : i32
        %sign3A_518 = arith.cmpi sgt, %scan3A_296#1, %sign3A_517 : i32
        %sign3A_519 = arith.extui %sign3A_518 : i1 to i32
        %sign3A_520 = arith.constant 0 : i32
        %sign3A_521 = arith.cmpi slt, %scan3A_296#1, %sign3A_520 : i32
        %sign3A_522 = arith.extui %sign3A_521 : i1 to i32
        %sign3A_523 = arith.subi %sign3A_519, %sign3A_522 : i32
        %sign3A_524 = arith.constant 0 : i32
        %sign3A_525 = arith.cmpi sgt, %jit3A_515, %sign3A_524 : i32
        %sign3A_526 = arith.extui %sign3A_525 : i1 to i32
        %sign3A_527 = arith.constant 0 : i32
        %sign3A_528 = arith.cmpi slt, %jit3A_515, %sign3A_527 : i32
        %sign3A_529 = arith.extui %sign3A_528 : i1 to i32
        %sign3A_530 = arith.subi %sign3A_526, %sign3A_529 : i32
        %ne3A_531 = arith.cmpi ne, %sign3A_523, %sign3A_530 : i32
        %rem3A_532 = arith.remsi %scan3A_296#1, %jit3A_515 : i32
        %ne3A_533 = arith.constant 0 : i32
        %ne3A_534 = arith.cmpi ne, %rem3A_532, %ne3A_533 : i32
        %and3A_535 = arith.andi %ne3A_531, %ne3A_534 : i1
        %sub3A_536 = arith.constant 1 : i32
        %sub3A_537 = arith.subi %div3A_516, %sub3A_536 : i32
        %select_n3A_538 = arith.select %and3A_535, %sub3A_537, %div3A_516 : i32
        %jit3A_539 = arith.constant 4 : i32
        %eq3A_540 = arith.constant 0 : i32
        %eq3A_541 = arith.cmpi eq, %jit3A_539, %eq3A_540 : i32
        %jit3A_542 = arith.constant 1 : i32
        %select_n3A_543 = arith.select %eq3A_541, %jit3A_542, %jit3A_539 : i32
        %rem3A_544 = arith.remsi %select_n3A_538, %select_n3A_543 : i32
        %ne3A_545 = arith.constant 0 : i32
        %ne3A_546 = arith.cmpi ne, %rem3A_544, %ne3A_545 : i32
        %lt3A_547 = arith.constant 0 : i32
        %lt3A_548 = arith.cmpi slt, %rem3A_544, %lt3A_547 : i32
        %lt3A_549 = arith.constant 0 : i32
        %lt3A_550 = arith.cmpi slt, %select_n3A_543, %lt3A_549 : i32
        %ne3A_551 = arith.xori %lt3A_548, %lt3A_550 : i1
        %and3A_552 = arith.andi %ne3A_551, %ne3A_546 : i1
        %add3A_553 = arith.addi %rem3A_544, %select_n3A_543 : i32
        %select_n3A_554 = arith.select %and3A_552, %add3A_553, %rem3A_544 : i32
        %dma_wait3A_555 = arith.constant 0 : i32
        %dma_wait3A_556 = arith.constant 0 : i32
        %dma_wait3A_557 = tpu.memref_slice %arg2[%dma_wait3A_555, %dma_wait3A_556] : memref<960000x128xf32, #tpu.memory_space<hbm>> -> memref<128x128xf32, #tpu.memory_space<hbm>>
        %dma_wait3A_558 = arith.constant 0 : i32
        %dma_wait3A_559 = arith.constant 0 : i32
        %dma_wait3A_560 = tpu.memref_slice %arg2[%dma_wait3A_558, %dma_wait3A_559] : memref<960000x128xf32, #tpu.memory_space<hbm>> -> memref<128x128xf32, #tpu.memory_space<hbm>>
        tpu.wait_dma2 semaphore(%arg20 : memref<!tpu.dma_semaphore, #tpu.memory_space<semaphore_mem>>) src(%dma_wait3A_560 : memref<128x128xf32, #tpu.memory_space<hbm>>) dst(%arg14 : memref<128x128xf32, #tpu.memory_space<vmem>>)
        %dma_wait3A_561 = arith.constant 0 : i32
        %dma_wait3A_562 = arith.constant 0 : i32
        %dma_wait3A_563 = tpu.memref_slice %arg3[%dma_wait3A_561, %dma_wait3A_562] : memref<320000x128xf32, #tpu.memory_space<hbm>> -> memref<128x128xf32, #tpu.memory_space<hbm>>
        %dma_wait3A_564 = arith.constant 0 : i32
        %dma_wait3A_565 = arith.constant 0 : i32
        %dma_wait3A_566 = tpu.memref_slice %arg3[%dma_wait3A_564, %dma_wait3A_565] : memref<320000x128xf32, #tpu.memory_space<hbm>> -> memref<128x128xf32, #tpu.memory_space<hbm>>
        tpu.wait_dma2 semaphore(%arg20 : memref<!tpu.dma_semaphore, #tpu.memory_space<semaphore_mem>>) src(%dma_wait3A_566 : memref<128x128xf32, #tpu.memory_space<hbm>>) dst(%arg15 : memref<128x128xf32, #tpu.memory_space<vmem>>)
        %ge3A_567 = arith.constant 1 : i32
        %ge3A_568 = arith.cmpi sge, %select_n3A_538, %ge3A_567 : i32
        %convert_element_type3A_569 = arith.extui %ge3A_568 : i1 to i32
        %cond3A_570 = arith.constant 0 : i32
        %cond3A_571 = arith.cmpi ne, %convert_element_type3A_569, %cond3A_570 : i32
        scf.if %cond3A_571 {
          %dma_wait3A_583 = arith.constant 0 : i32
          %dma_wait3A_584 = arith.constant 0 : i32
          %dma_wait3A_585 = tpu.memref_slice %arg6[%dma_wait3A_583, %dma_wait3A_584] : memref<327680x128xf32, #tpu.memory_space<hbm>> -> memref<128x128xf32, #tpu.memory_space<hbm>>
          %dma_wait3A_586 = arith.constant 0 : i32
          %dma_wait3A_587 = arith.constant 0 : i32
          %dma_wait3A_588 = tpu.memref_slice %arg6[%dma_wait3A_586, %dma_wait3A_587] : memref<327680x128xf32, #tpu.memory_space<hbm>> -> memref<128x128xf32, #tpu.memory_space<hbm>>
          tpu.wait_dma2 semaphore(%arg21 : memref<!tpu.dma_semaphore, #tpu.memory_space<semaphore_mem>>) src(%dma_wait3A_588 : memref<128x128xf32, #tpu.memory_space<hbm>>) dst(%arg16 : memref<128x128xf32, #tpu.memory_space<vmem>>)
        } else {
        }
        %scan3A_572 = arith.constant 0 : i32
        %scan3A_573 = arith.constant 32 : i32
        %scan3A_574 = arith.addi %scan3A_572, %scan3A_573 : i32
        %scan3A_575 = arith.constant 1 : i32
        scf.for %scan3A_583 = %scan3A_572 to %scan3A_574 step %scan3A_575  : i32 {
          %mul3A_584 = arith.constant 4 : i32
          %mul3A_585 = arith.muli %scan3A_583, %mul3A_584 : i32
          %add3A_586 = arith.constant 0 : i32
          %add3A_587 = arith.addi %add3A_586, %mul3A_585 : i32
          %add3A_588 = arith.constant 0 : i32
          %add3A_589 = arith.addi %add3A_587, %add3A_588 : i32
          %get3A = arith.index_cast %add3A_589 : i32 to index
          %get3A_590 = arith.constant 0 : index
          %get3A_591 = tpu.vector_load %arg14[%get3A, %get3A_590] {strides = array<i32>} : memref<128x128xf32, #tpu.memory_space<vmem>>, vector<16xf32>,
          %add3A_592 = arith.constant 0 : i32
          %add3A_593 = arith.addi %add3A_587, %add3A_592 : i32
          %get3A_594 = arith.index_cast %add3A_593 : i32 to index
          %get3A_595 = arith.constant 0 : index
          %get3A_596 = tpu.vector_load %arg15[%get3A_594, %get3A_595] {strides = array<i32>} : memref<128x128xf32, #tpu.memory_space<vmem>>, vector<16xf32>,
          %mul3A_597 = arith.mulf %get3A_591, %get3A_596 : vector<16xf32>
          %add3A_598 = arith.constant 0 : i32
          %add3A_599 = arith.addi %add3A_587, %add3A_598 : i32
          %swap3A = arith.index_cast %add3A_599 : i32 to index
          %swap3A_600 = arith.constant 0 : index
          %swap3A_601 = tpu.vector_load %arg16[%swap3A, %swap3A_600] {strides = array<i32>} : memref<128x128xf32, #tpu.memory_space<vmem>>, vector<16xf32>,
          tpu.vector_store %arg16[%swap3A, %swap3A_600], %mul3A_597 {strides = array<i32>} : memref<128x128xf32, #tpu.memory_space<vmem>>, vector<16xf32>,
          %add3A_602 = arith.constant 0 : i32
          %add3A_603 = arith.addi %add3A_587, %add3A_602 : i32
          %get3A_604 = arith.index_cast %add3A_603 : i32 to index
          %get3A_605 = arith.constant 16 : index
          %get3A_606 = tpu.vector_load %arg14[%get3A_604, %get3A_605] {strides = array<i32>} : memref<128x128xf32, #tpu.memory_space<vmem>>, vector<16xf32>,
          %add3A_607 = arith.constant 0 : i32
          %add3A_608 = arith.addi %add3A_587, %add3A_607 : i32
          %get3A_609 = arith.index_cast %add3A_608 : i32 to index
          %get3A_610 = arith.constant 16 : index
          %get3A_611 = tpu.vector_load %arg15[%get3A_609, %get3A_610] {strides = array<i32>} : memref<128x128xf32, #tpu.memory_space<vmem>>, vector<16xf32>,
          %mul3A_612 = arith.mulf %get3A_606, %get3A_611 : vector<16xf32>
          %add3A_613 = arith.constant 0 : i32
          %add3A_614 = arith.addi %add3A_587, %add3A_613 : i32
          %swap3A_615 = arith.index_cast %add3A_614 : i32 to index
          %swap3A_616 = arith.constant 16 : index
          %swap3A_617 = tpu.vector_load %arg16[%swap3A_615, %swap3A_616] {strides = array<i32>} : memref<128x128xf32, #tpu.memory_space<vmem>>, vector<16xf32>,
          tpu.vector_store %arg16[%swap3A_615, %swap3A_616], %mul3A_612 {strides = array<i32>} : memref<128x128xf32, #tpu.memory_space<vmem>>, vector<16xf32>,
          %add3A_618 = arith.constant 0 : i32
          %add3A_619 = arith.addi %add3A_587, %add3A_618 : i32
          %get3A_620 = arith.index_cast %add3A_619 : i32 to index
          %get3A_621 = arith.constant 32 : index
          %get3A_622 = tpu.vector_load %arg14[%get3A_620, %get3A_621] {strides = array<i32>} : memref<128x128xf32, #tpu.memory_space<vmem>>, vector<16xf32>,
          %add3A_623 = arith.constant 0 : i32
          %add3A_624 = arith.addi %add3A_587, %add3A_623 : i32
          %get3A_625 = arith.index_cast %add3A_624 : i32 to index
          %get3A_626 = arith.constant 32 : index
          %get3A_627 = tpu.vector_load %arg15[%get3A_625, %get3A_626] {strides = array<i32>} : memref<128x128xf32, #tpu.memory_space<vmem>>, vector<16xf32>,
          %mul3A_628 = arith.mulf %get3A_622, %get3A_627 : vector<16xf32>
          %add3A_629 = arith.constant 0 : i32
          %add3A_630 = arith.addi %add3A_587, %add3A_629 : i32
          %swap3A_631 = arith.index_cast %add3A_630 : i32 to index
          %swap3A_632 = arith.constant 32 : index
          %swap3A_633 = tpu.vector_load %arg16[%swap3A_631, %swap3A_632] {strides = array<i32>} : memref<128x128xf32, #tpu.memory_space<vmem>>, vector<16xf32>,
          tpu.vector_store %arg16[%swap3A_631, %swap3A_632], %mul3A_628 {strides = array<i32>} : memref<128x128xf32, #tpu.memory_space<vmem>>, vector<16xf32>,
          %add3A_634 = arith.constant 0 : i32
          %add3A_635 = arith.addi %add3A_587, %add3A_634 : i32
          %get3A_636 = arith.index_cast %add3A_635 : i32 to index
          %get3A_637 = arith.constant 48 : index
          %get3A_638 = tpu.vector_load %arg14[%get3A_636, %get3A_637] {strides = array<i32>} : memref<128x128xf32, #tpu.memory_space<vmem>>, vector<16xf32>,
          %add3A_639 = arith.constant 0 : i32
          %add3A_640 = arith.addi %add3A_587, %add3A_639 : i32
          %get3A_641 = arith.index_cast %add3A_640 : i32 to index
          %get3A_642 = arith.constant 48 : index
          %get3A_643 = tpu.vector_load %arg15[%get3A_641, %get3A_642] {strides = array<i32>} : memref<128x128xf32, #tpu.memory_space<vmem>>, vector<16xf32>,
          %mul3A_644 = arith.mulf %get3A_638, %get3A_643 : vector<16xf32>
          %add3A_645 = arith.constant 0 : i32
          %add3A_646 = arith.addi %add3A_587, %add3A_645 : i32
          %swap3A_647 = arith.index_cast %add3A_646 : i32 to index
          %swap3A_648 = arith.constant 48 : index
          %swap3A_649 = tpu.vector_load %arg16[%swap3A_647, %swap3A_648] {strides = array<i32>} : memref<128x128xf32, #tpu.memory_space<vmem>>, vector<16xf32>,
          tpu.vector_store %arg16[%swap3A_647, %swap3A_648], %mul3A_644 {strides = array<i32>} : memref<128x128xf32, #tpu.memory_space<vmem>>, vector<16xf32>,
          %add3A_650 = arith.constant 1 : i32
          %add3A_651 = arith.addi %add3A_587, %add3A_650 : i32
          %get3A_652 = arith.index_cast %add3A_651 : i32 to index
          %get3A_653 = arith.constant 0 : index
          %get3A_654 = tpu.vector_load %arg14[%get3A_652, %get3A_653] {strides = array<i32>} : memref<128x128xf32, #tpu.memory_space<vmem>>, vector<16xf32>,
          %add3A_655 = arith.constant 1 : i32
          %add3A_656 = arith.addi %add3A_587, %add3A_655 : i32
          %get3A_657 = arith.index_cast %add3A_656 : i32 to index
          %get3A_658 = arith.constant 0 : index
          %get3A_659 = tpu.vector_load %arg15[%get3A_657, %get3A_658] {strides = array<i32>} : memref<128x128xf32, #tpu.memory_space<vmem>>, vector<16xf32>,
          %mul3A_660 = arith.mulf %get3A_654, %get3A_659 : vector<16xf32>
          %add3A_661 = arith.constant 1 : i32
          %add3A_662 = arith.addi %add3A_587, %add3A_661 : i32
          %swap3A_663 = arith.index_cast %add3A_662 : i32 to index
          %swap3A_664 = arith.constant 0 : index
          %swap3A_665 = tpu.vector_load %arg16[%swap3A_663, %swap3A_664] {strides = array<i32>} : memref<128x128xf32, #tpu.memory_space<vmem>>, vector<16xf32>,
          tpu.vector_store %arg16[%swap3A_663, %swap3A_664], %mul3A_660 {strides = array<i32>} : memref<128x128xf32, #tpu.memory_space<vmem>>, vector<16xf32>,
          %add3A_666 = arith.constant 1 : i32
          %add3A_667 = arith.addi %add3A_587, %add3A_666 : i32
          %get3A_668 = arith.index_cast %add3A_667 : i32 to index
          %get3A_669 = arith.constant 16 : index
          %get3A_670 = tpu.vector_load %arg14[%get3A_668, %get3A_669] {strides = array<i32>} : memref<128x128xf32, #tpu.memory_space<vmem>>, vector<16xf32>,
          %add3A_671 = arith.constant 1 : i32
          %add3A_672 = arith.addi %add3A_587, %add3A_671 : i32
          %get3A_673 = arith.index_cast %add3A_672 : i32 to index
          %get3A_674 = arith.constant 16 : index
          %get3A_675 = tpu.vector_load %arg15[%get3A_673, %get3A_674] {strides = array<i32>} : memref<128x128xf32, #tpu.memory_space<vmem>>, vector<16xf32>,
          %mul3A_676 = arith.mulf %get3A_670, %get3A_675 : vector<16xf32>
          %add3A_677 = arith.constant 1 : i32
          %add3A_678 = arith.addi %add3A_587, %add3A_677 : i32
          %swap3A_679 = arith.index_cast %add3A_678 : i32 to index
          %swap3A_680 = arith.constant 16 : index
          %swap3A_681 = tpu.vector_load %arg16[%swap3A_679, %swap3A_680] {strides = array<i32>} : memref<128x128xf32, #tpu.memory_space<vmem>>, vector<16xf32>,
          tpu.vector_store %arg16[%swap3A_679, %swap3A_680], %mul3A_676 {strides = array<i32>} : memref<128x128xf32, #tpu.memory_space<vmem>>, vector<16xf32>,
          %add3A_682 = arith.constant 1 : i32
          %add3A_683 = arith.addi %add3A_587, %add3A_682 : i32
          %get3A_684 = arith.index_cast %add3A_683 : i32 to index
          %get3A_685 = arith.constant 32 : index
          %get3A_686 = tpu.vector_load %arg14[%get3A_684, %get3A_685] {strides = array<i32>} : memref<128x128xf32, #tpu.memory_space<vmem>>, vector<16xf32>,
          %add3A_687 = arith.constant 1 : i32
          %add3A_688 = arith.addi %add3A_587, %add3A_687 : i32
          %get3A_689 = arith.index_cast %add3A_688 : i32 to index
          %get3A_690 = arith.constant 32 : index
          %get3A_691 = tpu.vector_load %arg15[%get3A_689, %get3A_690] {strides = array<i32>} : memref<128x128xf32, #tpu.memory_space<vmem>>, vector<16xf32>,
          %mul3A_692 = arith.mulf %get3A_686, %get3A_691 : vector<16xf32>
          %add3A_693 = arith.constant 1 : i32
          %add3A_694 = arith.addi %add3A_587, %add3A_693 : i32
          %swap3A_695 = arith.index_cast %add3A_694 : i32 to index
          %swap3A_696 = arith.constant 32 : index
          %swap3A_697 = tpu.vector_load %arg16[%swap3A_695, %swap3A_696] {strides = array<i32>} : memref<128x128xf32, #tpu.memory_space<vmem>>, vector<16xf32>,
          tpu.vector_store %arg16[%swap3A_695, %swap3A_696], %mul3A_692 {strides = array<i32>} : memref<128x128xf32, #tpu.memory_space<vmem>>, vector<16xf32>,
          %add3A_698 = arith.constant 1 : i32
          %add3A_699 = arith.addi %add3A_587, %add3A_698 : i32
          %get3A_700 = arith.index_cast %add3A_699 : i32 to index
          %get3A_701 = arith.constant 48 : index
          %get3A_702 = tpu.vector_load %arg14[%get3A_700, %get3A_701] {strides = array<i32>} : memref<128x128xf32, #tpu.memory_space<vmem>>, vector<16xf32>,
          %add3A_703 = arith.constant 1 : i32
          %add3A_704 = arith.addi %add3A_587, %add3A_703 : i32
          %get3A_705 = arith.index_cast %add3A_704 : i32 to index
          %get3A_706 = arith.constant 48 : index
          %get3A_707 = tpu.vector_load %arg15[%get3A_705, %get3A_706] {strides = array<i32>} : memref<128x128xf32, #tpu.memory_space<vmem>>, vector<16xf32>,
          %mul3A_708 = arith.mulf %get3A_702, %get3A_707 : vector<16xf32>
          %add3A_709 = arith.constant 1 : i32
          %add3A_710 = arith.addi %add3A_587, %add3A_709 : i32
          %swap3A_711 = arith.index_cast %add3A_710 : i32 to index
          %swap3A_712 = arith.constant 48 : index
          %swap3A_713 = tpu.vector_load %arg16[%swap3A_711, %swap3A_712] {strides = array<i32>} : memref<128x128xf32, #tpu.memory_space<vmem>>, vector<16xf32>,
          tpu.vector_store %arg16[%swap3A_711, %swap3A_712], %mul3A_708 {strides = array<i32>} : memref<128x128xf32, #tpu.memory_space<vmem>>, vector<16xf32>,
          %add3A_714 = arith.constant 2 : i32
          %add3A_715 = arith.addi %add3A_587, %add3A_714 : i32
          %get3A_716 = arith.index_cast %add3A_715 : i32 to index
          %get3A_717 = arith.constant 0 : index
          %get3A_718 = tpu.vector_load %arg14[%get3A_716, %get3A_717] {strides = array<i32>} : memref<128x128xf32, #tpu.memory_space<vmem>>, vector<16xf32>,
          %add3A_719 = arith.constant 2 : i32
          %add3A_720 = arith.addi %add3A_587, %add3A_719 : i32
          %get3A_721 = arith.index_cast %add3A_720 : i32 to index
          %get3A_722 = arith.constant 0 : index
          %get3A_723 = tpu.vector_load %arg15[%get3A_721, %get3A_722] {strides = array<i32>} : memref<128x128xf32, #tpu.memory_space<vmem>>, vector<16xf32>,
          %mul3A_724 = arith.mulf %get3A_718, %get3A_723 : vector<16xf32>
          %add3A_725 = arith.constant 2 : i32
          %add3A_726 = arith.addi %add3A_587, %add3A_725 : i32
          %swap3A_727 = arith.index_cast %add3A_726 : i32 to index
          %swap3A_728 = arith.constant 0 : index
          %swap3A_729 = tpu.vector_load %arg16[%swap3A_727, %swap3A_728] {strides = array<i32>} : memref<128x128xf32, #tpu.memory_space<vmem>>, vector<16xf32>,
          tpu.vector_store %arg16[%swap3A_727, %swap3A_728], %mul3A_724 {strides = array<i32>} : memref<128x128xf32, #tpu.memory_space<vmem>>, vector<16xf32>,
          %add3A_730 = arith.constant 2 : i32
          %add3A_731 = arith.addi %add3A_587, %add3A_730 : i32
          %get3A_732 = arith.index_cast %add3A_731 : i32 to index
          %get3A_733 = arith.constant 16 : index
          %get3A_734 = tpu.vector_load %arg14[%get3A_732, %get3A_733] {strides = array<i32>} : memref<128x128xf32, #tpu.memory_space<vmem>>, vector<16xf32>,
          %add3A_735 = arith.constant 2 : i32
          %add3A_736 = arith.addi %add3A_587, %add3A_735 : i32
          %get3A_737 = arith.index_cast %add3A_736 : i32 to index
          %get3A_738 = arith.constant 16 : index
          %get3A_739 = tpu.vector_load %arg15[%get3A_737, %get3A_738] {strides = array<i32>} : memref<128x128xf32, #tpu.memory_space<vmem>>, vector<16xf32>,
          %mul3A_740 = arith.mulf %get3A_734, %get3A_739 : vector<16xf32>
          %add3A_741 = arith.constant 2 : i32
          %add3A_742 = arith.addi %add3A_587, %add3A_741 : i32
          %swap3A_743 = arith.index_cast %add3A_742 : i32 to index
          %swap3A_744 = arith.constant 16 : index
          %swap3A_745 = tpu.vector_load %arg16[%swap3A_743, %swap3A_744] {strides = array<i32>} : memref<128x128xf32, #tpu.memory_space<vmem>>, vector<16xf32>,
          tpu.vector_store %arg16[%swap3A_743, %swap3A_744], %mul3A_740 {strides = array<i32>} : memref<128x128xf32, #tpu.memory_space<vmem>>, vector<16xf32>,
          %add3A_746 = arith.constant 2 : i32
          %add3A_747 = arith.addi %add3A_587, %add3A_746 : i32
          %get3A_748 = arith.index_cast %add3A_747 : i32 to index
          %get3A_749 = arith.constant 32 : index
          %get3A_750 = tpu.vector_load %arg14[%get3A_748, %get3A_749] {strides = array<i32>} : memref<128x128xf32, #tpu.memory_space<vmem>>, vector<16xf32>,
          %add3A_751 = arith.constant 2 : i32
          %add3A_752 = arith.addi %add3A_587, %add3A_751 : i32
          %get3A_753 = arith.index_cast %add3A_752 : i32 to index
          %get3A_754 = arith.constant 32 : index
          %get3A_755 = tpu.vector_load %arg15[%get3A_753, %get3A_754] {strides = array<i32>} : memref<128x128xf32, #tpu.memory_space<vmem>>, vector<16xf32>,
          %mul3A_756 = arith.mulf %get3A_750, %get3A_755 : vector<16xf32>
          %add3A_757 = arith.constant 2 : i32
          %add3A_758 = arith.addi %add3A_587, %add3A_757 : i32
          %swap3A_759 = arith.index_cast %add3A_758 : i32 to index
          %swap3A_760 = arith.constant 32 : index
          %swap3A_761 = tpu.vector_load %arg16[%swap3A_759, %swap3A_760] {strides = array<i32>} : memref<128x128xf32, #tpu.memory_space<vmem>>, vector<16xf32>,
          tpu.vector_store %arg16[%swap3A_759, %swap3A_760], %mul3A_756 {strides = array<i32>} : memref<128x128xf32, #tpu.memory_space<vmem>>, vector<16xf32>,
          %add3A_762 = arith.constant 2 : i32
          %add3A_763 = arith.addi %add3A_587, %add3A_762 : i32
          %get3A_764 = arith.index_cast %add3A_763 : i32 to index
          %get3A_765 = arith.constant 48 : index
          %get3A_766 = tpu.vector_load %arg14[%get3A_764, %get3A_765] {strides = array<i32>} : memref<128x128xf32, #tpu.memory_space<vmem>>, vector<16xf32>,
          %add3A_767 = arith.constant 2 : i32
          %add3A_768 = arith.addi %add3A_587, %add3A_767 : i32
          %get3A_769 = arith.index_cast %add3A_768 : i32 to index
          %get3A_770 = arith.constant 48 : index
          %get3A_771 = tpu.vector_load %arg15[%get3A_769, %get3A_770] {strides = array<i32>} : memref<128x128xf32, #tpu.memory_space<vmem>>, vector<16xf32>,
          %mul3A_772 = arith.mulf %get3A_766, %get3A_771 : vector<16xf32>
          %add3A_773 = arith.constant 2 : i32
          %add3A_774 = arith.addi %add3A_587, %add3A_773 : i32
          %swap3A_775 = arith.index_cast %add3A_774 : i32 to index
          %swap3A_776 = arith.constant 48 : index
          %swap3A_777 = tpu.vector_load %arg16[%swap3A_775, %swap3A_776] {strides = array<i32>} : memref<128x128xf32, #tpu.memory_space<vmem>>, vector<16xf32>,
          tpu.vector_store %arg16[%swap3A_775, %swap3A_776], %mul3A_772 {strides = array<i32>} : memref<128x128xf32, #tpu.memory_space<vmem>>, vector<16xf32>,
          %add3A_778 = arith.constant 3 : i32
          %add3A_779 = arith.addi %add3A_587, %add3A_778 : i32
          %get3A_780 = arith.index_cast %add3A_779 : i32 to index
          %get3A_781 = arith.constant 0 : index
          %get3A_782 = tpu.vector_load %arg14[%get3A_780, %get3A_781] {strides = array<i32>} : memref<128x128xf32, #tpu.memory_space<vmem>>, vector<16xf32>,
          %add3A_783 = arith.constant 3 : i32
          %add3A_784 = arith.addi %add3A_587, %add3A_783 : i32
          %get3A_785 = arith.index_cast %add3A_784 : i32 to index
          %get3A_786 = arith.constant 0 : index
          %get3A_787 = tpu.vector_load %arg15[%get3A_785, %get3A_786] {strides = array<i32>} : memref<128x128xf32, #tpu.memory_space<vmem>>, vector<16xf32>,
          %mul3A_788 = arith.mulf %get3A_782, %get3A_787 : vector<16xf32>
          %add3A_789 = arith.constant 3 : i32
          %add3A_790 = arith.addi %add3A_587, %add3A_789 : i32
          %swap3A_791 = arith.index_cast %add3A_790 : i32 to index
          %swap3A_792 = arith.constant 0 : index
          %swap3A_793 = tpu.vector_load %arg16[%swap3A_791, %swap3A_792] {strides = array<i32>} : memref<128x128xf32, #tpu.memory_space<vmem>>, vector<16xf32>,
          tpu.vector_store %arg16[%swap3A_791, %swap3A_792], %mul3A_788 {strides = array<i32>} : memref<128x128xf32, #tpu.memory_space<vmem>>, vector<16xf32>,
          %add3A_794 = arith.constant 3 : i32
          %add3A_795 = arith.addi %add3A_587, %add3A_794 : i32
          %get3A_796 = arith.index_cast %add3A_795 : i32 to index
          %get3A_797 = arith.constant 16 : index
          %get3A_798 = tpu.vector_load %arg14[%get3A_796, %get3A_797] {strides = array<i32>} : memref<128x128xf32, #tpu.memory_space<vmem>>, vector<16xf32>,
          %add3A_799 = arith.constant 3 : i32
          %add3A_800 = arith.addi %add3A_587, %add3A_799 : i32
          %get3A_801 = arith.index_cast %add3A_800 : i32 to index
          %get3A_802 = arith.constant 16 : index
          %get3A_803 = tpu.vector_load %arg15[%get3A_801, %get3A_802] {strides = array<i32>} : memref<128x128xf32, #tpu.memory_space<vmem>>, vector<16xf32>,
          %mul3A_804 = arith.mulf %get3A_798, %get3A_803 : vector<16xf32>
          %add3A_805 = arith.constant 3 : i32
          %add3A_806 = arith.addi %add3A_587, %add3A_805 : i32
          %swap3A_807 = arith.index_cast %add3A_806 : i32 to index
          %swap3A_808 = arith.constant 16 : index
          %swap3A_809 = tpu.vector_load %arg16[%swap3A_807, %swap3A_808] {strides = array<i32>} : memref<128x128xf32, #tpu.memory_space<vmem>>, vector<16xf32>,
          tpu.vector_store %arg16[%swap3A_807, %swap3A_808], %mul3A_804 {strides = array<i32>} : memref<128x128xf32, #tpu.memory_space<vmem>>, vector<16xf32>,
          %add3A_810 = arith.constant 3 : i32
          %add3A_811 = arith.addi %add3A_587, %add3A_810 : i32
          %get3A_812 = arith.index_cast %add3A_811 : i32 to index
          %get3A_813 = arith.constant 32 : index
          %get3A_814 = tpu.vector_load %arg14[%get3A_812, %get3A_813] {strides = array<i32>} : memref<128x128xf32, #tpu.memory_space<vmem>>, vector<16xf32>,
          %add3A_815 = arith.constant 3 : i32
          %add3A_816 = arith.addi %add3A_587, %add3A_815 : i32
          %get3A_817 = arith.index_cast %add3A_816 : i32 to index
          %get3A_818 = arith.constant 32 : index
          %get3A_819 = tpu.vector_load %arg15[%get3A_817, %get3A_818] {strides = array<i32>} : memref<128x128xf32, #tpu.memory_space<vmem>>, vector<16xf32>,
          %mul3A_820 = arith.mulf %get3A_814, %get3A_819 : vector<16xf32>
          %add3A_821 = arith.constant 3 : i32
          %add3A_822 = arith.addi %add3A_587, %add3A_821 : i32
          %swap3A_823 = arith.index_cast %add3A_822 : i32 to index
          %swap3A_824 = arith.constant 32 : index
          %swap3A_825 = tpu.vector_load %arg16[%swap3A_823, %swap3A_824] {strides = array<i32>} : memref<128x128xf32, #tpu.memory_space<vmem>>, vector<16xf32>,
          tpu.vector_store %arg16[%swap3A_823, %swap3A_824], %mul3A_820 {strides = array<i32>} : memref<128x128xf32, #tpu.memory_space<vmem>>, vector<16xf32>,
          %add3A_826 = arith.constant 3 : i32
          %add3A_827 = arith.addi %add3A_587, %add3A_826 : i32
          %get3A_828 = arith.index_cast %add3A_827 : i32 to index
          %get3A_829 = arith.constant 48 : index
          %get3A_830 = tpu.vector_load %arg14[%get3A_828, %get3A_829] {strides = array<i32>} : memref<128x128xf32, #tpu.memory_space<vmem>>, vector<16xf32>,
          %add3A_831 = arith.constant 3 : i32
          %add3A_832 = arith.addi %add3A_587, %add3A_831 : i32
          %get3A_833 = arith.index_cast %add3A_832 : i32 to index
          %get3A_834 = arith.constant 48 : index
          %get3A_835 = tpu.vector_load %arg15[%get3A_833, %get3A_834] {strides = array<i32>} : memref<128x128xf32, #tpu.memory_space<vmem>>, vector<16xf32>,
          %mul3A_836 = arith.mulf %get3A_830, %get3A_835 : vector<16xf32>
          %add3A_837 = arith.constant 3 : i32
          %add3A_838 = arith.addi %add3A_587, %add3A_837 : i32
          %swap3A_839 = arith.index_cast %add3A_838 : i32 to index
          %swap3A_840 = arith.constant 48 : index
          %swap3A_841 = tpu.vector_load %arg16[%swap3A_839, %swap3A_840] {strides = array<i32>} : memref<128x128xf32, #tpu.memory_space<vmem>>, vector<16xf32>,
          tpu.vector_store %arg16[%swap3A_839, %swap3A_840], %mul3A_836 {strides = array<i32>} : memref<128x128xf32, #tpu.memory_space<vmem>>, vector<16xf32>,
        }
        %scan3A_576 = arith.constant 32 : i32
        %dma_start3A_577 = arith.constant 0 : i32
        %dma_start3A_578 = tpu.memref_slice %arg13[%select_n3A_554, %dma_start3A_577] : memref<4x128xi32, #tpu.memory_space<vmem>> -> memref<1x128xi32, #tpu.memory_space<vmem>>
        %dma_start3A_579 = tpu.memref_squeeze %dma_start3A_578 : memref<1x128xi32, #tpu.memory_space<vmem>> -> memref<128xi32, #tpu.memory_space<vmem>>
        %dma_start3A_580 = arith.constant 0 : i32
        %dma_start3A_581 = arith.constant 0 : i32
        %dma_start3A_582 = tpu.memref_slice %arg18[%dma_start3A_580, %dma_start3A_581] : memref<8200x128xf32, #tpu.memory_space<vmem_shared>> -> memref<8200x128xf32, #tpu.memory_space<vmem_shared>>
        tpu.enqueue_indirect_dma source(%arg16 : memref<128x128xf32, #tpu.memory_space<vmem>>) target(%dma_start3A_582 : memref<8200x128xf32, #tpu.memory_space<vmem_shared>>) offsets(%dma_start3A_579 : memref<128xi32, #tpu.memory_space<vmem>>) semaphore(%arg21 : memref<!tpu.dma_semaphore, #tpu.memory_space<semaphore_mem>>) {add = true}
      } else {
      }
      %jit3A = arith.constant 128 : i32
      %div3A = arith.divsi %scan3A_296#1, %jit3A : i32
      %sign3A = arith.constant 0 : i32
      %sign3A_315 = arith.cmpi sgt, %scan3A_296#1, %sign3A : i32
      %sign3A_316 = arith.extui %sign3A_315 : i1 to i32
      %sign3A_317 = arith.constant 0 : i32
      %sign3A_318 = arith.cmpi slt, %scan3A_296#1, %sign3A_317 : i32
      %sign3A_319 = arith.extui %sign3A_318 : i1 to i32
      %sign3A_320 = arith.subi %sign3A_316, %sign3A_319 : i32
      %sign3A_321 = arith.constant 0 : i32
      %sign3A_322 = arith.cmpi sgt, %jit3A, %sign3A_321 : i32
      %sign3A_323 = arith.extui %sign3A_322 : i1 to i32
      %sign3A_324 = arith.constant 0 : i32
      %sign3A_325 = arith.cmpi slt, %jit3A, %sign3A_324 : i32
      %sign3A_326 = arith.extui %sign3A_325 : i1 to i32
      %sign3A_327 = arith.subi %sign3A_323, %sign3A_326 : i32
      %ne3A = arith.cmpi ne, %sign3A_320, %sign3A_327 : i32
      %rem3A = arith.remsi %scan3A_296#1, %jit3A : i32
      %ne3A_328 = arith.constant 0 : i32
      %ne3A_329 = arith.cmpi ne, %rem3A, %ne3A_328 : i32
      %and3A = arith.andi %ne3A, %ne3A_329 : i1
      %sub3A_330 = arith.constant 1 : i32
      %sub3A_331 = arith.subi %div3A, %sub3A_330 : i32
      %select_n3A = arith.select %and3A, %sub3A_331, %div3A : i32
      %gt3A_332 = arith.constant 0 : i32
      %gt3A_333 = arith.cmpi sgt, %sub3A_309, %gt3A_332 : i32
      %select_n3A_334 = arith.constant 0 : i32
      %select_n3A_335 = arith.constant 1 : i32
      %select_n3A_336 = arith.select %gt3A_333, %select_n3A_335, %select_n3A_334 : i32
      %add3A_337 = arith.addi %select_n3A, %select_n3A_336 : i32
      %ge3A = arith.constant 1 : i32
      %ge3A_338 = arith.cmpi sge, %add3A_337, %ge3A : i32
      %convert_element_type3A_339 = arith.extui %ge3A_338 : i1 to i32
      %cond3A_340 = arith.constant 0 : i32
      %cond3A_341 = arith.cmpi ne, %convert_element_type3A_339, %cond3A_340 : i32
      scf.if %cond3A_341 {
        %dma_wait3A_349 = arith.constant 0 : i32
        %dma_wait3A_350 = arith.constant 0 : i32
        %dma_wait3A_351 = tpu.memref_slice %arg6[%dma_wait3A_349, %dma_wait3A_350] : memref<327680x128xf32, #tpu.memory_space<hbm>> -> memref<128x128xf32, #tpu.memory_space<hbm>>
        %dma_wait3A_352 = arith.constant 0 : i32
        %dma_wait3A_353 = arith.constant 0 : i32
        %dma_wait3A_354 = tpu.memref_slice %arg6[%dma_wait3A_352, %dma_wait3A_353] : memref<327680x128xf32, #tpu.memory_space<hbm>> -> memref<128x128xf32, #tpu.memory_space<hbm>>
        tpu.wait_dma2 semaphore(%arg21 : memref<!tpu.dma_semaphore, #tpu.memory_space<semaphore_mem>>) src(%dma_wait3A_354 : memref<128x128xf32, #tpu.memory_space<hbm>>) dst(%arg16 : memref<128x128xf32, #tpu.memory_space<vmem>>)
      } else {
      }
      %barrier3A_342 = arith.constant 0 : index
      tpu.barrier barrier_id(%barrier3A_342)
      %mul3A_343 = arith.constant 512 : i32
      %mul3A_344 = arith.muli %arg1, %mul3A_343 : i32
      %add3A_345 = arith.addi %mul3A_24, %mul3A_344 : i32
      %multiple_of3A = tpu.assume_multiple %add3A_345, 8 : i32
      %mul3A_346 = arith.constant 512 : i32
      %mul3A_347 = arith.muli %arg1, %mul3A_346 : i32
      "tpu.region"() ({
        %run_scoped3A = tpu.sem_alloc : memref<!tpu.dma_semaphore, #tpu.memory_space<semaphore_mem>>
        %dma_start3A_349 = arith.constant 0 : i32
        %dma_start3A_350 = tpu.memref_slice %arg6[%multiple_of3A, %dma_start3A_349] : memref<327680x128xf32, #tpu.memory_space<hbm>> -> memref<512x128xf32, #tpu.memory_space<hbm>>
        %dma_start3A_351 = arith.constant 0 : i32
        %dma_start3A_352 = tpu.memref_slice %arg18[%mul3A_347, %dma_start3A_351] : memref<8200x128xf32, #tpu.memory_space<vmem_shared>> -> memref<512x128xf32, #tpu.memory_space<vmem_shared>>
        tpu.enqueue_dma source(%dma_start3A_352 : memref<512x128xf32, #tpu.memory_space<vmem_shared>>) target(%dma_start3A_350 : memref<512x128xf32, #tpu.memory_space<hbm>>) target_semaphore(%run_scoped3A : memref<!tpu.dma_semaphore, #tpu.memory_space<semaphore_mem>>)
        %dma_wait3A_353 = arith.constant 0 : i32
        %dma_wait3A_354 = tpu.memref_slice %arg6[%multiple_of3A, %dma_wait3A_353] : memref<327680x128xf32, #tpu.memory_space<hbm>> -> memref<512x128xf32, #tpu.memory_space<hbm>>
        %dma_wait3A_355 = arith.constant 0 : i32
        %dma_wait3A_356 = tpu.memref_slice %arg18[%mul3A_347, %dma_wait3A_355] : memref<8200x128xf32, #tpu.memory_space<vmem_shared>> -> memref<512x128xf32, #tpu.memory_space<vmem_shared>>
        tpu.wait_dma2 semaphore(%run_scoped3A : memref<!tpu.dma_semaphore, #tpu.memory_space<semaphore_mem>>) src(%dma_wait3A_356 : memref<512x128xf32, #tpu.memory_space<vmem_shared>>) dst(%dma_wait3A_354 : memref<512x128xf32, #tpu.memory_space<hbm>>)
        tpu.yield
      }) : () -> ()
      %barrier3A_348 = arith.constant 0 : index
      tpu.barrier barrier_id(%barrier3A_348)
    }
    %scan3A_15 = arith.constant 20 : i32
    return
  }
}

module attributes {stable_mosaic.version = 14 : i64} {
  func.func @_sbf_body(%arg0: i32, %arg1: memref<4000x42xf32, #tpu.memory_space<vmem>>, %arg2: memref<42x64xf32, #tpu.memory_space<vmem>>, %arg3: memref<4000x128xf32, #tpu.memory_space<vmem>>) attributes {dimension_semantics = [#tpu.dimension_semantics<arbitrary>], iteration_bounds = array<i64: 240>, scalar_prefetch = 0 : i64, scratch_operands = 0 : i64, tpu.core_type = #tpu.core_type<tc>, window_params = [{transform_indices = @transform_0, window_bounds = array<i64: 4000, 42>}, {pipeline_mode = #tpu.pipeline_mode<synchronous>, transform_indices = @transform_1, window_bounds = array<i64: 42, 64>}, {transform_indices = @transform_2, window_bounds = array<i64: 4000, 128>}]} {
    %get3A = arith.constant 0 : index
    %get3A_0 = arith.constant 0 : index
    %get3A_1 = vector.load %arg1[%get3A, %get3A_0] : memref<4000x42xf32, #tpu.memory_space<vmem>>, vector<4000x42xf32>
    %get3A_2 = arith.constant 0 : index
    %get3A_3 = arith.constant 0 : index
    %get3A_4 = vector.load %arg2[%get3A_2, %get3A_3] : memref<42x64xf32, #tpu.memory_space<vmem>>, vector<42x64xf32>
    %convert_element_type3A = arith.truncf %get3A_1 : vector<4000x42xf32> to vector<4000x42xbf16>
    %convert_element_type3A_5 = arith.truncf %get3A_4 : vector<42x64xf32> to vector<42x64xbf16>
    %dot_general3A = arith.constant dense<0.000000e+00> : vector<4000x64xf32>
    %dot_general3A_6 = tpu.matmul %convert_element_type3A, %convert_element_type3A_5, %dot_general3A {dimension_numbers = #tpu.dot_dimension_numbers<[1], [0], [0], [1], [0, 0, 1, 1], [], []>, transpose_lhs_hint = false} : vector<4000x42xbf16>, vector<42x64xbf16>, vector<4000x64xf32> -> vector<4000x64xf32>
    %broadcast_in_dim3A = arith.constant 0.000000e+00 : f32
    %broadcast_in_dim3A_7 = vector.broadcast %broadcast_in_dim3A : f32 to vector<4000x64xf32>
    %concatenate3A = tpu.concatenate %dot_general3A_6, %broadcast_in_dim3A_7 in 1 : vector<4000x64xf32>, vector<4000x64xf32> -> vector<4000x128xf32>
    %swap3A = arith.constant 0 : index
    %swap3A_8 = arith.constant 0 : index
    %swap3A_9 = vector.load %arg3[%swap3A, %swap3A_8] : memref<4000x128xf32, #tpu.memory_space<vmem>>, vector<4000x128xf32>
    tpu.vector_store %arg3[%swap3A, %swap3A_8], %concatenate3A {strides = array<i32>} : memref<4000x128xf32, #tpu.memory_space<vmem>>, vector<4000x128xf32>,
    return
  }
  func.func @transform_0(%arg0: i32) -> (i32, i32) {
    %c0_i32 = arith.constant 0 : i32
    %c0_i32_0 = arith.constant 0 : i32
    return %arg0, %c0_i32 : i32, i32
  }
  func.func @transform_1(%arg0: i32) -> (i32, i32) {
    %c0_i32 = arith.constant 0 : i32
    %c0_i32_0 = arith.constant 0 : i32
    %c0_i32_1 = arith.constant 0 : i32
    return %c0_i32, %c0_i32_0 : i32, i32
  }
  func.func @transform_2(%arg0: i32) -> (i32, i32) {
    %c0_i32 = arith.constant 0 : i32
    %c0_i32_0 = arith.constant 0 : i32
    return %arg0, %c0_i32 : i32, i32
  }
}

module attributes {stable_mosaic.version = 14 : i64} {
  func.func @_pre_body(%arg0: i32, %arg1: memref<4000x128xf32, #tpu.memory_space<vmem>>, %arg2: memref<4000x6xf32, #tpu.memory_space<vmem>>, %arg3: memref<128x128xf32, #tpu.memory_space<vmem>>, %arg4: memref<1x128xf32, #tpu.memory_space<vmem>>, %arg5: memref<6x128xf32, #tpu.memory_space<vmem>>, %arg6: memref<128x64xf32, #tpu.memory_space<vmem>>, %arg7: memref<4000x128xf32, #tpu.memory_space<vmem>>) attributes {dimension_semantics = [#tpu.dimension_semantics<arbitrary>], iteration_bounds = array<i64: 80>, scalar_prefetch = 0 : i64, scratch_operands = 0 : i64, tpu.core_type = #tpu.core_type<tc>, window_params = [{transform_indices = @transform_0, window_bounds = array<i64: 4000, 128>}, {transform_indices = @transform_1, window_bounds = array<i64: 4000, 6>}, {pipeline_mode = #tpu.pipeline_mode<synchronous>, transform_indices = @transform_2, window_bounds = array<i64: 128, 128>}, {pipeline_mode = #tpu.pipeline_mode<synchronous>, transform_indices = @transform_3, window_bounds = array<i64: 1, 128>}, {pipeline_mode = #tpu.pipeline_mode<synchronous>, transform_indices = @transform_4, window_bounds = array<i64: 6, 128>}, {pipeline_mode = #tpu.pipeline_mode<synchronous>, transform_indices = @transform_5, window_bounds = array<i64: 128, 64>}, {transform_indices = @transform_6, window_bounds = array<i64: 4000, 128>}]} {
    %get3A = arith.constant 0 : index
    %get3A_0 = arith.constant 0 : index
    %get3A_1 = vector.load %arg1[%get3A, %get3A_0] : memref<4000x128xf32, #tpu.memory_space<vmem>>, vector<4000x128xf32>
    %get3A_2 = arith.constant 0 : index
    %get3A_3 = arith.constant 0 : index
    %get3A_4 = vector.load %arg3[%get3A_2, %get3A_3] : memref<128x128xf32, #tpu.memory_space<vmem>>, vector<128x128xf32>
    %convert_element_type3A = arith.truncf %get3A_1 : vector<4000x128xf32> to vector<4000x128xbf16>
    %convert_element_type3A_5 = arith.truncf %get3A_4 : vector<128x128xf32> to vector<128x128xbf16>
    %dot_general3A = arith.constant dense<0.000000e+00> : vector<4000x128xf32>
    %dot_general3A_6 = tpu.matmul %convert_element_type3A, %convert_element_type3A_5, %dot_general3A {dimension_numbers = #tpu.dot_dimension_numbers<[1], [0], [0], [1], [0, 0, 1, 1], [], []>, transpose_lhs_hint = false} : vector<4000x128xbf16>, vector<128x128xbf16>, vector<4000x128xf32> -> vector<4000x128xf32>
    %get3A_7 = arith.constant 0 : index
    %get3A_8 = arith.constant 0 : index
    %get3A_9 = vector.load %arg4[%get3A_7, %get3A_8] : memref<1x128xf32, #tpu.memory_space<vmem>>, vector<1x128xf32>
    %add3A = vector.broadcast %get3A_9 : vector<1x128xf32> to vector<4000x128xf32>
    %add3A_10 = arith.addf %dot_general3A_6, %add3A : vector<4000x128xf32>
    %logistic3A = arith.negf %add3A_10 : vector<4000x128xf32>
    %logistic3A_11 = math.exp %logistic3A : vector<4000x128xf32>
    %logistic3A_12 = arith.constant 1.000000e+00 : f32
    %logistic3A_13 = vector.broadcast %logistic3A_12 : f32 to vector<4000x128xf32>
    %logistic3A_14 = arith.addf %logistic3A_13, %logistic3A_11 : vector<4000x128xf32>
    %logistic3A_15 = arith.divf %logistic3A_13, %logistic3A_14 : vector<4000x128xf32>
    %mul3A = arith.mulf %add3A_10, %logistic3A_15 : vector<4000x128xf32>
    %get3A_16 = arith.constant 0 : index
    %get3A_17 = arith.constant 0 : index
    %get3A_18 = vector.load %arg2[%get3A_16, %get3A_17] : memref<4000x6xf32, #tpu.memory_space<vmem>>, vector<4000x6xf32>
    %get3A_19 = arith.constant 0 : index
    %get3A_20 = arith.constant 0 : index
    %get3A_21 = vector.load %arg5[%get3A_19, %get3A_20] : memref<6x128xf32, #tpu.memory_space<vmem>>, vector<6x128xf32>
    %convert_element_type3A_22 = arith.truncf %get3A_18 : vector<4000x6xf32> to vector<4000x6xbf16>
    %convert_element_type3A_23 = arith.truncf %get3A_21 : vector<6x128xf32> to vector<6x128xbf16>
    %dot_general3A_24 = arith.constant dense<0.000000e+00> : vector<4000x128xf32>
    %dot_general3A_25 = tpu.matmul %convert_element_type3A_22, %convert_element_type3A_23, %dot_general3A_24 {dimension_numbers = #tpu.dot_dimension_numbers<[1], [0], [0], [1], [0, 0, 1, 1], [], []>, transpose_lhs_hint = false} : vector<4000x6xbf16>, vector<6x128xbf16>, vector<4000x128xf32> -> vector<4000x128xf32>
    %mul3A_26 = arith.mulf %mul3A, %dot_general3A_25 : vector<4000x128xf32>
    %get3A_27 = arith.constant 0 : index
    %get3A_28 = arith.constant 0 : index
    %get3A_29 = vector.load %arg6[%get3A_27, %get3A_28] : memref<128x64xf32, #tpu.memory_space<vmem>>, vector<128x64xf32>
    %convert_element_type3A_30 = arith.truncf %mul3A_26 : vector<4000x128xf32> to vector<4000x128xbf16>
    %convert_element_type3A_31 = arith.truncf %get3A_29 : vector<128x64xf32> to vector<128x64xbf16>
    %dot_general3A_32 = arith.constant dense<0.000000e+00> : vector<4000x64xf32>
    %dot_general3A_33 = tpu.matmul %convert_element_type3A_30, %convert_element_type3A_31, %dot_general3A_32 {dimension_numbers = #tpu.dot_dimension_numbers<[1], [0], [0], [1], [0, 0, 1, 1], [], []>, transpose_lhs_hint = false} : vector<4000x128xbf16>, vector<128x64xbf16>, vector<4000x64xf32> -> vector<4000x64xf32>
    %logistic3A_34 = arith.negf %dot_general3A_33 : vector<4000x64xf32>
    %logistic3A_35 = math.exp %logistic3A_34 : vector<4000x64xf32>
    %logistic3A_36 = arith.constant 1.000000e+00 : f32
    %logistic3A_37 = vector.broadcast %logistic3A_36 : f32 to vector<4000x64xf32>
    %logistic3A_38 = arith.addf %logistic3A_37, %logistic3A_35 : vector<4000x64xf32>
    %logistic3A_39 = arith.divf %logistic3A_37, %logistic3A_38 : vector<4000x64xf32>
    %mul3A_40 = arith.mulf %dot_general3A_33, %logistic3A_39 : vector<4000x64xf32>
    %broadcast_in_dim3A = arith.constant 0.000000e+00 : f32
    %broadcast_in_dim3A_41 = vector.broadcast %broadcast_in_dim3A : f32 to vector<4000x64xf32>
    %concatenate3A = tpu.concatenate %mul3A_40, %broadcast_in_dim3A_41 in 1 : vector<4000x64xf32>, vector<4000x64xf32> -> vector<4000x128xf32>
    %swap3A = arith.constant 0 : index
    %swap3A_42 = arith.constant 0 : index
    %swap3A_43 = vector.load %arg7[%swap3A, %swap3A_42] : memref<4000x128xf32, #tpu.memory_space<vmem>>, vector<4000x128xf32>
    tpu.vector_store %arg7[%swap3A, %swap3A_42], %concatenate3A {strides = array<i32>} : memref<4000x128xf32, #tpu.memory_space<vmem>>, vector<4000x128xf32>,
    return
  }
  func.func @transform_0(%arg0: i32) -> (i32, i32) {
    %c0_i32 = arith.constant 0 : i32
    %c0_i32_0 = arith.constant 0 : i32
    return %arg0, %c0_i32 : i32, i32
  }
  func.func @transform_1(%arg0: i32) -> (i32, i32) {
    %c0_i32 = arith.constant 0 : i32
    %c0_i32_0 = arith.constant 0 : i32
    return %arg0, %c0_i32 : i32, i32
  }
  func.func @transform_2(%arg0: i32) -> (i32, i32) {
    %c0_i32 = arith.constant 0 : i32
    %c0_i32_0 = arith.constant 0 : i32
    %c0_i32_1 = arith.constant 0 : i32
    return %c0_i32, %c0_i32_0 : i32, i32
  }
  func.func @transform_3(%arg0: i32) -> (i32, i32) {
    %c0_i32 = arith.constant 0 : i32
    %c0_i32_0 = arith.constant 0 : i32
    %c0_i32_1 = arith.constant 0 : i32
    return %c0_i32, %c0_i32_0 : i32, i32
  }
  func.func @transform_4(%arg0: i32) -> (i32, i32) {
    %c0_i32 = arith.constant 0 : i32
    %c0_i32_0 = arith.constant 0 : i32
    %c0_i32_1 = arith.constant 0 : i32
    return %c0_i32, %c0_i32_0 : i32, i32
  }
  func.func @transform_5(%arg0: i32) -> (i32, i32) {
    %c0_i32 = arith.constant 0 : i32
    %c0_i32_0 = arith.constant 0 : i32
    %c0_i32_1 = arith.constant 0 : i32
    return %c0_i32, %c0_i32_0 : i32, i32
  }
  func.func @transform_6(%arg0: i32) -> (i32, i32) {
    %c0_i32 = arith.constant 0 : i32
    %c0_i32_0 = arith.constant 0 : i32
    return %arg0, %c0_i32 : i32, i32
  }
}

module attributes {stable_mosaic.version = 14 : i64} {
  func.func @_post_body(%arg0: i32, %arg1: memref<4000x128xf32, #tpu.memory_space<vmem>>, %arg2: memref<4000x128xf32, #tpu.memory_space<vmem>>, %arg3: memref<128x128xf32, #tpu.memory_space<vmem>>, %arg4: memref<1x128xf32, #tpu.memory_space<vmem>>, %arg5: memref<64x128xf32, #tpu.memory_space<vmem>>, %arg6: memref<128x128xf32, #tpu.memory_space<vmem>>, %arg7: memref<1x128xf32, #tpu.memory_space<vmem>>, %arg8: memref<128x128xf32, #tpu.memory_space<vmem>>, %arg9: memref<1x128xf32, #tpu.memory_space<vmem>>, %arg10: memref<128x128xf32, #tpu.memory_space<vmem>>, %arg11: memref<1x128xf32, #tpu.memory_space<vmem>>, %arg12: memref<128x128xf32, #tpu.memory_space<vmem>>, %arg13: memref<1x128xf32, #tpu.memory_space<vmem>>, %arg14: memref<128x128xf32, #tpu.memory_space<vmem>>, %arg15: memref<1x128xf32, #tpu.memory_space<vmem>>, %arg16: memref<128x128xf32, #tpu.memory_space<vmem>>, %arg17: memref<1x128xf32, #tpu.memory_space<vmem>>, %arg18: memref<128x128xf32, #tpu.memory_space<vmem>>, %arg19: memref<1x128xf32, #tpu.memory_space<vmem>>, %arg20: memref<4000x128xf32, #tpu.memory_space<vmem>>) attributes {dimension_semantics = [#tpu.dimension_semantics<arbitrary>], iteration_bounds = array<i64: 80>, scalar_prefetch = 0 : i64, scratch_operands = 0 : i64, tpu.core_type = #tpu.core_type<tc>, window_params = [{transform_indices = @transform_0, window_bounds = array<i64: 4000, 128>}, {transform_indices = @transform_1, window_bounds = array<i64: 4000, 128>}, {pipeline_mode = #tpu.pipeline_mode<synchronous>, transform_indices = @transform_2, window_bounds = array<i64: 128, 128>}, {pipeline_mode = #tpu.pipeline_mode<synchronous>, transform_indices = @transform_3, window_bounds = array<i64: 1, 128>}, {pipeline_mode = #tpu.pipeline_mode<synchronous>, transform_indices = @transform_4, window_bounds = array<i64: 64, 128>}, {pipeline_mode = #tpu.pipeline_mode<synchronous>, transform_indices = @transform_5, window_bounds = array<i64: 128, 128>}, {pipeline_mode = #tpu.pipeline_mode<synchronous>, transform_indices = @transform_6, window_bounds = array<i64: 1, 128>}, {pipeline_mode = #tpu.pipeline_mode<synchronous>, transform_indices = @transform_7, window_bounds = array<i64: 128, 128>}, {pipeline_mode = #tpu.pipeline_mode<synchronous>, transform_indices = @transform_8, window_bounds = array<i64: 1, 128>}, {pipeline_mode = #tpu.pipeline_mode<synchronous>, transform_indices = @transform_9, window_bounds = array<i64: 128, 128>}, {pipeline_mode = #tpu.pipeline_mode<synchronous>, transform_indices = @transform_10, window_bounds = array<i64: 1, 128>}, {pipeline_mode = #tpu.pipeline_mode<synchronous>, transform_indices = @transform_11, window_bounds = array<i64: 128, 128>}, {pipeline_mode = #tpu.pipeline_mode<synchronous>, transform_indices = @transform_12, window_bounds = array<i64: 1, 128>}, {pipeline_mode = #tpu.pipeline_mode<synchronous>, transform_indices = @transform_13, window_bounds = array<i64: 128, 128>}, {pipeline_mode = #tpu.pipeline_mode<synchronous>, transform_indices = @transform_14, window_bounds = array<i64: 1, 128>}, {pipeline_mode = #tpu.pipeline_mode<synchronous>, transform_indices = @transform_15, window_bounds = array<i64: 128, 128>}, {pipeline_mode = #tpu.pipeline_mode<synchronous>, transform_indices = @transform_16, window_bounds = array<i64: 1, 128>}, {pipeline_mode = #tpu.pipeline_mode<synchronous>, transform_indices = @transform_17, window_bounds = array<i64: 128, 128>}, {pipeline_mode = #tpu.pipeline_mode<synchronous>, transform_indices = @transform_18, window_bounds = array<i64: 1, 128>}, {transform_indices = @transform_19, window_bounds = array<i64: 4000, 128>}]} {
    %get3A = arith.constant 0 : index
    %get3A_0 = arith.constant 0 : index
    %get3A_1 = vector.load %arg1[%get3A, %get3A_0] : memref<4000x128xf32, #tpu.memory_space<vmem>>, vector<4000x128xf32>
    %get3A_2 = arith.constant 0 : index
    %get3A_3 = arith.constant 0 : index
    %get3A_4 = vector.load %arg2[%get3A_2, %get3A_3] : memref<4000x128xf32, #tpu.memory_space<vmem>>, vector<4000x128xf32>
    %slice3A = vector.extract_strided_slice %get3A_4 {offsets = [0, 0], sizes = [4000, 64], strides = [1, 1]} : vector<4000x128xf32> to vector<4000x64xf32>
    %get3A_5 = arith.constant 0 : index
    %get3A_6 = arith.constant 0 : index
    %get3A_7 = vector.load %arg3[%get3A_5, %get3A_6] : memref<128x128xf32, #tpu.memory_space<vmem>>, vector<128x128xf32>
    %convert_element_type3A = arith.truncf %get3A_1 : vector<4000x128xf32> to vector<4000x128xbf16>
    %convert_element_type3A_8 = arith.truncf %get3A_7 : vector<128x128xf32> to vector<128x128xbf16>
    %dot_general3A = arith.constant dense<0.000000e+00> : vector<4000x128xf32>
    %dot_general3A_9 = tpu.matmul %convert_element_type3A, %convert_element_type3A_8, %dot_general3A {dimension_numbers = #tpu.dot_dimension_numbers<[1], [0], [0], [1], [0, 0, 1, 1], [], []>, transpose_lhs_hint = false} : vector<4000x128xbf16>, vector<128x128xbf16>, vector<4000x128xf32> -> vector<4000x128xf32>
    %get3A_10 = arith.constant 0 : index
    %get3A_11 = arith.constant 0 : index
    %get3A_12 = vector.load %arg4[%get3A_10, %get3A_11] : memref<1x128xf32, #tpu.memory_space<vmem>>, vector<1x128xf32>
    %add3A = vector.broadcast %get3A_12 : vector<1x128xf32> to vector<4000x128xf32>
    %add3A_13 = arith.addf %dot_general3A_9, %add3A : vector<4000x128xf32>
    %logistic3A = arith.negf %add3A_13 : vector<4000x128xf32>
    %logistic3A_14 = math.exp %logistic3A : vector<4000x128xf32>
    %logistic3A_15 = arith.constant 1.000000e+00 : f32
    %logistic3A_16 = vector.broadcast %logistic3A_15 : f32 to vector<4000x128xf32>
    %logistic3A_17 = arith.addf %logistic3A_16, %logistic3A_14 : vector<4000x128xf32>
    %logistic3A_18 = arith.divf %logistic3A_16, %logistic3A_17 : vector<4000x128xf32>
    %mul3A = arith.mulf %add3A_13, %logistic3A_18 : vector<4000x128xf32>
    %get3A_19 = arith.constant 0 : index
    %get3A_20 = arith.constant 0 : index
    %get3A_21 = vector.load %arg5[%get3A_19, %get3A_20] : memref<64x128xf32, #tpu.memory_space<vmem>>, vector<64x128xf32>
    %convert_element_type3A_22 = arith.truncf %slice3A : vector<4000x64xf32> to vector<4000x64xbf16>
    %convert_element_type3A_23 = arith.truncf %get3A_21 : vector<64x128xf32> to vector<64x128xbf16>
    %dot_general3A_24 = arith.constant dense<0.000000e+00> : vector<4000x128xf32>
    %dot_general3A_25 = tpu.matmul %convert_element_type3A_22, %convert_element_type3A_23, %dot_general3A_24 {dimension_numbers = #tpu.dot_dimension_numbers<[1], [0], [0], [1], [0, 0, 1, 1], [], []>, transpose_lhs_hint = false} : vector<4000x64xbf16>, vector<64x128xbf16>, vector<4000x128xf32> -> vector<4000x128xf32>
    %logistic3A_26 = arith.negf %dot_general3A_25 : vector<4000x128xf32>
    %logistic3A_27 = math.exp %logistic3A_26 : vector<4000x128xf32>
    %logistic3A_28 = arith.constant 1.000000e+00 : f32
    %logistic3A_29 = vector.broadcast %logistic3A_28 : f32 to vector<4000x128xf32>
    %logistic3A_30 = arith.addf %logistic3A_29, %logistic3A_27 : vector<4000x128xf32>
    %logistic3A_31 = arith.divf %logistic3A_29, %logistic3A_30 : vector<4000x128xf32>
    %mul3A_32 = arith.mulf %dot_general3A_25, %logistic3A_31 : vector<4000x128xf32>
    %add3A_33 = arith.addf %mul3A, %mul3A_32 : vector<4000x128xf32>
    %get3A_34 = arith.constant 0 : index
    %get3A_35 = arith.constant 0 : index
    %get3A_36 = vector.load %arg6[%get3A_34, %get3A_35] : memref<128x128xf32, #tpu.memory_space<vmem>>, vector<128x128xf32>
    %convert_element_type3A_37 = arith.truncf %add3A_33 : vector<4000x128xf32> to vector<4000x128xbf16>
    %convert_element_type3A_38 = arith.truncf %get3A_36 : vector<128x128xf32> to vector<128x128xbf16>
    %dot_general3A_39 = arith.constant dense<0.000000e+00> : vector<4000x128xf32>
    %dot_general3A_40 = tpu.matmul %convert_element_type3A_37, %convert_element_type3A_38, %dot_general3A_39 {dimension_numbers = #tpu.dot_dimension_numbers<[1], [0], [0], [1], [0, 0, 1, 1], [], []>, transpose_lhs_hint = false} : vector<4000x128xbf16>, vector<128x128xbf16>, vector<4000x128xf32> -> vector<4000x128xf32>
    %get3A_41 = arith.constant 0 : index
    %get3A_42 = arith.constant 0 : index
    %get3A_43 = vector.load %arg7[%get3A_41, %get3A_42] : memref<1x128xf32, #tpu.memory_space<vmem>>, vector<1x128xf32>
    %add3A_44 = vector.broadcast %get3A_43 : vector<1x128xf32> to vector<4000x128xf32>
    %add3A_45 = arith.addf %dot_general3A_40, %add3A_44 : vector<4000x128xf32>
    %logistic3A_46 = arith.negf %add3A_45 : vector<4000x128xf32>
    %logistic3A_47 = math.exp %logistic3A_46 : vector<4000x128xf32>
    %logistic3A_48 = arith.constant 1.000000e+00 : f32
    %logistic3A_49 = vector.broadcast %logistic3A_48 : f32 to vector<4000x128xf32>
    %logistic3A_50 = arith.addf %logistic3A_49, %logistic3A_47 : vector<4000x128xf32>
    %logistic3A_51 = arith.divf %logistic3A_49, %logistic3A_50 : vector<4000x128xf32>
    %mul3A_52 = arith.mulf %add3A_45, %logistic3A_51 : vector<4000x128xf32>
    %get3A_53 = arith.constant 0 : index
    %get3A_54 = arith.constant 0 : index
    %get3A_55 = vector.load %arg8[%get3A_53, %get3A_54] : memref<128x128xf32, #tpu.memory_space<vmem>>, vector<128x128xf32>
    %convert_element_type3A_56 = arith.truncf %mul3A_52 : vector<4000x128xf32> to vector<4000x128xbf16>
    %convert_element_type3A_57 = arith.truncf %get3A_55 : vector<128x128xf32> to vector<128x128xbf16>
    %dot_general3A_58 = arith.constant dense<0.000000e+00> : vector<4000x128xf32>
    %dot_general3A_59 = tpu.matmul %convert_element_type3A_56, %convert_element_type3A_57, %dot_general3A_58 {dimension_numbers = #tpu.dot_dimension_numbers<[1], [0], [0], [1], [0, 0, 1, 1], [], []>, transpose_lhs_hint = false} : vector<4000x128xbf16>, vector<128x128xbf16>, vector<4000x128xf32> -> vector<4000x128xf32>
    %get3A_60 = arith.constant 0 : index
    %get3A_61 = arith.constant 0 : index
    %get3A_62 = vector.load %arg9[%get3A_60, %get3A_61] : memref<1x128xf32, #tpu.memory_space<vmem>>, vector<1x128xf32>
    %add3A_63 = vector.broadcast %get3A_62 : vector<1x128xf32> to vector<4000x128xf32>
    %add3A_64 = arith.addf %dot_general3A_59, %add3A_63 : vector<4000x128xf32>
    %logistic3A_65 = arith.negf %add3A_64 : vector<4000x128xf32>
    %logistic3A_66 = math.exp %logistic3A_65 : vector<4000x128xf32>
    %logistic3A_67 = arith.constant 1.000000e+00 : f32
    %logistic3A_68 = vector.broadcast %logistic3A_67 : f32 to vector<4000x128xf32>
    %logistic3A_69 = arith.addf %logistic3A_68, %logistic3A_66 : vector<4000x128xf32>
    %logistic3A_70 = arith.divf %logistic3A_68, %logistic3A_69 : vector<4000x128xf32>
    %mul3A_71 = arith.mulf %add3A_64, %logistic3A_70 : vector<4000x128xf32>
    %add3A_72 = arith.addf %add3A_33, %mul3A_71 : vector<4000x128xf32>
    %get3A_73 = arith.constant 0 : index
    %get3A_74 = arith.constant 0 : index
    %get3A_75 = vector.load %arg10[%get3A_73, %get3A_74] : memref<128x128xf32, #tpu.memory_space<vmem>>, vector<128x128xf32>
    %convert_element_type3A_76 = arith.truncf %add3A_72 : vector<4000x128xf32> to vector<4000x128xbf16>
    %convert_element_type3A_77 = arith.truncf %get3A_75 : vector<128x128xf32> to vector<128x128xbf16>
    %dot_general3A_78 = arith.constant dense<0.000000e+00> : vector<4000x128xf32>
    %dot_general3A_79 = tpu.matmul %convert_element_type3A_76, %convert_element_type3A_77, %dot_general3A_78 {dimension_numbers = #tpu.dot_dimension_numbers<[1], [0], [0], [1], [0, 0, 1, 1], [], []>, transpose_lhs_hint = false} : vector<4000x128xbf16>, vector<128x128xbf16>, vector<4000x128xf32> -> vector<4000x128xf32>
    %get3A_80 = arith.constant 0 : index
    %get3A_81 = arith.constant 0 : index
    %get3A_82 = vector.load %arg11[%get3A_80, %get3A_81] : memref<1x128xf32, #tpu.memory_space<vmem>>, vector<1x128xf32>
    %add3A_83 = vector.broadcast %get3A_82 : vector<1x128xf32> to vector<4000x128xf32>
    %add3A_84 = arith.addf %dot_general3A_79, %add3A_83 : vector<4000x128xf32>
    %logistic3A_85 = arith.negf %add3A_84 : vector<4000x128xf32>
    %logistic3A_86 = math.exp %logistic3A_85 : vector<4000x128xf32>
    %logistic3A_87 = arith.constant 1.000000e+00 : f32
    %logistic3A_88 = vector.broadcast %logistic3A_87 : f32 to vector<4000x128xf32>
    %logistic3A_89 = arith.addf %logistic3A_88, %logistic3A_86 : vector<4000x128xf32>
    %logistic3A_90 = arith.divf %logistic3A_88, %logistic3A_89 : vector<4000x128xf32>
    %mul3A_91 = arith.mulf %add3A_84, %logistic3A_90 : vector<4000x128xf32>
    %add3A_92 = arith.addf %mul3A_91, %get3A_1 : vector<4000x128xf32>
    %get3A_93 = arith.constant 0 : index
    %get3A_94 = arith.constant 0 : index
    %get3A_95 = vector.load %arg12[%get3A_93, %get3A_94] : memref<128x128xf32, #tpu.memory_space<vmem>>, vector<128x128xf32>
    %convert_element_type3A_96 = arith.truncf %add3A_92 : vector<4000x128xf32> to vector<4000x128xbf16>
    %convert_element_type3A_97 = arith.truncf %get3A_95 : vector<128x128xf32> to vector<128x128xbf16>
    %dot_general3A_98 = arith.constant dense<0.000000e+00> : vector<4000x128xf32>
    %dot_general3A_99 = tpu.matmul %convert_element_type3A_96, %convert_element_type3A_97, %dot_general3A_98 {dimension_numbers = #tpu.dot_dimension_numbers<[1], [0], [0], [1], [0, 0, 1, 1], [], []>, transpose_lhs_hint = false} : vector<4000x128xbf16>, vector<128x128xbf16>, vector<4000x128xf32> -> vector<4000x128xf32>
    %get3A_100 = arith.constant 0 : index
    %get3A_101 = arith.constant 0 : index
    %get3A_102 = vector.load %arg13[%get3A_100, %get3A_101] : memref<1x128xf32, #tpu.memory_space<vmem>>, vector<1x128xf32>
    %add3A_103 = vector.broadcast %get3A_102 : vector<1x128xf32> to vector<4000x128xf32>
    %add3A_104 = arith.addf %dot_general3A_99, %add3A_103 : vector<4000x128xf32>
    %logistic3A_105 = arith.negf %add3A_104 : vector<4000x128xf32>
    %logistic3A_106 = math.exp %logistic3A_105 : vector<4000x128xf32>
    %logistic3A_107 = arith.constant 1.000000e+00 : f32
    %logistic3A_108 = vector.broadcast %logistic3A_107 : f32 to vector<4000x128xf32>
    %logistic3A_109 = arith.addf %logistic3A_108, %logistic3A_106 : vector<4000x128xf32>
    %logistic3A_110 = arith.divf %logistic3A_108, %logistic3A_109 : vector<4000x128xf32>
    %mul3A_111 = arith.mulf %add3A_104, %logistic3A_110 : vector<4000x128xf32>
    %get3A_112 = arith.constant 0 : index
    %get3A_113 = arith.constant 0 : index
    %get3A_114 = vector.load %arg14[%get3A_112, %get3A_113] : memref<128x128xf32, #tpu.memory_space<vmem>>, vector<128x128xf32>
    %convert_element_type3A_115 = arith.truncf %mul3A_111 : vector<4000x128xf32> to vector<4000x128xbf16>
    %convert_element_type3A_116 = arith.truncf %get3A_114 : vector<128x128xf32> to vector<128x128xbf16>
    %dot_general3A_117 = arith.constant dense<0.000000e+00> : vector<4000x128xf32>
    %dot_general3A_118 = tpu.matmul %convert_element_type3A_115, %convert_element_type3A_116, %dot_general3A_117 {dimension_numbers = #tpu.dot_dimension_numbers<[1], [0], [0], [1], [0, 0, 1, 1], [], []>, transpose_lhs_hint = false} : vector<4000x128xbf16>, vector<128x128xbf16>, vector<4000x128xf32> -> vector<4000x128xf32>
    %get3A_119 = arith.constant 0 : index
    %get3A_120 = arith.constant 0 : index
    %get3A_121 = vector.load %arg15[%get3A_119, %get3A_120] : memref<1x128xf32, #tpu.memory_space<vmem>>, vector<1x128xf32>
    %add3A_122 = vector.broadcast %get3A_121 : vector<1x128xf32> to vector<4000x128xf32>
    %add3A_123 = arith.addf %dot_general3A_118, %add3A_122 : vector<4000x128xf32>
    %logistic3A_124 = arith.negf %add3A_123 : vector<4000x128xf32>
    %logistic3A_125 = math.exp %logistic3A_124 : vector<4000x128xf32>
    %logistic3A_126 = arith.constant 1.000000e+00 : f32
    %logistic3A_127 = vector.broadcast %logistic3A_126 : f32 to vector<4000x128xf32>
    %logistic3A_128 = arith.addf %logistic3A_127, %logistic3A_125 : vector<4000x128xf32>
    %logistic3A_129 = arith.divf %logistic3A_127, %logistic3A_128 : vector<4000x128xf32>
    %mul3A_130 = arith.mulf %add3A_123, %logistic3A_129 : vector<4000x128xf32>
    %add3A_131 = arith.addf %add3A_92, %mul3A_130 : vector<4000x128xf32>
    %get3A_132 = arith.constant 0 : index
    %get3A_133 = arith.constant 0 : index
    %get3A_134 = vector.load %arg16[%get3A_132, %get3A_133] : memref<128x128xf32, #tpu.memory_space<vmem>>, vector<128x128xf32>
    %convert_element_type3A_135 = arith.truncf %add3A_131 : vector<4000x128xf32> to vector<4000x128xbf16>
    %convert_element_type3A_136 = arith.truncf %get3A_134 : vector<128x128xf32> to vector<128x128xbf16>
    %dot_general3A_137 = arith.constant dense<0.000000e+00> : vector<4000x128xf32>
    %dot_general3A_138 = tpu.matmul %convert_element_type3A_135, %convert_element_type3A_136, %dot_general3A_137 {dimension_numbers = #tpu.dot_dimension_numbers<[1], [0], [0], [1], [0, 0, 1, 1], [], []>, transpose_lhs_hint = false} : vector<4000x128xbf16>, vector<128x128xbf16>, vector<4000x128xf32> -> vector<4000x128xf32>
    %get3A_139 = arith.constant 0 : index
    %get3A_140 = arith.constant 0 : index
    %get3A_141 = vector.load %arg17[%get3A_139, %get3A_140] : memref<1x128xf32, #tpu.memory_space<vmem>>, vector<1x128xf32>
    %add3A_142 = vector.broadcast %get3A_141 : vector<1x128xf32> to vector<4000x128xf32>
    %add3A_143 = arith.addf %dot_general3A_138, %add3A_142 : vector<4000x128xf32>
    %logistic3A_144 = arith.negf %add3A_143 : vector<4000x128xf32>
    %logistic3A_145 = math.exp %logistic3A_144 : vector<4000x128xf32>
    %logistic3A_146 = arith.constant 1.000000e+00 : f32
    %logistic3A_147 = vector.broadcast %logistic3A_146 : f32 to vector<4000x128xf32>
    %logistic3A_148 = arith.addf %logistic3A_147, %logistic3A_145 : vector<4000x128xf32>
    %logistic3A_149 = arith.divf %logistic3A_147, %logistic3A_148 : vector<4000x128xf32>
    %mul3A_150 = arith.mulf %add3A_143, %logistic3A_149 : vector<4000x128xf32>
    %get3A_151 = arith.constant 0 : index
    %get3A_152 = arith.constant 0 : index
    %get3A_153 = vector.load %arg18[%get3A_151, %get3A_152] : memref<128x128xf32, #tpu.memory_space<vmem>>, vector<128x128xf32>
    %convert_element_type3A_154 = arith.truncf %mul3A_150 : vector<4000x128xf32> to vector<4000x128xbf16>
    %convert_element_type3A_155 = arith.truncf %get3A_153 : vector<128x128xf32> to vector<128x128xbf16>
    %dot_general3A_156 = arith.constant dense<0.000000e+00> : vector<4000x128xf32>
    %dot_general3A_157 = tpu.matmul %convert_element_type3A_154, %convert_element_type3A_155, %dot_general3A_156 {dimension_numbers = #tpu.dot_dimension_numbers<[1], [0], [0], [1], [0, 0, 1, 1], [], []>, transpose_lhs_hint = false} : vector<4000x128xbf16>, vector<128x128xbf16>, vector<4000x128xf32> -> vector<4000x128xf32>
    %get3A_158 = arith.constant 0 : index
    %get3A_159 = arith.constant 0 : index
    %get3A_160 = vector.load %arg19[%get3A_158, %get3A_159] : memref<1x128xf32, #tpu.memory_space<vmem>>, vector<1x128xf32>
    %add3A_161 = vector.broadcast %get3A_160 : vector<1x128xf32> to vector<4000x128xf32>
    %add3A_162 = arith.addf %dot_general3A_157, %add3A_161 : vector<4000x128xf32>
    %logistic3A_163 = arith.negf %add3A_162 : vector<4000x128xf32>
    %logistic3A_164 = math.exp %logistic3A_163 : vector<4000x128xf32>
    %logistic3A_165 = arith.constant 1.000000e+00 : f32
    %logistic3A_166 = vector.broadcast %logistic3A_165 : f32 to vector<4000x128xf32>
    %logistic3A_167 = arith.addf %logistic3A_166, %logistic3A_164 : vector<4000x128xf32>
    %logistic3A_168 = arith.divf %logistic3A_166, %logistic3A_167 : vector<4000x128xf32>
    %mul3A_169 = arith.mulf %add3A_162, %logistic3A_168 : vector<4000x128xf32>
    %add3A_170 = arith.addf %add3A_131, %mul3A_169 : vector<4000x128xf32>
    %swap3A = arith.constant 0 : index
    %swap3A_171 = arith.constant 0 : index
    %swap3A_172 = vector.load %arg20[%swap3A, %swap3A_171] : memref<4000x128xf32, #tpu.memory_space<vmem>>, vector<4000x128xf32>
    tpu.vector_store %arg20[%swap3A, %swap3A_171], %add3A_170 {strides = array<i32>} : memref<4000x128xf32, #tpu.memory_space<vmem>>, vector<4000x128xf32>,
    return
  }
  func.func @transform_0(%arg0: i32) -> (i32, i32) {
    %c0_i32 = arith.constant 0 : i32
    %c0_i32_0 = arith.constant 0 : i32
    return %arg0, %c0_i32 : i32, i32
  }
  func.func @transform_1(%arg0: i32) -> (i32, i32) {
    %c0_i32 = arith.constant 0 : i32
    %c0_i32_0 = arith.constant 0 : i32
    return %arg0, %c0_i32 : i32, i32
  }
  func.func @transform_2(%arg0: i32) -> (i32, i32) {
    %c0_i32 = arith.constant 0 : i32
    %c0_i32_0 = arith.constant 0 : i32
    %c0_i32_1 = arith.constant 0 : i32
    return %c0_i32, %c0_i32_0 : i32, i32
  }
  func.func @transform_3(%arg0: i32) -> (i32, i32) {
    %c0_i32 = arith.constant 0 : i32
    %c0_i32_0 = arith.constant 0 : i32
    %c0_i32_1 = arith.constant 0 : i32
    return %c0_i32, %c0_i32_0 : i32, i32
  }
  func.func @transform_4(%arg0: i32) -> (i32, i32) {
    %c0_i32 = arith.constant 0 : i32
    %c0_i32_0 = arith.constant 0 : i32
    %c0_i32_1 = arith.constant 0 : i32
    return %c0_i32, %c0_i32_0 : i32, i32
  }
  func.func @transform_5(%arg0: i32) -> (i32, i32) {
    %c0_i32 = arith.constant 0 : i32
    %c0_i32_0 = arith.constant 0 : i32
    %c0_i32_1 = arith.constant 0 : i32
    return %c0_i32, %c0_i32_0 : i32, i32
  }
  func.func @transform_6(%arg0: i32) -> (i32, i32) {
    %c0_i32 = arith.constant 0 : i32
    %c0_i32_0 = arith.constant 0 : i32
    %c0_i32_1 = arith.constant 0 : i32
    return %c0_i32, %c0_i32_0 : i32, i32
  }
  func.func @transform_7(%arg0: i32) -> (i32, i32) {
    %c0_i32 = arith.constant 0 : i32
    %c0_i32_0 = arith.constant 0 : i32
    %c0_i32_1 = arith.constant 0 : i32
    return %c0_i32, %c0_i32_0 : i32, i32
  }
  func.func @transform_8(%arg0: i32) -> (i32, i32) {
    %c0_i32 = arith.constant 0 : i32
    %c0_i32_0 = arith.constant 0 : i32
    %c0_i32_1 = arith.constant 0 : i32
    return %c0_i32, %c0_i32_0 : i32, i32
  }
  func.func @transform_9(%arg0: i32) -> (i32, i32) {
    %c0_i32 = arith.constant 0 : i32
    %c0_i32_0 = arith.constant 0 : i32
    %c0_i32_1 = arith.constant 0 : i32
    return %c0_i32, %c0_i32_0 : i32, i32
  }
  func.func @transform_10(%arg0: i32) -> (i32, i32) {
    %c0_i32 = arith.constant 0 : i32
    %c0_i32_0 = arith.constant 0 : i32
    %c0_i32_1 = arith.constant 0 : i32
    return %c0_i32, %c0_i32_0 : i32, i32
  }
  func.func @transform_11(%arg0: i32) -> (i32, i32) {
    %c0_i32 = arith.constant 0 : i32
    %c0_i32_0 = arith.constant 0 : i32
    %c0_i32_1 = arith.constant 0 : i32
    return %c0_i32, %c0_i32_0 : i32, i32
  }
  func.func @transform_12(%arg0: i32) -> (i32, i32) {
    %c0_i32 = arith.constant 0 : i32
    %c0_i32_0 = arith.constant 0 : i32
    %c0_i32_1 = arith.constant 0 : i32
    return %c0_i32, %c0_i32_0 : i32, i32
  }
  func.func @transform_13(%arg0: i32) -> (i32, i32) {
    %c0_i32 = arith.constant 0 : i32
    %c0_i32_0 = arith.constant 0 : i32
    %c0_i32_1 = arith.constant 0 : i32
    return %c0_i32, %c0_i32_0 : i32, i32
  }
  func.func @transform_14(%arg0: i32) -> (i32, i32) {
    %c0_i32 = arith.constant 0 : i32
    %c0_i32_0 = arith.constant 0 : i32
    %c0_i32_1 = arith.constant 0 : i32
    return %c0_i32, %c0_i32_0 : i32, i32
  }
  func.func @transform_15(%arg0: i32) -> (i32, i32) {
    %c0_i32 = arith.constant 0 : i32
    %c0_i32_0 = arith.constant 0 : i32
    %c0_i32_1 = arith.constant 0 : i32
    return %c0_i32, %c0_i32_0 : i32, i32
  }
  func.func @transform_16(%arg0: i32) -> (i32, i32) {
    %c0_i32 = arith.constant 0 : i32
    %c0_i32_0 = arith.constant 0 : i32
    %c0_i32_1 = arith.constant 0 : i32
    return %c0_i32, %c0_i32_0 : i32, i32
  }
  func.func @transform_17(%arg0: i32) -> (i32, i32) {
    %c0_i32 = arith.constant 0 : i32
    %c0_i32_0 = arith.constant 0 : i32
    %c0_i32_1 = arith.constant 0 : i32
    return %c0_i32, %c0_i32_0 : i32, i32
  }
  func.func @transform_18(%arg0: i32) -> (i32, i32) {
    %c0_i32 = arith.constant 0 : i32
    %c0_i32_0 = arith.constant 0 : i32
    %c0_i32_1 = arith.constant 0 : i32
    return %c0_i32, %c0_i32_0 : i32, i32
  }
  func.func @transform_19(%arg0: i32) -> (i32, i32) {
    %c0_i32 = arith.constant 0 : i32
    %c0_i32_0 = arith.constant 0 : i32
    return %arg0, %c0_i32 : i32, i32
  }
}

</mosaic_0001>

<sc_bundles>
// kernel: kernel.6.cloned.1.call-start
scs
__scs_entry_jumppad:
0x0: {  	(pc) =	sbr.rel $0x88, $3  }
0x1: {  	(tag) =	ssettag $0x0;
	lr =	simm.s32 $0x1  }
0x2: {  	[smem:$0x3F86] =	sst lr;
	_ =	strace $0xD0000000  }
0x3: {  	_ = 	snop  }
0x4: {  	_ = 	snop  }
0x5: {  	_ = 	snop  }
0x6: {  	_ = 	snop  }
0x7: {  	_ = 	snop  }
__scs_overlays_trampoline_lowered:
0x8: {  	[smem:$0x3F95] =	sst s0  }
0x9: {  	[smem:$0x3F96] =	sst s1  }
0xa: {  	[smem:$0x3F97] =	sst s2  }
0xb: {  	[smem:$0x3F98] =	sst s3  }
0xc: {  	[smem:$0x3F99] =	sst s4  }
0xd: {  	[smem:$0x3F9A] =	sst s5  }
0xe: {  	[smem:$0x3F9B] =	sst s6  }
0xf: {  	[smem:$0x3F9C] =	sst s7  }
0x10: {  	[smem:$0x3F9D] =	sst s8  }
0x11: {  	[smem:$0x3F9E] =	sst s9;
	s0 =	simm.s32 @!p0 $0x0  }
0x12: {  	s1 =	sld [smem:$0x3F84];
	s0 =	simm.s32 @p0 $0x1  }
0x13: {  	[smem:$0x3F9F] =	sst s0;
	s0 =	simm.s32 @!p1 $0x0  }
0x14: {  	s2 =	sld [smem:$0x3F83];
	s0 =	simm.s32 @p1 $0x1  }
0x15: {  	[smem:$0x3FA0] =	sst s0;
	s0 =	simm.s32 @!p2 $0x0  }
0x16: {  	s3 =	sld [smem:$0x3FDB];
	s0 =	simm.s32 @p2 $0x1  }
0x17: {  	s4 =	simm.s32 $0x1BF5;
	[smem:$0x3FA2] =	sst s0  }
0x18: {  	s0 =	sld [smem:$0x3F85];
	_ =	swait.ge [sflag:s4], $0x0  }
0x19: {  	s7 =	sld [smem:$0x3F86]  }
0x1a: {  	s8 =	sadd.s32 $0xFFFFE003, lr  }
0x1b: {  	s9 =	sadd.s32 $0xFFFFFEF7, lr;
	s5 =	simm.s32 $0xFFFFFFFF;
	p2 =	slt.u32 s8, $0xFFFFF086  }
0x1c: {  	p1 =	slt.u32 s9, $0xF7A;
	s5 =	simm.s32 @!p2 $0x0  }
0x1d: {  	s5 =	simm.s32 @p1 $0x1;
	p0 =	seq.s32 s7, s2  }
0x1e: {  	s7 =	smul.u32 @!p0 $0xF7A, s2;
	p2 =	seq.s32 @!p0 s5, $0x0  }
0x1f: {  	s9 =	smul.u32 $0xF7A, s1;
	s8 =	simm.s32 @!p0 $0x1BF5;
	p2 =	por !p2, p0  }
0x20: {  	[sflag:s8] =	ssyncset.s32 @!p0 $0xFFFFF086;
	s6 =	sadd.s32 @!p0 s3, s7;
	s7 =	simm.s32 @!p0 $0x108  }
0x21: {  	s3 =	sadd.s32 s3, s9;
	s6 =	sadd.s32 @!p0 $0x88, s6;
	s7 =	simm.s32 @p2 $0x1082  }
0x22: {  	[simem:s7], [sflag:s8] =	dma.local @!p0 [hbm:s6], $0xF7A  }
0x23: {  	s9 =	sor.u32 $0xD0000000, s2;
	s6 =	simm.s32 $0x108;
	_ =	swait.ge @!p0 [sflag:s8], $0x0  }
0x24: {  	s3 =	sadd.s32 $0x88, s3;
	s6 =	simm.s32 @!p1 $0x1082;
	[sflag:s4] =	ssyncset.s32 $0xFFFFF086  }
0x25: {  	[simem:s6], [sflag:s4] =	dma.local [hbm:s3], $0xF7A  }
0x26: {  	[smem:$0x3F86] =	sst s1;
	(tag) =	ssettag s2;
	_ =	strace s9  }
0x27: {  	s1 =	sld [smem:$0x3F96]  }
0x28: {  	s2 =	sld [smem:$0x3F97]  }
0x29: {  	s4 =	sld [smem:$0x3F99]  }
0x2a: {  	p0 =	seq.s32 s5, $0x0;
	s5 =	sld [smem:$0x3F9A]  }
0x2b: {  	s6 =	sld [smem:$0x3F9B]  }
0x2c: {  	s7 =	sld [smem:$0x3F9C]  }
0x2d: {  	s3 =	simm.s32 $0x108;
	s8 =	sld [smem:$0x3F9D]  }
0x2e: {  	s3 =	simm.s32 @!p0 $0x1082;
	s9 =	sld [smem:$0x3F9E]  }
0x2f: {  	lr =	sadd.s32 s0, s3;
	s0 =	sld [smem:$0x3F95]  }
0x30: {  	s3 =	sld [smem:$0x3F98]  }
0x31: {  	[smem:$0x3FA1] =	sst s10  }
0x32: {  	s10 =	sld [smem:$0x3F9F];
	_ =	sdelay $0x3  }
0x33: {  	p0 =	seq.s32 s10, $0x1;
	s10 =	sld [smem:$0x3FA1];
	_ =	sdelay $0x3  }
0x34: {  	[smem:$0x3FA1] =	sst s10  }
0x35: {  	s10 =	sld [smem:$0x3FA0];
	_ =	sdelay $0x3  }
0x36: {  	p1 =	seq.s32 s10, $0x1;
	s10 =	sld [smem:$0x3FA1];
	_ =	sdelay $0x3  }
0x37: {  	[smem:$0x3FA1] =	sst s10  }
0x38: {  	s10 =	sld [smem:$0x3FA2]  }
0x39: {  	_ = 	snop;
	(pc) =	sbr.ind lr, $3  }
0x3a: {  	_ = 	snop  }
0x3b: {  	_ = 	snop  }
0x3c: {  	p2 =	seq.s32 s10, $0x1;
	s10 =	sld [smem:$0x3FA1]  }
0x3d: {  	_ =	shalt  }
0x3e: {  	_ =	shalt  }
0x3f: {  	_ =	shalt  }
0x40: {  	_ =	shalt  }
0x41: {  	_ =	shalt  }
0x42: {  	_ =	shalt  }
0x43: {  	_ =	shalt  }
0x44: {  	_ =	shalt  }
0x45: {  	_ =	shalt  }
0x46: {  	_ =	shalt  }
0x47: {  	_ =	shalt  }
0x48: {  	_ =	shalt  }
0x49: {  	_ =	shalt  }
0x4a: {  	_ =	shalt  }
0x4b: {  	_ =	shalt  }
0x4c: {  	_ =	shalt  }
0x4d: {  	_ =	shalt  }
0x4e: {  	_ =	shalt  }
0x4f: {  	_ =	shalt  }
0x50: {  	_ =	shalt  }
0x51: {  	_ =	shalt  }
0x52: {  	_ =	shalt  }
0x53: {  	_ =	shalt  }
0x54: {  	_ =	shalt  }
0x55: {  	_ =	shalt  }
0x56: {  	_ =	shalt  }
0x57: {  	_ =	shalt  }
0x58: {  	_ =	shalt  }
0x59: {  	_ =	shalt  }
0x5a: {  	_ =	shalt  }
0x5b: {  	_ =	shalt  }
0x5c: {  	_ =	shalt  }
0x5d: {  	_ =	shalt  }
0x5e: {  	_ =	shalt  }
0x5f: {  	_ =	shalt  }
0x60: {  	_ =	shalt  }
0x61: {  	_ =	shalt  }
0x62: {  	_ =	shalt  }
0x63: {  	_ =	shalt  }
0x64: {  	_ =	shalt  }
0x65: {  	_ =	shalt  }
0x66: {  	_ =	shalt  }
0x67: {  	_ =	shalt  }
0x68: {  	_ =	shalt  }
0x69: {  	_ =	shalt  }
0x6a: {  	_ =	shalt  }
0x6b: {  	_ =	shalt  }
0x6c: {  	_ =	shalt  }
0x6d: {  	_ =	shalt  }
0x6e: {  	_ =	shalt  }
0x6f: {  	_ =	shalt  }
0x70: {  	_ =	shalt  }
0x71: {  	_ =	shalt  }
0x72: {  	_ =	shalt  }
0x73: {  	_ =	shalt  }
0x74: {  	_ =	shalt  }
0x75: {  	_ =	shalt  }
0x76: {  	_ =	shalt  }
0x77: {  	_ =	shalt  }
0x78: {  	_ =	shalt  }
0x79: {  	_ =	shalt  }
0x7a: {  	_ =	shalt  }
0x7b: {  	_ =	shalt  }
0x7c: {  	_ =	shalt  }
0x7d: {  	_ =	shalt  }
0x7e: {  	_ =	shalt  }
0x7f: {  	_ =	shalt  }
0x80: {  	_ =	shalt  }
0x81: {  	_ =	shalt  }
0x82: {  	_ =	shalt  }
0x83: {  	_ =	shalt  }
0x84: {  	_ =	shalt  }
0x85: {  	_ =	shalt  }
0x86: {  	_ =	shalt  }
0x87: {  	_ =	shalt  }
.Lfunc_end0:
.L_simem_size_0:
called_computation_lowered:
.L_overlay_start_0:
0x88: {  	s2 =	sld [smem:$0x3FD9]  }
0x89: {  	s3 =	sld [smem:$0x3FFE];
	_ =	sdelay $0x1  }
0x8a: {  	s1 =	srdreg.scid  }
0x8b: {  	s0 =	sand.u32 $0x1, s1  }
0x8c: {  	s16 =	sshll.u32 s0, $0xA;
	s2 =	sadd.s32 s3, s2  }
0x8d: {  	s2 =	sadd.s32 s2, s16  }
0x8e: {  	[smem:$0x3FAD] =	sst s2  }
0x8f: {  	_ = 	snop  }
0x90: {  	(tm) =	ssettm $0x1  }
0x91: {  	s17 =	sld [smem:$0x3FFB];
	_ =	sdelay $0x3  }
0x92: {  	_ =	strace s17  }
0x93: {  	s2 =	sld [smem:$0x3FFC];
	_ =	sdelay $0x3  }
0x94: {  	_ =	strace s2  }
0x95: {  	s2 =	sld [smem:$0x3FFD];
	_ =	sdelay $0x3  }
0x96: {  	_ =	strace s2  }
0x97: {  	_ =	strace $0x8FFFFFFF  }
0x98: {  	s18 =	sld [smem:$0x3FDB];
	_ =	sdelay $0x1  }
0x99: {  	s19 =	simm.s32 $_scs_section_size  }
0x9a: {  	s4 =	simm.s32 $_size__tile_overlayer_lowered;
	s5 =	simm.s32 $_tile_overlayer_lowered  }
0x9b: {  	s22 =	simm.s32 $0x1BFF;
	s21 =	sshll.u32 s5, $0x1;
	s2 =	sadd.s32 s19, s18  }
0x9c: {  	s6 =	simm.s32 $0x0;
	s20 =	sshll.u32 s4, $0x1;
	s4 =	sadd.s32 s21, s2  }
0x9d: {  	[timem:s6], [sflag:s22] =	dma.local [hbm:s4], s20  }
0x9e: {  	_ =	swait.ge [sflag:s22], s20  }
0x9f: {  	s3 =	ssub.s32 $0x0, s20;
	[sflag:s22] =	ssyncset.done $0x0  }
0xa0: {  	[sflag:s22] =	ssyncadd.s32 s3;
	_ =	sdelay $0x1  }
0xa1: {  	s23 =	simm.s32 $0x1B8B  }
0xa2: {  	_ =	swait.ge [sflag:s23], $0x1  }
0xa3: {  	[sflag:s23] =	ssyncset.done $0x0  }
0xa4: {  	s25 =	simm.s32 $0x1B8E;
	s24 =	sld [smem:$0x3FFE];
	[sflag:s23] =	ssyncadd.s32 $0xFFFFFFFF  }
0xa5: {  	s26 =	simm.s32 $execute0_lowered;
	[smem:$0x3FD2] =	sst s25  }
0xa6: {  	s4 =	sshll.u32 s26, $0x1;
	_ =	strace $0x80000046;
	[dreg:$0x1] =	wrdreg $0xFFFFFFFF  }
0xa7: {  	s28 =	simm.s32 $_size_execute0_lowered;
	s2 =	sadd.s32 s2, s4;
	[dreg:$0x0] =	wrdreg $0x0  }
0xa8: {  	s4 =	sshll.u32 s28, $0x1;
	[dreg:$0x2] =	wrdreg s2  }
0xa9: {  	[dreg:$0x3] =	wrdreg s4  }
0xaa: {  	[dreg:$0x4] =	wrdreg $0xC0  }
0xab: {  	_ =	task [dreg:s6], $0x5FFFF  }
0xac: {  	[dreg:$0x1] =	wrdreg $0xFFFFFFFF  }
0xad: {  	[dreg:$0x0] =	wrdreg $0x60  }
0xae: {  	[dreg:$0x2] =	wrdreg s24  }
0xaf: {  	[dreg:$0x3] =	wrdreg $0xF6000  }
0xb0: {  	[dreg:$0x4] =	wrdreg $0x9  }
0xb1: {  	_ =	task.clear_ibuf [dreg:s6], $0x5FFFF;
	_ =	strace $0x90000046  }
0xb2: {  	s29 =	simm.s32 $0x9;
	_ =	strace $0x80000048  }
0xb3: {  	_ =	swait.ge [sflag:s29], $0x1  }
0xb4: {  	[sflag:s29] =	ssyncadd.s32 $0xFFFFFFFF  }
0xb5: {  	_ =	strace $0x90000048  }
0xb6: {  	_ =	sfence  }
0xb7: {  	s30 =	sld [smem:$0x0];
	_ =	sdelay $0x2  }
0xb8: {  	s31 =	sshll.u32 s1, $0xD;
	s1 =	sshrl.u32 s1, $0x2  }
0xb9: {  	s3 =	sand.u32 $0x4000, s31;
	s1 =	sadd.s32 s1, s30  }
0xba: {  	s0 =	sor.u32 s3, s0;
	s1 =	sshll.u32 s1, $0x11  }
0xbb: {  	s0 =	sor.u32 s1, s0  }
0xbc: {  	s0 =	sadd.s32 $0x8F2B, s0  }
0xbd: {  	[sflag:s0] =	ssyncadd.remote.s32 $0x1  }
0xbe: {  	_ =	sfence.sel $0xFFFF  }
0xbf: {  	[dreg:$0x0] =	wrdreg $0xFFFFFFFF;
	(pc) =	sbr.abs _section_cstart, $3  }
0xc0: {  	[dreg:$0x1] =	wrdreg $0xFFFFFFFF  }
0xc1: {  	_ =	task.clear_ibuf [dreg:s6], $0x2FFFF;
	_ =	strace $0x9FFFFFFF  }
0xc2: {  	(tm) =	ssettm $0x7FFFFFFF  }
0xc3: {  	_ =	shalt  }
tec
execute0_lowered:
.L_overlay_start_1:
0x0: {  	(tag) =	ssettag $0x1  }
0x1: {  	s0 =	rddreg [dreg:$0x0]  }
0x2: {  	s1 =	rddreg [dreg:$0x1]  }
0x3: {  	s10 =	simm.s32 $0x0;
	s11 =	stileid.u32;
	s2 =	srdreg.scid  }
0x4: {  	[smem:$0x7FF] =	sst s10;
	s2 =	sand.u32 $0x1, s2;
	s12 =	smul.u32 $0xF000, s11  }
0x5: {  	s9 =	sshll.u32 s11, $0x10;
	_ =	strace $0x80000047;
	s29 =	ssub.s32 $0x2, s2  }
0x6: {  	s2 =	smul.u32 $0x14, s2;
	s21 =	sadd.s32 s9, s1;
	[dreg:$0x4] =	wrdreg s12  }
0x7: {  	[dreg:$0x6] =	wrdreg s21  }
0x8: {  	s30 =	sadd.s32 $0x1000, s21;
	[dreg:$0x5] =	wrdreg s2  }
0x9: {  	s31 =	sadd.s32 $0x2000, s21;
	[dreg:$0x7] =	wrdreg s30  }
0xa: {  	s9 =	sadd.s32 $0x4000, s21;
	[dreg:$0x8] =	wrdreg s31  }
0xb: {  	s13 =	sadd.s32 $0x5000, s21;
	[dreg:$0xa] =	wrdreg s9  }
0xc: {  	s3 =	sadd.s32 $0xEAA000, s0;
	s14 =	sadd.s32 $0x6000, s21;
	[dreg:$0xb] =	wrdreg s13  }
0xd: {  	s4 =	sadd.s32 $0x3F800, s0;
	s15 =	sadd.s32 $0x7000, s21;
	[dreg:$0xc] =	wrdreg s14  }
0xe: {  	s6 =	sadd.s32 $0x3800, s0;
	s16 =	sadd.s32 $0x8000, s21;
	[dreg:$0xd] =	wrdreg s15  }
0xf: {  	s5 =	sshll.u32 s11, $0xD;
	s17 =	sadd.s32 $0x9000, s21;
	[dreg:$0xe] =	wrdreg s16  }
0x10: {  	s7 =	sadd.s32 $0x21800, s0;
	s18 =	sadd.s32 $0xA000, s21;
	[dreg:$0xf] =	wrdreg s17  }
0x11: {  	s0 =	sadd.s32 s5, s0;
	s19 =	sadd.s32 $0xB000, s21;
	[dreg:$0x10] =	wrdreg s18  }
0x12: {  	p0 =	sne.s32 s11, $0x0;
	s0 =	sadd.s32 $0x521800, s0;
	[dreg:$0x11] =	wrdreg s19  }
0x13: {  	s8 =	sshrl.u32 s29, $0x1;
	s24 =	sadd.s32 $0xC000, s21;
	[dreg:$0x14] =	wrdreg s0  }
0x14: {  	s20 =	sshrl.u32 s12, $0x3;
	s25 =	sadd.s32 $0xD000, s21;
	[dreg:$0x16] =	wrdreg s24  }
0x15: {  	s26 =	sadd.s32 $0xE000, s21;
	s28 =	sadd.s32 $0xF000, s21;
	[dreg:$0x17] =	wrdreg s25  }
0x16: {  	s5 =	ssub.s32 s29, s8;
	s8 =	sadd.s32 $0x3000, s21;
	[dreg:$0x18] =	wrdreg s26  }
0x17: {  	s22 =	sadd.s32 s6, s20;
	s2 =	sadd.s32 s7, s20;
	[dreg:$0x19] =	wrdreg s28  }
0x18: {  	s29 =	sadd.s32 $0x100000, s1;
	s30 =	sor.u32 $0x800, s12;
	[dreg:$0x9] =	wrdreg s8  }
0x19: {  	s31 =	sadd.s32 $0x1000, s12;
	s12 =	simm.s32 $0x1;
	[dreg:$0x12] =	wrdreg s22  }
.Ltmp0:
0x1a: {  	s13 =	simm.s32 $0x2000;
	[dreg:$0x13] =	wrdreg s2;
	(pc) =	sbr.rel .LBB2_1-.Ltmp0, $4  }
0x1b: {  	s14 =	simm.s32 $0x2200;
	s15 =	simm.s32 $0x2400;
	[dreg:$0x1a] =	wrdreg s29  }
0x1c: {  	s16 =	simm.s32 $0x2;
	s17 =	simm.s32 $0x80;
	[dreg:$0x1b] =	wrdreg s30  }
0x1d: {  	v0 =	vimm.f32 $0.0e+00;
	s18 =	simm.s32 $0xA600;
	s23 =	smax.u32 s5, $0x1;
	[dreg:$0x1c] =	wrdreg s31  }
0x1e: {  	v1 =	vimm.s32 $0x0;
	v2 =	vlaneseq.u32;
	v3 =	vimm.s32 $0x2000;
	s19 =	simm.s32 $0x2600;
	s20 =	simm.s32 $0x6600;
	[dreg:$0x15] =	wrdreg s23  }
.LBB2_34:
0x1f: {  	s10 =	rddreg [dreg:$0x3]  }
0x20: {  	s0 =	rddreg [dreg:$0x15];
	s10 =	sadd.s32 $0x1, s10  }
0x21: {  	p1 =	sne.s32 s10, s0  }
.Ltmp1:
0x22: {  	_ = 	snop;
	(pc) =	sbr.rel @!p1 .LBB2_35-.Ltmp1, $1  }
0x23: {  	_ =	sdelay $0x3  }
.LBB2_1:
0x24: {  	s0 =	simm.s32 $0x0;
	s2 =	simm.s32 $0x200  }
.LBB2_2:
0x25: {  	p1 =	sne.s32 s2, $0x3E00;
	[tilespmem:s0+$0xE670] =	vst v0  }
0x26: {  	[tilespmem:s0+$0xE600] =	vst v0  }
0x27: {  	[tilespmem:s0+$0xE610] =	vst v0  }
.Ltmp2:
0x28: {  	[tilespmem:s0+$0xE620] =	vst v0;
	(pc) =	sbr.rel @p1 .LBB2_2-.Ltmp2, $4  }
0x29: {  	[tilespmem:s0+$0xE630] =	vst v0  }
0x2a: {  	[tilespmem:s0+$0xE640] =	vst v0  }
0x2b: {  	[tilespmem:s0+$0xE650] =	vst v0  }
0x2c: {  	[tilespmem:s0+$0xE660] =	vst v0;
	s0 =	sshra.s32 s2, $0x2;
	s2 =	sadd.s32 $0x200, s2  }
0x2d: {  	[tilespmem:s0+$0xE670] =	vst v0  }
0x2e: {  	[tilespmem:s0+$0xE600] =	vst v0  }
0x2f: {  	[tilespmem:s0+$0xE610] =	vst v0  }
0x30: {  	[tilespmem:s0+$0xE620] =	vst v0  }
0x31: {  	[tilespmem:s0+$0xE630] =	vst v0  }
0x32: {  	[tilespmem:s0+$0xE640] =	vst v0  }
0x33: {  	[tilespmem:s0+$0xE650] =	vst v0  }
0x34: {  	[dreg:$0x3] =	wrdreg s10;
	[tilespmem:s0+$0xE660] =	vst v0;
	s2 =	simm.s32 $0xFFFF0200;
	s0 =	simm.s32 $0xFFFFC000  }
.LBB2_4:
0x35: {  	p1 =	sne.s32 s2, $0xFFFFFE00;
	[tilespmem:s0+$0xE670] =	vst v0;
	s5 =	smov.u32 s2;
	s2 =	sadd.s32 $0x200, s2  }
.Ltmp3:
0x36: {  	[tilespmem:s0+$0xE660] =	vst v0;
	(pc) =	sbr.rel @p1 .LBB2_4-.Ltmp3, $3  }
0x37: {  	[tilespmem:s0+$0xE640] =	vst v0  }
0x38: {  	[tilespmem:s0+$0xE650] =	vst v0;
	_ =	sdelay $0x1  }
0x39: {  	s0 =	sshra.s32 s5, $0x2  }
.Ltmp4:
0x3a: {  	(pc) =	sbr.rel .LBB2_6-.Ltmp4, $4  }
0x3b: {  	[tilespmem:s0+$0xE670] =	vst v0  }
0x3c: {  	[tilespmem:s0+$0xE660] =	vst v0  }
0x3d: {  	[tilespmem:s0+$0xE640] =	vst v0  }
0x3e: {  	[tilespmem:s0+$0xE650] =	vst v0;
	s11 =	simm.s32 $0x0  }
.LBB2_29:
0x3f: {  	s0 =	sshra.s32 s26, $0x1F  }
0x40: {  	s21 =	rddreg [dreg:$0x6];
	s0 =	sshrl.u32 s0, $0x19  }
0x41: {  	s11 =	rddreg [dreg:$0x1d];
	s0 =	sadd.s32 s0, s26  }
0x42: {  	s2 =	sand.u32 $0x7F, s5;
	s22 =	rddreg [dreg:$0x1e];
	s9 =	sshra.s32 s0, $0x7  }
.LBB2_33:
0x43: {  	p2 =	slt.s32 s26, $0x1;
	p3 =	sne.s32 s2, $0x0  }
0x44: {  	p2 =	por !p2, !p3  }
0x45: {  	s0 =	simm.s32 $0x1;
	p2 =	por !p2, !p2  }
0x46: {  	s2 =	simm.s32 $0x1;
	s0 =	simm.s32 @!p2 $0x0  }
0x47: {  	s2 =	simm.s32 @!p1 $0x0;
	s0 =	ssub.s32 s9, s0  }
0x48: {  	s0 =	sadd.s32 s2, s0  }
0x49: {  	p1 =	slt.s32 s0, $0x1  }
0x4a: {  	s0 =	simm.s32 @!p1 $0x3  }
0x4b: {  	_ =	swait.ge @!p1 [sflag:s0], $0x4000  }
0x4c: {  	[sflag:s0] =	ssyncset.done @!p1 $0x0  }
0x4d: {  	s28 =	sshll.u32 s22, $0x11;
	s29 =	stileid.u32;
	[sflag:s0] =	ssyncadd.s32 @!p1 $0xFFFFC000  }
0x4e: {  	s30 =	sshrl.u32 s21, $0x3;
	s31 =	simm.s32 $0x5;
	[bflag:$0x0] =	sbarrier.arrive $0xFFFF  }
0x4f: {  	s11 =	sadd.s32 $0x1, s11;
	s2 =	sshll.u32 s29, $0x6;
	s5 =	rddreg [dreg:$0x14]  }
0x50: {  	s2 =	sor.u32 $0x1C05, s2;
	p1 =	sne.s32 s11, $0x14;
	s0 =	sadd.s32 s28, s5  }
0x51: {  	[hbm:s0], [sflag:s2] =	dma.local [spmem:s30], $0x2000  }
.Ltmp5:
0x52: {  	_ =	swait.ge [sflag:s31], $0x2000;
	(pc) =	sbr.rel @!p1 .LBB2_34-.Ltmp5, $3  }
0x53: {  	[sflag:s31] =	ssyncset.done $0x0  }
0x54: {  	[sflag:s31] =	ssyncadd.s32 $0xFFFFE000  }
0x55: {  	[bflag:$0x0] =	sbarrier.arrive $0xFFFF;
	_ =	sdelay $0x1  }
.LBB2_6:
0x56: {  	s2 =	simm.s32 $0xE600  }
0x57: {  	[spmem:s21] =	stream.linear.scatter [tilespmem:s2], [sflag:$0x4], $0x1000, $0x38;
	[tilespmem:$0x1F640] =	vst v63  }
0x58: {  	s0 =	rddreg [dreg:$0x7]  }
0x59: {  	[spmem:s0] =	stream.linear.scatter [tilespmem:s2], [sflag:$0x4], $0x1000, $0x38;
	[tilespmem:$0x1F640] =	vst v63  }
0x5a: {  	s21 =	rddreg [dreg:$0x8]  }
0x5b: {  	[spmem:s21] =	stream.linear.scatter [tilespmem:s2], [sflag:$0x4], $0x1000, $0x38;
	[tilespmem:$0x1F640] =	vst v63  }
0x5c: {  	s22 =	rddreg [dreg:$0x9]  }
0x5d: {  	[spmem:s22] =	stream.linear.scatter [tilespmem:s2], [sflag:$0x4], $0x1000, $0x38;
	[tilespmem:$0x1F640] =	vst v63  }
0x5e: {  	s23 =	rddreg [dreg:$0xa]  }
0x5f: {  	[spmem:s23] =	stream.linear.scatter [tilespmem:s2], [sflag:$0x4], $0x1000, $0x38;
	[tilespmem:$0x1F640] =	vst v63  }
0x60: {  	s24 =	rddreg [dreg:$0xb]  }
0x61: {  	[spmem:s24] =	stream.linear.scatter [tilespmem:s2], [sflag:$0x4], $0x1000, $0x38;
	[tilespmem:$0x1F640] =	vst v63  }
0x62: {  	s25 =	rddreg [dreg:$0xc]  }
0x63: {  	[spmem:s25] =	stream.linear.scatter [tilespmem:s2], [sflag:$0x4], $0x1000, $0x38;
	[tilespmem:$0x1F640] =	vst v63  }
0x64: {  	s26 =	rddreg [dreg:$0xd]  }
0x65: {  	[spmem:s26] =	stream.linear.scatter [tilespmem:s2], [sflag:$0x4], $0x1000, $0x38;
	[tilespmem:$0x1F640] =	vst v63  }
0x66: {  	s29 =	rddreg [dreg:$0xe]  }
0x67: {  	[spmem:s29] =	stream.linear.scatter [tilespmem:s2], [sflag:$0x4], $0x1000, $0x38;
	[tilespmem:$0x1F640] =	vst v63  }
0x68: {  	s31 =	rddreg [dreg:$0xf]  }
0x69: {  	[spmem:s31] =	stream.linear.scatter [tilespmem:s2], [sflag:$0x4], $0x1000, $0x38;
	[tilespmem:$0x1F640] =	vst v63  }
0x6a: {  	s5 =	rddreg [dreg:$0x10]  }
0x6b: {  	[spmem:s5] =	stream.linear.scatter [tilespmem:s2], [sflag:$0x4], $0x1000, $0x38;
	[tilespmem:$0x1F640] =	vst v63  }
0x6c: {  	s8 =	rddreg [dreg:$0x11]  }
0x6d: {  	[spmem:s8] =	stream.linear.scatter [tilespmem:s2], [sflag:$0x4], $0x1000, $0x38;
	[tilespmem:$0x1F640] =	vst v63  }
0x6e: {  	s9 =	rddreg [dreg:$0x16]  }
0x6f: {  	[spmem:s9] =	stream.linear.scatter [tilespmem:s2], [sflag:$0x4], $0x1000, $0x38;
	[tilespmem:$0x1F640] =	vst v63  }
0x70: {  	s10 =	rddreg [dreg:$0x17]  }
0x71: {  	[spmem:s10] =	stream.linear.scatter [tilespmem:s2], [sflag:$0x4], $0x1000, $0x38;
	[tilespmem:$0x1F640] =	vst v63  }
0x72: {  	s21 =	rddreg [dreg:$0x18]  }
0x73: {  	[spmem:s21] =	stream.linear.scatter [tilespmem:s2], [sflag:$0x4], $0x1000, $0x38;
	[tilespmem:$0x1F640] =	vst v63  }
0x74: {  	s22 =	rddreg [dreg:$0x19];
	s23 =	simm.s32 $0x4  }
0x75: {  	[spmem:s22] =	stream.linear.scatter [tilespmem:s2], [sflag:$0x4], $0x1000, $0x38;
	[tilespmem:$0x1F640] =	vst v63  }
0x76: {  	_ =	swait.ge [sflag:s23], $0x1000  }
0x77: {  	[sflag:s23] =	ssyncset.done $0x0  }
0x78: {  	[sflag:s23] =	ssyncadd.s32 $0xFFFFF000  }
0x79: {  	_ =	swait.ge [sflag:s23], $0x1000  }
0x7a: {  	[sflag:s23] =	ssyncset.done $0x0  }
0x7b: {  	[sflag:s23] =	ssyncadd.s32 $0xFFFFF000  }
0x7c: {  	_ =	swait.ge [sflag:s23], $0x1000  }
0x7d: {  	[sflag:s23] =	ssyncset.done $0x0  }
0x7e: {  	[sflag:s23] =	ssyncadd.s32 $0xFFFFF000  }
0x7f: {  	_ =	swait.ge [sflag:s23], $0x1000  }
0x80: {  	[sflag:s23] =	ssyncset.done $0x0  }
0x81: {  	[sflag:s23] =	ssyncadd.s32 $0xFFFFF000  }
0x82: {  	_ =	swait.ge [sflag:s23], $0x1000  }
0x83: {  	[sflag:s23] =	ssyncset.done $0x0  }
0x84: {  	[sflag:s23] =	ssyncadd.s32 $0xFFFFF000  }
0x85: {  	_ =	swait.ge [sflag:s23], $0x1000  }
0x86: {  	[sflag:s23] =	ssyncset.done $0x0  }
0x87: {  	[sflag:s23] =	ssyncadd.s32 $0xFFFFF000  }
0x88: {  	_ =	swait.ge [sflag:s23], $0x1000  }
0x89: {  	[sflag:s23] =	ssyncset.done $0x0  }
0x8a: {  	[sflag:s23] =	ssyncadd.s32 $0xFFFFF000  }
0x8b: {  	_ =	swait.ge [sflag:s23], $0x1000  }
0x8c: {  	[sflag:s23] =	ssyncset.done $0x0  }
0x8d: {  	[sflag:s23] =	ssyncadd.s32 $0xFFFFF000  }
0x8e: {  	_ =	swait.ge [sflag:s23], $0x1000  }
0x8f: {  	[sflag:s23] =	ssyncset.done $0x0  }
0x90: {  	[sflag:s23] =	ssyncadd.s32 $0xFFFFF000  }
0x91: {  	_ =	swait.ge [sflag:s23], $0x1000  }
0x92: {  	[sflag:s23] =	ssyncset.done $0x0  }
0x93: {  	[sflag:s23] =	ssyncadd.s32 $0xFFFFF000  }
0x94: {  	_ =	swait.ge [sflag:s23], $0x1000  }
0x95: {  	[sflag:s23] =	ssyncset.done $0x0  }
0x96: {  	[sflag:s23] =	ssyncadd.s32 $0xFFFFF000  }
0x97: {  	_ =	swait.ge [sflag:s23], $0x1000  }
0x98: {  	[sflag:s23] =	ssyncset.done $0x0  }
0x99: {  	[sflag:s23] =	ssyncadd.s32 $0xFFFFF000  }
0x9a: {  	_ =	swait.ge [sflag:s23], $0x1000  }
0x9b: {  	[sflag:s23] =	ssyncset.done $0x0  }
0x9c: {  	[sflag:s23] =	ssyncadd.s32 $0xFFFFF000  }
0x9d: {  	_ =	swait.ge [sflag:s23], $0x1000  }
0x9e: {  	[sflag:s23] =	ssyncset.done $0x0  }
0x9f: {  	[sflag:s23] =	ssyncadd.s32 $0xFFFFF000  }
0xa0: {  	_ =	swait.ge [sflag:s23], $0x1000  }
0xa1: {  	[sflag:s23] =	ssyncset.done $0x0  }
0xa2: {  	[sflag:s23] =	ssyncadd.s32 $0xFFFFF000  }
0xa3: {  	_ =	swait.ge [sflag:s23], $0x1000  }
0xa4: {  	[sflag:s23] =	ssyncset.done $0x0  }
0xa5: {  	s0 =	simm.s32 @!p0 $0xE600;
	s2 =	rddreg [dreg:$0x1a];
	[sflag:s23] =	ssyncadd.s32 $0xFFFFF000  }
0xa6: {  	[spmem:s2] =	stream.linear.scatter @!p0 [tilespmem:s0], [sflag:$0x5], $0x400, $0x38;
	[tilespmem:$0x1F640] =	vst v63  }
0xa7: {  	s0 =	simm.s32 @!p0 $0x5  }
0xa8: {  	_ =	swait.ge @!p0 [sflag:s0], $0x400  }
0xa9: {  	[sflag:s0] =	ssyncset.done @!p0 $0x0  }
0xaa: {  	[sflag:s0] =	ssyncadd.s32 @!p0 $0xFFFFFC00  }
0xab: {  	[bflag:$0x0] =	sbarrier.arrive $0xFFFF  }
0xac: {  	s5 =	simm.s32 $0x0;
	s24 =	rddreg [dreg:$0x12]  }
0xad: {  	[tilespmem:s5], [sflag:$0x1] =	stream.linear.gather [hbm4b:s24+s5], $0x800, $0x38;
	[tilespmem:$0x1F640] =	vst v63  }
.Ltmp6:
0xae: {  	s25 =	rddreg [dreg:$0x5];
	(pc) =	sbr.rel .LBB2_7-.Ltmp6, $4  }
0xaf: {  	s30 =	simm.s32 $0x0;
	[dreg:$0x1d] =	wrdreg s11;
	s8 =	sadd.s32 s25, s11  }
0xb0: {  	s29 =	simm.s32 $0x1000;
	s26 =	rddreg [dreg:$0x13];
	s31 =	sshll.u32 s8, $0xD  }
0xb1: {  	[tilespmem:s29], [sflag:$0x1] =	stream.linear.gather [hbm4b:s26+s5], $0x800, $0x38;
	[tilespmem:$0x1F640] =	vst v63  }
0xb2: {  	v4 =	vimm.s32 $0x0;
	s28 =	simm.s32 $0x0;
	[dreg:$0x1e] =	wrdreg s8;
	v5 =	vmov s31;
	s26 =	simm.s32 $0x0  }
.LBB2_23:
0xb3: {  	s28 =	sadd.s32 $0x1, s28  }
0xb4: {  	p1 =	sne.s32 s28, $0xF  }
.Ltmp7:
0xb5: {  	_ = 	snop;
	(pc) =	sbr.rel @!p1 .LBB2_24-.Ltmp7, $1  }
0xb6: {  	_ =	sdelay $0x3  }
.LBB2_7:
0xb7: {  	s5 =	sshll.u32 s28, $0xC;
	s0 =	rddreg [dreg:$0x1b]  }
0xb8: {  	s29 =	sadd.s32 s5, s0  }
0xb9: {  	s0 =	sshrl.u32 s29, $0x3  }
0xba: {  	s31 =	simm.s32 $0x0;
	s8 =	simm.s32 $0x800;
	s2 =	sadd.s32 s6, s0  }
0xbb: {  	[tilespmem:s8], [sflag:$0x1] =	stream.linear.gather [hbm4b:s2+s31], $0x800, $0x38;
	[tilespmem:$0x1F640] =	vst v63  }
0xbc: {  	s24 =	simm.s32 $0x1800;
	s0 =	sadd.s32 s7, s0  }
0xbd: {  	[tilespmem:s24], [sflag:$0x1] =	stream.linear.gather [hbm4b:s0+s31], $0x800, $0x38;
	[tilespmem:$0x1F640] =	vst v63  }
0xbe: {  	_ =	swait.ge [sflag:s12], $0x800  }
0xbf: {  	[sflag:s12] =	ssyncset.done $0x0  }
0xc0: {  	[sflag:s12] =	ssyncadd.s32 $0xFFFFF800  }
0xc1: {  	_ =	swait.ge [sflag:s12], $0x800  }
.Ltmp8:
0xc2: {  	s25 =	rddreg [dreg:$0x4];
	(pc) =	sbr.rel .LBB2_8-.Ltmp8, $4  }
0xc3: {  	[sflag:s12] =	ssyncset.done $0x0;
	s22 =	sadd.s32 s25, s5  }
0xc4: {  	[sflag:s12] =	ssyncadd.s32 $0xFFFFF800;
	s21 =	sor.u32 $0x10, s22  }
0xc5: {  	s10 =	sor.u32 $0x20, s22;
	s24 =	sor.u32 $0x30, s22;
	s2 =	sor.u32 $0x40, s22  }
0xc6: {  	s23 =	sor.u32 $0x50, s22;
	s9 =	sor.u32 $0x60, s22;
	s11 =	sor.u32 $0x70, s22  }
.LBB2_13:
0xc7: {  	s0 =	sand.u32 $0x7F, s26  }
0xc8: {  	s8 =	sshra.s32 s26, $0x1F;
	p1 =	slt.s32 s26, $0x1;
	p2 =	sne.s32 s0, $0x0  }
0xc9: {  	s25 =	sshrl.u32 s8, $0x19;
	p1 =	por !p1, !p2  }
0xca: {  	s8 =	simm.s32 $0x1;
	s0 =	sadd.s32 s25, s26;
	p1 =	por !p1, !p1  }
0xcb: {  	s0 =	sshrl.u32 s0, $0x7;
	s8 =	simm.s32 @!p1 $0x0  }
0xcc: {  	s0 =	ssub.s32 s0, s8  }
0xcd: {  	s0 =	sshll.u32 s0, $0x7  }
0xce: {  	s8 =	sand.u32 $0x180, s0  }
0xcf: {  	s0 =	simm.s32 $0x80;
	s25 =	sor.u32 $0x2000, s8  }
0xd0: {  	[tilespmem:s19], [sflag:$0x2] =	stream.indirect.gather [hbm4b:s3+s0], $0x80, s25, s0, $0xb8;
	[tilespmem:$0x1F640] =	vst v63  }
0xd1: {  	s30 =	smov.u32 s26;
	s8 =	sor.u32 $0x2200, s8  }
0xd2: {  	[tilespmem:s20], [sflag:$0x2] =	stream.indirect.gather [hbm4b:s4+s0], $0x80, s8, s0, $0xb8;
	[tilespmem:$0x1F640] =	vst v63  }
.LBB2_14:
0xd3: {  	s31 =	sadd.s32 $0x1, s31  }
0xd4: {  	p1 =	sne.s32 s31, $0x10  }
.Ltmp9:
0xd5: {  	_ = 	snop;
	(pc) =	sbr.rel @!p1 .LBB2_15-.Ltmp9, $2  }
0xd6: {  	_ =	sdelay $0x2  }
0xd7: {  	s26 =	sadd.s32 s26, s0  }
.LBB2_8:
0xd8: {  	s8 =	sshll.u32 s31, $0x7  }
0xd9: {  	v6 =	vld [tilespmem:s8+$0x0];
	_ =	sdelay $0x4  }
0xda: {  	v6 =	vsub.s32 v6, v5  }
0xdb: {  	vm0 =	vlt.u32 v6, $0x2000  }
0xdc: {  	v7 =	vsel vm0, $0x1, v1  }
0xdd: {  	(xrf0) =	vadd.scan.msk.s32 $0xffff, v7;
	_ =	sdelay $0x4  }
0xde: {  	v7 =	vsel vm0, $0xFFFFFFFF, v1  }
0xdf: {  	v7 =	vadd.s32 v7, v4;
	v8, _, _ =	vpop (xrf0)  }
0xe0: {  	v7 =	vadd.s32 v8, v7  }
0xe1: {  	v7 =	vand.u32 $0x1FF, v7  }
0xe2: {  	v38 =	vld [tilespmem:s8+$0x1000];
	_ =	sdelay $0x1  }
0xe3: {  	s0 =	sadd.s32 s22, s8  }
0xe4: {  	v9 =	vor.u32 s0, v2  }
0xe5: {  	[tilespmem:v7+s13+$0x0] =	vst.idx.msk vm0, v9  }
0xe6: {  	[tilespmem:v7+s14+$0x0] =	vst.idx.msk vm0, v38  }
0xe7: {  	[tilespmem:v7+s15+$0x0] =	vst.idx.msk vm0, v6  }
0xe8: {  	v6 =	vld [tilespmem:s8+$0x10];
	_ =	sdelay $0x4  }
0xe9: {  	v6 =	vsub.s32 v6, v5  }
0xea: {  	vm1 =	vlt.u32 v6, $0x2000  }
0xeb: {  	v7 =	vsel vm1, $0x1, v1  }
0xec: {  	(xrf0) =	vadd.scan.msk.s32 $0xffff, v7;
	_ =	sdelay $0x2  }
0xed: {  	v7 =	vmpcnt.ones.xlane vm0;
	_ =	sdelay $0x1  }
0xee: {  	v4 =	vadd.s32 v4, v7;
	v7 =	vsel vm1, $0xFFFFFFFF, v1  }
0xef: {  	v7 =	vadd.s32 v7, v4;
	v39, _, _ =	vpop (xrf0)  }
0xf0: {  	v7 =	vadd.s32 v39, v7  }
0xf1: {  	v7 =	vand.u32 $0x1FF, v7  }
0xf2: {  	v40 =	vld [tilespmem:s8+$0x1010];
	_ =	sdelay $0x1  }
0xf3: {  	s25 =	sadd.s32 s21, s8  }
0xf4: {  	v41 =	vor.u32 s25, v2  }
0xf5: {  	[tilespmem:v7+s13+$0x0] =	vst.idx.msk vm1, v41  }
0xf6: {  	[tilespmem:v7+s14+$0x0] =	vst.idx.msk vm1, v40  }
0xf7: {  	[tilespmem:v7+s15+$0x0] =	vst.idx.msk vm1, v6  }
0xf8: {  	v6 =	vld [tilespmem:s8+$0x20];
	_ =	sdelay $0x4  }
0xf9: {  	v6 =	vsub.s32 v6, v5  }
0xfa: {  	vm10 =	vlt.u32 v6, $0x2000  }
0xfb: {  	v7 =	vsel vm10, $0x1, v1  }
0xfc: {  	(xrf0) =	vadd.scan.msk.s32 $0xffff, v7;
	_ =	sdelay $0x2  }
0xfd: {  	v7 =	vmpcnt.ones.xlane vm1;
	_ =	sdelay $0x1  }
0xfe: {  	v4 =	vadd.s32 v4, v7;
	v7 =	vsel vm10, $0xFFFFFFFF, v1  }
0xff: {  	v7 =	vadd.s32 v7, v4;
	v42, _, _ =	vpop (xrf0)  }
0x100: {  	v7 =	vadd.s32 v42, v7  }
0x101: {  	v7 =	vand.u32 $0x1FF, v7  }
0x102: {  	v43 =	vld [tilespmem:s8+$0x1020];
	_ =	sdelay $0x1  }
0x103: {  	s25 =	sadd.s32 s10, s8  }
0x104: {  	v44 =	vor.u32 s25, v2  }
0x105: {  	[tilespmem:v7+s13+$0x0] =	vst.idx.msk vm10, v44  }
0x106: {  	[tilespmem:v7+s14+$0x0] =	vst.idx.msk vm10, v43  }
0x107: {  	[tilespmem:v7+s15+$0x0] =	vst.idx.msk vm10, v6  }
0x108: {  	v6 =	vld [tilespmem:s8+$0x30];
	_ =	sdelay $0x4  }
0x109: {  	v6 =	vsub.s32 v6, v5  }
0x10a: {  	vm11 =	vlt.u32 v6, $0x2000  }
0x10b: {  	v7 =	vsel vm11, $0x1, v1  }
0x10c: {  	(xrf0) =	vadd.scan.msk.s32 $0xffff, v7;
	_ =	sdelay $0x2  }
0x10d: {  	v7 =	vmpcnt.ones.xlane vm10;
	_ =	sdelay $0x1  }
0x10e: {  	v4 =	vadd.s32 v4, v7;
	v7 =	vsel vm11, $0xFFFFFFFF, v1  }
0x10f: {  	v7 =	vadd.s32 v7, v4;
	v45, _, _ =	vpop (xrf0)  }
0x110: {  	v7 =	vadd.s32 v45, v7  }
0x111: {  	v7 =	vand.u32 $0x1FF, v7  }
0x112: {  	v46 =	vld [tilespmem:s8+$0x1030];
	_ =	sdelay $0x1  }
0x113: {  	s25 =	sadd.s32 s24, s8  }
0x114: {  	v47 =	vor.u32 s25, v2  }
0x115: {  	[tilespmem:v7+s13+$0x0] =	vst.idx.msk vm11, v47  }
0x116: {  	[tilespmem:v7+s14+$0x0] =	vst.idx.msk vm11, v46  }
0x117: {  	[tilespmem:v7+s15+$0x0] =	vst.idx.msk vm11, v6  }
0x118: {  	v6 =	vld [tilespmem:s8+$0x40];
	_ =	sdelay $0x4  }
0x119: {  	v6 =	vsub.s32 v6, v5  }
0x11a: {  	vm12 =	vlt.u32 v6, $0x2000  }
0x11b: {  	v7 =	vsel vm12, $0x1, v1  }
0x11c: {  	(xrf0) =	vadd.scan.msk.s32 $0xffff, v7;
	_ =	sdelay $0x2  }
0x11d: {  	v7 =	vmpcnt.ones.xlane vm11;
	_ =	sdelay $0x1  }
0x11e: {  	v4 =	vadd.s32 v4, v7;
	v7 =	vsel vm12, $0xFFFFFFFF, v1  }
0x11f: {  	v7 =	vadd.s32 v7, v4;
	v48, _, _ =	vpop (xrf0)  }
0x120: {  	v7 =	vadd.s32 v48, v7  }
0x121: {  	v7 =	vand.u32 $0x1FF, v7  }
0x122: {  	v49 =	vld [tilespmem:s8+$0x1040];
	_ =	sdelay $0x1  }
0x123: {  	s25 =	sadd.s32 s2, s8  }
0x124: {  	v50 =	vor.u32 s25, v2  }
0x125: {  	[tilespmem:v7+s13+$0x0] =	vst.idx.msk vm12, v50  }
0x126: {  	[tilespmem:v7+s14+$0x0] =	vst.idx.msk vm12, v49  }
0x127: {  	[tilespmem:v7+s15+$0x0] =	vst.idx.msk vm12, v6  }
0x128: {  	v6 =	vld [tilespmem:s8+$0x50];
	_ =	sdelay $0x4  }
0x129: {  	v6 =	vsub.s32 v6, v5  }
0x12a: {  	vm13 =	vlt.u32 v6, $0x2000  }
0x12b: {  	v7 =	vsel vm13, $0x1, v1  }
0x12c: {  	(xrf0) =	vadd.scan.msk.s32 $0xffff, v7;
	_ =	sdelay $0x2  }
0x12d: {  	v7 =	vmpcnt.ones.xlane vm12;
	_ =	sdelay $0x1  }
0x12e: {  	v4 =	vadd.s32 v4, v7;
	v7 =	vsel vm13, $0xFFFFFFFF, v1  }
0x12f: {  	v7 =	vadd.s32 v7, v4;
	v51, _, _ =	vpop (xrf0)  }
0x130: {  	v7 =	vadd.s32 v51, v7  }
0x131: {  	v7 =	vand.u32 $0x1FF, v7  }
0x132: {  	v52 =	vld [tilespmem:s8+$0x1050];
	_ =	sdelay $0x1  }
0x133: {  	s25 =	sadd.s32 s23, s8  }
0x134: {  	v53 =	vor.u32 s25, v2  }
0x135: {  	[tilespmem:v7+s13+$0x0] =	vst.idx.msk vm13, v53  }
0x136: {  	[tilespmem:v7+s14+$0x0] =	vst.idx.msk vm13, v52  }
0x137: {  	[tilespmem:v7+s15+$0x0] =	vst.idx.msk vm13, v6  }
0x138: {  	v6 =	vld [tilespmem:s8+$0x60];
	_ =	sdelay $0x4  }
0x139: {  	v6 =	vsub.s32 v6, v5  }
0x13a: {  	vm14 =	vlt.u32 v6, $0x2000  }
0x13b: {  	v7 =	vsel vm14, $0x1, v1  }
0x13c: {  	(xrf0) =	vadd.scan.msk.s32 $0xffff, v7;
	_ =	sdelay $0x2  }
0x13d: {  	v7 =	vmpcnt.ones.xlane vm13;
	_ =	sdelay $0x1  }
0x13e: {  	v4 =	vadd.s32 v4, v7;
	v7 =	vsel vm14, $0xFFFFFFFF, v1  }
0x13f: {  	v7 =	vadd.s32 v7, v4;
	v54, _, _ =	vpop (xrf0)  }
0x140: {  	v7 =	vadd.s32 v54, v7  }
0x141: {  	v7 =	vand.u32 $0x1FF, v7  }
0x142: {  	v55 =	vld [tilespmem:s8+$0x1060];
	_ =	sdelay $0x1  }
0x143: {  	s25 =	sadd.s32 s9, s8  }
0x144: {  	v56 =	vor.u32 s25, v2  }
0x145: {  	[tilespmem:v7+s13+$0x0] =	vst.idx.msk vm14, v56  }
0x146: {  	[tilespmem:v7+s14+$0x0] =	vst.idx.msk vm14, v55  }
0x147: {  	[tilespmem:v7+s15+$0x0] =	vst.idx.msk vm14, v6  }
0x148: {  	v6 =	vld [tilespmem:s8+$0x70];
	_ =	sdelay $0x4  }
0x149: {  	v6 =	vsub.s32 v6, v5  }
0x14a: {  	v7 =	vmpcnt.ones.xlane vm14;
	vm15 =	vlt.u32 v6, $0x2000  }
0x14b: {  	v57 =	vmpcnt.ones.xlane vm15  }
0x14c: {  	v7 =	vadd.s32 v4, v7  }
0x14d: {  	v58 =	vsel vm15, $0x1, v1;
	v4 =	vadd.s32 v7, v57  }
0x14e: {  	(xrf0) =	vadd.scan.msk.s32 $0xffff, v58;
	v8 =	vxor.u32 $0x80000000, v4  }
0x14f: {  	(xrf0) =	vmax.scan.msk.u32 $0xffff, v8;
	_ =	sdelay $0x4  }
0x150: {  	v59, _, _ =	vpop (xrf0)  }
0x151: {  	v60, _, _ =	vpop (xrf0)  }
0x152: {  	(v2sf) =	vpush v60, $0xF;
	_ =	sdelay $0xd  }
0x153: {  	v61 =	vsel vm15, $0xFFFFFFFF, v1  }
0x154: {  	v7 =	vadd.s32 v61, v7;
	s25 =	spop (v2sf)  }
0x155: {  	v7 =	vadd.s32 v59, v7;
	s0 =	sxor.u32 $0x80000000, s25;
	s25 =	ssub.s32 s26, s30  }
0x156: {  	v7 =	vand.u32 $0x1FF, v7;
	s0 =	ssub.s32 s0, s26;
	p1 =	slt.s32 s25, $0x1  }
0x157: {  	v62 =	vld [tilespmem:s8+$0x1070];
	p2 =	slt.s32 @!p1 s0, $0x80  }
0x158: {  	p1 =	por p1, p2  }
.Ltmp10:
0x159: {  	s8 =	sadd.s32 s11, s8;
	(pc) =	sbr.rel @p1 .LBB2_12-.Ltmp10, $4  }
0x15a: {  	v63 =	vor.u32 s8, v2  }
0x15b: {  	[tilespmem:v7+s13+$0x0] =	vst.idx.msk vm15, v63  }
0x15c: {  	[tilespmem:v7+s14+$0x0] =	vst.idx.msk vm15, v62  }
0x15d: {  	[tilespmem:v7+s15+$0x0] =	vst.idx.msk vm15, v6  }
0x15e: {  	s0 =	sshra.s32 s30, $0x1F;
	s8 =	sand.u32 $0x7F, s30  }
0x15f: {  	p1 =	slt.s32 s30, $0x1;
	_ =	swait.ge [sflag:s16], $0x4000;
	p2 =	sne.s32 s8, $0x0  }
0x160: {  	s0 =	sshrl.u32 s0, $0x19;
	s8 =	simm.s32 $0x1;
	p1 =	por !p1, !p2  }
0x161: {  	[sflag:s16] =	ssyncset.done $0x0;
	s0 =	sadd.s32 s0, s30;
	p1 =	por !p1, !p1  }
0x162: {  	[sflag:s16] =	ssyncadd.s32 $0xFFFFC000;
	s0 =	sshra.s32 s0, $0x7;
	s8 =	simm.s32 @!p1 $0x0  }
0x163: {  	_ =	swait.ge [sflag:s16], $0x4000;
	s30 =	ssub.s32 s0, s8  }
0x164: {  	[sflag:s16] =	ssyncset.done $0x0;
	p1 =	slt.s32 s30, $0x1  }
0x165: {  	[sflag:s16] =	ssyncadd.s32 $0xFFFFC000;
	s0 =	simm.s32 @!p1 $0x3  }
0x166: {  	_ =	swait.ge @!p1 [sflag:s0], $0x4000  }
0x167: {  	[sflag:s0] =	ssyncset.done @!p1 $0x0  }
0x168: {  	s8 =	simm.s32 $0x0;
	[sflag:s0] =	ssyncadd.s32 @!p1 $0xFFFFC000  }
0x169: {  	v6 =	vld [tilespmem:s8+$0x27B0]  }
0x16a: {  	v7 =	vld [tilespmem:s8+$0x67B0]  }
0x16b: {  	v8 =	vld [tilespmem:s8+$0x2600]  }
0x16c: {  	v9 =	vld [tilespmem:s8+$0x6600]  }
0x16d: {  	v10 =	vld [tilespmem:s8+$0x2610]  }
0x16e: {  	v11 =	vld [tilespmem:s8+$0x6610]  }
0x16f: {  	v12 =	vld [tilespmem:s8+$0x2620]  }
0x170: {  	v13 =	vld [tilespmem:s8+$0x2630]  }
0x171: {  	v60 =	vld [tilespmem:s8+$0x66A0];
	v6 =	vmul.f32 v7, v6  }
0x172: {  	v7 =	vld [tilespmem:s8+$0x6620]  }
0x173: {  	v8 =	vmul.f32 v9, v8;
	[tilespmem:s8+$0xA7B0] =	vst v6;
	v6 =	vld [tilespmem:s8+$0x6630]  }
0x174: {  	v9 =	vld [tilespmem:s8+$0x2680]  }
0x175: {  	[tilespmem:s8+$0xA600] =	vst v8;
	v8 =	vmul.f32 v11, v10;
	v10 =	vld [tilespmem:s8+$0x6680]  }
0x176: {  	v11 =	vld [tilespmem:s8+$0x6690]  }
0x177: {  	[tilespmem:s8+$0xA610] =	vst v8;
	v8 =	vld [tilespmem:s8+$0x2690];
	v7 =	vmul.f32 v7, v12  }
0x178: {  	v61 =	vld [tilespmem:s8+$0x6710];
	v6 =	vmul.f32 v6, v13  }
0x179: {  	[tilespmem:s8+$0xA620] =	vst v7;
	v7 =	vld [tilespmem:s8+$0x26A0]  }
0x17a: {  	[tilespmem:s8+$0xA630] =	vst v6;
	v6 =	vmul.f32 v10, v9;
	v9 =	vld [tilespmem:s8+$0x26B0]  }
0x17b: {  	v10 =	vld [tilespmem:s8+$0x66B0]  }
0x17c: {  	[tilespmem:s8+$0xA680] =	vst v6;
	v6 =	vmul.f32 v11, v8;
	v8 =	vld [tilespmem:s8+$0x2700]  }
0x17d: {  	v11 =	vld [tilespmem:s8+$0x6700]  }
0x17e: {  	v62 =	vld [tilespmem:s8+$0x6730];
	[tilespmem:s8+$0xA690] =	vst v6;
	v6 =	vmul.f32 v60, v7  }
0x17f: {  	v7 =	vld [tilespmem:s8+$0x2710]  }
0x180: {  	[tilespmem:s8+$0xA6A0] =	vst v6;
	v6 =	vmul.f32 v10, v9;
	v9 =	vld [tilespmem:s8+$0x2720]  }
0x181: {  	v10 =	vld [tilespmem:s8+$0x6720]  }
0x182: {  	[tilespmem:s8+$0xA6B0] =	vst v6;
	v6 =	vmul.f32 v11, v8;
	v11 =	vld [tilespmem:s8+$0x2730]  }
0x183: {  	v63 =	vld [tilespmem:s8+$0x2780]  }
0x184: {  	v14 =	vld [tilespmem:s8+$0x6780];
	[tilespmem:s8+$0xA700] =	vst v6;
	v6 =	vmul.f32 v61, v7  }
0x185: {  	v8 =	vld [tilespmem:s8+$0x2790]  }
0x186: {  	[tilespmem:s8+$0xA710] =	vst v6;
	v6 =	vmul.f32 v10, v9;
	v9 =	vld [tilespmem:s8+$0x6790]  }
0x187: {  	v10 =	vld [tilespmem:s8+$0x67A0];
	v11 =	vmul.f32 v62, v11  }
0x188: {  	s25 =	simm.s32 $0x200;
	[tilespmem:s8+$0xA720] =	vst v6;
	v6 =	vld [tilespmem:s8+$0x27A0]  }
0x189: {  	s0 =	simm.s32 $0x1000;
	v7 =	vld [tilespmem:s25+$0x27B0];
	[tilespmem:s8+$0xA730] =	vst v11;
	v11 =	vmul.f32 v14, v63  }
.LBB2_10:
0x18a: {  	p1 =	sne.s32 s0, $0xF800;
	v12 =	vld [tilespmem:s25+$0x67B0]  }
0x18b: {  	v13 =	vld [tilespmem:s25+$0x2600];
	[tilespmem:s8+$0xA780] =	vst v11;
	v8 =	vmul.f32 v9, v8  }
0x18c: {  	v9 =	vld [tilespmem:s25+$0x6600]  }
0x18d: {  	v11 =	vld [tilespmem:s25+$0x2610];
	[tilespmem:s8+$0xA790] =	vst v8;
	v6 =	vmul.f32 v10, v6  }
0x18e: {  	v8 =	vld [tilespmem:s25+$0x6610]  }
0x18f: {  	v10 =	vld [tilespmem:s25+$0x2620];
	v7 =	vmul.f32 v12, v7;
	[tilespmem:s8+$0xA7A0] =	vst v6;
	s8 =	smov.u32 s25  }
0x190: {  	v6 =	vld [tilespmem:s8+$0x6620]  }
0x191: {  	v9 =	vmul.f32 v9, v13;
	v12 =	vld [tilespmem:s8+$0x2630];
	[tilespmem:s8+$0xA7B0] =	vst v7  }
0x192: {  	v7 =	vld [tilespmem:s8+$0x6630]  }
0x193: {  	[tilespmem:s8+$0xA600] =	vst v9;
	v8 =	vmul.f32 v8, v11;
	v9 =	vld [tilespmem:s8+$0x2680]  }
0x194: {  	v11 =	vld [tilespmem:s8+$0x6680]  }
0x195: {  	[tilespmem:s8+$0xA610] =	vst v8;
	v6 =	vmul.f32 v6, v10;
	v8 =	vld [tilespmem:s8+$0x2690]  }
0x196: {  	v10 =	vld [tilespmem:s8+$0x6690]  }
0x197: {  	[tilespmem:s8+$0xA620] =	vst v6;
	v6 =	vmul.f32 v7, v12;
	v7 =	vld [tilespmem:s8+$0x26A0]  }
0x198: {  	v12 =	vld [tilespmem:s8+$0x66A0]  }
0x199: {  	[tilespmem:s8+$0xA630] =	vst v6;
	v6 =	vmul.f32 v11, v9;
	v9 =	vld [tilespmem:s8+$0x26B0]  }
0x19a: {  	v11 =	vld [tilespmem:s8+$0x66B0]  }
0x19b: {  	[tilespmem:s8+$0xA680] =	vst v6;
	v6 =	vmul.f32 v10, v8;
	v8 =	vld [tilespmem:s8+$0x2700]  }
0x19c: {  	v10 =	vld [tilespmem:s8+$0x6700]  }
0x19d: {  	[tilespmem:s8+$0xA690] =	vst v6;
	v6 =	vmul.f32 v12, v7;
	v7 =	vld [tilespmem:s8+$0x2710]  }
0x19e: {  	v12 =	vld [tilespmem:s8+$0x6710]  }
0x19f: {  	[tilespmem:s8+$0xA6A0] =	vst v6;
	v6 =	vmul.f32 v11, v9;
	v9 =	vld [tilespmem:s8+$0x2720]  }
0x1a0: {  	v11 =	vld [tilespmem:s8+$0x6720]  }
0x1a1: {  	[tilespmem:s8+$0xA6B0] =	vst v6;
	v6 =	vmul.f32 v10, v8;
	v10 =	vld [tilespmem:s8+$0x2730]  }
0x1a2: {  	v13 =	vld [tilespmem:s8+$0x6730]  }
0x1a3: {  	[tilespmem:s8+$0xA700] =	vst v6;
	v6 =	vmul.f32 v12, v7;
	v12 =	vld [tilespmem:s8+$0x2780]  }
0x1a4: {  	v14 =	vld [tilespmem:s8+$0x6780]  }
.Ltmp11:
0x1a5: {  	[tilespmem:s8+$0xA710] =	vst v6;
	v6 =	vmul.f32 v11, v9;
	v8 =	vld [tilespmem:s8+$0x2790];
	(pc) =	sbr.rel @p1 .LBB2_10-.Ltmp11, $4  }
0x1a6: {  	v9 =	vld [tilespmem:s8+$0x6790]  }
0x1a7: {  	[tilespmem:s8+$0xA720] =	vst v6;
	v11 =	vmul.f32 v13, v10;
	v6 =	vld [tilespmem:s8+$0x27A0]  }
0x1a8: {  	s25 =	sshra.s32 s0, $0x2;
	v10 =	vld [tilespmem:s8+$0x67A0]  }
0x1a9: {  	s0 =	sadd.s32 $0x800, s0;
	v7 =	vld [tilespmem:s25+$0x27B0];
	[tilespmem:s8+$0xA730] =	vst v11;
	v11 =	vmul.f32 v14, v12  }
0x1aa: {  	v12 =	vld [tilespmem:s25+$0x67B0]  }
0x1ab: {  	v13 =	vld [tilespmem:s25+$0x2600];
	[tilespmem:s8+$0xA780] =	vst v11;
	v8 =	vmul.f32 v9, v8  }
0x1ac: {  	v42 =	vld [tilespmem:s25+$0x6600]  }
0x1ad: {  	v11 =	vld [tilespmem:s25+$0x2610];
	[tilespmem:s8+$0xA790] =	vst v8;
	v6 =	vmul.f32 v10, v6  }
0x1ae: {  	v8 =	vld [tilespmem:s25+$0x6610]  }
0x1af: {  	v43 =	vld [tilespmem:s25+$0x2620];
	[tilespmem:s8+$0xA7A0] =	vst v6  }
0x1b0: {  	v6 =	vmul.f32 v12, v7;
	v7 =	vld [tilespmem:s25+$0x6620]  }
0x1b1: {  	v44 =	vld [tilespmem:s25+$0x2630]  }
0x1b2: {  	v45 =	vld [tilespmem:s25+$0x2680]  }
0x1b3: {  	[tilespmem:s25+$0xA7B0] =	vst v6;
	v6 =	vld [tilespmem:s25+$0x6630]  }
0x1b4: {  	v46 =	vld [tilespmem:s25+$0x6680]  }
0x1b5: {  	v47 =	vld [tilespmem:s25+$0x2690]  }
0x1b6: {  	v48 =	vld [tilespmem:s25+$0x6690]  }
0x1b7: {  	v49 =	vld [tilespmem:s25+$0x66A0];
	v7 =	vmul.f32 v7, v43  }
0x1b8: {  	v50 =	vld [tilespmem:s25+$0x26B0];
	v6 =	vmul.f32 v6, v44  }
0x1b9: {  	[tilespmem:s25+$0xA620] =	vst v7;
	v7 =	vld [tilespmem:s25+$0x26A0]  }
0x1ba: {  	v51 =	vld [tilespmem:s25+$0x66B0];
	[tilespmem:s25+$0xA630] =	vst v6;
	v6 =	vmul.f32 v46, v45  }
0x1bb: {  	v52 =	vld [tilespmem:s25+$0x2700]  }
0x1bc: {  	v53 =	vld [tilespmem:s25+$0x6700];
	[tilespmem:s25+$0xA680] =	vst v6;
	v6 =	vmul.f32 v48, v47  }
0x1bd: {  	v54 =	vld [tilespmem:s25+$0x6710]  }
0x1be: {  	v55 =	vld [tilespmem:s25+$0x2720];
	[tilespmem:s25+$0xA690] =	vst v6;
	v6 =	vmul.f32 v49, v7  }
0x1bf: {  	v7 =	vld [tilespmem:s25+$0x2710]  }
0x1c0: {  	v56 =	vld [tilespmem:s25+$0x6720];
	[tilespmem:s25+$0xA6A0] =	vst v6;
	v6 =	vmul.f32 v51, v50  }
0x1c1: {  	v57 =	vld [tilespmem:s25+$0x2730]  }
0x1c2: {  	v58 =	vld [tilespmem:s25+$0x6730];
	[tilespmem:s25+$0xA6B0] =	vst v6;
	v6 =	vmul.f32 v53, v52  }
0x1c3: {  	v59 =	vld [tilespmem:s25+$0x6780]  }
0x1c4: {  	v60 =	vld [tilespmem:s25+$0x2790];
	[tilespmem:s25+$0xA700] =	vst v6;
	v6 =	vmul.f32 v54, v7  }
0x1c5: {  	v61 =	vld [tilespmem:s25+$0x6790]  }
0x1c6: {  	v62 =	vld [tilespmem:s25+$0x67A0];
	[tilespmem:s25+$0xA710] =	vst v6;
	v6 =	vmul.f32 v56, v55  }
0x1c7: {  	v7 =	vld [tilespmem:s25+$0x2780]  }
0x1c8: {  	v8 =	vmul.f32 v8, v11;
	[tilespmem:s25+$0xA720] =	vst v6;
	v6 =	vld [tilespmem:s25+$0x27A0]  }
0x1c9: {  	v9 =	vmul.f32 v42, v13  }
0x1ca: {  	[tilespmem:s25+$0xA610] =	vst v8;
	v8 =	vmul.f32 v58, v57  }
0x1cb: {  	[tilespmem:s25+$0xA600] =	vst v9;
	v63 =	vmul.f32 v61, v60  }
.Ltmp12:
0x1cc: {  	[tilespmem:s25+$0xA730] =	vst v8;
	v7 =	vmul.f32 v59, v7;
	(pc) =	sbr.rel .LBB2_13-.Ltmp12, $4  }
0x1cd: {  	s0 =	sshll.u32 s30, $0x7;
	[tilespmem:s25+$0xA790] =	vst v63;
	v6 =	vmul.f32 v62, v6  }
0x1ce: {  	s0 =	sand.u32 $0x180, s0;
	[tilespmem:s25+$0xA780] =	vst v7  }
0x1cf: {  	s0 =	sor.u32 $0x2400, s0;
	[tilespmem:s25+$0xA7A0] =	vst v6  }
0x1d0: {  	[spmem:s1] =	stream.indirect.scatter.add.f32 [tilespmem:s18], [sflag:$0x3], $0x80, s0, s17, $0xb8;
	[tilespmem:$0x1F640] =	vst v63  }
.LBB2_12:
0x1d1: {  	p1 =	slt.s32 s0, $0x80  }
.Ltmp13:
0x1d2: {  	_ = 	snop;
	(pc) =	sbr.rel @p1 .LBB2_14-.Ltmp13, $4  }
.Ltmp14:
0x1d3: {  	_ = 	snop;
	(pc) =	sbr.rel @!p1 .LBB2_13-.Ltmp14, $4  }
0x1d4: {  	_ = 	snop  }
0x1d5: {  	_ = 	snop  }
0x1d6: {  	s0 =	simm.s32 $0x0  }
0x1d7: {  	_ = 	snop  }
.LBB2_15:
0x1d8: {  	p1 =	seq.s32 s28, $0xE;
	s0 =	rddreg [dreg:$0x1c]  }
0x1d9: {  	s0 =	sadd.s32 @!p1 s5, s0  }
0x1da: {  	s0 =	sshrl.u32 @!p1 s0, $0x3  }
0x1db: {  	s5 =	simm.s32 @!p1 $0x0;
	s2 =	sadd.s32 @!p1 s6, s0  }
0x1dc: {  	[tilespmem:s5], [sflag:$0x1] =	stream.linear.gather @!p1 [hbm4b:s2+s5], $0x800, $0x38;
	[tilespmem:$0x1F640] =	vst v63  }
0x1dd: {  	s0 =	sadd.s32 @!p1 s7, s0;
	s2 =	simm.s32 @!p1 $0x1000  }
0x1de: {  	[tilespmem:s2], [sflag:$0x1] =	stream.linear.gather @!p1 [hbm4b:s0+s5], $0x800, $0x38;
	[tilespmem:$0x1F640] =	vst v63  }
0x1df: {  	_ =	swait.ge [sflag:s12], $0x800  }
.Ltmp15:
0x1e0: {  	[sflag:s12] =	ssyncset.done $0x0;
	(pc) =	sbr.rel .LBB2_16-.Ltmp15, $4  }
0x1e1: {  	s22 =	sor.u32 $0x10, s29;
	s21 =	sor.u32 $0x20, s29;
	[sflag:s12] =	ssyncadd.s32 $0xFFFFF800  }
0x1e2: {  	s10 =	sor.u32 $0x30, s29;
	s24 =	sor.u32 $0x40, s29;
	_ =	swait.ge [sflag:s12], $0x800  }
0x1e3: {  	s23 =	sor.u32 $0x60, s29;
	s9 =	sor.u32 $0x70, s29;
	[sflag:s12] =	ssyncset.done $0x0  }
0x1e4: {  	s11 =	simm.s32 $0x0;
	s2 =	sor.u32 $0x50, s29;
	[sflag:s12] =	ssyncadd.s32 $0xFFFFF800  }
.LBB2_21:
0x1e5: {  	s0 =	sand.u32 $0x7F, s5  }
0x1e6: {  	s8 =	sshra.s32 s5, $0x1F;
	p1 =	slt.s32 s5, $0x1;
	p2 =	sne.s32 s0, $0x0  }
0x1e7: {  	s25 =	sshrl.u32 s8, $0x19;
	p1 =	por !p1, !p2  }
0x1e8: {  	s8 =	simm.s32 $0x1;
	s0 =	sadd.s32 s25, s5;
	p1 =	por !p1, !p1  }
0x1e9: {  	s0 =	sshrl.u32 s0, $0x7;
	s8 =	simm.s32 @!p1 $0x0  }
0x1ea: {  	s0 =	ssub.s32 s0, s8  }
0x1eb: {  	s0 =	sshll.u32 s0, $0x7  }
0x1ec: {  	s26 =	sand.u32 $0x180, s0  }
0x1ed: {  	s0 =	simm.s32 $0x80;
	s25 =	sor.u32 $0x2000, s26  }
0x1ee: {  	[tilespmem:s19], [sflag:$0x2] =	stream.indirect.gather [hbm4b:s3+s0], $0x80, s25, s0, $0xb8;
	[tilespmem:$0x1F640] =	vst v63  }
0x1ef: {  	s30 =	smov.u32 s5;
	s8 =	sor.u32 $0x2200, s26  }
0x1f0: {  	[tilespmem:s20], [sflag:$0x2] =	stream.indirect.gather [hbm4b:s4+s0], $0x80, s8, s0, $0xb8;
	[tilespmem:$0x1F640] =	vst v63  }
.LBB2_22:
0x1f1: {  	s11 =	sadd.s32 $0x1, s11  }
0x1f2: {  	p1 =	sne.s32 s11, $0x10  }
.Ltmp16:
0x1f3: {  	_ = 	snop;
	(pc) =	sbr.rel @!p1 .LBB2_23-.Ltmp16, $2  }
0x1f4: {  	_ =	sdelay $0x2  }
0x1f5: {  	s26 =	sadd.s32 s5, s0  }
.LBB2_16:
0x1f6: {  	s8 =	sshll.u32 s11, $0x7  }
0x1f7: {  	v6 =	vld [tilespmem:s8+$0x800];
	_ =	sdelay $0x4  }
0x1f8: {  	v6 =	vsub.s32 v6, v5  }
0x1f9: {  	vm0 =	vlt.u32 v6, $0x2000  }
0x1fa: {  	v7 =	vsel vm0, $0x1, v1  }
0x1fb: {  	(xrf0) =	vadd.scan.msk.s32 $0xffff, v7;
	_ =	sdelay $0x4  }
0x1fc: {  	v7 =	vsel vm0, $0xFFFFFFFF, v1  }
0x1fd: {  	v7 =	vadd.s32 v7, v4;
	v8, _, _ =	vpop (xrf0)  }
0x1fe: {  	v7 =	vadd.s32 v8, v7  }
0x1ff: {  	v7 =	vand.u32 $0x1FF, v7  }
0x200: {  	v38 =	vld [tilespmem:s8+$0x1800];
	_ =	sdelay $0x1  }
0x201: {  	s0 =	sadd.s32 s29, s8  }
0x202: {  	v9 =	vor.u32 s0, v2  }
0x203: {  	[tilespmem:v7+s13+$0x0] =	vst.idx.msk vm0, v9  }
0x204: {  	[tilespmem:v7+s14+$0x0] =	vst.idx.msk vm0, v38  }
0x205: {  	[tilespmem:v7+s15+$0x0] =	vst.idx.msk vm0, v6  }
0x206: {  	v6 =	vld [tilespmem:s8+$0x810];
	_ =	sdelay $0x4  }
0x207: {  	v6 =	vsub.s32 v6, v5  }
0x208: {  	vm1 =	vlt.u32 v6, $0x2000  }
0x209: {  	v7 =	vsel vm1, $0x1, v1  }
0x20a: {  	(xrf0) =	vadd.scan.msk.s32 $0xffff, v7;
	_ =	sdelay $0x2  }
0x20b: {  	v7 =	vmpcnt.ones.xlane vm0;
	_ =	sdelay $0x1  }
0x20c: {  	v4 =	vadd.s32 v4, v7;
	v7 =	vsel vm1, $0xFFFFFFFF, v1  }
0x20d: {  	v7 =	vadd.s32 v7, v4;
	v39, _, _ =	vpop (xrf0)  }
0x20e: {  	v7 =	vadd.s32 v39, v7  }
0x20f: {  	v7 =	vand.u32 $0x1FF, v7  }
0x210: {  	v40 =	vld [tilespmem:s8+$0x1810];
	_ =	sdelay $0x1  }
0x211: {  	s25 =	sadd.s32 s22, s8  }
0x212: {  	v41 =	vor.u32 s25, v2  }
0x213: {  	[tilespmem:v7+s13+$0x0] =	vst.idx.msk vm1, v41  }
0x214: {  	[tilespmem:v7+s14+$0x0] =	vst.idx.msk vm1, v40  }
0x215: {  	[tilespmem:v7+s15+$0x0] =	vst.idx.msk vm1, v6  }
0x216: {  	v6 =	vld [tilespmem:s8+$0x820];
	_ =	sdelay $0x4  }
0x217: {  	v6 =	vsub.s32 v6, v5  }
0x218: {  	vm10 =	vlt.u32 v6, $0x2000  }
0x219: {  	v7 =	vsel vm10, $0x1, v1  }
0x21a: {  	(xrf0) =	vadd.scan.msk.s32 $0xffff, v7;
	_ =	sdelay $0x2  }
0x21b: {  	v7 =	vmpcnt.ones.xlane vm1;
	_ =	sdelay $0x1  }
0x21c: {  	v4 =	vadd.s32 v4, v7;
	v7 =	vsel vm10, $0xFFFFFFFF, v1  }
0x21d: {  	v7 =	vadd.s32 v7, v4;
	v42, _, _ =	vpop (xrf0)  }
0x21e: {  	v7 =	vadd.s32 v42, v7  }
0x21f: {  	v7 =	vand.u32 $0x1FF, v7  }
0x220: {  	v43 =	vld [tilespmem:s8+$0x1820];
	_ =	sdelay $0x1  }
0x221: {  	s5 =	sadd.s32 s21, s8  }
0x222: {  	v44 =	vor.u32 s5, v2  }
0x223: {  	[tilespmem:v7+s13+$0x0] =	vst.idx.msk vm10, v44  }
0x224: {  	[tilespmem:v7+s14+$0x0] =	vst.idx.msk vm10, v43  }
0x225: {  	[tilespmem:v7+s15+$0x0] =	vst.idx.msk vm10, v6  }
0x226: {  	v6 =	vld [tilespmem:s8+$0x830];
	_ =	sdelay $0x4  }
0x227: {  	v6 =	vsub.s32 v6, v5  }
0x228: {  	vm11 =	vlt.u32 v6, $0x2000  }
0x229: {  	v7 =	vsel vm11, $0x1, v1  }
0x22a: {  	(xrf0) =	vadd.scan.msk.s32 $0xffff, v7;
	_ =	sdelay $0x2  }
0x22b: {  	v7 =	vmpcnt.ones.xlane vm10;
	_ =	sdelay $0x1  }
0x22c: {  	v4 =	vadd.s32 v4, v7;
	v7 =	vsel vm11, $0xFFFFFFFF, v1  }
0x22d: {  	v7 =	vadd.s32 v7, v4;
	v45, _, _ =	vpop (xrf0)  }
0x22e: {  	v7 =	vadd.s32 v45, v7  }
0x22f: {  	v7 =	vand.u32 $0x1FF, v7  }
0x230: {  	v46 =	vld [tilespmem:s8+$0x1830];
	_ =	sdelay $0x1  }
0x231: {  	s25 =	sadd.s32 s10, s8  }
0x232: {  	v47 =	vor.u32 s25, v2  }
0x233: {  	[tilespmem:v7+s13+$0x0] =	vst.idx.msk vm11, v47  }
0x234: {  	[tilespmem:v7+s14+$0x0] =	vst.idx.msk vm11, v46  }
0x235: {  	[tilespmem:v7+s15+$0x0] =	vst.idx.msk vm11, v6  }
0x236: {  	v6 =	vld [tilespmem:s8+$0x840];
	_ =	sdelay $0x4  }
0x237: {  	v6 =	vsub.s32 v6, v5  }
0x238: {  	vm12 =	vlt.u32 v6, $0x2000  }
0x239: {  	v7 =	vsel vm12, $0x1, v1  }
0x23a: {  	(xrf0) =	vadd.scan.msk.s32 $0xffff, v7;
	_ =	sdelay $0x2  }
0x23b: {  	v7 =	vmpcnt.ones.xlane vm11;
	_ =	sdelay $0x1  }
0x23c: {  	v4 =	vadd.s32 v4, v7;
	v7 =	vsel vm12, $0xFFFFFFFF, v1  }
0x23d: {  	v7 =	vadd.s32 v7, v4;
	v48, _, _ =	vpop (xrf0)  }
0x23e: {  	v7 =	vadd.s32 v48, v7  }
0x23f: {  	v7 =	vand.u32 $0x1FF, v7  }
0x240: {  	v49 =	vld [tilespmem:s8+$0x1840];
	_ =	sdelay $0x1  }
0x241: {  	s5 =	sadd.s32 s24, s8  }
0x242: {  	v50 =	vor.u32 s5, v2  }
0x243: {  	[tilespmem:v7+s13+$0x0] =	vst.idx.msk vm12, v50  }
0x244: {  	[tilespmem:v7+s14+$0x0] =	vst.idx.msk vm12, v49  }
0x245: {  	[tilespmem:v7+s15+$0x0] =	vst.idx.msk vm12, v6  }
0x246: {  	v6 =	vld [tilespmem:s8+$0x850];
	_ =	sdelay $0x4  }
0x247: {  	v6 =	vsub.s32 v6, v5  }
0x248: {  	vm13 =	vlt.u32 v6, $0x2000  }
0x249: {  	v7 =	vsel vm13, $0x1, v1  }
0x24a: {  	(xrf0) =	vadd.scan.msk.s32 $0xffff, v7;
	_ =	sdelay $0x2  }
0x24b: {  	v7 =	vmpcnt.ones.xlane vm12;
	_ =	sdelay $0x1  }
0x24c: {  	v4 =	vadd.s32 v4, v7;
	v7 =	vsel vm13, $0xFFFFFFFF, v1  }
0x24d: {  	v7 =	vadd.s32 v7, v4;
	v51, _, _ =	vpop (xrf0)  }
0x24e: {  	v7 =	vadd.s32 v51, v7  }
0x24f: {  	v7 =	vand.u32 $0x1FF, v7  }
0x250: {  	v52 =	vld [tilespmem:s8+$0x1850];
	_ =	sdelay $0x1  }
0x251: {  	s25 =	sadd.s32 s2, s8  }
0x252: {  	v53 =	vor.u32 s25, v2  }
0x253: {  	[tilespmem:v7+s13+$0x0] =	vst.idx.msk vm13, v53  }
0x254: {  	[tilespmem:v7+s14+$0x0] =	vst.idx.msk vm13, v52  }
0x255: {  	[tilespmem:v7+s15+$0x0] =	vst.idx.msk vm13, v6  }
0x256: {  	v6 =	vld [tilespmem:s8+$0x860];
	_ =	sdelay $0x4  }
0x257: {  	v6 =	vsub.s32 v6, v5  }
0x258: {  	vm14 =	vlt.u32 v6, $0x2000  }
0x259: {  	v7 =	vsel vm14, $0x1, v1  }
0x25a: {  	(xrf0) =	vadd.scan.msk.s32 $0xffff, v7;
	_ =	sdelay $0x2  }
0x25b: {  	v7 =	vmpcnt.ones.xlane vm13;
	_ =	sdelay $0x1  }
0x25c: {  	v4 =	vadd.s32 v4, v7;
	v7 =	vsel vm14, $0xFFFFFFFF, v1  }
0x25d: {  	v7 =	vadd.s32 v7, v4;
	v54, _, _ =	vpop (xrf0)  }
0x25e: {  	v7 =	vadd.s32 v54, v7  }
0x25f: {  	v7 =	vand.u32 $0x1FF, v7  }
0x260: {  	v55 =	vld [tilespmem:s8+$0x1860];
	_ =	sdelay $0x1  }
0x261: {  	s5 =	sadd.s32 s23, s8  }
0x262: {  	v56 =	vor.u32 s5, v2  }
0x263: {  	[tilespmem:v7+s13+$0x0] =	vst.idx.msk vm14, v56  }
0x264: {  	[tilespmem:v7+s14+$0x0] =	vst.idx.msk vm14, v55  }
0x265: {  	[tilespmem:v7+s15+$0x0] =	vst.idx.msk vm14, v6  }
0x266: {  	v6 =	vld [tilespmem:s8+$0x870];
	_ =	sdelay $0x4  }
0x267: {  	v6 =	vsub.s32 v6, v5  }
0x268: {  	v7 =	vmpcnt.ones.xlane vm14;
	vm15 =	vlt.u32 v6, $0x2000  }
0x269: {  	v57 =	vmpcnt.ones.xlane vm15  }
0x26a: {  	v7 =	vadd.s32 v4, v7  }
0x26b: {  	v58 =	vsel vm15, $0x1, v1;
	v4 =	vadd.s32 v7, v57  }
0x26c: {  	(xrf0) =	vadd.scan.msk.s32 $0xffff, v58;
	v8 =	vxor.u32 $0x80000000, v4  }
0x26d: {  	(xrf0) =	vmax.scan.msk.u32 $0xffff, v8;
	_ =	sdelay $0x4  }
0x26e: {  	v59, _, _ =	vpop (xrf0)  }
0x26f: {  	v60, _, _ =	vpop (xrf0)  }
0x270: {  	(v2sf) =	vpush v60, $0xF;
	_ =	sdelay $0xd  }
0x271: {  	v61 =	vsel vm15, $0xFFFFFFFF, v1  }
0x272: {  	v7 =	vadd.s32 v61, v7;
	s25 =	spop (v2sf)  }
0x273: {  	v7 =	vadd.s32 v59, v7;
	s31 =	sxor.u32 $0x80000000, s25;
	s25 =	ssub.s32 s26, s30  }
0x274: {  	v7 =	vand.u32 $0x1FF, v7;
	s0 =	ssub.s32 s31, s26;
	p1 =	slt.s32 s25, $0x1  }
0x275: {  	v62 =	vld [tilespmem:s8+$0x1870];
	p2 =	slt.s32 @!p1 s0, $0x80  }
0x276: {  	p1 =	por p1, p2  }
.Ltmp17:
0x277: {  	s8 =	sadd.s32 s9, s8;
	(pc) =	sbr.rel @p1 .LBB2_20-.Ltmp17, $4  }
0x278: {  	v63 =	vor.u32 s8, v2  }
0x279: {  	[tilespmem:v7+s13+$0x0] =	vst.idx.msk vm15, v63  }
0x27a: {  	[tilespmem:v7+s14+$0x0] =	vst.idx.msk vm15, v62  }
0x27b: {  	s5 =	smov.u32 s26;
	[tilespmem:v7+s15+$0x0] =	vst.idx.msk vm15, v6  }
0x27c: {  	s0 =	sshra.s32 s30, $0x1F;
	s8 =	sand.u32 $0x7F, s30  }
0x27d: {  	p1 =	slt.s32 s30, $0x1;
	_ =	swait.ge [sflag:s16], $0x4000;
	p2 =	sne.s32 s8, $0x0  }
0x27e: {  	s0 =	sshrl.u32 s0, $0x19;
	s8 =	simm.s32 $0x1;
	p1 =	por !p1, !p2  }
0x27f: {  	[sflag:s16] =	ssyncset.done $0x0;
	s0 =	sadd.s32 s0, s30;
	p1 =	por !p1, !p1  }
0x280: {  	[sflag:s16] =	ssyncadd.s32 $0xFFFFC000;
	s0 =	sshra.s32 s0, $0x7;
	s8 =	simm.s32 @!p1 $0x0  }
0x281: {  	_ =	swait.ge [sflag:s16], $0x4000;
	s26 =	ssub.s32 s0, s8  }
0x282: {  	[sflag:s16] =	ssyncset.done $0x0;
	p1 =	slt.s32 s26, $0x1  }
0x283: {  	[sflag:s16] =	ssyncadd.s32 $0xFFFFC000;
	s0 =	simm.s32 @!p1 $0x3  }
0x284: {  	_ =	swait.ge @!p1 [sflag:s0], $0x4000  }
0x285: {  	[sflag:s0] =	ssyncset.done @!p1 $0x0  }
0x286: {  	s8 =	simm.s32 $0x0;
	[sflag:s0] =	ssyncadd.s32 @!p1 $0xFFFFC000  }
0x287: {  	v6 =	vld [tilespmem:s8+$0x27B0]  }
0x288: {  	v7 =	vld [tilespmem:s8+$0x67B0]  }
0x289: {  	v8 =	vld [tilespmem:s8+$0x2600]  }
0x28a: {  	v9 =	vld [tilespmem:s8+$0x6600]  }
0x28b: {  	v10 =	vld [tilespmem:s8+$0x2610]  }
0x28c: {  	v11 =	vld [tilespmem:s8+$0x6610]  }
0x28d: {  	v12 =	vld [tilespmem:s8+$0x2620]  }
0x28e: {  	v13 =	vld [tilespmem:s8+$0x2630]  }
0x28f: {  	v60 =	vld [tilespmem:s8+$0x66A0];
	v6 =	vmul.f32 v7, v6  }
0x290: {  	v7 =	vld [tilespmem:s8+$0x6620]  }
0x291: {  	v8 =	vmul.f32 v9, v8;
	[tilespmem:s8+$0xA7B0] =	vst v6;
	v6 =	vld [tilespmem:s8+$0x6630]  }
0x292: {  	v9 =	vld [tilespmem:s8+$0x2680]  }
0x293: {  	[tilespmem:s8+$0xA600] =	vst v8;
	v8 =	vmul.f32 v11, v10;
	v10 =	vld [tilespmem:s8+$0x6680]  }
0x294: {  	v11 =	vld [tilespmem:s8+$0x6690]  }
0x295: {  	[tilespmem:s8+$0xA610] =	vst v8;
	v8 =	vld [tilespmem:s8+$0x2690];
	v7 =	vmul.f32 v7, v12  }
0x296: {  	v61 =	vld [tilespmem:s8+$0x6710];
	v6 =	vmul.f32 v6, v13  }
0x297: {  	[tilespmem:s8+$0xA620] =	vst v7;
	v7 =	vld [tilespmem:s8+$0x26A0]  }
0x298: {  	[tilespmem:s8+$0xA630] =	vst v6;
	v6 =	vmul.f32 v10, v9;
	v9 =	vld [tilespmem:s8+$0x26B0]  }
0x299: {  	v10 =	vld [tilespmem:s8+$0x66B0]  }
0x29a: {  	[tilespmem:s8+$0xA680] =	vst v6;
	v6 =	vmul.f32 v11, v8;
	v8 =	vld [tilespmem:s8+$0x2700]  }
0x29b: {  	v11 =	vld [tilespmem:s8+$0x6700]  }
0x29c: {  	v62 =	vld [tilespmem:s8+$0x6730];
	[tilespmem:s8+$0xA690] =	vst v6;
	v6 =	vmul.f32 v60, v7  }
0x29d: {  	v7 =	vld [tilespmem:s8+$0x2710]  }
0x29e: {  	[tilespmem:s8+$0xA6A0] =	vst v6;
	v6 =	vmul.f32 v10, v9;
	v9 =	vld [tilespmem:s8+$0x2720]  }
0x29f: {  	v10 =	vld [tilespmem:s8+$0x6720]  }
0x2a0: {  	[tilespmem:s8+$0xA6B0] =	vst v6;
	v6 =	vmul.f32 v11, v8;
	v11 =	vld [tilespmem:s8+$0x2730]  }
0x2a1: {  	v63 =	vld [tilespmem:s8+$0x2780]  }
0x2a2: {  	v14 =	vld [tilespmem:s8+$0x6780];
	[tilespmem:s8+$0xA700] =	vst v6;
	v6 =	vmul.f32 v61, v7  }
0x2a3: {  	v8 =	vld [tilespmem:s8+$0x2790]  }
0x2a4: {  	[tilespmem:s8+$0xA710] =	vst v6;
	v6 =	vmul.f32 v10, v9;
	v9 =	vld [tilespmem:s8+$0x6790]  }
0x2a5: {  	v10 =	vld [tilespmem:s8+$0x67A0];
	v11 =	vmul.f32 v62, v11  }
0x2a6: {  	s25 =	simm.s32 $0x200;
	[tilespmem:s8+$0xA720] =	vst v6;
	v6 =	vld [tilespmem:s8+$0x27A0]  }
0x2a7: {  	s0 =	simm.s32 $0x1000;
	v7 =	vld [tilespmem:s25+$0x27B0];
	[tilespmem:s8+$0xA730] =	vst v11;
	v11 =	vmul.f32 v14, v63  }
.LBB2_18:
0x2a8: {  	p1 =	sne.s32 s0, $0xF800;
	v12 =	vld [tilespmem:s25+$0x67B0]  }
0x2a9: {  	v13 =	vld [tilespmem:s25+$0x2600];
	[tilespmem:s8+$0xA780] =	vst v11;
	v8 =	vmul.f32 v9, v8  }
0x2aa: {  	v9 =	vld [tilespmem:s25+$0x6600]  }
0x2ab: {  	v11 =	vld [tilespmem:s25+$0x2610];
	[tilespmem:s8+$0xA790] =	vst v8;
	v6 =	vmul.f32 v10, v6  }
0x2ac: {  	v8 =	vld [tilespmem:s25+$0x6610]  }
0x2ad: {  	v10 =	vld [tilespmem:s25+$0x2620];
	v7 =	vmul.f32 v12, v7;
	[tilespmem:s8+$0xA7A0] =	vst v6;
	s8 =	smov.u32 s25  }
0x2ae: {  	v6 =	vld [tilespmem:s8+$0x6620]  }
0x2af: {  	v9 =	vmul.f32 v9, v13;
	v12 =	vld [tilespmem:s8+$0x2630];
	[tilespmem:s8+$0xA7B0] =	vst v7  }
0x2b0: {  	v7 =	vld [tilespmem:s8+$0x6630]  }
0x2b1: {  	[tilespmem:s8+$0xA600] =	vst v9;
	v8 =	vmul.f32 v8, v11;
	v9 =	vld [tilespmem:s8+$0x2680]  }
0x2b2: {  	v11 =	vld [tilespmem:s8+$0x6680]  }
0x2b3: {  	[tilespmem:s8+$0xA610] =	vst v8;
	v6 =	vmul.f32 v6, v10;
	v8 =	vld [tilespmem:s8+$0x2690]  }
0x2b4: {  	v10 =	vld [tilespmem:s8+$0x6690]  }
0x2b5: {  	[tilespmem:s8+$0xA620] =	vst v6;
	v6 =	vmul.f32 v7, v12;
	v7 =	vld [tilespmem:s8+$0x26A0]  }
0x2b6: {  	v12 =	vld [tilespmem:s8+$0x66A0]  }
0x2b7: {  	[tilespmem:s8+$0xA630] =	vst v6;
	v6 =	vmul.f32 v11, v9;
	v9 =	vld [tilespmem:s8+$0x26B0]  }
0x2b8: {  	v11 =	vld [tilespmem:s8+$0x66B0]  }
0x2b9: {  	[tilespmem:s8+$0xA680] =	vst v6;
	v6 =	vmul.f32 v10, v8;
	v8 =	vld [tilespmem:s8+$0x2700]  }
0x2ba: {  	v10 =	vld [tilespmem:s8+$0x6700]  }
0x2bb: {  	[tilespmem:s8+$0xA690] =	vst v6;
	v6 =	vmul.f32 v12, v7;
	v7 =	vld [tilespmem:s8+$0x2710]  }
0x2bc: {  	v12 =	vld [tilespmem:s8+$0x6710]  }
0x2bd: {  	[tilespmem:s8+$0xA6A0] =	vst v6;
	v6 =	vmul.f32 v11, v9;
	v9 =	vld [tilespmem:s8+$0x2720]  }
0x2be: {  	v11 =	vld [tilespmem:s8+$0x6720]  }
0x2bf: {  	[tilespmem:s8+$0xA6B0] =	vst v6;
	v6 =	vmul.f32 v10, v8;
	v10 =	vld [tilespmem:s8+$0x2730]  }
0x2c0: {  	v13 =	vld [tilespmem:s8+$0x6730]  }
0x2c1: {  	[tilespmem:s8+$0xA700] =	vst v6;
	v6 =	vmul.f32 v12, v7;
	v12 =	vld [tilespmem:s8+$0x2780]  }
0x2c2: {  	v14 =	vld [tilespmem:s8+$0x6780]  }
.Ltmp18:
0x2c3: {  	[tilespmem:s8+$0xA710] =	vst v6;
	v6 =	vmul.f32 v11, v9;
	v8 =	vld [tilespmem:s8+$0x2790];
	(pc) =	sbr.rel @p1 .LBB2_18-.Ltmp18, $4  }
0x2c4: {  	v9 =	vld [tilespmem:s8+$0x6790]  }
0x2c5: {  	[tilespmem:s8+$0xA720] =	vst v6;
	v11 =	vmul.f32 v13, v10;
	v6 =	vld [tilespmem:s8+$0x27A0]  }
0x2c6: {  	s25 =	sshra.s32 s0, $0x2;
	v10 =	vld [tilespmem:s8+$0x67A0]  }
0x2c7: {  	s0 =	sadd.s32 $0x800, s0;
	v7 =	vld [tilespmem:s25+$0x27B0];
	[tilespmem:s8+$0xA730] =	vst v11;
	v11 =	vmul.f32 v14, v12  }
0x2c8: {  	v12 =	vld [tilespmem:s25+$0x67B0]  }
0x2c9: {  	v13 =	vld [tilespmem:s25+$0x2600];
	[tilespmem:s8+$0xA780] =	vst v11;
	v8 =	vmul.f32 v9, v8  }
0x2ca: {  	v42 =	vld [tilespmem:s25+$0x6600]  }
0x2cb: {  	v11 =	vld [tilespmem:s25+$0x2610];
	[tilespmem:s8+$0xA790] =	vst v8;
	v6 =	vmul.f32 v10, v6  }
0x2cc: {  	v8 =	vld [tilespmem:s25+$0x6610]  }
0x2cd: {  	v43 =	vld [tilespmem:s25+$0x2620];
	[tilespmem:s8+$0xA7A0] =	vst v6  }
0x2ce: {  	v6 =	vmul.f32 v12, v7;
	v7 =	vld [tilespmem:s25+$0x6620]  }
0x2cf: {  	v44 =	vld [tilespmem:s25+$0x2630]  }
0x2d0: {  	v45 =	vld [tilespmem:s25+$0x2680]  }
0x2d1: {  	[tilespmem:s25+$0xA7B0] =	vst v6;
	v6 =	vld [tilespmem:s25+$0x6630]  }
0x2d2: {  	v46 =	vld [tilespmem:s25+$0x6680]  }
0x2d3: {  	v47 =	vld [tilespmem:s25+$0x2690]  }
0x2d4: {  	v48 =	vld [tilespmem:s25+$0x6690]  }
0x2d5: {  	v49 =	vld [tilespmem:s25+$0x66A0];
	v7 =	vmul.f32 v7, v43  }
0x2d6: {  	v50 =	vld [tilespmem:s25+$0x26B0];
	v6 =	vmul.f32 v6, v44  }
0x2d7: {  	[tilespmem:s25+$0xA620] =	vst v7;
	v7 =	vld [tilespmem:s25+$0x26A0]  }
0x2d8: {  	v51 =	vld [tilespmem:s25+$0x66B0];
	[tilespmem:s25+$0xA630] =	vst v6;
	v6 =	vmul.f32 v46, v45  }
0x2d9: {  	v52 =	vld [tilespmem:s25+$0x2700]  }
0x2da: {  	v53 =	vld [tilespmem:s25+$0x6700];
	[tilespmem:s25+$0xA680] =	vst v6;
	v6 =	vmul.f32 v48, v47  }
0x2db: {  	v54 =	vld [tilespmem:s25+$0x6710]  }
0x2dc: {  	v55 =	vld [tilespmem:s25+$0x2720];
	[tilespmem:s25+$0xA690] =	vst v6;
	v6 =	vmul.f32 v49, v7  }
0x2dd: {  	v7 =	vld [tilespmem:s25+$0x2710]  }
0x2de: {  	v56 =	vld [tilespmem:s25+$0x6720];
	[tilespmem:s25+$0xA6A0] =	vst v6;
	v6 =	vmul.f32 v51, v50  }
0x2df: {  	v57 =	vld [tilespmem:s25+$0x2730]  }
0x2e0: {  	v58 =	vld [tilespmem:s25+$0x6730];
	[tilespmem:s25+$0xA6B0] =	vst v6;
	v6 =	vmul.f32 v53, v52  }
0x2e1: {  	v59 =	vld [tilespmem:s25+$0x6780]  }
0x2e2: {  	v60 =	vld [tilespmem:s25+$0x2790];
	[tilespmem:s25+$0xA700] =	vst v6;
	v6 =	vmul.f32 v54, v7  }
0x2e3: {  	v61 =	vld [tilespmem:s25+$0x6790]  }
0x2e4: {  	v62 =	vld [tilespmem:s25+$0x67A0];
	[tilespmem:s25+$0xA710] =	vst v6;
	v6 =	vmul.f32 v56, v55  }
0x2e5: {  	v7 =	vld [tilespmem:s25+$0x2780]  }
0x2e6: {  	v8 =	vmul.f32 v8, v11;
	[tilespmem:s25+$0xA720] =	vst v6;
	v6 =	vld [tilespmem:s25+$0x27A0]  }
0x2e7: {  	v9 =	vmul.f32 v42, v13  }
0x2e8: {  	[tilespmem:s25+$0xA610] =	vst v8;
	v8 =	vmul.f32 v58, v57  }
0x2e9: {  	[tilespmem:s25+$0xA600] =	vst v9;
	v63 =	vmul.f32 v61, v60  }
.Ltmp19:
0x2ea: {  	[tilespmem:s25+$0xA730] =	vst v8;
	v7 =	vmul.f32 v59, v7;
	(pc) =	sbr.rel .LBB2_21-.Ltmp19, $4  }
0x2eb: {  	s0 =	sshll.u32 s26, $0x7;
	[tilespmem:s25+$0xA790] =	vst v63;
	v6 =	vmul.f32 v62, v6  }
0x2ec: {  	s0 =	sand.u32 $0x180, s0;
	[tilespmem:s25+$0xA780] =	vst v7  }
0x2ed: {  	s0 =	sor.u32 $0x2400, s0;
	[tilespmem:s25+$0xA7A0] =	vst v6  }
0x2ee: {  	[spmem:s1] =	stream.indirect.scatter.add.f32 [tilespmem:s18], [sflag:$0x3], $0x80, s0, s17, $0xb8;
	[tilespmem:$0x1F640] =	vst v63  }
.LBB2_20:
0x2ef: {  	p1 =	slt.s32 s0, $0x80  }
.Ltmp20:
0x2f0: {  	_ = 	snop;
	(pc) =	sbr.rel @p1 .LBB2_22-.Ltmp20, $4  }
.Ltmp21:
0x2f1: {  	_ = 	snop;
	(pc) =	sbr.rel @!p1 .LBB2_21-.Ltmp21, $4  }
0x2f2: {  	_ = 	snop  }
0x2f3: {  	_ = 	snop  }
0x2f4: {  	s0 =	simm.s32 $0x0  }
0x2f5: {  	_ = 	snop  }
.LBB2_24:
0x2f6: {  	s0 =	ssub.s32 s26, s30  }
0x2f7: {  	p1 =	slt.s32 s0, $0x1  }
.Ltmp22:
0x2f8: {  	_ = 	snop;
	(pc) =	sbr.rel @p1 .LBB2_28-.Ltmp22, $1  }
0x2f9: {  	_ =	sdelay $0x3  }
0x2fa: {  	s0 =	sshra.s32 s30, $0x1F;
	s2 =	sand.u32 $0x7F, s30  }
0x2fb: {  	p1 =	slt.s32 s30, $0x1;
	_ =	swait.ge [sflag:s16], $0x4000;
	p2 =	sne.s32 s2, $0x0  }
0x2fc: {  	s0 =	sshrl.u32 s0, $0x19;
	s2 =	simm.s32 $0x1;
	p1 =	por !p1, !p2  }
0x2fd: {  	[sflag:s16] =	ssyncset.done $0x0;
	s0 =	sadd.s32 s0, s30;
	p1 =	por !p1, !p1  }
0x2fe: {  	[sflag:s16] =	ssyncadd.s32 $0xFFFFC000;
	s0 =	sshra.s32 s0, $0x7;
	s2 =	simm.s32 @!p1 $0x0  }
0x2ff: {  	_ =	swait.ge [sflag:s16], $0x4000;
	s2 =	ssub.s32 s0, s2  }
0x300: {  	[sflag:s16] =	ssyncset.done $0x0;
	p1 =	slt.s32 s2, $0x1  }
0x301: {  	[sflag:s16] =	ssyncadd.s32 $0xFFFFC000;
	s0 =	simm.s32 @!p1 $0x3  }
0x302: {  	_ =	swait.ge @!p1 [sflag:s0], $0x4000  }
0x303: {  	[sflag:s0] =	ssyncset.done @!p1 $0x0  }
0x304: {  	s8 =	simm.s32 $0x0;
	[sflag:s0] =	ssyncadd.s32 @!p1 $0xFFFFC000  }
0x305: {  	v5 =	vld [tilespmem:s8+$0x27B0]  }
0x306: {  	v6 =	vld [tilespmem:s8+$0x67B0]  }
0x307: {  	v7 =	vld [tilespmem:s8+$0x2600]  }
0x308: {  	v8 =	vld [tilespmem:s8+$0x6600]  }
0x309: {  	v9 =	vld [tilespmem:s8+$0x2610]  }
0x30a: {  	v10 =	vld [tilespmem:s8+$0x6610]  }
0x30b: {  	v11 =	vld [tilespmem:s8+$0x2620]  }
0x30c: {  	v12 =	vld [tilespmem:s8+$0x2630]  }
0x30d: {  	v63 =	vld [tilespmem:s8+$0x6730];
	v5 =	vmul.f32 v6, v5  }
0x30e: {  	v6 =	vld [tilespmem:s8+$0x6620]  }
0x30f: {  	v7 =	vmul.f32 v8, v7;
	[tilespmem:s8+$0xA7B0] =	vst v5;
	v5 =	vld [tilespmem:s8+$0x6630]  }
0x310: {  	v8 =	vld [tilespmem:s8+$0x2680]  }
0x311: {  	[tilespmem:s8+$0xA600] =	vst v7;
	v7 =	vmul.f32 v10, v9;
	v9 =	vld [tilespmem:s8+$0x6680]  }
0x312: {  	v10 =	vld [tilespmem:s8+$0x6690]  }
0x313: {  	[tilespmem:s8+$0xA610] =	vst v7;
	v7 =	vld [tilespmem:s8+$0x2690];
	v6 =	vmul.f32 v6, v11  }
0x314: {  	v11 =	vld [tilespmem:s8+$0x66A0];
	v5 =	vmul.f32 v5, v12  }
0x315: {  	[tilespmem:s8+$0xA620] =	vst v6;
	v6 =	vld [tilespmem:s8+$0x26A0]  }
0x316: {  	[tilespmem:s8+$0xA630] =	vst v5;
	v5 =	vmul.f32 v9, v8;
	v8 =	vld [tilespmem:s8+$0x26B0]  }
0x317: {  	v9 =	vld [tilespmem:s8+$0x66B0]  }
0x318: {  	[tilespmem:s8+$0xA680] =	vst v5;
	v5 =	vmul.f32 v10, v7;
	v7 =	vld [tilespmem:s8+$0x2700]  }
0x319: {  	v10 =	vld [tilespmem:s8+$0x6700]  }
0x31a: {  	[tilespmem:s8+$0xA690] =	vst v5;
	v5 =	vmul.f32 v11, v6;
	v6 =	vld [tilespmem:s8+$0x2710]  }
0x31b: {  	v11 =	vld [tilespmem:s8+$0x6710]  }
0x31c: {  	[tilespmem:s8+$0xA6A0] =	vst v5;
	v5 =	vmul.f32 v9, v8;
	v8 =	vld [tilespmem:s8+$0x2720]  }
0x31d: {  	v9 =	vld [tilespmem:s8+$0x6720]  }
0x31e: {  	[tilespmem:s8+$0xA6B0] =	vst v5;
	v5 =	vmul.f32 v10, v7;
	v10 =	vld [tilespmem:s8+$0x2730]  }
0x31f: {  	v13 =	vld [tilespmem:s8+$0x6780]  }
0x320: {  	[tilespmem:s8+$0xA700] =	vst v5;
	v5 =	vmul.f32 v11, v6;
	v11 =	vld [tilespmem:s8+$0x2780]  }
0x321: {  	v7 =	vld [tilespmem:s8+$0x2790]  }
0x322: {  	[tilespmem:s8+$0xA710] =	vst v5;
	v5 =	vmul.f32 v9, v8;
	v8 =	vld [tilespmem:s8+$0x6790]  }
0x323: {  	v9 =	vld [tilespmem:s8+$0x67A0];
	v10 =	vmul.f32 v63, v10  }
0x324: {  	s9 =	simm.s32 $0x200;
	[tilespmem:s8+$0xA720] =	vst v5;
	v5 =	vld [tilespmem:s8+$0x27A0]  }
0x325: {  	s0 =	simm.s32 $0x1000;
	v6 =	vld [tilespmem:s9+$0x27B0];
	[tilespmem:s8+$0xA730] =	vst v10;
	v10 =	vmul.f32 v13, v11  }
.LBB2_26:
0x326: {  	p1 =	sne.s32 s0, $0xF800;
	v11 =	vld [tilespmem:s9+$0x67B0]  }
0x327: {  	v12 =	vld [tilespmem:s9+$0x2600];
	[tilespmem:s8+$0xA780] =	vst v10;
	v7 =	vmul.f32 v8, v7  }
0x328: {  	v8 =	vld [tilespmem:s9+$0x6600]  }
0x329: {  	v10 =	vld [tilespmem:s9+$0x2610];
	[tilespmem:s8+$0xA790] =	vst v7;
	v5 =	vmul.f32 v9, v5  }
0x32a: {  	v7 =	vld [tilespmem:s9+$0x6610]  }
0x32b: {  	v9 =	vld [tilespmem:s9+$0x2620];
	v6 =	vmul.f32 v11, v6;
	[tilespmem:s8+$0xA7A0] =	vst v5;
	s8 =	smov.u32 s9  }
0x32c: {  	v5 =	vld [tilespmem:s8+$0x6620]  }
0x32d: {  	v8 =	vmul.f32 v8, v12;
	v11 =	vld [tilespmem:s8+$0x2630];
	[tilespmem:s8+$0xA7B0] =	vst v6  }
0x32e: {  	v6 =	vld [tilespmem:s8+$0x6630]  }
0x32f: {  	[tilespmem:s8+$0xA600] =	vst v8;
	v7 =	vmul.f32 v7, v10;
	v8 =	vld [tilespmem:s8+$0x2680]  }
0x330: {  	v10 =	vld [tilespmem:s8+$0x6680]  }
0x331: {  	[tilespmem:s8+$0xA610] =	vst v7;
	v5 =	vmul.f32 v5, v9;
	v7 =	vld [tilespmem:s8+$0x2690]  }
0x332: {  	v9 =	vld [tilespmem:s8+$0x6690]  }
0x333: {  	[tilespmem:s8+$0xA620] =	vst v5;
	v5 =	vmul.f32 v6, v11;
	v6 =	vld [tilespmem:s8+$0x26A0]  }
0x334: {  	v11 =	vld [tilespmem:s8+$0x66A0]  }
0x335: {  	[tilespmem:s8+$0xA630] =	vst v5;
	v5 =	vmul.f32 v10, v8;
	v8 =	vld [tilespmem:s8+$0x26B0]  }
0x336: {  	v10 =	vld [tilespmem:s8+$0x66B0]  }
0x337: {  	[tilespmem:s8+$0xA680] =	vst v5;
	v5 =	vmul.f32 v9, v7;
	v7 =	vld [tilespmem:s8+$0x2700]  }
0x338: {  	v9 =	vld [tilespmem:s8+$0x6700]  }
0x339: {  	[tilespmem:s8+$0xA690] =	vst v5;
	v5 =	vmul.f32 v11, v6;
	v6 =	vld [tilespmem:s8+$0x2710]  }
0x33a: {  	v11 =	vld [tilespmem:s8+$0x6710]  }
0x33b: {  	[tilespmem:s8+$0xA6A0] =	vst v5;
	v5 =	vmul.f32 v10, v8;
	v8 =	vld [tilespmem:s8+$0x2720]  }
0x33c: {  	v10 =	vld [tilespmem:s8+$0x6720]  }
0x33d: {  	[tilespmem:s8+$0xA6B0] =	vst v5;
	v5 =	vmul.f32 v9, v7;
	v9 =	vld [tilespmem:s8+$0x2730]  }
0x33e: {  	v12 =	vld [tilespmem:s8+$0x6730]  }
0x33f: {  	[tilespmem:s8+$0xA700] =	vst v5;
	v5 =	vmul.f32 v11, v6;
	v11 =	vld [tilespmem:s8+$0x2780]  }
0x340: {  	v13 =	vld [tilespmem:s8+$0x6780]  }
.Ltmp23:
0x341: {  	[tilespmem:s8+$0xA710] =	vst v5;
	v5 =	vmul.f32 v10, v8;
	v7 =	vld [tilespmem:s8+$0x2790];
	(pc) =	sbr.rel @p1 .LBB2_26-.Ltmp23, $4  }
0x342: {  	v8 =	vld [tilespmem:s8+$0x6790]  }
0x343: {  	[tilespmem:s8+$0xA720] =	vst v5;
	v10 =	vmul.f32 v12, v9;
	v5 =	vld [tilespmem:s8+$0x27A0]  }
0x344: {  	s9 =	sshra.s32 s0, $0x2;
	v9 =	vld [tilespmem:s8+$0x67A0]  }
0x345: {  	s0 =	sadd.s32 $0x800, s0;
	v6 =	vld [tilespmem:s9+$0x27B0];
	[tilespmem:s8+$0xA730] =	vst v10;
	v10 =	vmul.f32 v13, v11  }
0x346: {  	v11 =	vld [tilespmem:s9+$0x67B0]  }
0x347: {  	v12 =	vld [tilespmem:s9+$0x2600];
	[tilespmem:s8+$0xA780] =	vst v10;
	v7 =	vmul.f32 v8, v7  }
0x348: {  	v46 =	vld [tilespmem:s9+$0x6600]  }
0x349: {  	v10 =	vld [tilespmem:s9+$0x2610];
	[tilespmem:s8+$0xA790] =	vst v7;
	v5 =	vmul.f32 v9, v5  }
0x34a: {  	v7 =	vld [tilespmem:s9+$0x6610]  }
0x34b: {  	v47 =	vld [tilespmem:s9+$0x2620];
	[tilespmem:s8+$0xA7A0] =	vst v5  }
0x34c: {  	v5 =	vmul.f32 v11, v6;
	v6 =	vld [tilespmem:s9+$0x6620]  }
0x34d: {  	v48 =	vld [tilespmem:s9+$0x2630]  }
0x34e: {  	v49 =	vld [tilespmem:s9+$0x2680]  }
0x34f: {  	[tilespmem:s9+$0xA7B0] =	vst v5;
	v5 =	vld [tilespmem:s9+$0x6630]  }
0x350: {  	v50 =	vld [tilespmem:s9+$0x6680]  }
0x351: {  	v51 =	vld [tilespmem:s9+$0x6690];
	v7 =	vmul.f32 v7, v10  }
0x352: {  	v52 =	vld [tilespmem:s9+$0x66A0]  }
0x353: {  	[tilespmem:s9+$0xA610] =	vst v7;
	v6 =	vmul.f32 v6, v47;
	v7 =	vld [tilespmem:s9+$0x2690]  }
0x354: {  	v53 =	vld [tilespmem:s9+$0x26B0];
	v5 =	vmul.f32 v5, v48  }
0x355: {  	[tilespmem:s9+$0xA620] =	vst v6;
	v6 =	vld [tilespmem:s9+$0x26A0]  }
0x356: {  	v54 =	vld [tilespmem:s9+$0x66B0];
	[tilespmem:s9+$0xA630] =	vst v5;
	v5 =	vmul.f32 v50, v49  }
0x357: {  	v55 =	vld [tilespmem:s9+$0x6700]  }
0x358: {  	v56 =	vld [tilespmem:s9+$0x6710];
	[tilespmem:s9+$0xA680] =	vst v5;
	v5 =	vmul.f32 v51, v7  }
0x359: {  	v7 =	vld [tilespmem:s9+$0x2700]  }
0x35a: {  	v57 =	vld [tilespmem:s9+$0x2720];
	[tilespmem:s9+$0xA690] =	vst v5;
	v5 =	vmul.f32 v52, v6  }
0x35b: {  	v6 =	vld [tilespmem:s9+$0x2710]  }
0x35c: {  	v58 =	vld [tilespmem:s9+$0x6720];
	[tilespmem:s9+$0xA6A0] =	vst v5;
	v5 =	vmul.f32 v54, v53  }
0x35d: {  	v59 =	vld [tilespmem:s9+$0x6730]  }
0x35e: {  	v60 =	vld [tilespmem:s9+$0x6780];
	[tilespmem:s9+$0xA6B0] =	vst v5;
	v5 =	vmul.f32 v55, v7  }
0x35f: {  	v61 =	vld [tilespmem:s9+$0x2790]  }
0x360: {  	v62 =	vld [tilespmem:s9+$0x6790];
	[tilespmem:s9+$0xA700] =	vst v5;
	v5 =	vmul.f32 v56, v6  }
0x361: {  	v7 =	vld [tilespmem:s9+$0x2730]  }
0x362: {  	v6 =	vld [tilespmem:s9+$0x2780];
	[tilespmem:s9+$0xA710] =	vst v5;
	v5 =	vmul.f32 v58, v57  }
0x363: {  	v63 =	vld [tilespmem:s9+$0x67A0]  }
0x364: {  	[tilespmem:s9+$0xA720] =	vst v5;
	v5 =	vld [tilespmem:s9+$0x27A0]  }
0x365: {  	v8 =	vmul.f32 v46, v12  }
0x366: {  	v7 =	vmul.f32 v59, v7  }
0x367: {  	[tilespmem:s9+$0xA600] =	vst v8;
	v6 =	vmul.f32 v60, v6  }
0x368: {  	[tilespmem:s9+$0xA730] =	vst v7;
	v7 =	vmul.f32 v62, v61  }
0x369: {  	s0 =	sshll.u32 s2, $0x7;
	[tilespmem:s9+$0xA780] =	vst v6;
	v5 =	vmul.f32 v63, v5  }
0x36a: {  	s0 =	sand.u32 $0x180, s0;
	[tilespmem:s9+$0xA790] =	vst v7  }
0x36b: {  	s0 =	sor.u32 $0x2400, s0;
	[tilespmem:s9+$0xA7A0] =	vst v5  }
0x36c: {  	[spmem:s1] =	stream.indirect.scatter.add.f32 [tilespmem:s18], [sflag:$0x3], $0x80, s0, s17, $0xb8;
	[tilespmem:$0x1F640] =	vst v63  }
.LBB2_28:
0x36d: {  	s0 =	ssub.s32 s31, s26  }
0x36e: {  	p1 =	sgt.s32 s0, $0x0  }
.Ltmp24:
0x36f: {  	_ = 	snop;
	(pc) =	sbr.rel @!p1 .LBB2_29-.Ltmp24, $1  }
0x370: {  	_ =	sdelay $0x3  }
0x371: {  	v5 =	vadd.s32 v2, v4  }
0x372: {  	v5 =	vand.u32 $0x1FF, v5  }
0x373: {  	v6 =	vor.u32 $0x10, v2  }
0x374: {  	v6 =	vadd.s32 v6, v4  }
0x375: {  	v6 =	vand.u32 $0x1FF, v6  }
0x376: {  	v7 =	vor.u32 $0x20, v2  }
0x377: {  	v7 =	vadd.s32 v7, v4;
	[tilespmem:v5+s13+$0x0] =	vst.idx.msk $0xffff, v1  }
0x378: {  	v7 =	vand.u32 $0x1FF, v7;
	[tilespmem:v5+s14+$0x0] =	vst.idx.msk $0xffff, v1  }
0x379: {  	[tilespmem:v5+s15+$0x0] =	vst.idx.msk $0xffff, v3;
	v5 =	vor.u32 $0x30, v2  }
0x37a: {  	[tilespmem:v6+s13+$0x0] =	vst.idx.msk $0xffff, v1;
	v5 =	vadd.s32 v5, v4  }
0x37b: {  	[tilespmem:v6+s14+$0x0] =	vst.idx.msk $0xffff, v1;
	v5 =	vand.u32 $0x1FF, v5  }
0x37c: {  	[tilespmem:v6+s15+$0x0] =	vst.idx.msk $0xffff, v3;
	v6 =	vor.u32 $0x40, v2  }
0x37d: {  	[tilespmem:v7+s13+$0x0] =	vst.idx.msk $0xffff, v1;
	v6 =	vadd.s32 v6, v4  }
0x37e: {  	[tilespmem:v7+s14+$0x0] =	vst.idx.msk $0xffff, v1;
	v6 =	vand.u32 $0x1FF, v6  }
0x37f: {  	[tilespmem:v7+s15+$0x0] =	vst.idx.msk $0xffff, v3;
	v7 =	vor.u32 $0x50, v2  }
0x380: {  	[tilespmem:v5+s13+$0x0] =	vst.idx.msk $0xffff, v1;
	v7 =	vadd.s32 v7, v4  }
0x381: {  	[tilespmem:v5+s14+$0x0] =	vst.idx.msk $0xffff, v1;
	v7 =	vand.u32 $0x1FF, v7  }
0x382: {  	[tilespmem:v5+s15+$0x0] =	vst.idx.msk $0xffff, v3;
	v5 =	vor.u32 $0x60, v2  }
0x383: {  	[tilespmem:v6+s13+$0x0] =	vst.idx.msk $0xffff, v1;
	v5 =	vadd.s32 v5, v4  }
0x384: {  	[tilespmem:v6+s14+$0x0] =	vst.idx.msk $0xffff, v1;
	v5 =	vand.u32 $0x1FF, v5  }
0x385: {  	[tilespmem:v6+s15+$0x0] =	vst.idx.msk $0xffff, v3;
	v6 =	vor.u32 $0x70, v2  }
0x386: {  	s2 =	sand.u32 $0x7F, s5;
	[tilespmem:v7+s13+$0x0] =	vst.idx.msk $0xffff, v1;
	v4 =	vadd.s32 v6, v4  }
0x387: {  	s0 =	sshra.s32 s26, $0x1F;
	p2 =	slt.s32 s26, $0x1;
	p3 =	sne.s32 s2, $0x0;
	[tilespmem:v7+s14+$0x0] =	vst.idx.msk $0xffff, v1;
	v4 =	vand.u32 $0x1FF, v4  }
0x388: {  	s0 =	sshrl.u32 s0, $0x19;
	p2 =	por !p2, !p3;
	[tilespmem:v7+s15+$0x0] =	vst.idx.msk $0xffff, v3  }
0x389: {  	s5 =	simm.s32 $0x1;
	s0 =	sadd.s32 s0, s26;
	p2 =	por !p2, !p2;
	[tilespmem:v5+s13+$0x0] =	vst.idx.msk $0xffff, v1  }
0x38a: {  	s9 =	sshra.s32 s0, $0x7;
	s5 =	simm.s32 @!p2 $0x0;
	[tilespmem:v5+s14+$0x0] =	vst.idx.msk $0xffff, v1  }
0x38b: {  	s0 =	ssub.s32 s9, s5;
	[tilespmem:v5+s15+$0x0] =	vst.idx.msk $0xffff, v3  }
0x38c: {  	s5 =	sshll.u32 s0, $0x7;
	[tilespmem:v4+s13+$0x0] =	vst.idx.msk $0xffff, v1  }
0x38d: {  	s5 =	sand.u32 $0x180, s5;
	[tilespmem:v4+s14+$0x0] =	vst.idx.msk $0xffff, v1  }
0x38e: {  	s8 =	sor.u32 $0x2000, s5;
	[tilespmem:v4+s15+$0x0] =	vst.idx.msk $0xffff, v3  }
0x38f: {  	[tilespmem:s19], [sflag:$0x2] =	stream.indirect.gather [hbm4b:s3+s17], $0x80, s8, s17, $0xb8;
	[tilespmem:$0x1F640] =	vst v63  }
0x390: {  	s31 =	sor.u32 $0x2200, s5  }
0x391: {  	[tilespmem:s20], [sflag:$0x2] =	stream.indirect.gather [hbm4b:s4+s17], $0x80, s31, s17, $0xb8;
	[tilespmem:$0x1F640] =	vst v63  }
0x392: {  	_ =	swait.ge [sflag:s16], $0x4000  }
0x393: {  	[sflag:s16] =	ssyncset.done $0x0  }
0x394: {  	[sflag:s16] =	ssyncadd.s32 $0xFFFFC000  }
0x395: {  	_ =	swait.ge [sflag:s16], $0x4000  }
0x396: {  	p2 =	slt.s32 s0, $0x1;
	[sflag:s16] =	ssyncset.done $0x0  }
0x397: {  	s0 =	simm.s32 @!p2 $0x3;
	[sflag:s16] =	ssyncadd.s32 $0xFFFFC000  }
0x398: {  	_ =	swait.ge @!p2 [sflag:s0], $0x4000  }
0x399: {  	[sflag:s0] =	ssyncset.done @!p2 $0x0  }
0x39a: {  	s8 =	simm.s32 $0x0;
	[sflag:s0] =	ssyncadd.s32 @!p2 $0xFFFFC000  }
0x39b: {  	v4 =	vld [tilespmem:s8+$0x27B0]  }
0x39c: {  	v5 =	vld [tilespmem:s8+$0x67B0]  }
0x39d: {  	v6 =	vld [tilespmem:s8+$0x2600]  }
0x39e: {  	v7 =	vld [tilespmem:s8+$0x6600]  }
0x39f: {  	v8 =	vld [tilespmem:s8+$0x2610]  }
0x3a0: {  	v9 =	vld [tilespmem:s8+$0x6610]  }
0x3a1: {  	v10 =	vld [tilespmem:s8+$0x2620]  }
0x3a2: {  	v11 =	vld [tilespmem:s8+$0x2630]  }
0x3a3: {  	v4 =	vmul.f32 v5, v4;
	v5 =	vld [tilespmem:s8+$0x6620]  }
0x3a4: {  	v6 =	vmul.f32 v7, v6;
	v7 =	vld [tilespmem:s8+$0x2680]  }
0x3a5: {  	[tilespmem:s8+$0xA7B0] =	vst v4;
	v4 =	vld [tilespmem:s8+$0x6630]  }
0x3a6: {  	[tilespmem:s8+$0xA600] =	vst v6;
	v6 =	vmul.f32 v9, v8;
	v8 =	vld [tilespmem:s8+$0x6680]  }
0x3a7: {  	v9 =	vld [tilespmem:s8+$0x6690]  }
0x3a8: {  	[tilespmem:s8+$0xA610] =	vst v6;
	v6 =	vld [tilespmem:s8+$0x2690];
	v5 =	vmul.f32 v5, v10  }
0x3a9: {  	v10 =	vld [tilespmem:s8+$0x66A0]  }
0x3aa: {  	[tilespmem:s8+$0xA620] =	vst v5;
	v4 =	vmul.f32 v4, v11;
	v5 =	vld [tilespmem:s8+$0x26A0]  }
0x3ab: {  	v11 =	vld [tilespmem:s8+$0x6730]  }
0x3ac: {  	[tilespmem:s8+$0xA630] =	vst v4;
	v4 =	vmul.f32 v8, v7;
	v7 =	vld [tilespmem:s8+$0x26B0]  }
0x3ad: {  	v8 =	vld [tilespmem:s8+$0x66B0]  }
0x3ae: {  	[tilespmem:s8+$0xA680] =	vst v4;
	v4 =	vmul.f32 v9, v6;
	v6 =	vld [tilespmem:s8+$0x2700]  }
0x3af: {  	v9 =	vld [tilespmem:s8+$0x6700]  }
0x3b0: {  	[tilespmem:s8+$0xA690] =	vst v4;
	v4 =	vmul.f32 v10, v5;
	v5 =	vld [tilespmem:s8+$0x2710]  }
0x3b1: {  	v10 =	vld [tilespmem:s8+$0x6710]  }
0x3b2: {  	[tilespmem:s8+$0xA6A0] =	vst v4;
	v4 =	vmul.f32 v8, v7;
	v7 =	vld [tilespmem:s8+$0x2720]  }
0x3b3: {  	v8 =	vld [tilespmem:s8+$0x6720]  }
0x3b4: {  	[tilespmem:s8+$0xA6B0] =	vst v4;
	v4 =	vmul.f32 v9, v6;
	v9 =	vld [tilespmem:s8+$0x2730]  }
0x3b5: {  	v12 =	vld [tilespmem:s8+$0x6780]  }
0x3b6: {  	[tilespmem:s8+$0xA700] =	vst v4;
	v4 =	vmul.f32 v10, v5;
	v10 =	vld [tilespmem:s8+$0x2780]  }
0x3b7: {  	v6 =	vld [tilespmem:s8+$0x2790]  }
0x3b8: {  	[tilespmem:s8+$0xA710] =	vst v4;
	v4 =	vmul.f32 v8, v7;
	v7 =	vld [tilespmem:s8+$0x6790]  }
0x3b9: {  	s21 =	rddreg [dreg:$0x6];
	v8 =	vld [tilespmem:s8+$0x67A0];
	v9 =	vmul.f32 v11, v9  }
0x3ba: {  	s10 =	simm.s32 $0x200;
	s11 =	rddreg [dreg:$0x1d];
	[tilespmem:s8+$0xA720] =	vst v4;
	v4 =	vld [tilespmem:s8+$0x27A0]  }
0x3bb: {  	s22 =	rddreg [dreg:$0x1e];
	s0 =	simm.s32 $0x1000;
	v5 =	vld [tilespmem:s10+$0x27B0];
	[tilespmem:s8+$0xA730] =	vst v9;
	v9 =	vmul.f32 v12, v10  }
.LBB2_31:
0x3bc: {  	p2 =	sne.s32 s0, $0xF800;
	v10 =	vld [tilespmem:s10+$0x67B0]  }
0x3bd: {  	v11 =	vld [tilespmem:s10+$0x2600];
	[tilespmem:s8+$0xA780] =	vst v9;
	v6 =	vmul.f32 v7, v6  }
0x3be: {  	v7 =	vld [tilespmem:s10+$0x6600]  }
0x3bf: {  	v9 =	vld [tilespmem:s10+$0x2610];
	[tilespmem:s8+$0xA790] =	vst v6;
	v4 =	vmul.f32 v8, v4  }
0x3c0: {  	v6 =	vld [tilespmem:s10+$0x6610]  }
0x3c1: {  	v8 =	vld [tilespmem:s10+$0x2620];
	v5 =	vmul.f32 v10, v5;
	[tilespmem:s8+$0xA7A0] =	vst v4;
	s8 =	smov.u32 s10  }
0x3c2: {  	v4 =	vld [tilespmem:s8+$0x6620]  }
0x3c3: {  	v7 =	vmul.f32 v7, v11;
	v10 =	vld [tilespmem:s8+$0x2630];
	[tilespmem:s8+$0xA7B0] =	vst v5  }
0x3c4: {  	v5 =	vld [tilespmem:s8+$0x6630]  }
0x3c5: {  	[tilespmem:s8+$0xA600] =	vst v7;
	v6 =	vmul.f32 v6, v9;
	v7 =	vld [tilespmem:s8+$0x2680]  }
0x3c6: {  	v9 =	vld [tilespmem:s8+$0x6680]  }
0x3c7: {  	[tilespmem:s8+$0xA610] =	vst v6;
	v4 =	vmul.f32 v4, v8;
	v6 =	vld [tilespmem:s8+$0x2690]  }
0x3c8: {  	v8 =	vld [tilespmem:s8+$0x6690]  }
0x3c9: {  	[tilespmem:s8+$0xA620] =	vst v4;
	v4 =	vmul.f32 v5, v10;
	v5 =	vld [tilespmem:s8+$0x26A0]  }
0x3ca: {  	v10 =	vld [tilespmem:s8+$0x66A0]  }
0x3cb: {  	[tilespmem:s8+$0xA630] =	vst v4;
	v4 =	vmul.f32 v9, v7;
	v7 =	vld [tilespmem:s8+$0x26B0]  }
0x3cc: {  	v9 =	vld [tilespmem:s8+$0x66B0]  }
0x3cd: {  	[tilespmem:s8+$0xA680] =	vst v4;
	v4 =	vmul.f32 v8, v6;
	v6 =	vld [tilespmem:s8+$0x2700]  }
0x3ce: {  	v8 =	vld [tilespmem:s8+$0x6700]  }
0x3cf: {  	[tilespmem:s8+$0xA690] =	vst v4;
	v4 =	vmul.f32 v10, v5;
	v5 =	vld [tilespmem:s8+$0x2710]  }
0x3d0: {  	v10 =	vld [tilespmem:s8+$0x6710]  }
0x3d1: {  	[tilespmem:s8+$0xA6A0] =	vst v4;
	v4 =	vmul.f32 v9, v7;
	v7 =	vld [tilespmem:s8+$0x2720]  }
0x3d2: {  	v9 =	vld [tilespmem:s8+$0x6720]  }
0x3d3: {  	[tilespmem:s8+$0xA6B0] =	vst v4;
	v4 =	vmul.f32 v8, v6;
	v8 =	vld [tilespmem:s8+$0x2730]  }
0x3d4: {  	v11 =	vld [tilespmem:s8+$0x6730]  }
0x3d5: {  	[tilespmem:s8+$0xA700] =	vst v4;
	v4 =	vmul.f32 v10, v5;
	v10 =	vld [tilespmem:s8+$0x2780]  }
0x3d6: {  	v12 =	vld [tilespmem:s8+$0x6780]  }
.Ltmp25:
0x3d7: {  	[tilespmem:s8+$0xA710] =	vst v4;
	v4 =	vmul.f32 v9, v7;
	v6 =	vld [tilespmem:s8+$0x2790];
	(pc) =	sbr.rel @p2 .LBB2_31-.Ltmp25, $4  }
0x3d8: {  	v7 =	vld [tilespmem:s8+$0x6790]  }
0x3d9: {  	[tilespmem:s8+$0xA720] =	vst v4;
	v9 =	vmul.f32 v11, v8;
	v4 =	vld [tilespmem:s8+$0x27A0]  }
0x3da: {  	s10 =	sshra.s32 s0, $0x2;
	v8 =	vld [tilespmem:s8+$0x67A0]  }
0x3db: {  	s0 =	sadd.s32 $0x800, s0;
	v5 =	vld [tilespmem:s10+$0x27B0];
	[tilespmem:s8+$0xA730] =	vst v9;
	v9 =	vmul.f32 v12, v10  }
0x3dc: {  	v10 =	vld [tilespmem:s10+$0x67B0]  }
0x3dd: {  	v11 =	vld [tilespmem:s10+$0x2600];
	[tilespmem:s8+$0xA780] =	vst v9;
	v6 =	vmul.f32 v7, v6  }
0x3de: {  	v42 =	vld [tilespmem:s10+$0x6600]  }
0x3df: {  	v9 =	vld [tilespmem:s10+$0x2610];
	[tilespmem:s8+$0xA790] =	vst v6;
	v4 =	vmul.f32 v8, v4  }
0x3e0: {  	v6 =	vld [tilespmem:s10+$0x6610]  }
0x3e1: {  	v43 =	vld [tilespmem:s10+$0x2620];
	[tilespmem:s8+$0xA7A0] =	vst v4  }
0x3e2: {  	v4 =	vmul.f32 v10, v5;
	v5 =	vld [tilespmem:s10+$0x6620]  }
0x3e3: {  	v44 =	vld [tilespmem:s10+$0x2630]  }
0x3e4: {  	v45 =	vld [tilespmem:s10+$0x2680]  }
0x3e5: {  	[tilespmem:s10+$0xA7B0] =	vst v4;
	v4 =	vld [tilespmem:s10+$0x6630]  }
0x3e6: {  	v46 =	vld [tilespmem:s10+$0x6680]  }
0x3e7: {  	v47 =	vld [tilespmem:s10+$0x2690]  }
0x3e8: {  	v48 =	vld [tilespmem:s10+$0x6690]  }
0x3e9: {  	v49 =	vld [tilespmem:s10+$0x66A0];
	v5 =	vmul.f32 v5, v43  }
0x3ea: {  	v50 =	vld [tilespmem:s10+$0x26B0];
	v4 =	vmul.f32 v4, v44  }
0x3eb: {  	[tilespmem:s10+$0xA620] =	vst v5;
	v5 =	vld [tilespmem:s10+$0x26A0]  }
0x3ec: {  	v51 =	vld [tilespmem:s10+$0x66B0];
	[tilespmem:s10+$0xA630] =	vst v4;
	v4 =	vmul.f32 v46, v45  }
0x3ed: {  	v52 =	vld [tilespmem:s10+$0x2700]  }
0x3ee: {  	v53 =	vld [tilespmem:s10+$0x6700];
	[tilespmem:s10+$0xA680] =	vst v4;
	v4 =	vmul.f32 v48, v47  }
0x3ef: {  	v54 =	vld [tilespmem:s10+$0x6710]  }
0x3f0: {  	v55 =	vld [tilespmem:s10+$0x2720];
	[tilespmem:s10+$0xA690] =	vst v4;
	v4 =	vmul.f32 v49, v5  }
0x3f1: {  	v5 =	vld [tilespmem:s10+$0x2710]  }
0x3f2: {  	v56 =	vld [tilespmem:s10+$0x6720];
	[tilespmem:s10+$0xA6A0] =	vst v4;
	v4 =	vmul.f32 v51, v50  }
0x3f3: {  	v57 =	vld [tilespmem:s10+$0x2730]  }
0x3f4: {  	v58 =	vld [tilespmem:s10+$0x6730];
	[tilespmem:s10+$0xA6B0] =	vst v4;
	v4 =	vmul.f32 v53, v52  }
0x3f5: {  	v59 =	vld [tilespmem:s10+$0x6780]  }
0x3f6: {  	v60 =	vld [tilespmem:s10+$0x2790];
	[tilespmem:s10+$0xA700] =	vst v4;
	v4 =	vmul.f32 v54, v5  }
0x3f7: {  	v61 =	vld [tilespmem:s10+$0x6790]  }
0x3f8: {  	v62 =	vld [tilespmem:s10+$0x67A0];
	[tilespmem:s10+$0xA710] =	vst v4;
	v4 =	vmul.f32 v56, v55  }
0x3f9: {  	v5 =	vld [tilespmem:s10+$0x2780]  }
0x3fa: {  	v6 =	vmul.f32 v6, v9;
	[tilespmem:s10+$0xA720] =	vst v4;
	v4 =	vld [tilespmem:s10+$0x27A0]  }
0x3fb: {  	v7 =	vmul.f32 v42, v11  }
0x3fc: {  	[tilespmem:s10+$0xA610] =	vst v6;
	v6 =	vmul.f32 v58, v57  }
0x3fd: {  	[tilespmem:s10+$0xA600] =	vst v7;
	v63 =	vmul.f32 v61, v60  }
.Ltmp26:
0x3fe: {  	[tilespmem:s10+$0xA730] =	vst v6;
	v5 =	vmul.f32 v59, v5;
	(pc) =	sbr.rel .LBB2_33-.Ltmp26, $4  }
0x3ff: {  	[tilespmem:s10+$0xA790] =	vst v63;
	v4 =	vmul.f32 v62, v4  }
0x400: {  	[tilespmem:s10+$0xA780] =	vst v5  }
0x401: {  	s0 =	sor.u32 $0x2400, s5;
	[tilespmem:s10+$0xA7A0] =	vst v4  }
0x402: {  	[spmem:s1] =	stream.indirect.scatter.add.f32 [tilespmem:s18], [sflag:$0x3], $0x80, s0, s17, $0xb8;
	[tilespmem:$0x1F640] =	vst v63  }
.LBB2_35:
0x403: {  	_ =	sfence.sel $0x180000  }
0x404: {  	[bflag:$0x0] =	sbarrier.arrive $0xFFFF  }
0x405: {  	_ =	strace $0x90000047  }
0x406: {  	[bflag:$0x2] =	sbarrier.arrive $0xFFFF  }
0x407: {  	s0 =	rddreg [dreg:$0x2]  }
0x408: {  	s0 =	sadd.s32 @!p0 $0x100000, s0  }
0x409: {  	[sflag:s0] =	ssyncadd.tile.s32 @!p0 $0x1;
	_ =	shalt  }
.Lfunc_end2:
_tile_overlayer_lowered:
.L_overlay_start_2:
0x40a: {  	(tag) =	ssettag $0x2  }
0x40b: {  	s0 =	rddreg [dreg:$0x0];
	s2 =	stileid.u32  }
0x40c: {  	s1 =	rddreg [dreg:$0x1];
	p0 =	sne.s32 s2, $0x0  }
0x40d: {  	s3 =	rddreg [dreg:$0x2];
	[bflag:$0x3] =	sbarrier.arrive $0xFFFF;
	s2 =	simm.s32 @!p0 $0x1C05  }
0x40e: {  	[timem:s3], [sflag:s2] =	dma.local @!p0 [hbm:s0], s1  }
0x40f: {  	s0 =	simm.s32 @!p0 $0x5  }
0x410: {  	_ =	swait.ge @!p0 [sflag:s0], s1  }
0x411: {  	s1 =	ssub.s32 @!p0 $0x0, s1;
	[sflag:s0] =	ssyncset.done @!p0 $0x0  }
0x412: {  	[sflag:s0] =	ssyncadd.s32 @!p0 s1  }
0x413: {  	[bflag:$0x3] =	sbarrier.arrive $0xFFFF  }
0x414: {  	_ =	shalt  }

</sc_bundles>
